<compile_context>
chip_gen: v7x
topology: tpu7x:2x2x1
jax: 0.10.2.dev20260603
libtpu: 0.0.44.dev20260713+nightly
codegen_flags: <defaults>
</compile_context>

<pallas_src>
import jax
import jax.numpy as jnp
from jax import lax
from jax.experimental import pallas as pl
from jax.experimental.pallas import tpu as pltpu
from jax.experimental.pallas import tpu_sc as plsc

N = 100000
G = 256
NC, NS = 2, 16
NW = NC * NS
NPAD = 100352
NPT = NPAD // NS
TPB = 204800
EPAD = TPB * NW
T0 = 9 * 25600
T1 = 7 * 25600
OFF1 = NS * T0


def _ebase(c, s):
    return jnp.where(c == 0, s * T0, OFF1 + s * T1)
NGP = 384

_mesh = plsc.VectorSubcoreMesh(
    core_axis_name="c", subcore_axis_name="s", num_cores=NC, num_subcores=NS)


def _wid():
    return lax.axis_index("s") * NC + lax.axis_index("c")


K1 = 12800
NB1 = TPB // K1


def _p1_body(d2_ref, batp_ref, ones_ref, zeros_ref,
             deg_out, ng_out, degT, ngT, oneb, didx0, didx1, bidx,
             sem0, sem1):
    c = lax.axis_index("c")
    s = lax.axis_index("s")
    wid = _wid()
    pltpu.sync_copy(ones_ref, oneb)
    pltpu.sync_copy(zeros_ref.at[pl.ds(s * NPT, NPT)],
                    degT.at[pl.ds(s * NPT, NPT)])

    @pl.when(jnp.logical_and(c == 0, s == 0))
    def _():
        pltpu.sync_copy(zeros_ref.at[pl.ds(0, NGP)], ngT)
    plsc.subcore_barrier()

    eb = _ebase(c, s)

    def eblk(j, carry):
        base = eb + 2 * j * K1
        pltpu.sync_copy(d2_ref.at[pl.ds(base, K1)], didx0)
        d0 = pltpu.async_copy(oneb.at[pl.ds(0, K1)], degT.at[didx0], sem0,
                              add=True)
        pltpu.sync_copy(d2_ref.at[pl.ds(base + K1, K1)], didx1)
        d1 = pltpu.async_copy(oneb.at[pl.ds(0, K1)], degT.at[didx1], sem1,
                              add=True)
        d0.wait()
        d1.wait()
        return carry

    @pl.when(c == 0)
    def _():
        lax.fori_loop(0, T0 // K1 // 2, eblk, 0)

    @pl.when(c != 0)
    def _():
        lax.fori_loop(0, T1 // K1 // 2, eblk, 0)

    @pl.when(c == 0)
    def _():
        pltpu.sync_copy(batp_ref.at[pl.ds(s * NPT, NPT)], bidx)
        pltpu.sync_copy(oneb.at[pl.ds(0, NPT)], ngT.at[bidx], add=True)
    plsc.subcore_barrier()
    pltpu.sync_copy(degT.at[pl.ds(s * NPT, NPT)],
                    deg_out.at[c, pl.ds(s * NPT, NPT)])

    @pl.when(jnp.logical_and(c == 0, s == 0))
    def _():
        pltpu.sync_copy(ngT, ng_out)


_p1 = pl.kernel(
    _p1_body,
    out_type=(jax.ShapeDtypeStruct((NC, NPAD), jnp.float32),
              jax.ShapeDtypeStruct((NGP,), jnp.float32)),
    mesh=_mesh,
    scratch_types=(
        pltpu.VMEM_SHARED((NPAD,), jnp.float32),
        pltpu.VMEM_SHARED((NGP,), jnp.float32),
        pltpu.VMEM((K1,), jnp.float32),
        pltpu.VMEM((K1,), jnp.int32),
        pltpu.VMEM((K1,), jnp.int32),
        pltpu.VMEM((NPT,), jnp.int32),
        pltpu.SemaphoreType.DMA,
        pltpu.SemaphoreType.DMA,
    ),
)


K2 = 6400
NB2 = TPB // K2
def _p2_body(s2_ref, d2_ref, v0_ref, v1_ref, v2_ref, z_ref,
             acc_out, accT0, accT1, accT2,
             sidx0, didx0, sidx1, didx1,
             b00, b01, b02, b10, b11, b12, semg0, semg1, sems0, sems1):
    c = lax.axis_index("c")
    s = lax.axis_index("s")
    wid = _wid()
    pltpu.sync_copy(z_ref.at[pl.ds(s * NPT, NPT)],
                    accT0.at[pl.ds(s * NPT, NPT)])
    pltpu.sync_copy(z_ref.at[pl.ds(s * NPT, NPT)],
                    accT1.at[pl.ds(s * NPT, NPT)])
    pltpu.sync_copy(z_ref.at[pl.ds(s * NPT, NPT)],
                    accT2.at[pl.ds(s * NPT, NPT)])
    plsc.subcore_barrier()

    eb = _ebase(c, s)

    def gather(i, sidx, didx, b0, b1, b2, sem):
        base = eb + i * K2
        pltpu.sync_copy(s2_ref.at[pl.ds(base, K2)], sidx)
        pltpu.sync_copy(d2_ref.at[pl.ds(base, K2)], didx)
        return (pltpu.async_copy(v0_ref.at[sidx], b0, sem),
                pltpu.async_copy(v1_ref.at[sidx], b1, sem),
                pltpu.async_copy(v2_ref.at[sidx], b2, sem))

    def scatter(didx, b0, b1, b2, sem):
        return (pltpu.async_copy(b0, accT0.at[didx], sem, add=True),
                pltpu.async_copy(b1, accT1.at[didx], sem, add=True),
                pltpu.async_copy(b2, accT2.at[didx], sem, add=True))

    def eblk(j, carry):
        g0 = gather(2 * j, sidx0, didx0, b00, b01, b02, semg0)
        g1 = gather(2 * j + 1, sidx1, didx1, b10, b11, b12, semg1)
        for d in g0:
            d.wait()
        s0 = scatter(didx0, b00, b01, b02, sems0)
        for d in g1:
            d.wait()
        s1 = scatter(didx1, b10, b11, b12, sems1)
        for d in s0:
            d.wait()
        for d in s1:
            d.wait()
        return carry

    @pl.when(c == 0)
    def _():
        lax.fori_loop(0, T0 // K2 // 2, eblk, 0)

    @pl.when(c != 0)
    def _():
        lax.fori_loop(0, T1 // K2 // 2, eblk, 0)
    plsc.subcore_barrier()
    pltpu.sync_copy(accT0.at[pl.ds(s * NPT, NPT)],
                    acc_out.at[c, 0, pl.ds(s * NPT, NPT)])
    pltpu.sync_copy(accT1.at[pl.ds(s * NPT, NPT)],
                    acc_out.at[c, 1, pl.ds(s * NPT, NPT)])
    pltpu.sync_copy(accT2.at[pl.ds(s * NPT, NPT)],
                    acc_out.at[c, 2, pl.ds(s * NPT, NPT)])


_p2 = pl.kernel(
    _p2_body,
    out_type=jax.ShapeDtypeStruct((NC, 3, NPAD), jnp.float32),
    mesh=_mesh,
    compiler_params=pltpu.CompilerParams(use_tc_tiling_on_sc=False),
    scratch_types=(
        pltpu.VMEM_SHARED((NPAD,), jnp.float32),
        pltpu.VMEM_SHARED((NPAD,), jnp.float32),
        pltpu.VMEM_SHARED((NPAD,), jnp.float32),
        pltpu.VMEM((K2,), jnp.int32),
        pltpu.VMEM((K2,), jnp.int32),
        pltpu.VMEM((K2,), jnp.int32),
        pltpu.VMEM((K2,), jnp.int32),
        pltpu.VMEM((K2,), jnp.float32),
        pltpu.VMEM((K2,), jnp.float32),
        pltpu.VMEM((K2,), jnp.float32),
        pltpu.VMEM((K2,), jnp.float32),
        pltpu.VMEM((K2,), jnp.float32),
        pltpu.VMEM((K2,), jnp.float32),
        pltpu.SemaphoreType.DMA,
        pltpu.SemaphoreType.DMA,
        pltpu.SemaphoreType.DMA,
        pltpu.SemaphoreType.DMA,
    ),
)


_UNROLL = 16
K3 = 2560
NB3 = TPB // K3


def _p3_body(s2_ref, d2_ref, u_ref, dinv_ref, batp_ref,
             p_out, sidx0, didx0, sidx1, didx1, ubuf0, ubuf1,
             wbuf0, wbuf1, gbuf0, gbuf1, P, sem0, sem1):
    c = lax.axis_index("c")
    s = lax.axis_index("s")
    wid = _wid()

    def zP(i, carry):
        P[i, :] = jnp.zeros((16,), jnp.float32)
        return carry

    lax.fori_loop(0, G + 1, zP, 0)

    eb = _ebase(c, s)

    def fetch(i, sidx, didx, ubuf, wbuf, gbuf, sem):
        base = eb + i * K3
        pltpu.sync_copy(s2_ref.at[pl.ds(base, K3)], sidx)
        pltpu.sync_copy(d2_ref.at[pl.ds(base, K3)], didx)
        du = pltpu.async_copy(u_ref.at[sidx], ubuf, sem)
        dw = pltpu.async_copy(dinv_ref.at[didx], wbuf, sem)
        dg = pltpu.async_copy(batp_ref.at[didx], gbuf, sem)
        return du, dw, dg

    def tec(ubuf, wbuf, gbuf):
        def edges(j, carry2):
            e0 = j * _UNROLL
            gv = gbuf[pl.ds(e0, 16)]
            wv = wbuf[pl.ds(e0, 16)]
            for t in range(_UNROLL):
                plsc.addupdate(P.at[gv[t]], ubuf[e0 + t, :] * wv[t])
            return carry2

        lax.fori_loop(0, K3 // _UNROLL, edges, 0)

    def pair(j, carry):
        d0 = fetch(2 * j, sidx0, didx0, ubuf0, wbuf0, gbuf0, sem0)
        d1 = fetch(2 * j + 1, sidx1, didx1, ubuf1, wbuf1, gbuf1, sem1)
        for d in d0:
            d.wait()
        tec(ubuf0, wbuf0, gbuf0)
        for d in d1:
            d.wait()
        tec(ubuf1, wbuf1, gbuf1)
        return carry

    @pl.when(c == 0)
    def _():
        lax.fori_loop(0, T0 // K3 // 2, pair, 0)

    @pl.when(c != 0)
    def _():
        lax.fori_loop(0, T1 // K3 // 2, pair, 0)
    pltpu.sync_copy(P, p_out.at[c, s])


_p3 = pl.kernel(
    _p3_body,
    out_type=jax.ShapeDtypeStruct((NC, NS, G + 1, 16), jnp.float32),
    mesh=_mesh,
    compiler_params=pltpu.CompilerParams(use_tc_tiling_on_sc=False),
    scratch_types=(
        pltpu.VMEM((K3,), jnp.int32),
        pltpu.VMEM((K3,), jnp.int32),
        pltpu.VMEM((K3,), jnp.int32),
        pltpu.VMEM((K3,), jnp.int32),
        pltpu.VMEM((K3, 16), jnp.float32),
        pltpu.VMEM((K3, 16), jnp.float32),
        pltpu.VMEM((K3,), jnp.float32),
        pltpu.VMEM((K3,), jnp.float32),
        pltpu.VMEM((K3,), jnp.int32),
        pltpu.VMEM((K3,), jnp.int32),
        pltpu.VMEM((G + 1, 16), jnp.float32),
        pltpu.SemaphoreType.DMA,
        pltpu.SemaphoreType.DMA,
    ),
)


_BN = 2048


def _ka_body(deg_ref, x4_ref, dinv_ref, v0_ref, v1_ref, v2_ref):
    d = deg_ref[...]
    dv = jnp.where(d > 0, lax.rsqrt(d), 0.0)
    dinv_ref[...] = dv
    v = dv * x4_ref[...]
    v0_ref[...] = v[:, 0:1]
    v1_ref[...] = v[:, 1:2]
    v2_ref[...] = v[:, 2:3]


def _kb_body(a0_ref, a1_ref, a2_ref, dinv_ref, w1_ref, b1_ref, u_ref):
    dv = dinv_ref[...]
    h = ((dv * a0_ref[...]) * w1_ref[0:1, :]
         + (dv * a1_ref[...]) * w1_ref[1:2, :]
         + (dv * a2_ref[...]) * w1_ref[2:3, :]
         + b1_ref[...])
    h = jnp.maximum(h, 0.0)
    u_ref[...] = dv * h


def _kc_body(p_ref, ng_ref, w2_ref, b2_ref, wl_ref, bl_ref, out_ref):
    pp = jnp.sum(p_ref[...], axis=0)[:G, :]
    ng = ng_ref[...][:G, :]
    pooled = jnp.dot(pp, w2_ref[...], preferred_element_type=jnp.float32)
    pooled = pooled + ng * b2_ref[...]
    lg = jnp.dot(pooled, wl_ref[...], preferred_element_type=jnp.float32)
    lg = lg + bl_ref[...]
    m = jnp.max(lg, axis=1, keepdims=True)
    ls = jnp.log(jnp.sum(jnp.exp(lg - m), axis=1, keepdims=True))
    out_ref[...] = lg - m - ls


def kernel(x, edge_index, batch, W1, b1, W2, b2, Wlin, blin):
    src = edge_index[0]
    dst = edge_index[1]
    e = src.shape[0]
    loop = jnp.arange(N, dtype=jnp.int32)
    padlen = EPAD - e - N
    sinkpad = jnp.full((padlen,), N, dtype=jnp.int32)
    s2 = jnp.concatenate([src, loop, sinkpad])
    d2 = jnp.concatenate([dst, loop, sinkpad])
    batp = jnp.concatenate(
        [batch, jnp.full((NPAD - N,), G, dtype=jnp.int32)])
    x4 = jnp.pad(x, ((0, NPAD - N), (0, 1)))
    ones_h = jnp.ones((K1,), jnp.float32)
    zeros_h = jnp.zeros((NPAD,), jnp.float32)

    deg2, ng = _p1(d2, batp, ones_h, zeros_h)
    degsum = (deg2[0] + deg2[1]).reshape(NPAD, 1)

    dinv, v0, v1, v2 = pl.pallas_call(
        _ka_body,
        grid=(NPAD // _BN,),
        in_specs=[pl.BlockSpec((_BN, 1), lambda i: (i, 0)),
                  pl.BlockSpec((_BN, 4), lambda i: (i, 0))],
        out_specs=[pl.BlockSpec((_BN, 1), lambda i: (i, 0))] * 4,
        out_shape=(jax.ShapeDtypeStruct((NPAD, 1), jnp.float32),) * 4,
    )(degsum, x4)

    acc2 = _p2(s2, d2, v0.reshape(NPAD), v1.reshape(NPAD),
               v2.reshape(NPAD), zeros_h)
    accsum = acc2[0] + acc2[1]

    u = pl.pallas_call(
        _kb_body,
        grid=(NPAD // _BN,),
        in_specs=[pl.BlockSpec((_BN, 1), lambda i: (i, 0))] * 4
        + [pl.BlockSpec((3, 16), lambda i: (0, 0)),
           pl.BlockSpec((1, 16), lambda i: (0, 0))],
        out_specs=pl.BlockSpec((_BN, 16), lambda i: (i, 0)),
        out_shape=jax.ShapeDtypeStruct((NPAD, 16), jnp.float32),
    )(accsum[0].reshape(NPAD, 1), accsum[1].reshape(NPAD, 1),
      accsum[2].reshape(NPAD, 1), dinv, W1, b1.reshape(1, 16))

    P = _p3(s2, d2, u, dinv.reshape(NPAD), batp)

    out = pl.pallas_call(
        _kc_body,
        out_shape=jax.ShapeDtypeStruct((G, 7), jnp.float32),
    )(P.reshape(NW, G + 1, 16), ng.reshape(NGP, 1),
      W2, b2.reshape(1, 16), Wlin, blin.reshape(1, 7))
    return out

# --- scband reference (transcript-rebuilt; emitter-appended) ---
"""Pipeline reference for scband-gnn-17008070492329 (READ-ONLY COPY).

The authoritative reference and input builder live on the scoring server;
editing this copy changes nothing except your own understanding.
"""

import jax, jax.numpy as jnp
import numpy as np

N_NODES = 100000
N_EDGES = 6400000
NUM_GRAPHS = 256


def _gcn_conv(x, src, dst, W, b, n_nodes):
    # x' = D^{-1/2} (A + I) D^{-1/2} X W + b  (PyG GCNConv default: add self-loops, sym norm)
    h = x @ W
    loop = jnp.arange(n_nodes, dtype=src.dtype)
    src2 = jnp.concatenate([src, loop])
    dst2 = jnp.concatenate([dst, loop])
    deg = jnp.zeros((n_nodes,), dtype=h.dtype).at[dst2].add(1.0)
    dinv = jnp.where(deg > 0, jax.lax.rsqrt(deg), 0.0)
    norm = dinv[src2] * dinv[dst2]
    msg = h[src2] * norm[:, None]
    out = jnp.zeros((n_nodes, W.shape[1]), dtype=h.dtype).at[dst2].add(msg)
    return out + b


def setup_inputs(seed: int = 0) -> dict:
    key = jax.random.key(seed)
    ks = jax.random.split(key, 8)
    x = jax.random.normal(ks[0], (N_NODES, 3), dtype=jnp.float32)
    edge_index = jax.random.randint(ks[1], (2, N_EDGES), 0, N_NODES, dtype=jnp.int32)
    batch = jnp.sort(jax.random.randint(ks[2], (N_NODES,), 0, NUM_GRAPHS, dtype=jnp.int32))
    W1 = jax.random.normal(ks[3], (3, 16), dtype=jnp.float32) * (1.0 / np.sqrt(3.0))
    b1 = jnp.zeros((16,), dtype=jnp.float32)
    W2 = jax.random.normal(ks[4], (16, 16), dtype=jnp.float32) * 0.25
    b2 = jnp.zeros((16,), dtype=jnp.float32)
    Wlin = jax.random.normal(ks[5], (16, 7), dtype=jnp.float32) * 0.25
    blin = jnp.zeros((7,), dtype=jnp.float32)
    return {"x": x, "edge_index": edge_index, "batch": batch,
            "W1": W1, "b1": b1, "W2": W2, "b2": b2, "Wlin": Wlin, "blin": blin}


def reference(x, edge_index, batch, W1, b1, W2, b2, Wlin, blin):
    src = edge_index[0]
    dst = edge_index[1]
    h = _gcn_conv(x, src, dst, W1, b1, N_NODES)
    h = jax.nn.relu(h)
    h = _gcn_conv(h, src, dst, W2, b2, N_NODES)
    pooled = jax.ops.segment_sum(h, batch, num_segments=NUM_GRAPHS)
    logits = pooled @ Wlin + blin
    return jax.nn.log_softmax(logits, axis=1)

if __name__ == "__main__":
    import jax
    _d = setup_inputs()
    print(jax.jit(kernel)(*tuple(_d.values())))

</pallas_src>

<mosaic_0001>
#map = affine_map<(d0, d1) -> (0)>
#map1 = affine_map<(d0, d1) -> (0, 0)>
#map2 = affine_map<(d0, d1) -> (0, 0, 0, 0)>
module attributes {stable_mosaic.version = 14 : i64} {
  func.func @_p3_body(%arg0: i32, %arg1: i32, %arg2: memref<6553600xi32, #tpu.memory_space<hbm>>, %arg3: memref<6553600xi32, #tpu.memory_space<hbm>>, %arg4: memref<100352x16xf32, #tpu.memory_space<hbm>>, %arg5: memref<100352xf32, #tpu.memory_space<hbm>>, %arg6: memref<100352xi32, #tpu.memory_space<hbm>>, %arg7: memref<2x16x257x16xf32, #tpu.memory_space<hbm>>, %arg8: memref<2560xi32, #tpu.memory_space<vmem>>, %arg9: memref<2560xi32, #tpu.memory_space<vmem>>, %arg10: memref<2560xi32, #tpu.memory_space<vmem>>, %arg11: memref<2560xi32, #tpu.memory_space<vmem>>, %arg12: memref<2560x16xf32, #tpu.memory_space<vmem>>, %arg13: memref<2560x16xf32, #tpu.memory_space<vmem>>, %arg14: memref<2560xf32, #tpu.memory_space<vmem>>, %arg15: memref<2560xf32, #tpu.memory_space<vmem>>, %arg16: memref<2560xi32, #tpu.memory_space<vmem>>, %arg17: memref<2560xi32, #tpu.memory_space<vmem>>, %arg18: memref<257x16xf32, #tpu.memory_space<vmem>>, %arg19: memref<!tpu.dma_semaphore, #tpu.memory_space<semaphore_mem>>, %arg20: memref<!tpu.dma_semaphore, #tpu.memory_space<semaphore_mem>>) attributes {dimension_semantics = [#tpu.dimension_semantics<core_parallel>, #tpu.dimension_semantics<subcore_parallel>], iteration_bounds = array<i64: 2, 16>, scalar_prefetch = 0 : i64, scratch_operands = 13 : i64, tpu.core_type = #tpu.core_type<sc_vector_subcore>, window_params = [{transform_indices = #map}, {transform_indices = #map}, {transform_indices = #map1}, {transform_indices = #map}, {transform_indices = #map}, {transform_indices = #map2}]} {
    %mul3A = arith.constant 2 : i32
    %mul3A_0 = arith.muli %arg1, %mul3A : i32
    %add3A = arith.addi %mul3A_0, %arg0 : i32
    %scan3A = arith.constant 0 : i32
    %scan3A_1 = arith.constant 0 : i32
    %scan3A_2 = arith.constant 257 : i32
    %scan3A_3 = arith.addi %scan3A_1, %scan3A_2 : i32
    %scan3A_4 = arith.constant 1 : i32
    scf.for %scan3A_20 = %scan3A_1 to %scan3A_3 step %scan3A_4  : i32 {
      %broadcast_in_dim3A = arith.constant 0.000000e+00 : f32
      %broadcast_in_dim3A_21 = vector.broadcast %broadcast_in_dim3A : f32 to vector<16xf32>
      %swap3A = arith.index_cast %scan3A_20 : i32 to index
      %swap3A_22 = arith.constant 0 : index
      %swap3A_23 = tpu.vector_load %arg18[%swap3A, %swap3A_22] {strides = array<i32>} : memref<257x16xf32, #tpu.memory_space<vmem>>, vector<1x16xf32>,
      %swap3A_24 = vector.shape_cast %swap3A_23 : vector<1x16xf32> to vector<16xf32>
      %swap3A_25 = vector.shape_cast %broadcast_in_dim3A_21 : vector<16xf32> to vector<1x16xf32>
      tpu.vector_store %arg18[%swap3A, %swap3A_22], %swap3A_25 {strides = array<i32>} : memref<257x16xf32, #tpu.memory_space<vmem>>, vector<1x16xf32>,
    }
    %scan3A_5 = arith.constant 257 : i32
    %eq3A = arith.constant 0 : i32
    %eq3A_6 = arith.cmpi eq, %arg0, %eq3A : i32
    %mul3A_7 = arith.constant 230400 : i32
    %mul3A_8 = arith.muli %arg1, %mul3A_7 : i32
    %mul3A_9 = arith.constant 179200 : i32
    %mul3A_10 = arith.muli %arg1, %mul3A_9 : i32
    %add3A_11 = arith.constant 3686400 : i32
    %add3A_12 = arith.addi %add3A_11, %mul3A_10 : i32
    %select_n3A = arith.select %eq3A_6, %mul3A_8, %add3A_12 : i32
    %eq3A_13 = arith.constant 0 : i32
    %eq3A_14 = arith.cmpi eq, %arg0, %eq3A_13 : i32
    %convert_element_type3A = arith.extui %eq3A_14 : i1 to i32
    %cond3A = arith.constant 0 : i32
    %cond3A_15 = arith.cmpi ne, %convert_element_type3A, %cond3A : i32
    scf.if %cond3A_15 {
      %scan3A_20 = arith.constant 0 : i32
      %scan3A_21 = arith.constant 0 : i32
      %scan3A_22 = arith.constant 45 : i32
      %scan3A_23 = arith.addi %scan3A_21, %scan3A_22 : i32
      %scan3A_24 = arith.constant 1 : i32
      scf.for %scan3A_26 = %scan3A_21 to %scan3A_23 step %scan3A_24  : i32 {
        %mul3A_27 = arith.constant 2 : i32
        %mul3A_28 = arith.muli %mul3A_27, %scan3A_26 : i32
        %mul3A_29 = arith.constant 2560 : i32
        %mul3A_30 = arith.muli %mul3A_28, %mul3A_29 : i32
        %add3A_31 = arith.addi %select_n3A, %mul3A_30 : i32
        "tpu.region"() ({
          %run_scoped3A = tpu.sem_alloc : memref<!tpu.dma_semaphore, #tpu.memory_space<semaphore_mem>>
          %dma_start3A_77 = tpu.memref_slice %arg2[%add3A_31] : memref<6553600xi32, #tpu.memory_space<hbm>> -> memref<2560xi32, #tpu.memory_space<hbm>>
          %dma_start3A_78 = tpu.memref_slice %arg2[%add3A_31] : memref<6553600xi32, #tpu.memory_space<hbm>> -> memref<2560xi32, #tpu.memory_space<hbm>>
          tpu.enqueue_dma source(%dma_start3A_78 : memref<2560xi32, #tpu.memory_space<hbm>>) target(%arg8 : memref<2560xi32, #tpu.memory_space<vmem>>) target_semaphore(%run_scoped3A : memref<!tpu.dma_semaphore, #tpu.memory_space<semaphore_mem>>)
          %dma_wait3A_79 = tpu.memref_slice %arg2[%add3A_31] : memref<6553600xi32, #tpu.memory_space<hbm>> -> memref<2560xi32, #tpu.memory_space<hbm>>
          %dma_wait3A_80 = tpu.memref_slice %arg2[%add3A_31] : memref<6553600xi32, #tpu.memory_space<hbm>> -> memref<2560xi32, #tpu.memory_space<hbm>>
          tpu.wait_dma2 semaphore(%run_scoped3A : memref<!tpu.dma_semaphore, #tpu.memory_space<semaphore_mem>>) src(%dma_wait3A_80 : memref<2560xi32, #tpu.memory_space<hbm>>) dst(%arg8 : memref<2560xi32, #tpu.memory_space<vmem>>)
          tpu.yield
        }) : () -> ()
        "tpu.region"() ({
          %run_scoped3A = tpu.sem_alloc : memref<!tpu.dma_semaphore, #tpu.memory_space<semaphore_mem>>
          %dma_start3A_77 = tpu.memref_slice %arg3[%add3A_31] : memref<6553600xi32, #tpu.memory_space<hbm>> -> memref<2560xi32, #tpu.memory_space<hbm>>
          %dma_start3A_78 = tpu.memref_slice %arg3[%add3A_31] : memref<6553600xi32, #tpu.memory_space<hbm>> -> memref<2560xi32, #tpu.memory_space<hbm>>
          tpu.enqueue_dma source(%dma_start3A_78 : memref<2560xi32, #tpu.memory_space<hbm>>) target(%arg9 : memref<2560xi32, #tpu.memory_space<vmem>>) target_semaphore(%run_scoped3A : memref<!tpu.dma_semaphore, #tpu.memory_space<semaphore_mem>>)
          %dma_wait3A_79 = tpu.memref_slice %arg3[%add3A_31] : memref<6553600xi32, #tpu.memory_space<hbm>> -> memref<2560xi32, #tpu.memory_space<hbm>>
          %dma_wait3A_80 = tpu.memref_slice %arg3[%add3A_31] : memref<6553600xi32, #tpu.memory_space<hbm>> -> memref<2560xi32, #tpu.memory_space<hbm>>
          tpu.wait_dma2 semaphore(%run_scoped3A : memref<!tpu.dma_semaphore, #tpu.memory_space<semaphore_mem>>) src(%dma_wait3A_80 : memref<2560xi32, #tpu.memory_space<hbm>>) dst(%arg9 : memref<2560xi32, #tpu.memory_space<vmem>>)
          tpu.yield
        }) : () -> ()
        %dma_start3A = arith.constant 0 : i32
        %dma_start3A_32 = arith.constant 0 : i32
        %dma_start3A_33 = tpu.memref_slice %arg4[%dma_start3A, %dma_start3A_32] : memref<100352x16xf32, #tpu.memory_space<hbm>> -> memref<100352x16xf32, #tpu.memory_space<hbm>>
        tpu.enqueue_indirect_dma source(%dma_start3A_33 : memref<100352x16xf32, #tpu.memory_space<hbm>>) target(%arg12 : memref<2560x16xf32, #tpu.memory_space<vmem>>) offsets(%arg8 : memref<2560xi32, #tpu.memory_space<vmem>>) semaphore(%arg19 : memref<!tpu.dma_semaphore, #tpu.memory_space<semaphore_mem>>)
        %dma_start3A_34 = arith.constant 0 : i32
        %dma_start3A_35 = tpu.memref_slice %arg5[%dma_start3A_34] : memref<100352xf32, #tpu.memory_space<hbm>> -> memref<100352xf32, #tpu.memory_space<hbm>>
        tpu.enqueue_indirect_dma source(%dma_start3A_35 : memref<100352xf32, #tpu.memory_space<hbm>>) target(%arg14 : memref<2560xf32, #tpu.memory_space<vmem>>) offsets(%arg9 : memref<2560xi32, #tpu.memory_space<vmem>>) semaphore(%arg19 : memref<!tpu.dma_semaphore, #tpu.memory_space<semaphore_mem>>)
        %dma_start3A_36 = arith.constant 0 : i32
        %dma_start3A_37 = tpu.memref_slice %arg6[%dma_start3A_36] : memref<100352xi32, #tpu.memory_space<hbm>> -> memref<100352xi32, #tpu.memory_space<hbm>>
        tpu.enqueue_indirect_dma source(%dma_start3A_37 : memref<100352xi32, #tpu.memory_space<hbm>>) target(%arg16 : memref<2560xi32, #tpu.memory_space<vmem>>) offsets(%arg9 : memref<2560xi32, #tpu.memory_space<vmem>>) semaphore(%arg19 : memref<!tpu.dma_semaphore, #tpu.memory_space<semaphore_mem>>)
        %mul3A_38 = arith.constant 2 : i32
        %mul3A_39 = arith.muli %mul3A_38, %scan3A_26 : i32
        %add3A_40 = arith.constant 1 : i32
        %add3A_41 = arith.addi %mul3A_39, %add3A_40 : i32
        %mul3A_42 = arith.constant 2560 : i32
        %mul3A_43 = arith.muli %add3A_41, %mul3A_42 : i32
        %add3A_44 = arith.addi %select_n3A, %mul3A_43 : i32
        "tpu.region"() ({
          %run_scoped3A = tpu.sem_alloc : memref<!tpu.dma_semaphore, #tpu.memory_space<semaphore_mem>>
          %dma_start3A_77 = tpu.memref_slice %arg2[%add3A_44] : memref<6553600xi32, #tpu.memory_space<hbm>> -> memref<2560xi32, #tpu.memory_space<hbm>>
          %dma_start3A_78 = tpu.memref_slice %arg2[%add3A_44] : memref<6553600xi32, #tpu.memory_space<hbm>> -> memref<2560xi32, #tpu.memory_space<hbm>>
          tpu.enqueue_dma source(%dma_start3A_78 : memref<2560xi32, #tpu.memory_space<hbm>>) target(%arg10 : memref<2560xi32, #tpu.memory_space<vmem>>) target_semaphore(%run_scoped3A : memref<!tpu.dma_semaphore, #tpu.memory_space<semaphore_mem>>)
          %dma_wait3A_79 = tpu.memref_slice %arg2[%add3A_44] : memref<6553600xi32, #tpu.memory_space<hbm>> -> memref<2560xi32, #tpu.memory_space<hbm>>
          %dma_wait3A_80 = tpu.memref_slice %arg2[%add3A_44] : memref<6553600xi32, #tpu.memory_space<hbm>> -> memref<2560xi32, #tpu.memory_space<hbm>>
          tpu.wait_dma2 semaphore(%run_scoped3A : memref<!tpu.dma_semaphore, #tpu.memory_space<semaphore_mem>>) src(%dma_wait3A_80 : memref<2560xi32, #tpu.memory_space<hbm>>) dst(%arg10 : memref<2560xi32, #tpu.memory_space<vmem>>)
          tpu.yield
        }) : () -> ()
        "tpu.region"() ({
          %run_scoped3A = tpu.sem_alloc : memref<!tpu.dma_semaphore, #tpu.memory_space<semaphore_mem>>
          %dma_start3A_77 = tpu.memref_slice %arg3[%add3A_44] : memref<6553600xi32, #tpu.memory_space<hbm>> -> memref<2560xi32, #tpu.memory_space<hbm>>
          %dma_start3A_78 = tpu.memref_slice %arg3[%add3A_44] : memref<6553600xi32, #tpu.memory_space<hbm>> -> memref<2560xi32, #tpu.memory_space<hbm>>
          tpu.enqueue_dma source(%dma_start3A_78 : memref<2560xi32, #tpu.memory_space<hbm>>) target(%arg11 : memref<2560xi32, #tpu.memory_space<vmem>>) target_semaphore(%run_scoped3A : memref<!tpu.dma_semaphore, #tpu.memory_space<semaphore_mem>>)
          %dma_wait3A_79 = tpu.memref_slice %arg3[%add3A_44] : memref<6553600xi32, #tpu.memory_space<hbm>> -> memref<2560xi32, #tpu.memory_space<hbm>>
          %dma_wait3A_80 = tpu.memref_slice %arg3[%add3A_44] : memref<6553600xi32, #tpu.memory_space<hbm>> -> memref<2560xi32, #tpu.memory_space<hbm>>
          tpu.wait_dma2 semaphore(%run_scoped3A : memref<!tpu.dma_semaphore, #tpu.memory_space<semaphore_mem>>) src(%dma_wait3A_80 : memref<2560xi32, #tpu.memory_space<hbm>>) dst(%arg11 : memref<2560xi32, #tpu.memory_space<vmem>>)
          tpu.yield
        }) : () -> ()
        %dma_start3A_45 = arith.constant 0 : i32
        %dma_start3A_46 = arith.constant 0 : i32
        %dma_start3A_47 = tpu.memref_slice %arg4[%dma_start3A_45, %dma_start3A_46] : memref<100352x16xf32, #tpu.memory_space<hbm>> -> memref<100352x16xf32, #tpu.memory_space<hbm>>
        tpu.enqueue_indirect_dma source(%dma_start3A_47 : memref<100352x16xf32, #tpu.memory_space<hbm>>) target(%arg13 : memref<2560x16xf32, #tpu.memory_space<vmem>>) offsets(%arg10 : memref<2560xi32, #tpu.memory_space<vmem>>) semaphore(%arg20 : memref<!tpu.dma_semaphore, #tpu.memory_space<semaphore_mem>>)
        %dma_start3A_48 = arith.constant 0 : i32
        %dma_start3A_49 = tpu.memref_slice %arg5[%dma_start3A_48] : memref<100352xf32, #tpu.memory_space<hbm>> -> memref<100352xf32, #tpu.memory_space<hbm>>
        tpu.enqueue_indirect_dma source(%dma_start3A_49 : memref<100352xf32, #tpu.memory_space<hbm>>) target(%arg15 : memref<2560xf32, #tpu.memory_space<vmem>>) offsets(%arg11 : memref<2560xi32, #tpu.memory_space<vmem>>) semaphore(%arg20 : memref<!tpu.dma_semaphore, #tpu.memory_space<semaphore_mem>>)
        %dma_start3A_50 = arith.constant 0 : i32
        %dma_start3A_51 = tpu.memref_slice %arg6[%dma_start3A_50] : memref<100352xi32, #tpu.memory_space<hbm>> -> memref<100352xi32, #tpu.memory_space<hbm>>
        tpu.enqueue_indirect_dma source(%dma_start3A_51 : memref<100352xi32, #tpu.memory_space<hbm>>) target(%arg17 : memref<2560xi32, #tpu.memory_space<vmem>>) offsets(%arg11 : memref<2560xi32, #tpu.memory_space<vmem>>) semaphore(%arg20 : memref<!tpu.dma_semaphore, #tpu.memory_space<semaphore_mem>>)
        %dma_wait3A = arith.constant 0 : i32
        %dma_wait3A_52 = arith.constant 0 : i32
        %dma_wait3A_53 = tpu.memref_slice %arg4[%dma_wait3A, %dma_wait3A_52] : memref<100352x16xf32, #tpu.memory_space<hbm>> -> memref<100352x16xf32, #tpu.memory_space<hbm>>
        tpu.wait_indirect_dma semaphore(%arg19 : memref<!tpu.dma_semaphore, #tpu.memory_space<semaphore_mem>>) src(%dma_wait3A_53 : memref<100352x16xf32, #tpu.memory_space<hbm>>) dst(%arg12 : memref<2560x16xf32, #tpu.memory_space<vmem>>)
        %dma_wait3A_54 = arith.constant 0 : i32
        %dma_wait3A_55 = tpu.memref_slice %arg5[%dma_wait3A_54] : memref<100352xf32, #tpu.memory_space<hbm>> -> memref<100352xf32, #tpu.memory_space<hbm>>
        tpu.wait_indirect_dma semaphore(%arg19 : memref<!tpu.dma_semaphore, #tpu.memory_space<semaphore_mem>>) src(%dma_wait3A_55 : memref<100352xf32, #tpu.memory_space<hbm>>) dst(%arg14 : memref<2560xf32, #tpu.memory_space<vmem>>)
        %dma_wait3A_56 = arith.constant 0 : i32
        %dma_wait3A_57 = tpu.memref_slice %arg6[%dma_wait3A_56] : memref<100352xi32, #tpu.memory_space<hbm>> -> memref<100352xi32, #tpu.memory_space<hbm>>
        tpu.wait_indirect_dma semaphore(%arg19 : memref<!tpu.dma_semaphore, #tpu.memory_space<semaphore_mem>>) src(%dma_wait3A_57 : memref<100352xi32, #tpu.memory_space<hbm>>) dst(%arg16 : memref<2560xi32, #tpu.memory_space<vmem>>)
        %scan3A_58 = arith.constant 0 : i32
        %scan3A_59 = arith.constant 0 : i32
        %scan3A_60 = arith.constant 160 : i32
        %scan3A_61 = arith.addi %scan3A_59, %scan3A_60 : i32
        %scan3A_62 = arith.constant 1 : i32
        scf.for %scan3A_77 = %scan3A_59 to %scan3A_61 step %scan3A_62  : i32 {
          %mul3A_78 = arith.constant 16 : i32
          %mul3A_79 = arith.muli %scan3A_77, %mul3A_78 : i32
          %get3A = arith.index_cast %mul3A_79 : i32 to index
          %get3A_80 = tpu.vector_load %arg16[%get3A] {strides = array<i32>} : memref<2560xi32, #tpu.memory_space<vmem>>, vector<16xi32>,
          %get3A_81 = vector.shape_cast %get3A_80 : vector<16xi32> to vector<16xi32>
          %get3A_82 = arith.index_cast %mul3A_79 : i32 to index
          %get3A_83 = tpu.vector_load %arg14[%get3A_82] {strides = array<i32>} : memref<2560xf32, #tpu.memory_space<vmem>>, vector<16xf32>,
          %get3A_84 = vector.shape_cast %get3A_83 : vector<16xf32> to vector<16xf32>
          %slice3A = vector.extract_strided_slice %get3A_81 {offsets = [0], sizes = [1], strides = [1]} : vector<16xi32> to vector<1xi32>
          %squeeze3A = vector.extract %slice3A[0] : i32 from vector<1xi32>
          %add3A_85 = arith.constant 0 : i32
          %add3A_86 = arith.addi %mul3A_79, %add3A_85 : i32
          %get3A_87 = arith.index_cast %add3A_86 : i32 to index
          %get3A_88 = arith.constant 0 : index
          %get3A_89 = tpu.vector_load %arg12[%get3A_87, %get3A_88] {strides = array<i32>} : memref<2560x16xf32, #tpu.memory_space<vmem>>, vector<1x16xf32>,
          %get3A_90 = vector.shape_cast %get3A_89 : vector<1x16xf32> to vector<16xf32>
          %slice3A_91 = vector.extract_strided_slice %get3A_84 {offsets = [0], sizes = [1], strides = [1]} : vector<16xf32> to vector<1xf32>
          %squeeze3A_92 = vector.extract %slice3A_91[0] : f32 from vector<1xf32>
          %mul3A_93 = vector.broadcast %squeeze3A_92 : f32 to vector<16xf32>
          %mul3A_94 = arith.mulf %get3A_90, %mul3A_93 : vector<16xf32>
          %swap3A = arith.index_cast %squeeze3A : i32 to index
          %swap3A_95 = arith.constant 0 : index
          %swap3A_96 = tpu.vector_load %arg18[%swap3A, %swap3A_95] {strides = array<i32>} : memref<257x16xf32, #tpu.memory_space<vmem>>, vector<1x16xf32>,
          %swap3A_97 = vector.shape_cast %swap3A_96 : vector<1x16xf32> to vector<16xf32>
          %swap3A_98 = vector.shape_cast %mul3A_94 : vector<16xf32> to vector<1x16xf32>
          tpu.vector_store %arg18[%swap3A, %swap3A_95], %swap3A_98 {add = true, strides = array<i32>} : memref<257x16xf32, #tpu.memory_space<vmem>>, vector<1x16xf32>,
          %slice3A_99 = vector.extract_strided_slice %get3A_81 {offsets = [1], sizes = [1], strides = [1]} : vector<16xi32> to vector<1xi32>
          %squeeze3A_100 = vector.extract %slice3A_99[0] : i32 from vector<1xi32>
          %add3A_101 = arith.constant 1 : i32
          %add3A_102 = arith.addi %mul3A_79, %add3A_101 : i32
          %get3A_103 = arith.index_cast %add3A_102 : i32 to index
          %get3A_104 = arith.constant 0 : index
          %get3A_105 = tpu.vector_load %arg12[%get3A_103, %get3A_104] {strides = array<i32>} : memref<2560x16xf32, #tpu.memory_space<vmem>>, vector<1x16xf32>,
          %get3A_106 = vector.shape_cast %get3A_105 : vector<1x16xf32> to vector<16xf32>
          %slice3A_107 = vector.extract_strided_slice %get3A_84 {offsets = [1], sizes = [1], strides = [1]} : vector<16xf32> to vector<1xf32>
          %squeeze3A_108 = vector.extract %slice3A_107[0] : f32 from vector<1xf32>
          %mul3A_109 = vector.broadcast %squeeze3A_108 : f32 to vector<16xf32>
          %mul3A_110 = arith.mulf %get3A_106, %mul3A_109 : vector<16xf32>
          %swap3A_111 = arith.index_cast %squeeze3A_100 : i32 to index
          %swap3A_112 = arith.constant 0 : index
          %swap3A_113 = tpu.vector_load %arg18[%swap3A_111, %swap3A_112] {strides = array<i32>} : memref<257x16xf32, #tpu.memory_space<vmem>>, vector<1x16xf32>,
          %swap3A_114 = vector.shape_cast %swap3A_113 : vector<1x16xf32> to vector<16xf32>
          %swap3A_115 = vector.shape_cast %mul3A_110 : vector<16xf32> to vector<1x16xf32>
          tpu.vector_store %arg18[%swap3A_111, %swap3A_112], %swap3A_115 {add = true, strides = array<i32>} : memref<257x16xf32, #tpu.memory_space<vmem>>, vector<1x16xf32>,
          %slice3A_116 = vector.extract_strided_slice %get3A_81 {offsets = [2], sizes = [1], strides = [1]} : vector<16xi32> to vector<1xi32>
          %squeeze3A_117 = vector.extract %slice3A_116[0] : i32 from vector<1xi32>
          %add3A_118 = arith.constant 2 : i32
          %add3A_119 = arith.addi %mul3A_79, %add3A_118 : i32
          %get3A_120 = arith.index_cast %add3A_119 : i32 to index
          %get3A_121 = arith.constant 0 : index
          %get3A_122 = tpu.vector_load %arg12[%get3A_120, %get3A_121] {strides = array<i32>} : memref<2560x16xf32, #tpu.memory_space<vmem>>, vector<1x16xf32>,
          %get3A_123 = vector.shape_cast %get3A_122 : vector<1x16xf32> to vector<16xf32>
          %slice3A_124 = vector.extract_strided_slice %get3A_84 {offsets = [2], sizes = [1], strides = [1]} : vector<16xf32> to vector<1xf32>
          %squeeze3A_125 = vector.extract %slice3A_124[0] : f32 from vector<1xf32>
          %mul3A_126 = vector.broadcast %squeeze3A_125 : f32 to vector<16xf32>
          %mul3A_127 = arith.mulf %get3A_123, %mul3A_126 : vector<16xf32>
          %swap3A_128 = arith.index_cast %squeeze3A_117 : i32 to index
          %swap3A_129 = arith.constant 0 : index
          %swap3A_130 = tpu.vector_load %arg18[%swap3A_128, %swap3A_129] {strides = array<i32>} : memref<257x16xf32, #tpu.memory_space<vmem>>, vector<1x16xf32>,
          %swap3A_131 = vector.shape_cast %swap3A_130 : vector<1x16xf32> to vector<16xf32>
          %swap3A_132 = vector.shape_cast %mul3A_127 : vector<16xf32> to vector<1x16xf32>
          tpu.vector_store %arg18[%swap3A_128, %swap3A_129], %swap3A_132 {add = true, strides = array<i32>} : memref<257x16xf32, #tpu.memory_space<vmem>>, vector<1x16xf32>,
          %slice3A_133 = vector.extract_strided_slice %get3A_81 {offsets = [3], sizes = [1], strides = [1]} : vector<16xi32> to vector<1xi32>
          %squeeze3A_134 = vector.extract %slice3A_133[0] : i32 from vector<1xi32>
          %add3A_135 = arith.constant 3 : i32
          %add3A_136 = arith.addi %mul3A_79, %add3A_135 : i32
          %get3A_137 = arith.index_cast %add3A_136 : i32 to index
          %get3A_138 = arith.constant 0 : index
          %get3A_139 = tpu.vector_load %arg12[%get3A_137, %get3A_138] {strides = array<i32>} : memref<2560x16xf32, #tpu.memory_space<vmem>>, vector<1x16xf32>,
          %get3A_140 = vector.shape_cast %get3A_139 : vector<1x16xf32> to vector<16xf32>
          %slice3A_141 = vector.extract_strided_slice %get3A_84 {offsets = [3], sizes = [1], strides = [1]} : vector<16xf32> to vector<1xf32>
          %squeeze3A_142 = vector.extract %slice3A_141[0] : f32 from vector<1xf32>
          %mul3A_143 = vector.broadcast %squeeze3A_142 : f32 to vector<16xf32>
          %mul3A_144 = arith.mulf %get3A_140, %mul3A_143 : vector<16xf32>
          %swap3A_145 = arith.index_cast %squeeze3A_134 : i32 to index
          %swap3A_146 = arith.constant 0 : index
          %swap3A_147 = tpu.vector_load %arg18[%swap3A_145, %swap3A_146] {strides = array<i32>} : memref<257x16xf32, #tpu.memory_space<vmem>>, vector<1x16xf32>,
          %swap3A_148 = vector.shape_cast %swap3A_147 : vector<1x16xf32> to vector<16xf32>
          %swap3A_149 = vector.shape_cast %mul3A_144 : vector<16xf32> to vector<1x16xf32>
          tpu.vector_store %arg18[%swap3A_145, %swap3A_146], %swap3A_149 {add = true, strides = array<i32>} : memref<257x16xf32, #tpu.memory_space<vmem>>, vector<1x16xf32>,
          %slice3A_150 = vector.extract_strided_slice %get3A_81 {offsets = [4], sizes = [1], strides = [1]} : vector<16xi32> to vector<1xi32>
          %squeeze3A_151 = vector.extract %slice3A_150[0] : i32 from vector<1xi32>
          %add3A_152 = arith.constant 4 : i32
          %add3A_153 = arith.addi %mul3A_79, %add3A_152 : i32
          %get3A_154 = arith.index_cast %add3A_153 : i32 to index
          %get3A_155 = arith.constant 0 : index
          %get3A_156 = tpu.vector_load %arg12[%get3A_154, %get3A_155] {strides = array<i32>} : memref<2560x16xf32, #tpu.memory_space<vmem>>, vector<1x16xf32>,
          %get3A_157 = vector.shape_cast %get3A_156 : vector<1x16xf32> to vector<16xf32>
          %slice3A_158 = vector.extract_strided_slice %get3A_84 {offsets = [4], sizes = [1], strides = [1]} : vector<16xf32> to vector<1xf32>
          %squeeze3A_159 = vector.extract %slice3A_158[0] : f32 from vector<1xf32>
          %mul3A_160 = vector.broadcast %squeeze3A_159 : f32 to vector<16xf32>
          %mul3A_161 = arith.mulf %get3A_157, %mul3A_160 : vector<16xf32>
          %swap3A_162 = arith.index_cast %squeeze3A_151 : i32 to index
          %swap3A_163 = arith.constant 0 : index
          %swap3A_164 = tpu.vector_load %arg18[%swap3A_162, %swap3A_163] {strides = array<i32>} : memref<257x16xf32, #tpu.memory_space<vmem>>, vector<1x16xf32>,
          %swap3A_165 = vector.shape_cast %swap3A_164 : vector<1x16xf32> to vector<16xf32>
          %swap3A_166 = vector.shape_cast %mul3A_161 : vector<16xf32> to vector<1x16xf32>
          tpu.vector_store %arg18[%swap3A_162, %swap3A_163], %swap3A_166 {add = true, strides = array<i32>} : memref<257x16xf32, #tpu.memory_space<vmem>>, vector<1x16xf32>,
          %slice3A_167 = vector.extract_strided_slice %get3A_81 {offsets = [5], sizes = [1], strides = [1]} : vector<16xi32> to vector<1xi32>
          %squeeze3A_168 = vector.extract %slice3A_167[0] : i32 from vector<1xi32>
          %add3A_169 = arith.constant 5 : i32
          %add3A_170 = arith.addi %mul3A_79, %add3A_169 : i32
          %get3A_171 = arith.index_cast %add3A_170 : i32 to index
          %get3A_172 = arith.constant 0 : index
          %get3A_173 = tpu.vector_load %arg12[%get3A_171, %get3A_172] {strides = array<i32>} : memref<2560x16xf32, #tpu.memory_space<vmem>>, vector<1x16xf32>,
          %get3A_174 = vector.shape_cast %get3A_173 : vector<1x16xf32> to vector<16xf32>
          %slice3A_175 = vector.extract_strided_slice %get3A_84 {offsets = [5], sizes = [1], strides = [1]} : vector<16xf32> to vector<1xf32>
          %squeeze3A_176 = vector.extract %slice3A_175[0] : f32 from vector<1xf32>
          %mul3A_177 = vector.broadcast %squeeze3A_176 : f32 to vector<16xf32>
          %mul3A_178 = arith.mulf %get3A_174, %mul3A_177 : vector<16xf32>
          %swap3A_179 = arith.index_cast %squeeze3A_168 : i32 to index
          %swap3A_180 = arith.constant 0 : index
          %swap3A_181 = tpu.vector_load %arg18[%swap3A_179, %swap3A_180] {strides = array<i32>} : memref<257x16xf32, #tpu.memory_space<vmem>>, vector<1x16xf32>,
          %swap3A_182 = vector.shape_cast %swap3A_181 : vector<1x16xf32> to vector<16xf32>
          %swap3A_183 = vector.shape_cast %mul3A_178 : vector<16xf32> to vector<1x16xf32>
          tpu.vector_store %arg18[%swap3A_179, %swap3A_180], %swap3A_183 {add = true, strides = array<i32>} : memref<257x16xf32, #tpu.memory_space<vmem>>, vector<1x16xf32>,
          %slice3A_184 = vector.extract_strided_slice %get3A_81 {offsets = [6], sizes = [1], strides = [1]} : vector<16xi32> to vector<1xi32>
          %squeeze3A_185 = vector.extract %slice3A_184[0] : i32 from vector<1xi32>
          %add3A_186 = arith.constant 6 : i32
          %add3A_187 = arith.addi %mul3A_79, %add3A_186 : i32
          %get3A_188 = arith.index_cast %add3A_187 : i32 to index
          %get3A_189 = arith.constant 0 : index
          %get3A_190 = tpu.vector_load %arg12[%get3A_188, %get3A_189] {strides = array<i32>} : memref<2560x16xf32, #tpu.memory_space<vmem>>, vector<1x16xf32>,
          %get3A_191 = vector.shape_cast %get3A_190 : vector<1x16xf32> to vector<16xf32>
          %slice3A_192 = vector.extract_strided_slice %get3A_84 {offsets = [6], sizes = [1], strides = [1]} : vector<16xf32> to vector<1xf32>
          %squeeze3A_193 = vector.extract %slice3A_192[0] : f32 from vector<1xf32>
          %mul3A_194 = vector.broadcast %squeeze3A_193 : f32 to vector<16xf32>
          %mul3A_195 = arith.mulf %get3A_191, %mul3A_194 : vector<16xf32>
          %swap3A_196 = arith.index_cast %squeeze3A_185 : i32 to index
          %swap3A_197 = arith.constant 0 : index
          %swap3A_198 = tpu.vector_load %arg18[%swap3A_196, %swap3A_197] {strides = array<i32>} : memref<257x16xf32, #tpu.memory_space<vmem>>, vector<1x16xf32>,
          %swap3A_199 = vector.shape_cast %swap3A_198 : vector<1x16xf32> to vector<16xf32>
          %swap3A_200 = vector.shape_cast %mul3A_195 : vector<16xf32> to vector<1x16xf32>
          tpu.vector_store %arg18[%swap3A_196, %swap3A_197], %swap3A_200 {add = true, strides = array<i32>} : memref<257x16xf32, #tpu.memory_space<vmem>>, vector<1x16xf32>,
          %slice3A_201 = vector.extract_strided_slice %get3A_81 {offsets = [7], sizes = [1], strides = [1]} : vector<16xi32> to vector<1xi32>
          %squeeze3A_202 = vector.extract %slice3A_201[0] : i32 from vector<1xi32>
          %add3A_203 = arith.constant 7 : i32
          %add3A_204 = arith.addi %mul3A_79, %add3A_203 : i32
          %get3A_205 = arith.index_cast %add3A_204 : i32 to index
          %get3A_206 = arith.constant 0 : index
          %get3A_207 = tpu.vector_load %arg12[%get3A_205, %get3A_206] {strides = array<i32>} : memref<2560x16xf32, #tpu.memory_space<vmem>>, vector<1x16xf32>,
          %get3A_208 = vector.shape_cast %get3A_207 : vector<1x16xf32> to vector<16xf32>
          %slice3A_209 = vector.extract_strided_slice %get3A_84 {offsets = [7], sizes = [1], strides = [1]} : vector<16xf32> to vector<1xf32>
          %squeeze3A_210 = vector.extract %slice3A_209[0] : f32 from vector<1xf32>
          %mul3A_211 = vector.broadcast %squeeze3A_210 : f32 to vector<16xf32>
          %mul3A_212 = arith.mulf %get3A_208, %mul3A_211 : vector<16xf32>
          %swap3A_213 = arith.index_cast %squeeze3A_202 : i32 to index
          %swap3A_214 = arith.constant 0 : index
          %swap3A_215 = tpu.vector_load %arg18[%swap3A_213, %swap3A_214] {strides = array<i32>} : memref<257x16xf32, #tpu.memory_space<vmem>>, vector<1x16xf32>,
          %swap3A_216 = vector.shape_cast %swap3A_215 : vector<1x16xf32> to vector<16xf32>
          %swap3A_217 = vector.shape_cast %mul3A_212 : vector<16xf32> to vector<1x16xf32>
          tpu.vector_store %arg18[%swap3A_213, %swap3A_214], %swap3A_217 {add = true, strides = array<i32>} : memref<257x16xf32, #tpu.memory_space<vmem>>, vector<1x16xf32>,
          %slice3A_218 = vector.extract_strided_slice %get3A_81 {offsets = [8], sizes = [1], strides = [1]} : vector<16xi32> to vector<1xi32>
          %squeeze3A_219 = vector.extract %slice3A_218[0] : i32 from vector<1xi32>
          %add3A_220 = arith.constant 8 : i32
          %add3A_221 = arith.addi %mul3A_79, %add3A_220 : i32
          %get3A_222 = arith.index_cast %add3A_221 : i32 to index
          %get3A_223 = arith.constant 0 : index
          %get3A_224 = tpu.vector_load %arg12[%get3A_222, %get3A_223] {strides = array<i32>} : memref<2560x16xf32, #tpu.memory_space<vmem>>, vector<1x16xf32>,
          %get3A_225 = vector.shape_cast %get3A_224 : vector<1x16xf32> to vector<16xf32>
          %slice3A_226 = vector.extract_strided_slice %get3A_84 {offsets = [8], sizes = [1], strides = [1]} : vector<16xf32> to vector<1xf32>
          %squeeze3A_227 = vector.extract %slice3A_226[0] : f32 from vector<1xf32>
          %mul3A_228 = vector.broadcast %squeeze3A_227 : f32 to vector<16xf32>
          %mul3A_229 = arith.mulf %get3A_225, %mul3A_228 : vector<16xf32>
          %swap3A_230 = arith.index_cast %squeeze3A_219 : i32 to index
          %swap3A_231 = arith.constant 0 : index
          %swap3A_232 = tpu.vector_load %arg18[%swap3A_230, %swap3A_231] {strides = array<i32>} : memref<257x16xf32, #tpu.memory_space<vmem>>, vector<1x16xf32>,
          %swap3A_233 = vector.shape_cast %swap3A_232 : vector<1x16xf32> to vector<16xf32>
          %swap3A_234 = vector.shape_cast %mul3A_229 : vector<16xf32> to vector<1x16xf32>
          tpu.vector_store %arg18[%swap3A_230, %swap3A_231], %swap3A_234 {add = true, strides = array<i32>} : memref<257x16xf32, #tpu.memory_space<vmem>>, vector<1x16xf32>,
          %slice3A_235 = vector.extract_strided_slice %get3A_81 {offsets = [9], sizes = [1], strides = [1]} : vector<16xi32> to vector<1xi32>
          %squeeze3A_236 = vector.extract %slice3A_235[0] : i32 from vector<1xi32>
          %add3A_237 = arith.constant 9 : i32
          %add3A_238 = arith.addi %mul3A_79, %add3A_237 : i32
          %get3A_239 = arith.index_cast %add3A_238 : i32 to index
          %get3A_240 = arith.constant 0 : index
          %get3A_241 = tpu.vector_load %arg12[%get3A_239, %get3A_240] {strides = array<i32>} : memref<2560x16xf32, #tpu.memory_space<vmem>>, vector<1x16xf32>,
          %get3A_242 = vector.shape_cast %get3A_241 : vector<1x16xf32> to vector<16xf32>
          %slice3A_243 = vector.extract_strided_slice %get3A_84 {offsets = [9], sizes = [1], strides = [1]} : vector<16xf32> to vector<1xf32>
          %squeeze3A_244 = vector.extract %slice3A_243[0] : f32 from vector<1xf32>
          %mul3A_245 = vector.broadcast %squeeze3A_244 : f32 to vector<16xf32>
          %mul3A_246 = arith.mulf %get3A_242, %mul3A_245 : vector<16xf32>
          %swap3A_247 = arith.index_cast %squeeze3A_236 : i32 to index
          %swap3A_248 = arith.constant 0 : index
          %swap3A_249 = tpu.vector_load %arg18[%swap3A_247, %swap3A_248] {strides = array<i32>} : memref<257x16xf32, #tpu.memory_space<vmem>>, vector<1x16xf32>,
          %swap3A_250 = vector.shape_cast %swap3A_249 : vector<1x16xf32> to vector<16xf32>
          %swap3A_251 = vector.shape_cast %mul3A_246 : vector<16xf32> to vector<1x16xf32>
          tpu.vector_store %arg18[%swap3A_247, %swap3A_248], %swap3A_251 {add = true, strides = array<i32>} : memref<257x16xf32, #tpu.memory_space<vmem>>, vector<1x16xf32>,
          %slice3A_252 = vector.extract_strided_slice %get3A_81 {offsets = [10], sizes = [1], strides = [1]} : vector<16xi32> to vector<1xi32>
          %squeeze3A_253 = vector.extract %slice3A_252[0] : i32 from vector<1xi32>
          %add3A_254 = arith.constant 10 : i32
          %add3A_255 = arith.addi %mul3A_79, %add3A_254 : i32
          %get3A_256 = arith.index_cast %add3A_255 : i32 to index
          %get3A_257 = arith.constant 0 : index
          %get3A_258 = tpu.vector_load %arg12[%get3A_256, %get3A_257] {strides = array<i32>} : memref<2560x16xf32, #tpu.memory_space<vmem>>, vector<1x16xf32>,
          %get3A_259 = vector.shape_cast %get3A_258 : vector<1x16xf32> to vector<16xf32>
          %slice3A_260 = vector.extract_strided_slice %get3A_84 {offsets = [10], sizes = [1], strides = [1]} : vector<16xf32> to vector<1xf32>
          %squeeze3A_261 = vector.extract %slice3A_260[0] : f32 from vector<1xf32>
          %mul3A_262 = vector.broadcast %squeeze3A_261 : f32 to vector<16xf32>
          %mul3A_263 = arith.mulf %get3A_259, %mul3A_262 : vector<16xf32>
          %swap3A_264 = arith.index_cast %squeeze3A_253 : i32 to index
          %swap3A_265 = arith.constant 0 : index
          %swap3A_266 = tpu.vector_load %arg18[%swap3A_264, %swap3A_265] {strides = array<i32>} : memref<257x16xf32, #tpu.memory_space<vmem>>, vector<1x16xf32>,
          %swap3A_267 = vector.shape_cast %swap3A_266 : vector<1x16xf32> to vector<16xf32>
          %swap3A_268 = vector.shape_cast %mul3A_263 : vector<16xf32> to vector<1x16xf32>
          tpu.vector_store %arg18[%swap3A_264, %swap3A_265], %swap3A_268 {add = true, strides = array<i32>} : memref<257x16xf32, #tpu.memory_space<vmem>>, vector<1x16xf32>,
          %slice3A_269 = vector.extract_strided_slice %get3A_81 {offsets = [11], sizes = [1], strides = [1]} : vector<16xi32> to vector<1xi32>
          %squeeze3A_270 = vector.extract %slice3A_269[0] : i32 from vector<1xi32>
          %add3A_271 = arith.constant 11 : i32
          %add3A_272 = arith.addi %mul3A_79, %add3A_271 : i32
          %get3A_273 = arith.index_cast %add3A_272 : i32 to index
          %get3A_274 = arith.constant 0 : index
          %get3A_275 = tpu.vector_load %arg12[%get3A_273, %get3A_274] {strides = array<i32>} : memref<2560x16xf32, #tpu.memory_space<vmem>>, vector<1x16xf32>,
          %get3A_276 = vector.shape_cast %get3A_275 : vector<1x16xf32> to vector<16xf32>
          %slice3A_277 = vector.extract_strided_slice %get3A_84 {offsets = [11], sizes = [1], strides = [1]} : vector<16xf32> to vector<1xf32>
          %squeeze3A_278 = vector.extract %slice3A_277[0] : f32 from vector<1xf32>
          %mul3A_279 = vector.broadcast %squeeze3A_278 : f32 to vector<16xf32>
          %mul3A_280 = arith.mulf %get3A_276, %mul3A_279 : vector<16xf32>
          %swap3A_281 = arith.index_cast %squeeze3A_270 : i32 to index
          %swap3A_282 = arith.constant 0 : index
          %swap3A_283 = tpu.vector_load %arg18[%swap3A_281, %swap3A_282] {strides = array<i32>} : memref<257x16xf32, #tpu.memory_space<vmem>>, vector<1x16xf32>,
          %swap3A_284 = vector.shape_cast %swap3A_283 : vector<1x16xf32> to vector<16xf32>
          %swap3A_285 = vector.shape_cast %mul3A_280 : vector<16xf32> to vector<1x16xf32>
          tpu.vector_store %arg18[%swap3A_281, %swap3A_282], %swap3A_285 {add = true, strides = array<i32>} : memref<257x16xf32, #tpu.memory_space<vmem>>, vector<1x16xf32>,
          %slice3A_286 = vector.extract_strided_slice %get3A_81 {offsets = [12], sizes = [1], strides = [1]} : vector<16xi32> to vector<1xi32>
          %squeeze3A_287 = vector.extract %slice3A_286[0] : i32 from vector<1xi32>
          %add3A_288 = arith.constant 12 : i32
          %add3A_289 = arith.addi %mul3A_79, %add3A_288 : i32
          %get3A_290 = arith.index_cast %add3A_289 : i32 to index
          %get3A_291 = arith.constant 0 : index
          %get3A_292 = tpu.vector_load %arg12[%get3A_290, %get3A_291] {strides = array<i32>} : memref<2560x16xf32, #tpu.memory_space<vmem>>, vector<1x16xf32>,
          %get3A_293 = vector.shape_cast %get3A_292 : vector<1x16xf32> to vector<16xf32>
          %slice3A_294 = vector.extract_strided_slice %get3A_84 {offsets = [12], sizes = [1], strides = [1]} : vector<16xf32> to vector<1xf32>
          %squeeze3A_295 = vector.extract %slice3A_294[0] : f32 from vector<1xf32>
          %mul3A_296 = vector.broadcast %squeeze3A_295 : f32 to vector<16xf32>
          %mul3A_297 = arith.mulf %get3A_293, %mul3A_296 : vector<16xf32>
          %swap3A_298 = arith.index_cast %squeeze3A_287 : i32 to index
          %swap3A_299 = arith.constant 0 : index
          %swap3A_300 = tpu.vector_load %arg18[%swap3A_298, %swap3A_299] {strides = array<i32>} : memref<257x16xf32, #tpu.memory_space<vmem>>, vector<1x16xf32>,
          %swap3A_301 = vector.shape_cast %swap3A_300 : vector<1x16xf32> to vector<16xf32>
          %swap3A_302 = vector.shape_cast %mul3A_297 : vector<16xf32> to vector<1x16xf32>
          tpu.vector_store %arg18[%swap3A_298, %swap3A_299], %swap3A_302 {add = true, strides = array<i32>} : memref<257x16xf32, #tpu.memory_space<vmem>>, vector<1x16xf32>,
          %slice3A_303 = vector.extract_strided_slice %get3A_81 {offsets = [13], sizes = [1], strides = [1]} : vector<16xi32> to vector<1xi32>
          %squeeze3A_304 = vector.extract %slice3A_303[0] : i32 from vector<1xi32>
          %add3A_305 = arith.constant 13 : i32
          %add3A_306 = arith.addi %mul3A_79, %add3A_305 : i32
          %get3A_307 = arith.index_cast %add3A_306 : i32 to index
          %get3A_308 = arith.constant 0 : index
          %get3A_309 = tpu.vector_load %arg12[%get3A_307, %get3A_308] {strides = array<i32>} : memref<2560x16xf32, #tpu.memory_space<vmem>>, vector<1x16xf32>,
          %get3A_310 = vector.shape_cast %get3A_309 : vector<1x16xf32> to vector<16xf32>
          %slice3A_311 = vector.extract_strided_slice %get3A_84 {offsets = [13], sizes = [1], strides = [1]} : vector<16xf32> to vector<1xf32>
          %squeeze3A_312 = vector.extract %slice3A_311[0] : f32 from vector<1xf32>
          %mul3A_313 = vector.broadcast %squeeze3A_312 : f32 to vector<16xf32>
          %mul3A_314 = arith.mulf %get3A_310, %mul3A_313 : vector<16xf32>
          %swap3A_315 = arith.index_cast %squeeze3A_304 : i32 to index
          %swap3A_316 = arith.constant 0 : index
          %swap3A_317 = tpu.vector_load %arg18[%swap3A_315, %swap3A_316] {strides = array<i32>} : memref<257x16xf32, #tpu.memory_space<vmem>>, vector<1x16xf32>,
          %swap3A_318 = vector.shape_cast %swap3A_317 : vector<1x16xf32> to vector<16xf32>
          %swap3A_319 = vector.shape_cast %mul3A_314 : vector<16xf32> to vector<1x16xf32>
          tpu.vector_store %arg18[%swap3A_315, %swap3A_316], %swap3A_319 {add = true, strides = array<i32>} : memref<257x16xf32, #tpu.memory_space<vmem>>, vector<1x16xf32>,
          %slice3A_320 = vector.extract_strided_slice %get3A_81 {offsets = [14], sizes = [1], strides = [1]} : vector<16xi32> to vector<1xi32>
          %squeeze3A_321 = vector.extract %slice3A_320[0] : i32 from vector<1xi32>
          %add3A_322 = arith.constant 14 : i32
          %add3A_323 = arith.addi %mul3A_79, %add3A_322 : i32
          %get3A_324 = arith.index_cast %add3A_323 : i32 to index
          %get3A_325 = arith.constant 0 : index
          %get3A_326 = tpu.vector_load %arg12[%get3A_324, %get3A_325] {strides = array<i32>} : memref<2560x16xf32, #tpu.memory_space<vmem>>, vector<1x16xf32>,
          %get3A_327 = vector.shape_cast %get3A_326 : vector<1x16xf32> to vector<16xf32>
          %slice3A_328 = vector.extract_strided_slice %get3A_84 {offsets = [14], sizes = [1], strides = [1]} : vector<16xf32> to vector<1xf32>
          %squeeze3A_329 = vector.extract %slice3A_328[0] : f32 from vector<1xf32>
          %mul3A_330 = vector.broadcast %squeeze3A_329 : f32 to vector<16xf32>
          %mul3A_331 = arith.mulf %get3A_327, %mul3A_330 : vector<16xf32>
          %swap3A_332 = arith.index_cast %squeeze3A_321 : i32 to index
          %swap3A_333 = arith.constant 0 : index
          %swap3A_334 = tpu.vector_load %arg18[%swap3A_332, %swap3A_333] {strides = array<i32>} : memref<257x16xf32, #tpu.memory_space<vmem>>, vector<1x16xf32>,
          %swap3A_335 = vector.shape_cast %swap3A_334 : vector<1x16xf32> to vector<16xf32>
          %swap3A_336 = vector.shape_cast %mul3A_331 : vector<16xf32> to vector<1x16xf32>
          tpu.vector_store %arg18[%swap3A_332, %swap3A_333], %swap3A_336 {add = true, strides = array<i32>} : memref<257x16xf32, #tpu.memory_space<vmem>>, vector<1x16xf32>,
          %slice3A_337 = vector.extract_strided_slice %get3A_81 {offsets = [15], sizes = [1], strides = [1]} : vector<16xi32> to vector<1xi32>
          %squeeze3A_338 = vector.extract %slice3A_337[0] : i32 from vector<1xi32>
          %add3A_339 = arith.constant 15 : i32
          %add3A_340 = arith.addi %mul3A_79, %add3A_339 : i32
          %get3A_341 = arith.index_cast %add3A_340 : i32 to index
          %get3A_342 = arith.constant 0 : index
          %get3A_343 = tpu.vector_load %arg12[%get3A_341, %get3A_342] {strides = array<i32>} : memref<2560x16xf32, #tpu.memory_space<vmem>>, vector<1x16xf32>,
          %get3A_344 = vector.shape_cast %get3A_343 : vector<1x16xf32> to vector<16xf32>
          %slice3A_345 = vector.extract_strided_slice %get3A_84 {offsets = [15], sizes = [1], strides = [1]} : vector<16xf32> to vector<1xf32>
          %squeeze3A_346 = vector.extract %slice3A_345[0] : f32 from vector<1xf32>
          %mul3A_347 = vector.broadcast %squeeze3A_346 : f32 to vector<16xf32>
          %mul3A_348 = arith.mulf %get3A_344, %mul3A_347 : vector<16xf32>
          %swap3A_349 = arith.index_cast %squeeze3A_338 : i32 to index
          %swap3A_350 = arith.constant 0 : index
          %swap3A_351 = tpu.vector_load %arg18[%swap3A_349, %swap3A_350] {strides = array<i32>} : memref<257x16xf32, #tpu.memory_space<vmem>>, vector<1x16xf32>,
          %swap3A_352 = vector.shape_cast %swap3A_351 : vector<1x16xf32> to vector<16xf32>
          %swap3A_353 = vector.shape_cast %mul3A_348 : vector<16xf32> to vector<1x16xf32>
          tpu.vector_store %arg18[%swap3A_349, %swap3A_350], %swap3A_353 {add = true, strides = array<i32>} : memref<257x16xf32, #tpu.memory_space<vmem>>, vector<1x16xf32>,
        }
        %scan3A_63 = arith.constant 160 : i32
        %dma_wait3A_64 = arith.constant 0 : i32
        %dma_wait3A_65 = arith.constant 0 : i32
        %dma_wait3A_66 = tpu.memref_slice %arg4[%dma_wait3A_64, %dma_wait3A_65] : memref<100352x16xf32, #tpu.memory_space<hbm>> -> memref<100352x16xf32, #tpu.memory_space<hbm>>
        tpu.wait_indirect_dma semaphore(%arg20 : memref<!tpu.dma_semaphore, #tpu.memory_space<semaphore_mem>>) src(%dma_wait3A_66 : memref<100352x16xf32, #tpu.memory_space<hbm>>) dst(%arg13 : memref<2560x16xf32, #tpu.memory_space<vmem>>)
        %dma_wait3A_67 = arith.constant 0 : i32
        %dma_wait3A_68 = tpu.memref_slice %arg5[%dma_wait3A_67] : memref<100352xf32, #tpu.memory_space<hbm>> -> memref<100352xf32, #tpu.memory_space<hbm>>
        tpu.wait_indirect_dma semaphore(%arg20 : memref<!tpu.dma_semaphore, #tpu.memory_space<semaphore_mem>>) src(%dma_wait3A_68 : memref<100352xf32, #tpu.memory_space<hbm>>) dst(%arg15 : memref<2560xf32, #tpu.memory_space<vmem>>)
        %dma_wait3A_69 = arith.constant 0 : i32
        %dma_wait3A_70 = tpu.memref_slice %arg6[%dma_wait3A_69] : memref<100352xi32, #tpu.memory_space<hbm>> -> memref<100352xi32, #tpu.memory_space<hbm>>
        tpu.wait_indirect_dma semaphore(%arg20 : memref<!tpu.dma_semaphore, #tpu.memory_space<semaphore_mem>>) src(%dma_wait3A_70 : memref<100352xi32, #tpu.memory_space<hbm>>) dst(%arg17 : memref<2560xi32, #tpu.memory_space<vmem>>)
        %scan3A_71 = arith.constant 0 : i32
        %scan3A_72 = arith.constant 0 : i32
        %scan3A_73 = arith.constant 160 : i32
        %scan3A_74 = arith.addi %scan3A_72, %scan3A_73 : i32
        %scan3A_75 = arith.constant 1 : i32
        scf.for %scan3A_77 = %scan3A_72 to %scan3A_74 step %scan3A_75  : i32 {
          %mul3A_78 = arith.constant 16 : i32
          %mul3A_79 = arith.muli %scan3A_77, %mul3A_78 : i32
          %get3A = arith.index_cast %mul3A_79 : i32 to index
          %get3A_80 = tpu.vector_load %arg17[%get3A] {strides = array<i32>} : memref<2560xi32, #tpu.memory_space<vmem>>, vector<16xi32>,
          %get3A_81 = vector.shape_cast %get3A_80 : vector<16xi32> to vector<16xi32>
          %get3A_82 = arith.index_cast %mul3A_79 : i32 to index
          %get3A_83 = tpu.vector_load %arg15[%get3A_82] {strides = array<i32>} : memref<2560xf32, #tpu.memory_space<vmem>>, vector<16xf32>,
          %get3A_84 = vector.shape_cast %get3A_83 : vector<16xf32> to vector<16xf32>
          %slice3A = vector.extract_strided_slice %get3A_81 {offsets = [0], sizes = [1], strides = [1]} : vector<16xi32> to vector<1xi32>
          %squeeze3A = vector.extract %slice3A[0] : i32 from vector<1xi32>
          %add3A_85 = arith.constant 0 : i32
          %add3A_86 = arith.addi %mul3A_79, %add3A_85 : i32
          %get3A_87 = arith.index_cast %add3A_86 : i32 to index
          %get3A_88 = arith.constant 0 : index
          %get3A_89 = tpu.vector_load %arg13[%get3A_87, %get3A_88] {strides = array<i32>} : memref<2560x16xf32, #tpu.memory_space<vmem>>, vector<1x16xf32>,
          %get3A_90 = vector.shape_cast %get3A_89 : vector<1x16xf32> to vector<16xf32>
          %slice3A_91 = vector.extract_strided_slice %get3A_84 {offsets = [0], sizes = [1], strides = [1]} : vector<16xf32> to vector<1xf32>
          %squeeze3A_92 = vector.extract %slice3A_91[0] : f32 from vector<1xf32>
          %mul3A_93 = vector.broadcast %squeeze3A_92 : f32 to vector<16xf32>
          %mul3A_94 = arith.mulf %get3A_90, %mul3A_93 : vector<16xf32>
          %swap3A = arith.index_cast %squeeze3A : i32 to index
          %swap3A_95 = arith.constant 0 : index
          %swap3A_96 = tpu.vector_load %arg18[%swap3A, %swap3A_95] {strides = array<i32>} : memref<257x16xf32, #tpu.memory_space<vmem>>, vector<1x16xf32>,
          %swap3A_97 = vector.shape_cast %swap3A_96 : vector<1x16xf32> to vector<16xf32>
          %swap3A_98 = vector.shape_cast %mul3A_94 : vector<16xf32> to vector<1x16xf32>
          tpu.vector_store %arg18[%swap3A, %swap3A_95], %swap3A_98 {add = true, strides = array<i32>} : memref<257x16xf32, #tpu.memory_space<vmem>>, vector<1x16xf32>,
          %slice3A_99 = vector.extract_strided_slice %get3A_81 {offsets = [1], sizes = [1], strides = [1]} : vector<16xi32> to vector<1xi32>
          %squeeze3A_100 = vector.extract %slice3A_99[0] : i32 from vector<1xi32>
          %add3A_101 = arith.constant 1 : i32
          %add3A_102 = arith.addi %mul3A_79, %add3A_101 : i32
          %get3A_103 = arith.index_cast %add3A_102 : i32 to index
          %get3A_104 = arith.constant 0 : index
          %get3A_105 = tpu.vector_load %arg13[%get3A_103, %get3A_104] {strides = array<i32>} : memref<2560x16xf32, #tpu.memory_space<vmem>>, vector<1x16xf32>,
          %get3A_106 = vector.shape_cast %get3A_105 : vector<1x16xf32> to vector<16xf32>
          %slice3A_107 = vector.extract_strided_slice %get3A_84 {offsets = [1], sizes = [1], strides = [1]} : vector<16xf32> to vector<1xf32>
          %squeeze3A_108 = vector.extract %slice3A_107[0] : f32 from vector<1xf32>
          %mul3A_109 = vector.broadcast %squeeze3A_108 : f32 to vector<16xf32>
          %mul3A_110 = arith.mulf %get3A_106, %mul3A_109 : vector<16xf32>
          %swap3A_111 = arith.index_cast %squeeze3A_100 : i32 to index
          %swap3A_112 = arith.constant 0 : index
          %swap3A_113 = tpu.vector_load %arg18[%swap3A_111, %swap3A_112] {strides = array<i32>} : memref<257x16xf32, #tpu.memory_space<vmem>>, vector<1x16xf32>,
          %swap3A_114 = vector.shape_cast %swap3A_113 : vector<1x16xf32> to vector<16xf32>
          %swap3A_115 = vector.shape_cast %mul3A_110 : vector<16xf32> to vector<1x16xf32>
          tpu.vector_store %arg18[%swap3A_111, %swap3A_112], %swap3A_115 {add = true, strides = array<i32>} : memref<257x16xf32, #tpu.memory_space<vmem>>, vector<1x16xf32>,
          %slice3A_116 = vector.extract_strided_slice %get3A_81 {offsets = [2], sizes = [1], strides = [1]} : vector<16xi32> to vector<1xi32>
          %squeeze3A_117 = vector.extract %slice3A_116[0] : i32 from vector<1xi32>
          %add3A_118 = arith.constant 2 : i32
          %add3A_119 = arith.addi %mul3A_79, %add3A_118 : i32
          %get3A_120 = arith.index_cast %add3A_119 : i32 to index
          %get3A_121 = arith.constant 0 : index
          %get3A_122 = tpu.vector_load %arg13[%get3A_120, %get3A_121] {strides = array<i32>} : memref<2560x16xf32, #tpu.memory_space<vmem>>, vector<1x16xf32>,
          %get3A_123 = vector.shape_cast %get3A_122 : vector<1x16xf32> to vector<16xf32>
          %slice3A_124 = vector.extract_strided_slice %get3A_84 {offsets = [2], sizes = [1], strides = [1]} : vector<16xf32> to vector<1xf32>
          %squeeze3A_125 = vector.extract %slice3A_124[0] : f32 from vector<1xf32>
          %mul3A_126 = vector.broadcast %squeeze3A_125 : f32 to vector<16xf32>
          %mul3A_127 = arith.mulf %get3A_123, %mul3A_126 : vector<16xf32>
          %swap3A_128 = arith.index_cast %squeeze3A_117 : i32 to index
          %swap3A_129 = arith.constant 0 : index
          %swap3A_130 = tpu.vector_load %arg18[%swap3A_128, %swap3A_129] {strides = array<i32>} : memref<257x16xf32, #tpu.memory_space<vmem>>, vector<1x16xf32>,
          %swap3A_131 = vector.shape_cast %swap3A_130 : vector<1x16xf32> to vector<16xf32>
          %swap3A_132 = vector.shape_cast %mul3A_127 : vector<16xf32> to vector<1x16xf32>
          tpu.vector_store %arg18[%swap3A_128, %swap3A_129], %swap3A_132 {add = true, strides = array<i32>} : memref<257x16xf32, #tpu.memory_space<vmem>>, vector<1x16xf32>,
          %slice3A_133 = vector.extract_strided_slice %get3A_81 {offsets = [3], sizes = [1], strides = [1]} : vector<16xi32> to vector<1xi32>
          %squeeze3A_134 = vector.extract %slice3A_133[0] : i32 from vector<1xi32>
          %add3A_135 = arith.constant 3 : i32
          %add3A_136 = arith.addi %mul3A_79, %add3A_135 : i32
          %get3A_137 = arith.index_cast %add3A_136 : i32 to index
          %get3A_138 = arith.constant 0 : index
          %get3A_139 = tpu.vector_load %arg13[%get3A_137, %get3A_138] {strides = array<i32>} : memref<2560x16xf32, #tpu.memory_space<vmem>>, vector<1x16xf32>,
          %get3A_140 = vector.shape_cast %get3A_139 : vector<1x16xf32> to vector<16xf32>
          %slice3A_141 = vector.extract_strided_slice %get3A_84 {offsets = [3], sizes = [1], strides = [1]} : vector<16xf32> to vector<1xf32>
          %squeeze3A_142 = vector.extract %slice3A_141[0] : f32 from vector<1xf32>
          %mul3A_143 = vector.broadcast %squeeze3A_142 : f32 to vector<16xf32>
          %mul3A_144 = arith.mulf %get3A_140, %mul3A_143 : vector<16xf32>
          %swap3A_145 = arith.index_cast %squeeze3A_134 : i32 to index
          %swap3A_146 = arith.constant 0 : index
          %swap3A_147 = tpu.vector_load %arg18[%swap3A_145, %swap3A_146] {strides = array<i32>} : memref<257x16xf32, #tpu.memory_space<vmem>>, vector<1x16xf32>,
          %swap3A_148 = vector.shape_cast %swap3A_147 : vector<1x16xf32> to vector<16xf32>
          %swap3A_149 = vector.shape_cast %mul3A_144 : vector<16xf32> to vector<1x16xf32>
          tpu.vector_store %arg18[%swap3A_145, %swap3A_146], %swap3A_149 {add = true, strides = array<i32>} : memref<257x16xf32, #tpu.memory_space<vmem>>, vector<1x16xf32>,
          %slice3A_150 = vector.extract_strided_slice %get3A_81 {offsets = [4], sizes = [1], strides = [1]} : vector<16xi32> to vector<1xi32>
          %squeeze3A_151 = vector.extract %slice3A_150[0] : i32 from vector<1xi32>
          %add3A_152 = arith.constant 4 : i32
          %add3A_153 = arith.addi %mul3A_79, %add3A_152 : i32
          %get3A_154 = arith.index_cast %add3A_153 : i32 to index
          %get3A_155 = arith.constant 0 : index
          %get3A_156 = tpu.vector_load %arg13[%get3A_154, %get3A_155] {strides = array<i32>} : memref<2560x16xf32, #tpu.memory_space<vmem>>, vector<1x16xf32>,
          %get3A_157 = vector.shape_cast %get3A_156 : vector<1x16xf32> to vector<16xf32>
          %slice3A_158 = vector.extract_strided_slice %get3A_84 {offsets = [4], sizes = [1], strides = [1]} : vector<16xf32> to vector<1xf32>
          %squeeze3A_159 = vector.extract %slice3A_158[0] : f32 from vector<1xf32>
          %mul3A_160 = vector.broadcast %squeeze3A_159 : f32 to vector<16xf32>
          %mul3A_161 = arith.mulf %get3A_157, %mul3A_160 : vector<16xf32>
          %swap3A_162 = arith.index_cast %squeeze3A_151 : i32 to index
          %swap3A_163 = arith.constant 0 : index
          %swap3A_164 = tpu.vector_load %arg18[%swap3A_162, %swap3A_163] {strides = array<i32>} : memref<257x16xf32, #tpu.memory_space<vmem>>, vector<1x16xf32>,
          %swap3A_165 = vector.shape_cast %swap3A_164 : vector<1x16xf32> to vector<16xf32>
          %swap3A_166 = vector.shape_cast %mul3A_161 : vector<16xf32> to vector<1x16xf32>
          tpu.vector_store %arg18[%swap3A_162, %swap3A_163], %swap3A_166 {add = true, strides = array<i32>} : memref<257x16xf32, #tpu.memory_space<vmem>>, vector<1x16xf32>,
          %slice3A_167 = vector.extract_strided_slice %get3A_81 {offsets = [5], sizes = [1], strides = [1]} : vector<16xi32> to vector<1xi32>
          %squeeze3A_168 = vector.extract %slice3A_167[0] : i32 from vector<1xi32>
          %add3A_169 = arith.constant 5 : i32
          %add3A_170 = arith.addi %mul3A_79, %add3A_169 : i32
          %get3A_171 = arith.index_cast %add3A_170 : i32 to index
          %get3A_172 = arith.constant 0 : index
          %get3A_173 = tpu.vector_load %arg13[%get3A_171, %get3A_172] {strides = array<i32>} : memref<2560x16xf32, #tpu.memory_space<vmem>>, vector<1x16xf32>,
          %get3A_174 = vector.shape_cast %get3A_173 : vector<1x16xf32> to vector<16xf32>
          %slice3A_175 = vector.extract_strided_slice %get3A_84 {offsets = [5], sizes = [1], strides = [1]} : vector<16xf32> to vector<1xf32>
          %squeeze3A_176 = vector.extract %slice3A_175[0] : f32 from vector<1xf32>
          %mul3A_177 = vector.broadcast %squeeze3A_176 : f32 to vector<16xf32>
          %mul3A_178 = arith.mulf %get3A_174, %mul3A_177 : vector<16xf32>
          %swap3A_179 = arith.index_cast %squeeze3A_168 : i32 to index
          %swap3A_180 = arith.constant 0 : index
          %swap3A_181 = tpu.vector_load %arg18[%swap3A_179, %swap3A_180] {strides = array<i32>} : memref<257x16xf32, #tpu.memory_space<vmem>>, vector<1x16xf32>,
          %swap3A_182 = vector.shape_cast %swap3A_181 : vector<1x16xf32> to vector<16xf32>
          %swap3A_183 = vector.shape_cast %mul3A_178 : vector<16xf32> to vector<1x16xf32>
          tpu.vector_store %arg18[%swap3A_179, %swap3A_180], %swap3A_183 {add = true, strides = array<i32>} : memref<257x16xf32, #tpu.memory_space<vmem>>, vector<1x16xf32>,
          %slice3A_184 = vector.extract_strided_slice %get3A_81 {offsets = [6], sizes = [1], strides = [1]} : vector<16xi32> to vector<1xi32>
          %squeeze3A_185 = vector.extract %slice3A_184[0] : i32 from vector<1xi32>
          %add3A_186 = arith.constant 6 : i32
          %add3A_187 = arith.addi %mul3A_79, %add3A_186 : i32
          %get3A_188 = arith.index_cast %add3A_187 : i32 to index
          %get3A_189 = arith.constant 0 : index
          %get3A_190 = tpu.vector_load %arg13[%get3A_188, %get3A_189] {strides = array<i32>} : memref<2560x16xf32, #tpu.memory_space<vmem>>, vector<1x16xf32>,
          %get3A_191 = vector.shape_cast %get3A_190 : vector<1x16xf32> to vector<16xf32>
          %slice3A_192 = vector.extract_strided_slice %get3A_84 {offsets = [6], sizes = [1], strides = [1]} : vector<16xf32> to vector<1xf32>
          %squeeze3A_193 = vector.extract %slice3A_192[0] : f32 from vector<1xf32>
          %mul3A_194 = vector.broadcast %squeeze3A_193 : f32 to vector<16xf32>
          %mul3A_195 = arith.mulf %get3A_191, %mul3A_194 : vector<16xf32>
          %swap3A_196 = arith.index_cast %squeeze3A_185 : i32 to index
          %swap3A_197 = arith.constant 0 : index
          %swap3A_198 = tpu.vector_load %arg18[%swap3A_196, %swap3A_197] {strides = array<i32>} : memref<257x16xf32, #tpu.memory_space<vmem>>, vector<1x16xf32>,
          %swap3A_199 = vector.shape_cast %swap3A_198 : vector<1x16xf32> to vector<16xf32>
          %swap3A_200 = vector.shape_cast %mul3A_195 : vector<16xf32> to vector<1x16xf32>
          tpu.vector_store %arg18[%swap3A_196, %swap3A_197], %swap3A_200 {add = true, strides = array<i32>} : memref<257x16xf32, #tpu.memory_space<vmem>>, vector<1x16xf32>,
          %slice3A_201 = vector.extract_strided_slice %get3A_81 {offsets = [7], sizes = [1], strides = [1]} : vector<16xi32> to vector<1xi32>
          %squeeze3A_202 = vector.extract %slice3A_201[0] : i32 from vector<1xi32>
          %add3A_203 = arith.constant 7 : i32
          %add3A_204 = arith.addi %mul3A_79, %add3A_203 : i32
          %get3A_205 = arith.index_cast %add3A_204 : i32 to index
          %get3A_206 = arith.constant 0 : index
          %get3A_207 = tpu.vector_load %arg13[%get3A_205, %get3A_206] {strides = array<i32>} : memref<2560x16xf32, #tpu.memory_space<vmem>>, vector<1x16xf32>,
          %get3A_208 = vector.shape_cast %get3A_207 : vector<1x16xf32> to vector<16xf32>
          %slice3A_209 = vector.extract_strided_slice %get3A_84 {offsets = [7], sizes = [1], strides = [1]} : vector<16xf32> to vector<1xf32>
          %squeeze3A_210 = vector.extract %slice3A_209[0] : f32 from vector<1xf32>
          %mul3A_211 = vector.broadcast %squeeze3A_210 : f32 to vector<16xf32>
          %mul3A_212 = arith.mulf %get3A_208, %mul3A_211 : vector<16xf32>
          %swap3A_213 = arith.index_cast %squeeze3A_202 : i32 to index
          %swap3A_214 = arith.constant 0 : index
          %swap3A_215 = tpu.vector_load %arg18[%swap3A_213, %swap3A_214] {strides = array<i32>} : memref<257x16xf32, #tpu.memory_space<vmem>>, vector<1x16xf32>,
          %swap3A_216 = vector.shape_cast %swap3A_215 : vector<1x16xf32> to vector<16xf32>
          %swap3A_217 = vector.shape_cast %mul3A_212 : vector<16xf32> to vector<1x16xf32>
          tpu.vector_store %arg18[%swap3A_213, %swap3A_214], %swap3A_217 {add = true, strides = array<i32>} : memref<257x16xf32, #tpu.memory_space<vmem>>, vector<1x16xf32>,
          %slice3A_218 = vector.extract_strided_slice %get3A_81 {offsets = [8], sizes = [1], strides = [1]} : vector<16xi32> to vector<1xi32>
          %squeeze3A_219 = vector.extract %slice3A_218[0] : i32 from vector<1xi32>
          %add3A_220 = arith.constant 8 : i32
          %add3A_221 = arith.addi %mul3A_79, %add3A_220 : i32
          %get3A_222 = arith.index_cast %add3A_221 : i32 to index
          %get3A_223 = arith.constant 0 : index
          %get3A_224 = tpu.vector_load %arg13[%get3A_222, %get3A_223] {strides = array<i32>} : memref<2560x16xf32, #tpu.memory_space<vmem>>, vector<1x16xf32>,
          %get3A_225 = vector.shape_cast %get3A_224 : vector<1x16xf32> to vector<16xf32>
          %slice3A_226 = vector.extract_strided_slice %get3A_84 {offsets = [8], sizes = [1], strides = [1]} : vector<16xf32> to vector<1xf32>
          %squeeze3A_227 = vector.extract %slice3A_226[0] : f32 from vector<1xf32>
          %mul3A_228 = vector.broadcast %squeeze3A_227 : f32 to vector<16xf32>
          %mul3A_229 = arith.mulf %get3A_225, %mul3A_228 : vector<16xf32>
          %swap3A_230 = arith.index_cast %squeeze3A_219 : i32 to index
          %swap3A_231 = arith.constant 0 : index
          %swap3A_232 = tpu.vector_load %arg18[%swap3A_230, %swap3A_231] {strides = array<i32>} : memref<257x16xf32, #tpu.memory_space<vmem>>, vector<1x16xf32>,
          %swap3A_233 = vector.shape_cast %swap3A_232 : vector<1x16xf32> to vector<16xf32>
          %swap3A_234 = vector.shape_cast %mul3A_229 : vector<16xf32> to vector<1x16xf32>
          tpu.vector_store %arg18[%swap3A_230, %swap3A_231], %swap3A_234 {add = true, strides = array<i32>} : memref<257x16xf32, #tpu.memory_space<vmem>>, vector<1x16xf32>,
          %slice3A_235 = vector.extract_strided_slice %get3A_81 {offsets = [9], sizes = [1], strides = [1]} : vector<16xi32> to vector<1xi32>
          %squeeze3A_236 = vector.extract %slice3A_235[0] : i32 from vector<1xi32>
          %add3A_237 = arith.constant 9 : i32
          %add3A_238 = arith.addi %mul3A_79, %add3A_237 : i32
          %get3A_239 = arith.index_cast %add3A_238 : i32 to index
          %get3A_240 = arith.constant 0 : index
          %get3A_241 = tpu.vector_load %arg13[%get3A_239, %get3A_240] {strides = array<i32>} : memref<2560x16xf32, #tpu.memory_space<vmem>>, vector<1x16xf32>,
          %get3A_242 = vector.shape_cast %get3A_241 : vector<1x16xf32> to vector<16xf32>
          %slice3A_243 = vector.extract_strided_slice %get3A_84 {offsets = [9], sizes = [1], strides = [1]} : vector<16xf32> to vector<1xf32>
          %squeeze3A_244 = vector.extract %slice3A_243[0] : f32 from vector<1xf32>
          %mul3A_245 = vector.broadcast %squeeze3A_244 : f32 to vector<16xf32>
          %mul3A_246 = arith.mulf %get3A_242, %mul3A_245 : vector<16xf32>
          %swap3A_247 = arith.index_cast %squeeze3A_236 : i32 to index
          %swap3A_248 = arith.constant 0 : index
          %swap3A_249 = tpu.vector_load %arg18[%swap3A_247, %swap3A_248] {strides = array<i32>} : memref<257x16xf32, #tpu.memory_space<vmem>>, vector<1x16xf32>,
          %swap3A_250 = vector.shape_cast %swap3A_249 : vector<1x16xf32> to vector<16xf32>
          %swap3A_251 = vector.shape_cast %mul3A_246 : vector<16xf32> to vector<1x16xf32>
          tpu.vector_store %arg18[%swap3A_247, %swap3A_248], %swap3A_251 {add = true, strides = array<i32>} : memref<257x16xf32, #tpu.memory_space<vmem>>, vector<1x16xf32>,
          %slice3A_252 = vector.extract_strided_slice %get3A_81 {offsets = [10], sizes = [1], strides = [1]} : vector<16xi32> to vector<1xi32>
          %squeeze3A_253 = vector.extract %slice3A_252[0] : i32 from vector<1xi32>
          %add3A_254 = arith.constant 10 : i32
          %add3A_255 = arith.addi %mul3A_79, %add3A_254 : i32
          %get3A_256 = arith.index_cast %add3A_255 : i32 to index
          %get3A_257 = arith.constant 0 : index
          %get3A_258 = tpu.vector_load %arg13[%get3A_256, %get3A_257] {strides = array<i32>} : memref<2560x16xf32, #tpu.memory_space<vmem>>, vector<1x16xf32>,
          %get3A_259 = vector.shape_cast %get3A_258 : vector<1x16xf32> to vector<16xf32>
          %slice3A_260 = vector.extract_strided_slice %get3A_84 {offsets = [10], sizes = [1], strides = [1]} : vector<16xf32> to vector<1xf32>
          %squeeze3A_261 = vector.extract %slice3A_260[0] : f32 from vector<1xf32>
          %mul3A_262 = vector.broadcast %squeeze3A_261 : f32 to vector<16xf32>
          %mul3A_263 = arith.mulf %get3A_259, %mul3A_262 : vector<16xf32>
          %swap3A_264 = arith.index_cast %squeeze3A_253 : i32 to index
          %swap3A_265 = arith.constant 0 : index
          %swap3A_266 = tpu.vector_load %arg18[%swap3A_264, %swap3A_265] {strides = array<i32>} : memref<257x16xf32, #tpu.memory_space<vmem>>, vector<1x16xf32>,
          %swap3A_267 = vector.shape_cast %swap3A_266 : vector<1x16xf32> to vector<16xf32>
          %swap3A_268 = vector.shape_cast %mul3A_263 : vector<16xf32> to vector<1x16xf32>
          tpu.vector_store %arg18[%swap3A_264, %swap3A_265], %swap3A_268 {add = true, strides = array<i32>} : memref<257x16xf32, #tpu.memory_space<vmem>>, vector<1x16xf32>,
          %slice3A_269 = vector.extract_strided_slice %get3A_81 {offsets = [11], sizes = [1], strides = [1]} : vector<16xi32> to vector<1xi32>
          %squeeze3A_270 = vector.extract %slice3A_269[0] : i32 from vector<1xi32>
          %add3A_271 = arith.constant 11 : i32
          %add3A_272 = arith.addi %mul3A_79, %add3A_271 : i32
          %get3A_273 = arith.index_cast %add3A_272 : i32 to index
          %get3A_274 = arith.constant 0 : index
          %get3A_275 = tpu.vector_load %arg13[%get3A_273, %get3A_274] {strides = array<i32>} : memref<2560x16xf32, #tpu.memory_space<vmem>>, vector<1x16xf32>,
          %get3A_276 = vector.shape_cast %get3A_275 : vector<1x16xf32> to vector<16xf32>
          %slice3A_277 = vector.extract_strided_slice %get3A_84 {offsets = [11], sizes = [1], strides = [1]} : vector<16xf32> to vector<1xf32>
          %squeeze3A_278 = vector.extract %slice3A_277[0] : f32 from vector<1xf32>
          %mul3A_279 = vector.broadcast %squeeze3A_278 : f32 to vector<16xf32>
          %mul3A_280 = arith.mulf %get3A_276, %mul3A_279 : vector<16xf32>
          %swap3A_281 = arith.index_cast %squeeze3A_270 : i32 to index
          %swap3A_282 = arith.constant 0 : index
          %swap3A_283 = tpu.vector_load %arg18[%swap3A_281, %swap3A_282] {strides = array<i32>} : memref<257x16xf32, #tpu.memory_space<vmem>>, vector<1x16xf32>,
          %swap3A_284 = vector.shape_cast %swap3A_283 : vector<1x16xf32> to vector<16xf32>
          %swap3A_285 = vector.shape_cast %mul3A_280 : vector<16xf32> to vector<1x16xf32>
          tpu.vector_store %arg18[%swap3A_281, %swap3A_282], %swap3A_285 {add = true, strides = array<i32>} : memref<257x16xf32, #tpu.memory_space<vmem>>, vector<1x16xf32>,
          %slice3A_286 = vector.extract_strided_slice %get3A_81 {offsets = [12], sizes = [1], strides = [1]} : vector<16xi32> to vector<1xi32>
          %squeeze3A_287 = vector.extract %slice3A_286[0] : i32 from vector<1xi32>
          %add3A_288 = arith.constant 12 : i32
          %add3A_289 = arith.addi %mul3A_79, %add3A_288 : i32
          %get3A_290 = arith.index_cast %add3A_289 : i32 to index
          %get3A_291 = arith.constant 0 : index
          %get3A_292 = tpu.vector_load %arg13[%get3A_290, %get3A_291] {strides = array<i32>} : memref<2560x16xf32, #tpu.memory_space<vmem>>, vector<1x16xf32>,
          %get3A_293 = vector.shape_cast %get3A_292 : vector<1x16xf32> to vector<16xf32>
          %slice3A_294 = vector.extract_strided_slice %get3A_84 {offsets = [12], sizes = [1], strides = [1]} : vector<16xf32> to vector<1xf32>
          %squeeze3A_295 = vector.extract %slice3A_294[0] : f32 from vector<1xf32>
          %mul3A_296 = vector.broadcast %squeeze3A_295 : f32 to vector<16xf32>
          %mul3A_297 = arith.mulf %get3A_293, %mul3A_296 : vector<16xf32>
          %swap3A_298 = arith.index_cast %squeeze3A_287 : i32 to index
          %swap3A_299 = arith.constant 0 : index
          %swap3A_300 = tpu.vector_load %arg18[%swap3A_298, %swap3A_299] {strides = array<i32>} : memref<257x16xf32, #tpu.memory_space<vmem>>, vector<1x16xf32>,
          %swap3A_301 = vector.shape_cast %swap3A_300 : vector<1x16xf32> to vector<16xf32>
          %swap3A_302 = vector.shape_cast %mul3A_297 : vector<16xf32> to vector<1x16xf32>
          tpu.vector_store %arg18[%swap3A_298, %swap3A_299], %swap3A_302 {add = true, strides = array<i32>} : memref<257x16xf32, #tpu.memory_space<vmem>>, vector<1x16xf32>,
          %slice3A_303 = vector.extract_strided_slice %get3A_81 {offsets = [13], sizes = [1], strides = [1]} : vector<16xi32> to vector<1xi32>
          %squeeze3A_304 = vector.extract %slice3A_303[0] : i32 from vector<1xi32>
          %add3A_305 = arith.constant 13 : i32
          %add3A_306 = arith.addi %mul3A_79, %add3A_305 : i32
          %get3A_307 = arith.index_cast %add3A_306 : i32 to index
          %get3A_308 = arith.constant 0 : index
          %get3A_309 = tpu.vector_load %arg13[%get3A_307, %get3A_308] {strides = array<i32>} : memref<2560x16xf32, #tpu.memory_space<vmem>>, vector<1x16xf32>,
          %get3A_310 = vector.shape_cast %get3A_309 : vector<1x16xf32> to vector<16xf32>
          %slice3A_311 = vector.extract_strided_slice %get3A_84 {offsets = [13], sizes = [1], strides = [1]} : vector<16xf32> to vector<1xf32>
          %squeeze3A_312 = vector.extract %slice3A_311[0] : f32 from vector<1xf32>
          %mul3A_313 = vector.broadcast %squeeze3A_312 : f32 to vector<16xf32>
          %mul3A_314 = arith.mulf %get3A_310, %mul3A_313 : vector<16xf32>
          %swap3A_315 = arith.index_cast %squeeze3A_304 : i32 to index
          %swap3A_316 = arith.constant 0 : index
          %swap3A_317 = tpu.vector_load %arg18[%swap3A_315, %swap3A_316] {strides = array<i32>} : memref<257x16xf32, #tpu.memory_space<vmem>>, vector<1x16xf32>,
          %swap3A_318 = vector.shape_cast %swap3A_317 : vector<1x16xf32> to vector<16xf32>
          %swap3A_319 = vector.shape_cast %mul3A_314 : vector<16xf32> to vector<1x16xf32>
          tpu.vector_store %arg18[%swap3A_315, %swap3A_316], %swap3A_319 {add = true, strides = array<i32>} : memref<257x16xf32, #tpu.memory_space<vmem>>, vector<1x16xf32>,
          %slice3A_320 = vector.extract_strided_slice %get3A_81 {offsets = [14], sizes = [1], strides = [1]} : vector<16xi32> to vector<1xi32>
          %squeeze3A_321 = vector.extract %slice3A_320[0] : i32 from vector<1xi32>
          %add3A_322 = arith.constant 14 : i32
          %add3A_323 = arith.addi %mul3A_79, %add3A_322 : i32
          %get3A_324 = arith.index_cast %add3A_323 : i32 to index
          %get3A_325 = arith.constant 0 : index
          %get3A_326 = tpu.vector_load %arg13[%get3A_324, %get3A_325] {strides = array<i32>} : memref<2560x16xf32, #tpu.memory_space<vmem>>, vector<1x16xf32>,
          %get3A_327 = vector.shape_cast %get3A_326 : vector<1x16xf32> to vector<16xf32>
          %slice3A_328 = vector.extract_strided_slice %get3A_84 {offsets = [14], sizes = [1], strides = [1]} : vector<16xf32> to vector<1xf32>
          %squeeze3A_329 = vector.extract %slice3A_328[0] : f32 from vector<1xf32>
          %mul3A_330 = vector.broadcast %squeeze3A_329 : f32 to vector<16xf32>
          %mul3A_331 = arith.mulf %get3A_327, %mul3A_330 : vector<16xf32>
          %swap3A_332 = arith.index_cast %squeeze3A_321 : i32 to index
          %swap3A_333 = arith.constant 0 : index
          %swap3A_334 = tpu.vector_load %arg18[%swap3A_332, %swap3A_333] {strides = array<i32>} : memref<257x16xf32, #tpu.memory_space<vmem>>, vector<1x16xf32>,
          %swap3A_335 = vector.shape_cast %swap3A_334 : vector<1x16xf32> to vector<16xf32>
          %swap3A_336 = vector.shape_cast %mul3A_331 : vector<16xf32> to vector<1x16xf32>
          tpu.vector_store %arg18[%swap3A_332, %swap3A_333], %swap3A_336 {add = true, strides = array<i32>} : memref<257x16xf32, #tpu.memory_space<vmem>>, vector<1x16xf32>,
          %slice3A_337 = vector.extract_strided_slice %get3A_81 {offsets = [15], sizes = [1], strides = [1]} : vector<16xi32> to vector<1xi32>
          %squeeze3A_338 = vector.extract %slice3A_337[0] : i32 from vector<1xi32>
          %add3A_339 = arith.constant 15 : i32
          %add3A_340 = arith.addi %mul3A_79, %add3A_339 : i32
          %get3A_341 = arith.index_cast %add3A_340 : i32 to index
          %get3A_342 = arith.constant 0 : index
          %get3A_343 = tpu.vector_load %arg13[%get3A_341, %get3A_342] {strides = array<i32>} : memref<2560x16xf32, #tpu.memory_space<vmem>>, vector<1x16xf32>,
          %get3A_344 = vector.shape_cast %get3A_343 : vector<1x16xf32> to vector<16xf32>
          %slice3A_345 = vector.extract_strided_slice %get3A_84 {offsets = [15], sizes = [1], strides = [1]} : vector<16xf32> to vector<1xf32>
          %squeeze3A_346 = vector.extract %slice3A_345[0] : f32 from vector<1xf32>
          %mul3A_347 = vector.broadcast %squeeze3A_346 : f32 to vector<16xf32>
          %mul3A_348 = arith.mulf %get3A_344, %mul3A_347 : vector<16xf32>
          %swap3A_349 = arith.index_cast %squeeze3A_338 : i32 to index
          %swap3A_350 = arith.constant 0 : index
          %swap3A_351 = tpu.vector_load %arg18[%swap3A_349, %swap3A_350] {strides = array<i32>} : memref<257x16xf32, #tpu.memory_space<vmem>>, vector<1x16xf32>,
          %swap3A_352 = vector.shape_cast %swap3A_351 : vector<1x16xf32> to vector<16xf32>
          %swap3A_353 = vector.shape_cast %mul3A_348 : vector<16xf32> to vector<1x16xf32>
          tpu.vector_store %arg18[%swap3A_349, %swap3A_350], %swap3A_353 {add = true, strides = array<i32>} : memref<257x16xf32, #tpu.memory_space<vmem>>, vector<1x16xf32>,
        }
        %scan3A_76 = arith.constant 160 : i32
      }
      %scan3A_25 = arith.constant 45 : i32
    } else {
    }
    %ne3A = arith.constant 0 : i32
    %ne3A_16 = arith.cmpi ne, %arg0, %ne3A : i32
    %convert_element_type3A_17 = arith.extui %ne3A_16 : i1 to i32
    %cond3A_18 = arith.constant 0 : i32
    %cond3A_19 = arith.cmpi ne, %convert_element_type3A_17, %cond3A_18 : i32
    scf.if %cond3A_19 {
      %scan3A_20 = arith.constant 0 : i32
      %scan3A_21 = arith.constant 0 : i32
      %scan3A_22 = arith.constant 35 : i32
      %scan3A_23 = arith.addi %scan3A_21, %scan3A_22 : i32
      %scan3A_24 = arith.constant 1 : i32
      scf.for %scan3A_26 = %scan3A_21 to %scan3A_23 step %scan3A_24  : i32 {
        %mul3A_27 = arith.constant 2 : i32
        %mul3A_28 = arith.muli %mul3A_27, %scan3A_26 : i32
        %mul3A_29 = arith.constant 2560 : i32
        %mul3A_30 = arith.muli %mul3A_28, %mul3A_29 : i32
        %add3A_31 = arith.addi %select_n3A, %mul3A_30 : i32
        "tpu.region"() ({
          %run_scoped3A = tpu.sem_alloc : memref<!tpu.dma_semaphore, #tpu.memory_space<semaphore_mem>>
          %dma_start3A_77 = tpu.memref_slice %arg2[%add3A_31] : memref<6553600xi32, #tpu.memory_space<hbm>> -> memref<2560xi32, #tpu.memory_space<hbm>>
          %dma_start3A_78 = tpu.memref_slice %arg2[%add3A_31] : memref<6553600xi32, #tpu.memory_space<hbm>> -> memref<2560xi32, #tpu.memory_space<hbm>>
          tpu.enqueue_dma source(%dma_start3A_78 : memref<2560xi32, #tpu.memory_space<hbm>>) target(%arg8 : memref<2560xi32, #tpu.memory_space<vmem>>) target_semaphore(%run_scoped3A : memref<!tpu.dma_semaphore, #tpu.memory_space<semaphore_mem>>)
          %dma_wait3A_79 = tpu.memref_slice %arg2[%add3A_31] : memref<6553600xi32, #tpu.memory_space<hbm>> -> memref<2560xi32, #tpu.memory_space<hbm>>
          %dma_wait3A_80 = tpu.memref_slice %arg2[%add3A_31] : memref<6553600xi32, #tpu.memory_space<hbm>> -> memref<2560xi32, #tpu.memory_space<hbm>>
          tpu.wait_dma2 semaphore(%run_scoped3A : memref<!tpu.dma_semaphore, #tpu.memory_space<semaphore_mem>>) src(%dma_wait3A_80 : memref<2560xi32, #tpu.memory_space<hbm>>) dst(%arg8 : memref<2560xi32, #tpu.memory_space<vmem>>)
          tpu.yield
        }) : () -> ()
        "tpu.region"() ({
          %run_scoped3A = tpu.sem_alloc : memref<!tpu.dma_semaphore, #tpu.memory_space<semaphore_mem>>
          %dma_start3A_77 = tpu.memref_slice %arg3[%add3A_31] : memref<6553600xi32, #tpu.memory_space<hbm>> -> memref<2560xi32, #tpu.memory_space<hbm>>
          %dma_start3A_78 = tpu.memref_slice %arg3[%add3A_31] : memref<6553600xi32, #tpu.memory_space<hbm>> -> memref<2560xi32, #tpu.memory_space<hbm>>
          tpu.enqueue_dma source(%dma_start3A_78 : memref<2560xi32, #tpu.memory_space<hbm>>) target(%arg9 : memref<2560xi32, #tpu.memory_space<vmem>>) target_semaphore(%run_scoped3A : memref<!tpu.dma_semaphore, #tpu.memory_space<semaphore_mem>>)
          %dma_wait3A_79 = tpu.memref_slice %arg3[%add3A_31] : memref<6553600xi32, #tpu.memory_space<hbm>> -> memref<2560xi32, #tpu.memory_space<hbm>>
          %dma_wait3A_80 = tpu.memref_slice %arg3[%add3A_31] : memref<6553600xi32, #tpu.memory_space<hbm>> -> memref<2560xi32, #tpu.memory_space<hbm>>
          tpu.wait_dma2 semaphore(%run_scoped3A : memref<!tpu.dma_semaphore, #tpu.memory_space<semaphore_mem>>) src(%dma_wait3A_80 : memref<2560xi32, #tpu.memory_space<hbm>>) dst(%arg9 : memref<2560xi32, #tpu.memory_space<vmem>>)
          tpu.yield
        }) : () -> ()
        %dma_start3A = arith.constant 0 : i32
        %dma_start3A_32 = arith.constant 0 : i32
        %dma_start3A_33 = tpu.memref_slice %arg4[%dma_start3A, %dma_start3A_32] : memref<100352x16xf32, #tpu.memory_space<hbm>> -> memref<100352x16xf32, #tpu.memory_space<hbm>>
        tpu.enqueue_indirect_dma source(%dma_start3A_33 : memref<100352x16xf32, #tpu.memory_space<hbm>>) target(%arg12 : memref<2560x16xf32, #tpu.memory_space<vmem>>) offsets(%arg8 : memref<2560xi32, #tpu.memory_space<vmem>>) semaphore(%arg19 : memref<!tpu.dma_semaphore, #tpu.memory_space<semaphore_mem>>)
        %dma_start3A_34 = arith.constant 0 : i32
        %dma_start3A_35 = tpu.memref_slice %arg5[%dma_start3A_34] : memref<100352xf32, #tpu.memory_space<hbm>> -> memref<100352xf32, #tpu.memory_space<hbm>>
        tpu.enqueue_indirect_dma source(%dma_start3A_35 : memref<100352xf32, #tpu.memory_space<hbm>>) target(%arg14 : memref<2560xf32, #tpu.memory_space<vmem>>) offsets(%arg9 : memref<2560xi32, #tpu.memory_space<vmem>>) semaphore(%arg19 : memref<!tpu.dma_semaphore, #tpu.memory_space<semaphore_mem>>)
        %dma_start3A_36 = arith.constant 0 : i32
        %dma_start3A_37 = tpu.memref_slice %arg6[%dma_start3A_36] : memref<100352xi32, #tpu.memory_space<hbm>> -> memref<100352xi32, #tpu.memory_space<hbm>>
        tpu.enqueue_indirect_dma source(%dma_start3A_37 : memref<100352xi32, #tpu.memory_space<hbm>>) target(%arg16 : memref<2560xi32, #tpu.memory_space<vmem>>) offsets(%arg9 : memref<2560xi32, #tpu.memory_space<vmem>>) semaphore(%arg19 : memref<!tpu.dma_semaphore, #tpu.memory_space<semaphore_mem>>)
        %mul3A_38 = arith.constant 2 : i32
        %mul3A_39 = arith.muli %mul3A_38, %scan3A_26 : i32
        %add3A_40 = arith.constant 1 : i32
        %add3A_41 = arith.addi %mul3A_39, %add3A_40 : i32
        %mul3A_42 = arith.constant 2560 : i32
        %mul3A_43 = arith.muli %add3A_41, %mul3A_42 : i32
        %add3A_44 = arith.addi %select_n3A, %mul3A_43 : i32
        "tpu.region"() ({
          %run_scoped3A = tpu.sem_alloc : memref<!tpu.dma_semaphore, #tpu.memory_space<semaphore_mem>>
          %dma_start3A_77 = tpu.memref_slice %arg2[%add3A_44] : memref<6553600xi32, #tpu.memory_space<hbm>> -> memref<2560xi32, #tpu.memory_space<hbm>>
          %dma_start3A_78 = tpu.memref_slice %arg2[%add3A_44] : memref<6553600xi32, #tpu.memory_space<hbm>> -> memref<2560xi32, #tpu.memory_space<hbm>>
          tpu.enqueue_dma source(%dma_start3A_78 : memref<2560xi32, #tpu.memory_space<hbm>>) target(%arg10 : memref<2560xi32, #tpu.memory_space<vmem>>) target_semaphore(%run_scoped3A : memref<!tpu.dma_semaphore, #tpu.memory_space<semaphore_mem>>)
          %dma_wait3A_79 = tpu.memref_slice %arg2[%add3A_44] : memref<6553600xi32, #tpu.memory_space<hbm>> -> memref<2560xi32, #tpu.memory_space<hbm>>
          %dma_wait3A_80 = tpu.memref_slice %arg2[%add3A_44] : memref<6553600xi32, #tpu.memory_space<hbm>> -> memref<2560xi32, #tpu.memory_space<hbm>>
          tpu.wait_dma2 semaphore(%run_scoped3A : memref<!tpu.dma_semaphore, #tpu.memory_space<semaphore_mem>>) src(%dma_wait3A_80 : memref<2560xi32, #tpu.memory_space<hbm>>) dst(%arg10 : memref<2560xi32, #tpu.memory_space<vmem>>)
          tpu.yield
        }) : () -> ()
        "tpu.region"() ({
          %run_scoped3A = tpu.sem_alloc : memref<!tpu.dma_semaphore, #tpu.memory_space<semaphore_mem>>
          %dma_start3A_77 = tpu.memref_slice %arg3[%add3A_44] : memref<6553600xi32, #tpu.memory_space<hbm>> -> memref<2560xi32, #tpu.memory_space<hbm>>
          %dma_start3A_78 = tpu.memref_slice %arg3[%add3A_44] : memref<6553600xi32, #tpu.memory_space<hbm>> -> memref<2560xi32, #tpu.memory_space<hbm>>
          tpu.enqueue_dma source(%dma_start3A_78 : memref<2560xi32, #tpu.memory_space<hbm>>) target(%arg11 : memref<2560xi32, #tpu.memory_space<vmem>>) target_semaphore(%run_scoped3A : memref<!tpu.dma_semaphore, #tpu.memory_space<semaphore_mem>>)
          %dma_wait3A_79 = tpu.memref_slice %arg3[%add3A_44] : memref<6553600xi32, #tpu.memory_space<hbm>> -> memref<2560xi32, #tpu.memory_space<hbm>>
          %dma_wait3A_80 = tpu.memref_slice %arg3[%add3A_44] : memref<6553600xi32, #tpu.memory_space<hbm>> -> memref<2560xi32, #tpu.memory_space<hbm>>
          tpu.wait_dma2 semaphore(%run_scoped3A : memref<!tpu.dma_semaphore, #tpu.memory_space<semaphore_mem>>) src(%dma_wait3A_80 : memref<2560xi32, #tpu.memory_space<hbm>>) dst(%arg11 : memref<2560xi32, #tpu.memory_space<vmem>>)
          tpu.yield
        }) : () -> ()
        %dma_start3A_45 = arith.constant 0 : i32
        %dma_start3A_46 = arith.constant 0 : i32
        %dma_start3A_47 = tpu.memref_slice %arg4[%dma_start3A_45, %dma_start3A_46] : memref<100352x16xf32, #tpu.memory_space<hbm>> -> memref<100352x16xf32, #tpu.memory_space<hbm>>
        tpu.enqueue_indirect_dma source(%dma_start3A_47 : memref<100352x16xf32, #tpu.memory_space<hbm>>) target(%arg13 : memref<2560x16xf32, #tpu.memory_space<vmem>>) offsets(%arg10 : memref<2560xi32, #tpu.memory_space<vmem>>) semaphore(%arg20 : memref<!tpu.dma_semaphore, #tpu.memory_space<semaphore_mem>>)
        %dma_start3A_48 = arith.constant 0 : i32
        %dma_start3A_49 = tpu.memref_slice %arg5[%dma_start3A_48] : memref<100352xf32, #tpu.memory_space<hbm>> -> memref<100352xf32, #tpu.memory_space<hbm>>
        tpu.enqueue_indirect_dma source(%dma_start3A_49 : memref<100352xf32, #tpu.memory_space<hbm>>) target(%arg15 : memref<2560xf32, #tpu.memory_space<vmem>>) offsets(%arg11 : memref<2560xi32, #tpu.memory_space<vmem>>) semaphore(%arg20 : memref<!tpu.dma_semaphore, #tpu.memory_space<semaphore_mem>>)
        %dma_start3A_50 = arith.constant 0 : i32
        %dma_start3A_51 = tpu.memref_slice %arg6[%dma_start3A_50] : memref<100352xi32, #tpu.memory_space<hbm>> -> memref<100352xi32, #tpu.memory_space<hbm>>
        tpu.enqueue_indirect_dma source(%dma_start3A_51 : memref<100352xi32, #tpu.memory_space<hbm>>) target(%arg17 : memref<2560xi32, #tpu.memory_space<vmem>>) offsets(%arg11 : memref<2560xi32, #tpu.memory_space<vmem>>) semaphore(%arg20 : memref<!tpu.dma_semaphore, #tpu.memory_space<semaphore_mem>>)
        %dma_wait3A = arith.constant 0 : i32
        %dma_wait3A_52 = arith.constant 0 : i32
        %dma_wait3A_53 = tpu.memref_slice %arg4[%dma_wait3A, %dma_wait3A_52] : memref<100352x16xf32, #tpu.memory_space<hbm>> -> memref<100352x16xf32, #tpu.memory_space<hbm>>
        tpu.wait_indirect_dma semaphore(%arg19 : memref<!tpu.dma_semaphore, #tpu.memory_space<semaphore_mem>>) src(%dma_wait3A_53 : memref<100352x16xf32, #tpu.memory_space<hbm>>) dst(%arg12 : memref<2560x16xf32, #tpu.memory_space<vmem>>)
        %dma_wait3A_54 = arith.constant 0 : i32
        %dma_wait3A_55 = tpu.memref_slice %arg5[%dma_wait3A_54] : memref<100352xf32, #tpu.memory_space<hbm>> -> memref<100352xf32, #tpu.memory_space<hbm>>
        tpu.wait_indirect_dma semaphore(%arg19 : memref<!tpu.dma_semaphore, #tpu.memory_space<semaphore_mem>>) src(%dma_wait3A_55 : memref<100352xf32, #tpu.memory_space<hbm>>) dst(%arg14 : memref<2560xf32, #tpu.memory_space<vmem>>)
        %dma_wait3A_56 = arith.constant 0 : i32
        %dma_wait3A_57 = tpu.memref_slice %arg6[%dma_wait3A_56] : memref<100352xi32, #tpu.memory_space<hbm>> -> memref<100352xi32, #tpu.memory_space<hbm>>
        tpu.wait_indirect_dma semaphore(%arg19 : memref<!tpu.dma_semaphore, #tpu.memory_space<semaphore_mem>>) src(%dma_wait3A_57 : memref<100352xi32, #tpu.memory_space<hbm>>) dst(%arg16 : memref<2560xi32, #tpu.memory_space<vmem>>)
        %scan3A_58 = arith.constant 0 : i32
        %scan3A_59 = arith.constant 0 : i32
        %scan3A_60 = arith.constant 160 : i32
        %scan3A_61 = arith.addi %scan3A_59, %scan3A_60 : i32
        %scan3A_62 = arith.constant 1 : i32
        scf.for %scan3A_77 = %scan3A_59 to %scan3A_61 step %scan3A_62  : i32 {
          %mul3A_78 = arith.constant 16 : i32
          %mul3A_79 = arith.muli %scan3A_77, %mul3A_78 : i32
          %get3A = arith.index_cast %mul3A_79 : i32 to index
          %get3A_80 = tpu.vector_load %arg16[%get3A] {strides = array<i32>} : memref<2560xi32, #tpu.memory_space<vmem>>, vector<16xi32>,
          %get3A_81 = vector.shape_cast %get3A_80 : vector<16xi32> to vector<16xi32>
          %get3A_82 = arith.index_cast %mul3A_79 : i32 to index
          %get3A_83 = tpu.vector_load %arg14[%get3A_82] {strides = array<i32>} : memref<2560xf32, #tpu.memory_space<vmem>>, vector<16xf32>,
          %get3A_84 = vector.shape_cast %get3A_83 : vector<16xf32> to vector<16xf32>
          %slice3A = vector.extract_strided_slice %get3A_81 {offsets = [0], sizes = [1], strides = [1]} : vector<16xi32> to vector<1xi32>
          %squeeze3A = vector.extract %slice3A[0] : i32 from vector<1xi32>
          %add3A_85 = arith.constant 0 : i32
          %add3A_86 = arith.addi %mul3A_79, %add3A_85 : i32
          %get3A_87 = arith.index_cast %add3A_86 : i32 to index
          %get3A_88 = arith.constant 0 : index
          %get3A_89 = tpu.vector_load %arg12[%get3A_87, %get3A_88] {strides = array<i32>} : memref<2560x16xf32, #tpu.memory_space<vmem>>, vector<1x16xf32>,
          %get3A_90 = vector.shape_cast %get3A_89 : vector<1x16xf32> to vector<16xf32>
          %slice3A_91 = vector.extract_strided_slice %get3A_84 {offsets = [0], sizes = [1], strides = [1]} : vector<16xf32> to vector<1xf32>
          %squeeze3A_92 = vector.extract %slice3A_91[0] : f32 from vector<1xf32>
          %mul3A_93 = vector.broadcast %squeeze3A_92 : f32 to vector<16xf32>
          %mul3A_94 = arith.mulf %get3A_90, %mul3A_93 : vector<16xf32>
          %swap3A = arith.index_cast %squeeze3A : i32 to index
          %swap3A_95 = arith.constant 0 : index
          %swap3A_96 = tpu.vector_load %arg18[%swap3A, %swap3A_95] {strides = array<i32>} : memref<257x16xf32, #tpu.memory_space<vmem>>, vector<1x16xf32>,
          %swap3A_97 = vector.shape_cast %swap3A_96 : vector<1x16xf32> to vector<16xf32>
          %swap3A_98 = vector.shape_cast %mul3A_94 : vector<16xf32> to vector<1x16xf32>
          tpu.vector_store %arg18[%swap3A, %swap3A_95], %swap3A_98 {add = true, strides = array<i32>} : memref<257x16xf32, #tpu.memory_space<vmem>>, vector<1x16xf32>,
          %slice3A_99 = vector.extract_strided_slice %get3A_81 {offsets = [1], sizes = [1], strides = [1]} : vector<16xi32> to vector<1xi32>
          %squeeze3A_100 = vector.extract %slice3A_99[0] : i32 from vector<1xi32>
          %add3A_101 = arith.constant 1 : i32
          %add3A_102 = arith.addi %mul3A_79, %add3A_101 : i32
          %get3A_103 = arith.index_cast %add3A_102 : i32 to index
          %get3A_104 = arith.constant 0 : index
          %get3A_105 = tpu.vector_load %arg12[%get3A_103, %get3A_104] {strides = array<i32>} : memref<2560x16xf32, #tpu.memory_space<vmem>>, vector<1x16xf32>,
          %get3A_106 = vector.shape_cast %get3A_105 : vector<1x16xf32> to vector<16xf32>
          %slice3A_107 = vector.extract_strided_slice %get3A_84 {offsets = [1], sizes = [1], strides = [1]} : vector<16xf32> to vector<1xf32>
          %squeeze3A_108 = vector.extract %slice3A_107[0] : f32 from vector<1xf32>
          %mul3A_109 = vector.broadcast %squeeze3A_108 : f32 to vector<16xf32>
          %mul3A_110 = arith.mulf %get3A_106, %mul3A_109 : vector<16xf32>
          %swap3A_111 = arith.index_cast %squeeze3A_100 : i32 to index
          %swap3A_112 = arith.constant 0 : index
          %swap3A_113 = tpu.vector_load %arg18[%swap3A_111, %swap3A_112] {strides = array<i32>} : memref<257x16xf32, #tpu.memory_space<vmem>>, vector<1x16xf32>,
          %swap3A_114 = vector.shape_cast %swap3A_113 : vector<1x16xf32> to vector<16xf32>
          %swap3A_115 = vector.shape_cast %mul3A_110 : vector<16xf32> to vector<1x16xf32>
          tpu.vector_store %arg18[%swap3A_111, %swap3A_112], %swap3A_115 {add = true, strides = array<i32>} : memref<257x16xf32, #tpu.memory_space<vmem>>, vector<1x16xf32>,
          %slice3A_116 = vector.extract_strided_slice %get3A_81 {offsets = [2], sizes = [1], strides = [1]} : vector<16xi32> to vector<1xi32>
          %squeeze3A_117 = vector.extract %slice3A_116[0] : i32 from vector<1xi32>
          %add3A_118 = arith.constant 2 : i32
          %add3A_119 = arith.addi %mul3A_79, %add3A_118 : i32
          %get3A_120 = arith.index_cast %add3A_119 : i32 to index
          %get3A_121 = arith.constant 0 : index
          %get3A_122 = tpu.vector_load %arg12[%get3A_120, %get3A_121] {strides = array<i32>} : memref<2560x16xf32, #tpu.memory_space<vmem>>, vector<1x16xf32>,
          %get3A_123 = vector.shape_cast %get3A_122 : vector<1x16xf32> to vector<16xf32>
          %slice3A_124 = vector.extract_strided_slice %get3A_84 {offsets = [2], sizes = [1], strides = [1]} : vector<16xf32> to vector<1xf32>
          %squeeze3A_125 = vector.extract %slice3A_124[0] : f32 from vector<1xf32>
          %mul3A_126 = vector.broadcast %squeeze3A_125 : f32 to vector<16xf32>
          %mul3A_127 = arith.mulf %get3A_123, %mul3A_126 : vector<16xf32>
          %swap3A_128 = arith.index_cast %squeeze3A_117 : i32 to index
          %swap3A_129 = arith.constant 0 : index
          %swap3A_130 = tpu.vector_load %arg18[%swap3A_128, %swap3A_129] {strides = array<i32>} : memref<257x16xf32, #tpu.memory_space<vmem>>, vector<1x16xf32>,
          %swap3A_131 = vector.shape_cast %swap3A_130 : vector<1x16xf32> to vector<16xf32>
          %swap3A_132 = vector.shape_cast %mul3A_127 : vector<16xf32> to vector<1x16xf32>
          tpu.vector_store %arg18[%swap3A_128, %swap3A_129], %swap3A_132 {add = true, strides = array<i32>} : memref<257x16xf32, #tpu.memory_space<vmem>>, vector<1x16xf32>,
          %slice3A_133 = vector.extract_strided_slice %get3A_81 {offsets = [3], sizes = [1], strides = [1]} : vector<16xi32> to vector<1xi32>
          %squeeze3A_134 = vector.extract %slice3A_133[0] : i32 from vector<1xi32>
          %add3A_135 = arith.constant 3 : i32
          %add3A_136 = arith.addi %mul3A_79, %add3A_135 : i32
          %get3A_137 = arith.index_cast %add3A_136 : i32 to index
          %get3A_138 = arith.constant 0 : index
          %get3A_139 = tpu.vector_load %arg12[%get3A_137, %get3A_138] {strides = array<i32>} : memref<2560x16xf32, #tpu.memory_space<vmem>>, vector<1x16xf32>,
          %get3A_140 = vector.shape_cast %get3A_139 : vector<1x16xf32> to vector<16xf32>
          %slice3A_141 = vector.extract_strided_slice %get3A_84 {offsets = [3], sizes = [1], strides = [1]} : vector<16xf32> to vector<1xf32>
          %squeeze3A_142 = vector.extract %slice3A_141[0] : f32 from vector<1xf32>
          %mul3A_143 = vector.broadcast %squeeze3A_142 : f32 to vector<16xf32>
          %mul3A_144 = arith.mulf %get3A_140, %mul3A_143 : vector<16xf32>
          %swap3A_145 = arith.index_cast %squeeze3A_134 : i32 to index
          %swap3A_146 = arith.constant 0 : index
          %swap3A_147 = tpu.vector_load %arg18[%swap3A_145, %swap3A_146] {strides = array<i32>} : memref<257x16xf32, #tpu.memory_space<vmem>>, vector<1x16xf32>,
          %swap3A_148 = vector.shape_cast %swap3A_147 : vector<1x16xf32> to vector<16xf32>
          %swap3A_149 = vector.shape_cast %mul3A_144 : vector<16xf32> to vector<1x16xf32>
          tpu.vector_store %arg18[%swap3A_145, %swap3A_146], %swap3A_149 {add = true, strides = array<i32>} : memref<257x16xf32, #tpu.memory_space<vmem>>, vector<1x16xf32>,
          %slice3A_150 = vector.extract_strided_slice %get3A_81 {offsets = [4], sizes = [1], strides = [1]} : vector<16xi32> to vector<1xi32>
          %squeeze3A_151 = vector.extract %slice3A_150[0] : i32 from vector<1xi32>
          %add3A_152 = arith.constant 4 : i32
          %add3A_153 = arith.addi %mul3A_79, %add3A_152 : i32
          %get3A_154 = arith.index_cast %add3A_153 : i32 to index
          %get3A_155 = arith.constant 0 : index
          %get3A_156 = tpu.vector_load %arg12[%get3A_154, %get3A_155] {strides = array<i32>} : memref<2560x16xf32, #tpu.memory_space<vmem>>, vector<1x16xf32>,
          %get3A_157 = vector.shape_cast %get3A_156 : vector<1x16xf32> to vector<16xf32>
          %slice3A_158 = vector.extract_strided_slice %get3A_84 {offsets = [4], sizes = [1], strides = [1]} : vector<16xf32> to vector<1xf32>
          %squeeze3A_159 = vector.extract %slice3A_158[0] : f32 from vector<1xf32>
          %mul3A_160 = vector.broadcast %squeeze3A_159 : f32 to vector<16xf32>
          %mul3A_161 = arith.mulf %get3A_157, %mul3A_160 : vector<16xf32>
          %swap3A_162 = arith.index_cast %squeeze3A_151 : i32 to index
          %swap3A_163 = arith.constant 0 : index
          %swap3A_164 = tpu.vector_load %arg18[%swap3A_162, %swap3A_163] {strides = array<i32>} : memref<257x16xf32, #tpu.memory_space<vmem>>, vector<1x16xf32>,
          %swap3A_165 = vector.shape_cast %swap3A_164 : vector<1x16xf32> to vector<16xf32>
          %swap3A_166 = vector.shape_cast %mul3A_161 : vector<16xf32> to vector<1x16xf32>
          tpu.vector_store %arg18[%swap3A_162, %swap3A_163], %swap3A_166 {add = true, strides = array<i32>} : memref<257x16xf32, #tpu.memory_space<vmem>>, vector<1x16xf32>,
          %slice3A_167 = vector.extract_strided_slice %get3A_81 {offsets = [5], sizes = [1], strides = [1]} : vector<16xi32> to vector<1xi32>
          %squeeze3A_168 = vector.extract %slice3A_167[0] : i32 from vector<1xi32>
          %add3A_169 = arith.constant 5 : i32
          %add3A_170 = arith.addi %mul3A_79, %add3A_169 : i32
          %get3A_171 = arith.index_cast %add3A_170 : i32 to index
          %get3A_172 = arith.constant 0 : index
          %get3A_173 = tpu.vector_load %arg12[%get3A_171, %get3A_172] {strides = array<i32>} : memref<2560x16xf32, #tpu.memory_space<vmem>>, vector<1x16xf32>,
          %get3A_174 = vector.shape_cast %get3A_173 : vector<1x16xf32> to vector<16xf32>
          %slice3A_175 = vector.extract_strided_slice %get3A_84 {offsets = [5], sizes = [1], strides = [1]} : vector<16xf32> to vector<1xf32>
          %squeeze3A_176 = vector.extract %slice3A_175[0] : f32 from vector<1xf32>
          %mul3A_177 = vector.broadcast %squeeze3A_176 : f32 to vector<16xf32>
          %mul3A_178 = arith.mulf %get3A_174, %mul3A_177 : vector<16xf32>
          %swap3A_179 = arith.index_cast %squeeze3A_168 : i32 to index
          %swap3A_180 = arith.constant 0 : index
          %swap3A_181 = tpu.vector_load %arg18[%swap3A_179, %swap3A_180] {strides = array<i32>} : memref<257x16xf32, #tpu.memory_space<vmem>>, vector<1x16xf32>,
          %swap3A_182 = vector.shape_cast %swap3A_181 : vector<1x16xf32> to vector<16xf32>
          %swap3A_183 = vector.shape_cast %mul3A_178 : vector<16xf32> to vector<1x16xf32>
          tpu.vector_store %arg18[%swap3A_179, %swap3A_180], %swap3A_183 {add = true, strides = array<i32>} : memref<257x16xf32, #tpu.memory_space<vmem>>, vector<1x16xf32>,
          %slice3A_184 = vector.extract_strided_slice %get3A_81 {offsets = [6], sizes = [1], strides = [1]} : vector<16xi32> to vector<1xi32>
          %squeeze3A_185 = vector.extract %slice3A_184[0] : i32 from vector<1xi32>
          %add3A_186 = arith.constant 6 : i32
          %add3A_187 = arith.addi %mul3A_79, %add3A_186 : i32
          %get3A_188 = arith.index_cast %add3A_187 : i32 to index
          %get3A_189 = arith.constant 0 : index
          %get3A_190 = tpu.vector_load %arg12[%get3A_188, %get3A_189] {strides = array<i32>} : memref<2560x16xf32, #tpu.memory_space<vmem>>, vector<1x16xf32>,
          %get3A_191 = vector.shape_cast %get3A_190 : vector<1x16xf32> to vector<16xf32>
          %slice3A_192 = vector.extract_strided_slice %get3A_84 {offsets = [6], sizes = [1], strides = [1]} : vector<16xf32> to vector<1xf32>
          %squeeze3A_193 = vector.extract %slice3A_192[0] : f32 from vector<1xf32>
          %mul3A_194 = vector.broadcast %squeeze3A_193 : f32 to vector<16xf32>
          %mul3A_195 = arith.mulf %get3A_191, %mul3A_194 : vector<16xf32>
          %swap3A_196 = arith.index_cast %squeeze3A_185 : i32 to index
          %swap3A_197 = arith.constant 0 : index
          %swap3A_198 = tpu.vector_load %arg18[%swap3A_196, %swap3A_197] {strides = array<i32>} : memref<257x16xf32, #tpu.memory_space<vmem>>, vector<1x16xf32>,
          %swap3A_199 = vector.shape_cast %swap3A_198 : vector<1x16xf32> to vector<16xf32>
          %swap3A_200 = vector.shape_cast %mul3A_195 : vector<16xf32> to vector<1x16xf32>
          tpu.vector_store %arg18[%swap3A_196, %swap3A_197], %swap3A_200 {add = true, strides = array<i32>} : memref<257x16xf32, #tpu.memory_space<vmem>>, vector<1x16xf32>,
          %slice3A_201 = vector.extract_strided_slice %get3A_81 {offsets = [7], sizes = [1], strides = [1]} : vector<16xi32> to vector<1xi32>
          %squeeze3A_202 = vector.extract %slice3A_201[0] : i32 from vector<1xi32>
          %add3A_203 = arith.constant 7 : i32
          %add3A_204 = arith.addi %mul3A_79, %add3A_203 : i32
          %get3A_205 = arith.index_cast %add3A_204 : i32 to index
          %get3A_206 = arith.constant 0 : index
          %get3A_207 = tpu.vector_load %arg12[%get3A_205, %get3A_206] {strides = array<i32>} : memref<2560x16xf32, #tpu.memory_space<vmem>>, vector<1x16xf32>,
          %get3A_208 = vector.shape_cast %get3A_207 : vector<1x16xf32> to vector<16xf32>
          %slice3A_209 = vector.extract_strided_slice %get3A_84 {offsets = [7], sizes = [1], strides = [1]} : vector<16xf32> to vector<1xf32>
          %squeeze3A_210 = vector.extract %slice3A_209[0] : f32 from vector<1xf32>
          %mul3A_211 = vector.broadcast %squeeze3A_210 : f32 to vector<16xf32>
          %mul3A_212 = arith.mulf %get3A_208, %mul3A_211 : vector<16xf32>
          %swap3A_213 = arith.index_cast %squeeze3A_202 : i32 to index
          %swap3A_214 = arith.constant 0 : index
          %swap3A_215 = tpu.vector_load %arg18[%swap3A_213, %swap3A_214] {strides = array<i32>} : memref<257x16xf32, #tpu.memory_space<vmem>>, vector<1x16xf32>,
          %swap3A_216 = vector.shape_cast %swap3A_215 : vector<1x16xf32> to vector<16xf32>
          %swap3A_217 = vector.shape_cast %mul3A_212 : vector<16xf32> to vector<1x16xf32>
          tpu.vector_store %arg18[%swap3A_213, %swap3A_214], %swap3A_217 {add = true, strides = array<i32>} : memref<257x16xf32, #tpu.memory_space<vmem>>, vector<1x16xf32>,
          %slice3A_218 = vector.extract_strided_slice %get3A_81 {offsets = [8], sizes = [1], strides = [1]} : vector<16xi32> to vector<1xi32>
          %squeeze3A_219 = vector.extract %slice3A_218[0] : i32 from vector<1xi32>
          %add3A_220 = arith.constant 8 : i32
          %add3A_221 = arith.addi %mul3A_79, %add3A_220 : i32
          %get3A_222 = arith.index_cast %add3A_221 : i32 to index
          %get3A_223 = arith.constant 0 : index
          %get3A_224 = tpu.vector_load %arg12[%get3A_222, %get3A_223] {strides = array<i32>} : memref<2560x16xf32, #tpu.memory_space<vmem>>, vector<1x16xf32>,
          %get3A_225 = vector.shape_cast %get3A_224 : vector<1x16xf32> to vector<16xf32>
          %slice3A_226 = vector.extract_strided_slice %get3A_84 {offsets = [8], sizes = [1], strides = [1]} : vector<16xf32> to vector<1xf32>
          %squeeze3A_227 = vector.extract %slice3A_226[0] : f32 from vector<1xf32>
          %mul3A_228 = vector.broadcast %squeeze3A_227 : f32 to vector<16xf32>
          %mul3A_229 = arith.mulf %get3A_225, %mul3A_228 : vector<16xf32>
          %swap3A_230 = arith.index_cast %squeeze3A_219 : i32 to index
          %swap3A_231 = arith.constant 0 : index
          %swap3A_232 = tpu.vector_load %arg18[%swap3A_230, %swap3A_231] {strides = array<i32>} : memref<257x16xf32, #tpu.memory_space<vmem>>, vector<1x16xf32>,
          %swap3A_233 = vector.shape_cast %swap3A_232 : vector<1x16xf32> to vector<16xf32>
          %swap3A_234 = vector.shape_cast %mul3A_229 : vector<16xf32> to vector<1x16xf32>
          tpu.vector_store %arg18[%swap3A_230, %swap3A_231], %swap3A_234 {add = true, strides = array<i32>} : memref<257x16xf32, #tpu.memory_space<vmem>>, vector<1x16xf32>,
          %slice3A_235 = vector.extract_strided_slice %get3A_81 {offsets = [9], sizes = [1], strides = [1]} : vector<16xi32> to vector<1xi32>
          %squeeze3A_236 = vector.extract %slice3A_235[0] : i32 from vector<1xi32>
          %add3A_237 = arith.constant 9 : i32
          %add3A_238 = arith.addi %mul3A_79, %add3A_237 : i32
          %get3A_239 = arith.index_cast %add3A_238 : i32 to index
          %get3A_240 = arith.constant 0 : index
          %get3A_241 = tpu.vector_load %arg12[%get3A_239, %get3A_240] {strides = array<i32>} : memref<2560x16xf32, #tpu.memory_space<vmem>>, vector<1x16xf32>,
          %get3A_242 = vector.shape_cast %get3A_241 : vector<1x16xf32> to vector<16xf32>
          %slice3A_243 = vector.extract_strided_slice %get3A_84 {offsets = [9], sizes = [1], strides = [1]} : vector<16xf32> to vector<1xf32>
          %squeeze3A_244 = vector.extract %slice3A_243[0] : f32 from vector<1xf32>
          %mul3A_245 = vector.broadcast %squeeze3A_244 : f32 to vector<16xf32>
          %mul3A_246 = arith.mulf %get3A_242, %mul3A_245 : vector<16xf32>
          %swap3A_247 = arith.index_cast %squeeze3A_236 : i32 to index
          %swap3A_248 = arith.constant 0 : index
          %swap3A_249 = tpu.vector_load %arg18[%swap3A_247, %swap3A_248] {strides = array<i32>} : memref<257x16xf32, #tpu.memory_space<vmem>>, vector<1x16xf32>,
          %swap3A_250 = vector.shape_cast %swap3A_249 : vector<1x16xf32> to vector<16xf32>
          %swap3A_251 = vector.shape_cast %mul3A_246 : vector<16xf32> to vector<1x16xf32>
          tpu.vector_store %arg18[%swap3A_247, %swap3A_248], %swap3A_251 {add = true, strides = array<i32>} : memref<257x16xf32, #tpu.memory_space<vmem>>, vector<1x16xf32>,
          %slice3A_252 = vector.extract_strided_slice %get3A_81 {offsets = [10], sizes = [1], strides = [1]} : vector<16xi32> to vector<1xi32>
          %squeeze3A_253 = vector.extract %slice3A_252[0] : i32 from vector<1xi32>
          %add3A_254 = arith.constant 10 : i32
          %add3A_255 = arith.addi %mul3A_79, %add3A_254 : i32
          %get3A_256 = arith.index_cast %add3A_255 : i32 to index
          %get3A_257 = arith.constant 0 : index
          %get3A_258 = tpu.vector_load %arg12[%get3A_256, %get3A_257] {strides = array<i32>} : memref<2560x16xf32, #tpu.memory_space<vmem>>, vector<1x16xf32>,
          %get3A_259 = vector.shape_cast %get3A_258 : vector<1x16xf32> to vector<16xf32>
          %slice3A_260 = vector.extract_strided_slice %get3A_84 {offsets = [10], sizes = [1], strides = [1]} : vector<16xf32> to vector<1xf32>
          %squeeze3A_261 = vector.extract %slice3A_260[0] : f32 from vector<1xf32>
          %mul3A_262 = vector.broadcast %squeeze3A_261 : f32 to vector<16xf32>
          %mul3A_263 = arith.mulf %get3A_259, %mul3A_262 : vector<16xf32>
          %swap3A_264 = arith.index_cast %squeeze3A_253 : i32 to index
          %swap3A_265 = arith.constant 0 : index
          %swap3A_266 = tpu.vector_load %arg18[%swap3A_264, %swap3A_265] {strides = array<i32>} : memref<257x16xf32, #tpu.memory_space<vmem>>, vector<1x16xf32>,
          %swap3A_267 = vector.shape_cast %swap3A_266 : vector<1x16xf32> to vector<16xf32>
          %swap3A_268 = vector.shape_cast %mul3A_263 : vector<16xf32> to vector<1x16xf32>
          tpu.vector_store %arg18[%swap3A_264, %swap3A_265], %swap3A_268 {add = true, strides = array<i32>} : memref<257x16xf32, #tpu.memory_space<vmem>>, vector<1x16xf32>,
          %slice3A_269 = vector.extract_strided_slice %get3A_81 {offsets = [11], sizes = [1], strides = [1]} : vector<16xi32> to vector<1xi32>
          %squeeze3A_270 = vector.extract %slice3A_269[0] : i32 from vector<1xi32>
          %add3A_271 = arith.constant 11 : i32
          %add3A_272 = arith.addi %mul3A_79, %add3A_271 : i32
          %get3A_273 = arith.index_cast %add3A_272 : i32 to index
          %get3A_274 = arith.constant 0 : index
          %get3A_275 = tpu.vector_load %arg12[%get3A_273, %get3A_274] {strides = array<i32>} : memref<2560x16xf32, #tpu.memory_space<vmem>>, vector<1x16xf32>,
          %get3A_276 = vector.shape_cast %get3A_275 : vector<1x16xf32> to vector<16xf32>
          %slice3A_277 = vector.extract_strided_slice %get3A_84 {offsets = [11], sizes = [1], strides = [1]} : vector<16xf32> to vector<1xf32>
          %squeeze3A_278 = vector.extract %slice3A_277[0] : f32 from vector<1xf32>
          %mul3A_279 = vector.broadcast %squeeze3A_278 : f32 to vector<16xf32>
          %mul3A_280 = arith.mulf %get3A_276, %mul3A_279 : vector<16xf32>
          %swap3A_281 = arith.index_cast %squeeze3A_270 : i32 to index
          %swap3A_282 = arith.constant 0 : index
          %swap3A_283 = tpu.vector_load %arg18[%swap3A_281, %swap3A_282] {strides = array<i32>} : memref<257x16xf32, #tpu.memory_space<vmem>>, vector<1x16xf32>,
          %swap3A_284 = vector.shape_cast %swap3A_283 : vector<1x16xf32> to vector<16xf32>
          %swap3A_285 = vector.shape_cast %mul3A_280 : vector<16xf32> to vector<1x16xf32>
          tpu.vector_store %arg18[%swap3A_281, %swap3A_282], %swap3A_285 {add = true, strides = array<i32>} : memref<257x16xf32, #tpu.memory_space<vmem>>, vector<1x16xf32>,
          %slice3A_286 = vector.extract_strided_slice %get3A_81 {offsets = [12], sizes = [1], strides = [1]} : vector<16xi32> to vector<1xi32>
          %squeeze3A_287 = vector.extract %slice3A_286[0] : i32 from vector<1xi32>
          %add3A_288 = arith.constant 12 : i32
          %add3A_289 = arith.addi %mul3A_79, %add3A_288 : i32
          %get3A_290 = arith.index_cast %add3A_289 : i32 to index
          %get3A_291 = arith.constant 0 : index
          %get3A_292 = tpu.vector_load %arg12[%get3A_290, %get3A_291] {strides = array<i32>} : memref<2560x16xf32, #tpu.memory_space<vmem>>, vector<1x16xf32>,
          %get3A_293 = vector.shape_cast %get3A_292 : vector<1x16xf32> to vector<16xf32>
          %slice3A_294 = vector.extract_strided_slice %get3A_84 {offsets = [12], sizes = [1], strides = [1]} : vector<16xf32> to vector<1xf32>
          %squeeze3A_295 = vector.extract %slice3A_294[0] : f32 from vector<1xf32>
          %mul3A_296 = vector.broadcast %squeeze3A_295 : f32 to vector<16xf32>
          %mul3A_297 = arith.mulf %get3A_293, %mul3A_296 : vector<16xf32>
          %swap3A_298 = arith.index_cast %squeeze3A_287 : i32 to index
          %swap3A_299 = arith.constant 0 : index
          %swap3A_300 = tpu.vector_load %arg18[%swap3A_298, %swap3A_299] {strides = array<i32>} : memref<257x16xf32, #tpu.memory_space<vmem>>, vector<1x16xf32>,
          %swap3A_301 = vector.shape_cast %swap3A_300 : vector<1x16xf32> to vector<16xf32>
          %swap3A_302 = vector.shape_cast %mul3A_297 : vector<16xf32> to vector<1x16xf32>
          tpu.vector_store %arg18[%swap3A_298, %swap3A_299], %swap3A_302 {add = true, strides = array<i32>} : memref<257x16xf32, #tpu.memory_space<vmem>>, vector<1x16xf32>,
          %slice3A_303 = vector.extract_strided_slice %get3A_81 {offsets = [13], sizes = [1], strides = [1]} : vector<16xi32> to vector<1xi32>
          %squeeze3A_304 = vector.extract %slice3A_303[0] : i32 from vector<1xi32>
          %add3A_305 = arith.constant 13 : i32
          %add3A_306 = arith.addi %mul3A_79, %add3A_305 : i32
          %get3A_307 = arith.index_cast %add3A_306 : i32 to index
          %get3A_308 = arith.constant 0 : index
          %get3A_309 = tpu.vector_load %arg12[%get3A_307, %get3A_308] {strides = array<i32>} : memref<2560x16xf32, #tpu.memory_space<vmem>>, vector<1x16xf32>,
          %get3A_310 = vector.shape_cast %get3A_309 : vector<1x16xf32> to vector<16xf32>
          %slice3A_311 = vector.extract_strided_slice %get3A_84 {offsets = [13], sizes = [1], strides = [1]} : vector<16xf32> to vector<1xf32>
          %squeeze3A_312 = vector.extract %slice3A_311[0] : f32 from vector<1xf32>
          %mul3A_313 = vector.broadcast %squeeze3A_312 : f32 to vector<16xf32>
          %mul3A_314 = arith.mulf %get3A_310, %mul3A_313 : vector<16xf32>
          %swap3A_315 = arith.index_cast %squeeze3A_304 : i32 to index
          %swap3A_316 = arith.constant 0 : index
          %swap3A_317 = tpu.vector_load %arg18[%swap3A_315, %swap3A_316] {strides = array<i32>} : memref<257x16xf32, #tpu.memory_space<vmem>>, vector<1x16xf32>,
          %swap3A_318 = vector.shape_cast %swap3A_317 : vector<1x16xf32> to vector<16xf32>
          %swap3A_319 = vector.shape_cast %mul3A_314 : vector<16xf32> to vector<1x16xf32>
          tpu.vector_store %arg18[%swap3A_315, %swap3A_316], %swap3A_319 {add = true, strides = array<i32>} : memref<257x16xf32, #tpu.memory_space<vmem>>, vector<1x16xf32>,
          %slice3A_320 = vector.extract_strided_slice %get3A_81 {offsets = [14], sizes = [1], strides = [1]} : vector<16xi32> to vector<1xi32>
          %squeeze3A_321 = vector.extract %slice3A_320[0] : i32 from vector<1xi32>
          %add3A_322 = arith.constant 14 : i32
          %add3A_323 = arith.addi %mul3A_79, %add3A_322 : i32
          %get3A_324 = arith.index_cast %add3A_323 : i32 to index
          %get3A_325 = arith.constant 0 : index
          %get3A_326 = tpu.vector_load %arg12[%get3A_324, %get3A_325] {strides = array<i32>} : memref<2560x16xf32, #tpu.memory_space<vmem>>, vector<1x16xf32>,
          %get3A_327 = vector.shape_cast %get3A_326 : vector<1x16xf32> to vector<16xf32>
          %slice3A_328 = vector.extract_strided_slice %get3A_84 {offsets = [14], sizes = [1], strides = [1]} : vector<16xf32> to vector<1xf32>
          %squeeze3A_329 = vector.extract %slice3A_328[0] : f32 from vector<1xf32>
          %mul3A_330 = vector.broadcast %squeeze3A_329 : f32 to vector<16xf32>
          %mul3A_331 = arith.mulf %get3A_327, %mul3A_330 : vector<16xf32>
          %swap3A_332 = arith.index_cast %squeeze3A_321 : i32 to index
          %swap3A_333 = arith.constant 0 : index
          %swap3A_334 = tpu.vector_load %arg18[%swap3A_332, %swap3A_333] {strides = array<i32>} : memref<257x16xf32, #tpu.memory_space<vmem>>, vector<1x16xf32>,
          %swap3A_335 = vector.shape_cast %swap3A_334 : vector<1x16xf32> to vector<16xf32>
          %swap3A_336 = vector.shape_cast %mul3A_331 : vector<16xf32> to vector<1x16xf32>
          tpu.vector_store %arg18[%swap3A_332, %swap3A_333], %swap3A_336 {add = true, strides = array<i32>} : memref<257x16xf32, #tpu.memory_space<vmem>>, vector<1x16xf32>,
          %slice3A_337 = vector.extract_strided_slice %get3A_81 {offsets = [15], sizes = [1], strides = [1]} : vector<16xi32> to vector<1xi32>
          %squeeze3A_338 = vector.extract %slice3A_337[0] : i32 from vector<1xi32>
          %add3A_339 = arith.constant 15 : i32
          %add3A_340 = arith.addi %mul3A_79, %add3A_339 : i32
          %get3A_341 = arith.index_cast %add3A_340 : i32 to index
          %get3A_342 = arith.constant 0 : index
          %get3A_343 = tpu.vector_load %arg12[%get3A_341, %get3A_342] {strides = array<i32>} : memref<2560x16xf32, #tpu.memory_space<vmem>>, vector<1x16xf32>,
          %get3A_344 = vector.shape_cast %get3A_343 : vector<1x16xf32> to vector<16xf32>
          %slice3A_345 = vector.extract_strided_slice %get3A_84 {offsets = [15], sizes = [1], strides = [1]} : vector<16xf32> to vector<1xf32>
          %squeeze3A_346 = vector.extract %slice3A_345[0] : f32 from vector<1xf32>
          %mul3A_347 = vector.broadcast %squeeze3A_346 : f32 to vector<16xf32>
          %mul3A_348 = arith.mulf %get3A_344, %mul3A_347 : vector<16xf32>
          %swap3A_349 = arith.index_cast %squeeze3A_338 : i32 to index
          %swap3A_350 = arith.constant 0 : index
          %swap3A_351 = tpu.vector_load %arg18[%swap3A_349, %swap3A_350] {strides = array<i32>} : memref<257x16xf32, #tpu.memory_space<vmem>>, vector<1x16xf32>,
          %swap3A_352 = vector.shape_cast %swap3A_351 : vector<1x16xf32> to vector<16xf32>
          %swap3A_353 = vector.shape_cast %mul3A_348 : vector<16xf32> to vector<1x16xf32>
          tpu.vector_store %arg18[%swap3A_349, %swap3A_350], %swap3A_353 {add = true, strides = array<i32>} : memref<257x16xf32, #tpu.memory_space<vmem>>, vector<1x16xf32>,
        }
        %scan3A_63 = arith.constant 160 : i32
        %dma_wait3A_64 = arith.constant 0 : i32
        %dma_wait3A_65 = arith.constant 0 : i32
        %dma_wait3A_66 = tpu.memref_slice %arg4[%dma_wait3A_64, %dma_wait3A_65] : memref<100352x16xf32, #tpu.memory_space<hbm>> -> memref<100352x16xf32, #tpu.memory_space<hbm>>
        tpu.wait_indirect_dma semaphore(%arg20 : memref<!tpu.dma_semaphore, #tpu.memory_space<semaphore_mem>>) src(%dma_wait3A_66 : memref<100352x16xf32, #tpu.memory_space<hbm>>) dst(%arg13 : memref<2560x16xf32, #tpu.memory_space<vmem>>)
        %dma_wait3A_67 = arith.constant 0 : i32
        %dma_wait3A_68 = tpu.memref_slice %arg5[%dma_wait3A_67] : memref<100352xf32, #tpu.memory_space<hbm>> -> memref<100352xf32, #tpu.memory_space<hbm>>
        tpu.wait_indirect_dma semaphore(%arg20 : memref<!tpu.dma_semaphore, #tpu.memory_space<semaphore_mem>>) src(%dma_wait3A_68 : memref<100352xf32, #tpu.memory_space<hbm>>) dst(%arg15 : memref<2560xf32, #tpu.memory_space<vmem>>)
        %dma_wait3A_69 = arith.constant 0 : i32
        %dma_wait3A_70 = tpu.memref_slice %arg6[%dma_wait3A_69] : memref<100352xi32, #tpu.memory_space<hbm>> -> memref<100352xi32, #tpu.memory_space<hbm>>
        tpu.wait_indirect_dma semaphore(%arg20 : memref<!tpu.dma_semaphore, #tpu.memory_space<semaphore_mem>>) src(%dma_wait3A_70 : memref<100352xi32, #tpu.memory_space<hbm>>) dst(%arg17 : memref<2560xi32, #tpu.memory_space<vmem>>)
        %scan3A_71 = arith.constant 0 : i32
        %scan3A_72 = arith.constant 0 : i32
        %scan3A_73 = arith.constant 160 : i32
        %scan3A_74 = arith.addi %scan3A_72, %scan3A_73 : i32
        %scan3A_75 = arith.constant 1 : i32
        scf.for %scan3A_77 = %scan3A_72 to %scan3A_74 step %scan3A_75  : i32 {
          %mul3A_78 = arith.constant 16 : i32
          %mul3A_79 = arith.muli %scan3A_77, %mul3A_78 : i32
          %get3A = arith.index_cast %mul3A_79 : i32 to index
          %get3A_80 = tpu.vector_load %arg17[%get3A] {strides = array<i32>} : memref<2560xi32, #tpu.memory_space<vmem>>, vector<16xi32>,
          %get3A_81 = vector.shape_cast %get3A_80 : vector<16xi32> to vector<16xi32>
          %get3A_82 = arith.index_cast %mul3A_79 : i32 to index
          %get3A_83 = tpu.vector_load %arg15[%get3A_82] {strides = array<i32>} : memref<2560xf32, #tpu.memory_space<vmem>>, vector<16xf32>,
          %get3A_84 = vector.shape_cast %get3A_83 : vector<16xf32> to vector<16xf32>
          %slice3A = vector.extract_strided_slice %get3A_81 {offsets = [0], sizes = [1], strides = [1]} : vector<16xi32> to vector<1xi32>
          %squeeze3A = vector.extract %slice3A[0] : i32 from vector<1xi32>
          %add3A_85 = arith.constant 0 : i32
          %add3A_86 = arith.addi %mul3A_79, %add3A_85 : i32
          %get3A_87 = arith.index_cast %add3A_86 : i32 to index
          %get3A_88 = arith.constant 0 : index
          %get3A_89 = tpu.vector_load %arg13[%get3A_87, %get3A_88] {strides = array<i32>} : memref<2560x16xf32, #tpu.memory_space<vmem>>, vector<1x16xf32>,
          %get3A_90 = vector.shape_cast %get3A_89 : vector<1x16xf32> to vector<16xf32>
          %slice3A_91 = vector.extract_strided_slice %get3A_84 {offsets = [0], sizes = [1], strides = [1]} : vector<16xf32> to vector<1xf32>
          %squeeze3A_92 = vector.extract %slice3A_91[0] : f32 from vector<1xf32>
          %mul3A_93 = vector.broadcast %squeeze3A_92 : f32 to vector<16xf32>
          %mul3A_94 = arith.mulf %get3A_90, %mul3A_93 : vector<16xf32>
          %swap3A = arith.index_cast %squeeze3A : i32 to index
          %swap3A_95 = arith.constant 0 : index
          %swap3A_96 = tpu.vector_load %arg18[%swap3A, %swap3A_95] {strides = array<i32>} : memref<257x16xf32, #tpu.memory_space<vmem>>, vector<1x16xf32>,
          %swap3A_97 = vector.shape_cast %swap3A_96 : vector<1x16xf32> to vector<16xf32>
          %swap3A_98 = vector.shape_cast %mul3A_94 : vector<16xf32> to vector<1x16xf32>
          tpu.vector_store %arg18[%swap3A, %swap3A_95], %swap3A_98 {add = true, strides = array<i32>} : memref<257x16xf32, #tpu.memory_space<vmem>>, vector<1x16xf32>,
          %slice3A_99 = vector.extract_strided_slice %get3A_81 {offsets = [1], sizes = [1], strides = [1]} : vector<16xi32> to vector<1xi32>
          %squeeze3A_100 = vector.extract %slice3A_99[0] : i32 from vector<1xi32>
          %add3A_101 = arith.constant 1 : i32
          %add3A_102 = arith.addi %mul3A_79, %add3A_101 : i32
          %get3A_103 = arith.index_cast %add3A_102 : i32 to index
          %get3A_104 = arith.constant 0 : index
          %get3A_105 = tpu.vector_load %arg13[%get3A_103, %get3A_104] {strides = array<i32>} : memref<2560x16xf32, #tpu.memory_space<vmem>>, vector<1x16xf32>,
          %get3A_106 = vector.shape_cast %get3A_105 : vector<1x16xf32> to vector<16xf32>
          %slice3A_107 = vector.extract_strided_slice %get3A_84 {offsets = [1], sizes = [1], strides = [1]} : vector<16xf32> to vector<1xf32>
          %squeeze3A_108 = vector.extract %slice3A_107[0] : f32 from vector<1xf32>
          %mul3A_109 = vector.broadcast %squeeze3A_108 : f32 to vector<16xf32>
          %mul3A_110 = arith.mulf %get3A_106, %mul3A_109 : vector<16xf32>
          %swap3A_111 = arith.index_cast %squeeze3A_100 : i32 to index
          %swap3A_112 = arith.constant 0 : index
          %swap3A_113 = tpu.vector_load %arg18[%swap3A_111, %swap3A_112] {strides = array<i32>} : memref<257x16xf32, #tpu.memory_space<vmem>>, vector<1x16xf32>,
          %swap3A_114 = vector.shape_cast %swap3A_113 : vector<1x16xf32> to vector<16xf32>
          %swap3A_115 = vector.shape_cast %mul3A_110 : vector<16xf32> to vector<1x16xf32>
          tpu.vector_store %arg18[%swap3A_111, %swap3A_112], %swap3A_115 {add = true, strides = array<i32>} : memref<257x16xf32, #tpu.memory_space<vmem>>, vector<1x16xf32>,
          %slice3A_116 = vector.extract_strided_slice %get3A_81 {offsets = [2], sizes = [1], strides = [1]} : vector<16xi32> to vector<1xi32>
          %squeeze3A_117 = vector.extract %slice3A_116[0] : i32 from vector<1xi32>
          %add3A_118 = arith.constant 2 : i32
          %add3A_119 = arith.addi %mul3A_79, %add3A_118 : i32
          %get3A_120 = arith.index_cast %add3A_119 : i32 to index
          %get3A_121 = arith.constant 0 : index
          %get3A_122 = tpu.vector_load %arg13[%get3A_120, %get3A_121] {strides = array<i32>} : memref<2560x16xf32, #tpu.memory_space<vmem>>, vector<1x16xf32>,
          %get3A_123 = vector.shape_cast %get3A_122 : vector<1x16xf32> to vector<16xf32>
          %slice3A_124 = vector.extract_strided_slice %get3A_84 {offsets = [2], sizes = [1], strides = [1]} : vector<16xf32> to vector<1xf32>
          %squeeze3A_125 = vector.extract %slice3A_124[0] : f32 from vector<1xf32>
          %mul3A_126 = vector.broadcast %squeeze3A_125 : f32 to vector<16xf32>
          %mul3A_127 = arith.mulf %get3A_123, %mul3A_126 : vector<16xf32>
          %swap3A_128 = arith.index_cast %squeeze3A_117 : i32 to index
          %swap3A_129 = arith.constant 0 : index
          %swap3A_130 = tpu.vector_load %arg18[%swap3A_128, %swap3A_129] {strides = array<i32>} : memref<257x16xf32, #tpu.memory_space<vmem>>, vector<1x16xf32>,
          %swap3A_131 = vector.shape_cast %swap3A_130 : vector<1x16xf32> to vector<16xf32>
          %swap3A_132 = vector.shape_cast %mul3A_127 : vector<16xf32> to vector<1x16xf32>
          tpu.vector_store %arg18[%swap3A_128, %swap3A_129], %swap3A_132 {add = true, strides = array<i32>} : memref<257x16xf32, #tpu.memory_space<vmem>>, vector<1x16xf32>,
          %slice3A_133 = vector.extract_strided_slice %get3A_81 {offsets = [3], sizes = [1], strides = [1]} : vector<16xi32> to vector<1xi32>
          %squeeze3A_134 = vector.extract %slice3A_133[0] : i32 from vector<1xi32>
          %add3A_135 = arith.constant 3 : i32
          %add3A_136 = arith.addi %mul3A_79, %add3A_135 : i32
          %get3A_137 = arith.index_cast %add3A_136 : i32 to index
          %get3A_138 = arith.constant 0 : index
          %get3A_139 = tpu.vector_load %arg13[%get3A_137, %get3A_138] {strides = array<i32>} : memref<2560x16xf32, #tpu.memory_space<vmem>>, vector<1x16xf32>,
          %get3A_140 = vector.shape_cast %get3A_139 : vector<1x16xf32> to vector<16xf32>
          %slice3A_141 = vector.extract_strided_slice %get3A_84 {offsets = [3], sizes = [1], strides = [1]} : vector<16xf32> to vector<1xf32>
          %squeeze3A_142 = vector.extract %slice3A_141[0] : f32 from vector<1xf32>
          %mul3A_143 = vector.broadcast %squeeze3A_142 : f32 to vector<16xf32>
          %mul3A_144 = arith.mulf %get3A_140, %mul3A_143 : vector<16xf32>
          %swap3A_145 = arith.index_cast %squeeze3A_134 : i32 to index
          %swap3A_146 = arith.constant 0 : index
          %swap3A_147 = tpu.vector_load %arg18[%swap3A_145, %swap3A_146] {strides = array<i32>} : memref<257x16xf32, #tpu.memory_space<vmem>>, vector<1x16xf32>,
          %swap3A_148 = vector.shape_cast %swap3A_147 : vector<1x16xf32> to vector<16xf32>
          %swap3A_149 = vector.shape_cast %mul3A_144 : vector<16xf32> to vector<1x16xf32>
          tpu.vector_store %arg18[%swap3A_145, %swap3A_146], %swap3A_149 {add = true, strides = array<i32>} : memref<257x16xf32, #tpu.memory_space<vmem>>, vector<1x16xf32>,
          %slice3A_150 = vector.extract_strided_slice %get3A_81 {offsets = [4], sizes = [1], strides = [1]} : vector<16xi32> to vector<1xi32>
          %squeeze3A_151 = vector.extract %slice3A_150[0] : i32 from vector<1xi32>
          %add3A_152 = arith.constant 4 : i32
          %add3A_153 = arith.addi %mul3A_79, %add3A_152 : i32
          %get3A_154 = arith.index_cast %add3A_153 : i32 to index
          %get3A_155 = arith.constant 0 : index
          %get3A_156 = tpu.vector_load %arg13[%get3A_154, %get3A_155] {strides = array<i32>} : memref<2560x16xf32, #tpu.memory_space<vmem>>, vector<1x16xf32>,
          %get3A_157 = vector.shape_cast %get3A_156 : vector<1x16xf32> to vector<16xf32>
          %slice3A_158 = vector.extract_strided_slice %get3A_84 {offsets = [4], sizes = [1], strides = [1]} : vector<16xf32> to vector<1xf32>
          %squeeze3A_159 = vector.extract %slice3A_158[0] : f32 from vector<1xf32>
          %mul3A_160 = vector.broadcast %squeeze3A_159 : f32 to vector<16xf32>
          %mul3A_161 = arith.mulf %get3A_157, %mul3A_160 : vector<16xf32>
          %swap3A_162 = arith.index_cast %squeeze3A_151 : i32 to index
          %swap3A_163 = arith.constant 0 : index
          %swap3A_164 = tpu.vector_load %arg18[%swap3A_162, %swap3A_163] {strides = array<i32>} : memref<257x16xf32, #tpu.memory_space<vmem>>, vector<1x16xf32>,
          %swap3A_165 = vector.shape_cast %swap3A_164 : vector<1x16xf32> to vector<16xf32>
          %swap3A_166 = vector.shape_cast %mul3A_161 : vector<16xf32> to vector<1x16xf32>
          tpu.vector_store %arg18[%swap3A_162, %swap3A_163], %swap3A_166 {add = true, strides = array<i32>} : memref<257x16xf32, #tpu.memory_space<vmem>>, vector<1x16xf32>,
          %slice3A_167 = vector.extract_strided_slice %get3A_81 {offsets = [5], sizes = [1], strides = [1]} : vector<16xi32> to vector<1xi32>
          %squeeze3A_168 = vector.extract %slice3A_167[0] : i32 from vector<1xi32>
          %add3A_169 = arith.constant 5 : i32
          %add3A_170 = arith.addi %mul3A_79, %add3A_169 : i32
          %get3A_171 = arith.index_cast %add3A_170 : i32 to index
          %get3A_172 = arith.constant 0 : index
          %get3A_173 = tpu.vector_load %arg13[%get3A_171, %get3A_172] {strides = array<i32>} : memref<2560x16xf32, #tpu.memory_space<vmem>>, vector<1x16xf32>,
          %get3A_174 = vector.shape_cast %get3A_173 : vector<1x16xf32> to vector<16xf32>
          %slice3A_175 = vector.extract_strided_slice %get3A_84 {offsets = [5], sizes = [1], strides = [1]} : vector<16xf32> to vector<1xf32>
          %squeeze3A_176 = vector.extract %slice3A_175[0] : f32 from vector<1xf32>
          %mul3A_177 = vector.broadcast %squeeze3A_176 : f32 to vector<16xf32>
          %mul3A_178 = arith.mulf %get3A_174, %mul3A_177 : vector<16xf32>
          %swap3A_179 = arith.index_cast %squeeze3A_168 : i32 to index
          %swap3A_180 = arith.constant 0 : index
          %swap3A_181 = tpu.vector_load %arg18[%swap3A_179, %swap3A_180] {strides = array<i32>} : memref<257x16xf32, #tpu.memory_space<vmem>>, vector<1x16xf32>,
          %swap3A_182 = vector.shape_cast %swap3A_181 : vector<1x16xf32> to vector<16xf32>
          %swap3A_183 = vector.shape_cast %mul3A_178 : vector<16xf32> to vector<1x16xf32>
          tpu.vector_store %arg18[%swap3A_179, %swap3A_180], %swap3A_183 {add = true, strides = array<i32>} : memref<257x16xf32, #tpu.memory_space<vmem>>, vector<1x16xf32>,
          %slice3A_184 = vector.extract_strided_slice %get3A_81 {offsets = [6], sizes = [1], strides = [1]} : vector<16xi32> to vector<1xi32>
          %squeeze3A_185 = vector.extract %slice3A_184[0] : i32 from vector<1xi32>
          %add3A_186 = arith.constant 6 : i32
          %add3A_187 = arith.addi %mul3A_79, %add3A_186 : i32
          %get3A_188 = arith.index_cast %add3A_187 : i32 to index
          %get3A_189 = arith.constant 0 : index
          %get3A_190 = tpu.vector_load %arg13[%get3A_188, %get3A_189] {strides = array<i32>} : memref<2560x16xf32, #tpu.memory_space<vmem>>, vector<1x16xf32>,
          %get3A_191 = vector.shape_cast %get3A_190 : vector<1x16xf32> to vector<16xf32>
          %slice3A_192 = vector.extract_strided_slice %get3A_84 {offsets = [6], sizes = [1], strides = [1]} : vector<16xf32> to vector<1xf32>
          %squeeze3A_193 = vector.extract %slice3A_192[0] : f32 from vector<1xf32>
          %mul3A_194 = vector.broadcast %squeeze3A_193 : f32 to vector<16xf32>
          %mul3A_195 = arith.mulf %get3A_191, %mul3A_194 : vector<16xf32>
          %swap3A_196 = arith.index_cast %squeeze3A_185 : i32 to index
          %swap3A_197 = arith.constant 0 : index
          %swap3A_198 = tpu.vector_load %arg18[%swap3A_196, %swap3A_197] {strides = array<i32>} : memref<257x16xf32, #tpu.memory_space<vmem>>, vector<1x16xf32>,
          %swap3A_199 = vector.shape_cast %swap3A_198 : vector<1x16xf32> to vector<16xf32>
          %swap3A_200 = vector.shape_cast %mul3A_195 : vector<16xf32> to vector<1x16xf32>
          tpu.vector_store %arg18[%swap3A_196, %swap3A_197], %swap3A_200 {add = true, strides = array<i32>} : memref<257x16xf32, #tpu.memory_space<vmem>>, vector<1x16xf32>,
          %slice3A_201 = vector.extract_strided_slice %get3A_81 {offsets = [7], sizes = [1], strides = [1]} : vector<16xi32> to vector<1xi32>
          %squeeze3A_202 = vector.extract %slice3A_201[0] : i32 from vector<1xi32>
          %add3A_203 = arith.constant 7 : i32
          %add3A_204 = arith.addi %mul3A_79, %add3A_203 : i32
          %get3A_205 = arith.index_cast %add3A_204 : i32 to index
          %get3A_206 = arith.constant 0 : index
          %get3A_207 = tpu.vector_load %arg13[%get3A_205, %get3A_206] {strides = array<i32>} : memref<2560x16xf32, #tpu.memory_space<vmem>>, vector<1x16xf32>,
          %get3A_208 = vector.shape_cast %get3A_207 : vector<1x16xf32> to vector<16xf32>
          %slice3A_209 = vector.extract_strided_slice %get3A_84 {offsets = [7], sizes = [1], strides = [1]} : vector<16xf32> to vector<1xf32>
          %squeeze3A_210 = vector.extract %slice3A_209[0] : f32 from vector<1xf32>
          %mul3A_211 = vector.broadcast %squeeze3A_210 : f32 to vector<16xf32>
          %mul3A_212 = arith.mulf %get3A_208, %mul3A_211 : vector<16xf32>
          %swap3A_213 = arith.index_cast %squeeze3A_202 : i32 to index
          %swap3A_214 = arith.constant 0 : index
          %swap3A_215 = tpu.vector_load %arg18[%swap3A_213, %swap3A_214] {strides = array<i32>} : memref<257x16xf32, #tpu.memory_space<vmem>>, vector<1x16xf32>,
          %swap3A_216 = vector.shape_cast %swap3A_215 : vector<1x16xf32> to vector<16xf32>
          %swap3A_217 = vector.shape_cast %mul3A_212 : vector<16xf32> to vector<1x16xf32>
          tpu.vector_store %arg18[%swap3A_213, %swap3A_214], %swap3A_217 {add = true, strides = array<i32>} : memref<257x16xf32, #tpu.memory_space<vmem>>, vector<1x16xf32>,
          %slice3A_218 = vector.extract_strided_slice %get3A_81 {offsets = [8], sizes = [1], strides = [1]} : vector<16xi32> to vector<1xi32>
          %squeeze3A_219 = vector.extract %slice3A_218[0] : i32 from vector<1xi32>
          %add3A_220 = arith.constant 8 : i32
          %add3A_221 = arith.addi %mul3A_79, %add3A_220 : i32
          %get3A_222 = arith.index_cast %add3A_221 : i32 to index
          %get3A_223 = arith.constant 0 : index
          %get3A_224 = tpu.vector_load %arg13[%get3A_222, %get3A_223] {strides = array<i32>} : memref<2560x16xf32, #tpu.memory_space<vmem>>, vector<1x16xf32>,
          %get3A_225 = vector.shape_cast %get3A_224 : vector<1x16xf32> to vector<16xf32>
          %slice3A_226 = vector.extract_strided_slice %get3A_84 {offsets = [8], sizes = [1], strides = [1]} : vector<16xf32> to vector<1xf32>
          %squeeze3A_227 = vector.extract %slice3A_226[0] : f32 from vector<1xf32>
          %mul3A_228 = vector.broadcast %squeeze3A_227 : f32 to vector<16xf32>
          %mul3A_229 = arith.mulf %get3A_225, %mul3A_228 : vector<16xf32>
          %swap3A_230 = arith.index_cast %squeeze3A_219 : i32 to index
          %swap3A_231 = arith.constant 0 : index
          %swap3A_232 = tpu.vector_load %arg18[%swap3A_230, %swap3A_231] {strides = array<i32>} : memref<257x16xf32, #tpu.memory_space<vmem>>, vector<1x16xf32>,
          %swap3A_233 = vector.shape_cast %swap3A_232 : vector<1x16xf32> to vector<16xf32>
          %swap3A_234 = vector.shape_cast %mul3A_229 : vector<16xf32> to vector<1x16xf32>
          tpu.vector_store %arg18[%swap3A_230, %swap3A_231], %swap3A_234 {add = true, strides = array<i32>} : memref<257x16xf32, #tpu.memory_space<vmem>>, vector<1x16xf32>,
          %slice3A_235 = vector.extract_strided_slice %get3A_81 {offsets = [9], sizes = [1], strides = [1]} : vector<16xi32> to vector<1xi32>
          %squeeze3A_236 = vector.extract %slice3A_235[0] : i32 from vector<1xi32>
          %add3A_237 = arith.constant 9 : i32
          %add3A_238 = arith.addi %mul3A_79, %add3A_237 : i32
          %get3A_239 = arith.index_cast %add3A_238 : i32 to index
          %get3A_240 = arith.constant 0 : index
          %get3A_241 = tpu.vector_load %arg13[%get3A_239, %get3A_240] {strides = array<i32>} : memref<2560x16xf32, #tpu.memory_space<vmem>>, vector<1x16xf32>,
          %get3A_242 = vector.shape_cast %get3A_241 : vector<1x16xf32> to vector<16xf32>
          %slice3A_243 = vector.extract_strided_slice %get3A_84 {offsets = [9], sizes = [1], strides = [1]} : vector<16xf32> to vector<1xf32>
          %squeeze3A_244 = vector.extract %slice3A_243[0] : f32 from vector<1xf32>
          %mul3A_245 = vector.broadcast %squeeze3A_244 : f32 to vector<16xf32>
          %mul3A_246 = arith.mulf %get3A_242, %mul3A_245 : vector<16xf32>
          %swap3A_247 = arith.index_cast %squeeze3A_236 : i32 to index
          %swap3A_248 = arith.constant 0 : index
          %swap3A_249 = tpu.vector_load %arg18[%swap3A_247, %swap3A_248] {strides = array<i32>} : memref<257x16xf32, #tpu.memory_space<vmem>>, vector<1x16xf32>,
          %swap3A_250 = vector.shape_cast %swap3A_249 : vector<1x16xf32> to vector<16xf32>
          %swap3A_251 = vector.shape_cast %mul3A_246 : vector<16xf32> to vector<1x16xf32>
          tpu.vector_store %arg18[%swap3A_247, %swap3A_248], %swap3A_251 {add = true, strides = array<i32>} : memref<257x16xf32, #tpu.memory_space<vmem>>, vector<1x16xf32>,
          %slice3A_252 = vector.extract_strided_slice %get3A_81 {offsets = [10], sizes = [1], strides = [1]} : vector<16xi32> to vector<1xi32>
          %squeeze3A_253 = vector.extract %slice3A_252[0] : i32 from vector<1xi32>
          %add3A_254 = arith.constant 10 : i32
          %add3A_255 = arith.addi %mul3A_79, %add3A_254 : i32
          %get3A_256 = arith.index_cast %add3A_255 : i32 to index
          %get3A_257 = arith.constant 0 : index
          %get3A_258 = tpu.vector_load %arg13[%get3A_256, %get3A_257] {strides = array<i32>} : memref<2560x16xf32, #tpu.memory_space<vmem>>, vector<1x16xf32>,
          %get3A_259 = vector.shape_cast %get3A_258 : vector<1x16xf32> to vector<16xf32>
          %slice3A_260 = vector.extract_strided_slice %get3A_84 {offsets = [10], sizes = [1], strides = [1]} : vector<16xf32> to vector<1xf32>
          %squeeze3A_261 = vector.extract %slice3A_260[0] : f32 from vector<1xf32>
          %mul3A_262 = vector.broadcast %squeeze3A_261 : f32 to vector<16xf32>
          %mul3A_263 = arith.mulf %get3A_259, %mul3A_262 : vector<16xf32>
          %swap3A_264 = arith.index_cast %squeeze3A_253 : i32 to index
          %swap3A_265 = arith.constant 0 : index
          %swap3A_266 = tpu.vector_load %arg18[%swap3A_264, %swap3A_265] {strides = array<i32>} : memref<257x16xf32, #tpu.memory_space<vmem>>, vector<1x16xf32>,
          %swap3A_267 = vector.shape_cast %swap3A_266 : vector<1x16xf32> to vector<16xf32>
          %swap3A_268 = vector.shape_cast %mul3A_263 : vector<16xf32> to vector<1x16xf32>
          tpu.vector_store %arg18[%swap3A_264, %swap3A_265], %swap3A_268 {add = true, strides = array<i32>} : memref<257x16xf32, #tpu.memory_space<vmem>>, vector<1x16xf32>,
          %slice3A_269 = vector.extract_strided_slice %get3A_81 {offsets = [11], sizes = [1], strides = [1]} : vector<16xi32> to vector<1xi32>
          %squeeze3A_270 = vector.extract %slice3A_269[0] : i32 from vector<1xi32>
          %add3A_271 = arith.constant 11 : i32
          %add3A_272 = arith.addi %mul3A_79, %add3A_271 : i32
          %get3A_273 = arith.index_cast %add3A_272 : i32 to index
          %get3A_274 = arith.constant 0 : index
          %get3A_275 = tpu.vector_load %arg13[%get3A_273, %get3A_274] {strides = array<i32>} : memref<2560x16xf32, #tpu.memory_space<vmem>>, vector<1x16xf32>,
          %get3A_276 = vector.shape_cast %get3A_275 : vector<1x16xf32> to vector<16xf32>
          %slice3A_277 = vector.extract_strided_slice %get3A_84 {offsets = [11], sizes = [1], strides = [1]} : vector<16xf32> to vector<1xf32>
          %squeeze3A_278 = vector.extract %slice3A_277[0] : f32 from vector<1xf32>
          %mul3A_279 = vector.broadcast %squeeze3A_278 : f32 to vector<16xf32>
          %mul3A_280 = arith.mulf %get3A_276, %mul3A_279 : vector<16xf32>
          %swap3A_281 = arith.index_cast %squeeze3A_270 : i32 to index
          %swap3A_282 = arith.constant 0 : index
          %swap3A_283 = tpu.vector_load %arg18[%swap3A_281, %swap3A_282] {strides = array<i32>} : memref<257x16xf32, #tpu.memory_space<vmem>>, vector<1x16xf32>,
          %swap3A_284 = vector.shape_cast %swap3A_283 : vector<1x16xf32> to vector<16xf32>
          %swap3A_285 = vector.shape_cast %mul3A_280 : vector<16xf32> to vector<1x16xf32>
          tpu.vector_store %arg18[%swap3A_281, %swap3A_282], %swap3A_285 {add = true, strides = array<i32>} : memref<257x16xf32, #tpu.memory_space<vmem>>, vector<1x16xf32>,
          %slice3A_286 = vector.extract_strided_slice %get3A_81 {offsets = [12], sizes = [1], strides = [1]} : vector<16xi32> to vector<1xi32>
          %squeeze3A_287 = vector.extract %slice3A_286[0] : i32 from vector<1xi32>
          %add3A_288 = arith.constant 12 : i32
          %add3A_289 = arith.addi %mul3A_79, %add3A_288 : i32
          %get3A_290 = arith.index_cast %add3A_289 : i32 to index
          %get3A_291 = arith.constant 0 : index
          %get3A_292 = tpu.vector_load %arg13[%get3A_290, %get3A_291] {strides = array<i32>} : memref<2560x16xf32, #tpu.memory_space<vmem>>, vector<1x16xf32>,
          %get3A_293 = vector.shape_cast %get3A_292 : vector<1x16xf32> to vector<16xf32>
          %slice3A_294 = vector.extract_strided_slice %get3A_84 {offsets = [12], sizes = [1], strides = [1]} : vector<16xf32> to vector<1xf32>
          %squeeze3A_295 = vector.extract %slice3A_294[0] : f32 from vector<1xf32>
          %mul3A_296 = vector.broadcast %squeeze3A_295 : f32 to vector<16xf32>
          %mul3A_297 = arith.mulf %get3A_293, %mul3A_296 : vector<16xf32>
          %swap3A_298 = arith.index_cast %squeeze3A_287 : i32 to index
          %swap3A_299 = arith.constant 0 : index
          %swap3A_300 = tpu.vector_load %arg18[%swap3A_298, %swap3A_299] {strides = array<i32>} : memref<257x16xf32, #tpu.memory_space<vmem>>, vector<1x16xf32>,
          %swap3A_301 = vector.shape_cast %swap3A_300 : vector<1x16xf32> to vector<16xf32>
          %swap3A_302 = vector.shape_cast %mul3A_297 : vector<16xf32> to vector<1x16xf32>
          tpu.vector_store %arg18[%swap3A_298, %swap3A_299], %swap3A_302 {add = true, strides = array<i32>} : memref<257x16xf32, #tpu.memory_space<vmem>>, vector<1x16xf32>,
          %slice3A_303 = vector.extract_strided_slice %get3A_81 {offsets = [13], sizes = [1], strides = [1]} : vector<16xi32> to vector<1xi32>
          %squeeze3A_304 = vector.extract %slice3A_303[0] : i32 from vector<1xi32>
          %add3A_305 = arith.constant 13 : i32
          %add3A_306 = arith.addi %mul3A_79, %add3A_305 : i32
          %get3A_307 = arith.index_cast %add3A_306 : i32 to index
          %get3A_308 = arith.constant 0 : index
          %get3A_309 = tpu.vector_load %arg13[%get3A_307, %get3A_308] {strides = array<i32>} : memref<2560x16xf32, #tpu.memory_space<vmem>>, vector<1x16xf32>,
          %get3A_310 = vector.shape_cast %get3A_309 : vector<1x16xf32> to vector<16xf32>
          %slice3A_311 = vector.extract_strided_slice %get3A_84 {offsets = [13], sizes = [1], strides = [1]} : vector<16xf32> to vector<1xf32>
          %squeeze3A_312 = vector.extract %slice3A_311[0] : f32 from vector<1xf32>
          %mul3A_313 = vector.broadcast %squeeze3A_312 : f32 to vector<16xf32>
          %mul3A_314 = arith.mulf %get3A_310, %mul3A_313 : vector<16xf32>
          %swap3A_315 = arith.index_cast %squeeze3A_304 : i32 to index
          %swap3A_316 = arith.constant 0 : index
          %swap3A_317 = tpu.vector_load %arg18[%swap3A_315, %swap3A_316] {strides = array<i32>} : memref<257x16xf32, #tpu.memory_space<vmem>>, vector<1x16xf32>,
          %swap3A_318 = vector.shape_cast %swap3A_317 : vector<1x16xf32> to vector<16xf32>
          %swap3A_319 = vector.shape_cast %mul3A_314 : vector<16xf32> to vector<1x16xf32>
          tpu.vector_store %arg18[%swap3A_315, %swap3A_316], %swap3A_319 {add = true, strides = array<i32>} : memref<257x16xf32, #tpu.memory_space<vmem>>, vector<1x16xf32>,
          %slice3A_320 = vector.extract_strided_slice %get3A_81 {offsets = [14], sizes = [1], strides = [1]} : vector<16xi32> to vector<1xi32>
          %squeeze3A_321 = vector.extract %slice3A_320[0] : i32 from vector<1xi32>
          %add3A_322 = arith.constant 14 : i32
          %add3A_323 = arith.addi %mul3A_79, %add3A_322 : i32
          %get3A_324 = arith.index_cast %add3A_323 : i32 to index
          %get3A_325 = arith.constant 0 : index
          %get3A_326 = tpu.vector_load %arg13[%get3A_324, %get3A_325] {strides = array<i32>} : memref<2560x16xf32, #tpu.memory_space<vmem>>, vector<1x16xf32>,
          %get3A_327 = vector.shape_cast %get3A_326 : vector<1x16xf32> to vector<16xf32>
          %slice3A_328 = vector.extract_strided_slice %get3A_84 {offsets = [14], sizes = [1], strides = [1]} : vector<16xf32> to vector<1xf32>
          %squeeze3A_329 = vector.extract %slice3A_328[0] : f32 from vector<1xf32>
          %mul3A_330 = vector.broadcast %squeeze3A_329 : f32 to vector<16xf32>
          %mul3A_331 = arith.mulf %get3A_327, %mul3A_330 : vector<16xf32>
          %swap3A_332 = arith.index_cast %squeeze3A_321 : i32 to index
          %swap3A_333 = arith.constant 0 : index
          %swap3A_334 = tpu.vector_load %arg18[%swap3A_332, %swap3A_333] {strides = array<i32>} : memref<257x16xf32, #tpu.memory_space<vmem>>, vector<1x16xf32>,
          %swap3A_335 = vector.shape_cast %swap3A_334 : vector<1x16xf32> to vector<16xf32>
          %swap3A_336 = vector.shape_cast %mul3A_331 : vector<16xf32> to vector<1x16xf32>
          tpu.vector_store %arg18[%swap3A_332, %swap3A_333], %swap3A_336 {add = true, strides = array<i32>} : memref<257x16xf32, #tpu.memory_space<vmem>>, vector<1x16xf32>,
          %slice3A_337 = vector.extract_strided_slice %get3A_81 {offsets = [15], sizes = [1], strides = [1]} : vector<16xi32> to vector<1xi32>
          %squeeze3A_338 = vector.extract %slice3A_337[0] : i32 from vector<1xi32>
          %add3A_339 = arith.constant 15 : i32
          %add3A_340 = arith.addi %mul3A_79, %add3A_339 : i32
          %get3A_341 = arith.index_cast %add3A_340 : i32 to index
          %get3A_342 = arith.constant 0 : index
          %get3A_343 = tpu.vector_load %arg13[%get3A_341, %get3A_342] {strides = array<i32>} : memref<2560x16xf32, #tpu.memory_space<vmem>>, vector<1x16xf32>,
          %get3A_344 = vector.shape_cast %get3A_343 : vector<1x16xf32> to vector<16xf32>
          %slice3A_345 = vector.extract_strided_slice %get3A_84 {offsets = [15], sizes = [1], strides = [1]} : vector<16xf32> to vector<1xf32>
          %squeeze3A_346 = vector.extract %slice3A_345[0] : f32 from vector<1xf32>
          %mul3A_347 = vector.broadcast %squeeze3A_346 : f32 to vector<16xf32>
          %mul3A_348 = arith.mulf %get3A_344, %mul3A_347 : vector<16xf32>
          %swap3A_349 = arith.index_cast %squeeze3A_338 : i32 to index
          %swap3A_350 = arith.constant 0 : index
          %swap3A_351 = tpu.vector_load %arg18[%swap3A_349, %swap3A_350] {strides = array<i32>} : memref<257x16xf32, #tpu.memory_space<vmem>>, vector<1x16xf32>,
          %swap3A_352 = vector.shape_cast %swap3A_351 : vector<1x16xf32> to vector<16xf32>
          %swap3A_353 = vector.shape_cast %mul3A_348 : vector<16xf32> to vector<1x16xf32>
          tpu.vector_store %arg18[%swap3A_349, %swap3A_350], %swap3A_353 {add = true, strides = array<i32>} : memref<257x16xf32, #tpu.memory_space<vmem>>, vector<1x16xf32>,
        }
        %scan3A_76 = arith.constant 160 : i32
      }
      %scan3A_25 = arith.constant 35 : i32
    } else {
    }
    "tpu.region"() ({
      %run_scoped3A = tpu.sem_alloc : memref<!tpu.dma_semaphore, #tpu.memory_space<semaphore_mem>>
      %dma_start3A = arith.constant 0 : i32
      %dma_start3A_20 = arith.constant 0 : i32
      %dma_start3A_21 = tpu.memref_slice %arg7[%arg0, %arg1, %dma_start3A, %dma_start3A_20] : memref<2x16x257x16xf32, #tpu.memory_space<hbm>> -> memref<1x1x257x16xf32, #tpu.memory_space<hbm>>
      %dma_start3A_22 = tpu.memref_squeeze %dma_start3A_21 : memref<1x1x257x16xf32, #tpu.memory_space<hbm>> -> memref<257x16xf32, #tpu.memory_space<hbm>>
      %dma_start3A_23 = arith.constant 0 : i32
      %dma_start3A_24 = arith.constant 0 : i32
      %dma_start3A_25 = tpu.memref_slice %arg7[%arg0, %arg1, %dma_start3A_23, %dma_start3A_24] : memref<2x16x257x16xf32, #tpu.memory_space<hbm>> -> memref<1x1x257x16xf32, #tpu.memory_space<hbm>>
      %dma_start3A_26 = tpu.memref_squeeze %dma_start3A_25 : memref<1x1x257x16xf32, #tpu.memory_space<hbm>> -> memref<257x16xf32, #tpu.memory_space<hbm>>
      tpu.enqueue_dma source(%arg18 : memref<257x16xf32, #tpu.memory_space<vmem>>) target(%dma_start3A_26 : memref<257x16xf32, #tpu.memory_space<hbm>>) target_semaphore(%run_scoped3A : memref<!tpu.dma_semaphore, #tpu.memory_space<semaphore_mem>>)
      %dma_wait3A = arith.constant 0 : i32
      %dma_wait3A_27 = arith.constant 0 : i32
      %dma_wait3A_28 = tpu.memref_slice %arg7[%arg0, %arg1, %dma_wait3A, %dma_wait3A_27] : memref<2x16x257x16xf32, #tpu.memory_space<hbm>> -> memref<1x1x257x16xf32, #tpu.memory_space<hbm>>
      %dma_wait3A_29 = tpu.memref_squeeze %dma_wait3A_28 : memref<1x1x257x16xf32, #tpu.memory_space<hbm>> -> memref<257x16xf32, #tpu.memory_space<hbm>>
      %dma_wait3A_30 = arith.constant 0 : i32
      %dma_wait3A_31 = arith.constant 0 : i32
      %dma_wait3A_32 = tpu.memref_slice %arg7[%arg0, %arg1, %dma_wait3A_30, %dma_wait3A_31] : memref<2x16x257x16xf32, #tpu.memory_space<hbm>> -> memref<1x1x257x16xf32, #tpu.memory_space<hbm>>
      %dma_wait3A_33 = tpu.memref_squeeze %dma_wait3A_32 : memref<1x1x257x16xf32, #tpu.memory_space<hbm>> -> memref<257x16xf32, #tpu.memory_space<hbm>>
      tpu.wait_dma2 semaphore(%run_scoped3A : memref<!tpu.dma_semaphore, #tpu.memory_space<semaphore_mem>>) src(%arg18 : memref<257x16xf32, #tpu.memory_space<vmem>>) dst(%dma_wait3A_33 : memref<257x16xf32, #tpu.memory_space<hbm>>)
      tpu.yield
    }) : () -> ()
    return
  }
}

#map = affine_map<(d0, d1) -> (0)>
#map1 = affine_map<(d0, d1) -> (0, 0, 0)>
module attributes {stable_mosaic.version = 14 : i64} {
  func.func @_p2_body(%arg0: i32, %arg1: i32, %arg2: memref<6553600xi32, #tpu.memory_space<hbm>>, %arg3: memref<6553600xi32, #tpu.memory_space<hbm>>, %arg4: memref<100352xf32, #tpu.memory_space<hbm>>, %arg5: memref<100352xf32, #tpu.memory_space<hbm>>, %arg6: memref<100352xf32, #tpu.memory_space<hbm>>, %arg7: memref<100352xf32, #tpu.memory_space<hbm>>, %arg8: memref<2x3x100352xf32, #tpu.memory_space<hbm>>, %arg9: memref<100352xf32, #tpu.memory_space<vmem_shared>>, %arg10: memref<100352xf32, #tpu.memory_space<vmem_shared>>, %arg11: memref<100352xf32, #tpu.memory_space<vmem_shared>>, %arg12: memref<6400xi32, #tpu.memory_space<vmem>>, %arg13: memref<6400xi32, #tpu.memory_space<vmem>>, %arg14: memref<6400xi32, #tpu.memory_space<vmem>>, %arg15: memref<6400xi32, #tpu.memory_space<vmem>>, %arg16: memref<6400xf32, #tpu.memory_space<vmem>>, %arg17: memref<6400xf32, #tpu.memory_space<vmem>>, %arg18: memref<6400xf32, #tpu.memory_space<vmem>>, %arg19: memref<6400xf32, #tpu.memory_space<vmem>>, %arg20: memref<6400xf32, #tpu.memory_space<vmem>>, %arg21: memref<6400xf32, #tpu.memory_space<vmem>>, %arg22: memref<!tpu.dma_semaphore, #tpu.memory_space<semaphore_mem>>, %arg23: memref<!tpu.dma_semaphore, #tpu.memory_space<semaphore_mem>>, %arg24: memref<!tpu.dma_semaphore, #tpu.memory_space<semaphore_mem>>, %arg25: memref<!tpu.dma_semaphore, #tpu.memory_space<semaphore_mem>>) attributes {dimension_semantics = [#tpu.dimension_semantics<core_parallel>, #tpu.dimension_semantics<subcore_parallel>], iteration_bounds = array<i64: 2, 16>, scalar_prefetch = 0 : i64, scratch_operands = 17 : i64, tpu.core_type = #tpu.core_type<sc_vector_subcore>, window_params = [{transform_indices = #map}, {transform_indices = #map}, {transform_indices = #map}, {transform_indices = #map}, {transform_indices = #map}, {transform_indices = #map}, {transform_indices = #map1}]} {
    %mul3A = arith.constant 2 : i32
    %mul3A_0 = arith.muli %arg1, %mul3A : i32
    %add3A = arith.addi %mul3A_0, %arg0 : i32
    %mul3A_1 = arith.constant 6272 : i32
    %mul3A_2 = arith.muli %arg1, %mul3A_1 : i32
    %mul3A_3 = arith.constant 6272 : i32
    %mul3A_4 = arith.muli %arg1, %mul3A_3 : i32
    "tpu.region"() ({
      %run_scoped3A_42 = tpu.sem_alloc : memref<!tpu.dma_semaphore, #tpu.memory_space<semaphore_mem>>
      %dma_start3A = tpu.memref_slice %arg9[%mul3A_4] : memref<100352xf32, #tpu.memory_space<vmem_shared>> -> memref<6272xf32, #tpu.memory_space<vmem_shared>>
      %dma_start3A_43 = tpu.memref_slice %arg7[%mul3A_2] : memref<100352xf32, #tpu.memory_space<hbm>> -> memref<6272xf32, #tpu.memory_space<hbm>>
      tpu.enqueue_dma source(%dma_start3A_43 : memref<6272xf32, #tpu.memory_space<hbm>>) target(%dma_start3A : memref<6272xf32, #tpu.memory_space<vmem_shared>>) target_semaphore(%run_scoped3A_42 : memref<!tpu.dma_semaphore, #tpu.memory_space<semaphore_mem>>)
      %dma_wait3A = tpu.memref_slice %arg9[%mul3A_4] : memref<100352xf32, #tpu.memory_space<vmem_shared>> -> memref<6272xf32, #tpu.memory_space<vmem_shared>>
      %dma_wait3A_44 = tpu.memref_slice %arg7[%mul3A_2] : memref<100352xf32, #tpu.memory_space<hbm>> -> memref<6272xf32, #tpu.memory_space<hbm>>
      tpu.wait_dma2 semaphore(%run_scoped3A_42 : memref<!tpu.dma_semaphore, #tpu.memory_space<semaphore_mem>>) src(%dma_wait3A_44 : memref<6272xf32, #tpu.memory_space<hbm>>) dst(%dma_wait3A : memref<6272xf32, #tpu.memory_space<vmem_shared>>)
      tpu.yield
    }) : () -> ()
    %mul3A_5 = arith.constant 6272 : i32
    %mul3A_6 = arith.muli %arg1, %mul3A_5 : i32
    %mul3A_7 = arith.constant 6272 : i32
    %mul3A_8 = arith.muli %arg1, %mul3A_7 : i32
    "tpu.region"() ({
      %run_scoped3A_42 = tpu.sem_alloc : memref<!tpu.dma_semaphore, #tpu.memory_space<semaphore_mem>>
      %dma_start3A = tpu.memref_slice %arg10[%mul3A_8] : memref<100352xf32, #tpu.memory_space<vmem_shared>> -> memref<6272xf32, #tpu.memory_space<vmem_shared>>
      %dma_start3A_43 = tpu.memref_slice %arg7[%mul3A_6] : memref<100352xf32, #tpu.memory_space<hbm>> -> memref<6272xf32, #tpu.memory_space<hbm>>
      tpu.enqueue_dma source(%dma_start3A_43 : memref<6272xf32, #tpu.memory_space<hbm>>) target(%dma_start3A : memref<6272xf32, #tpu.memory_space<vmem_shared>>) target_semaphore(%run_scoped3A_42 : memref<!tpu.dma_semaphore, #tpu.memory_space<semaphore_mem>>)
      %dma_wait3A = tpu.memref_slice %arg10[%mul3A_8] : memref<100352xf32, #tpu.memory_space<vmem_shared>> -> memref<6272xf32, #tpu.memory_space<vmem_shared>>
      %dma_wait3A_44 = tpu.memref_slice %arg7[%mul3A_6] : memref<100352xf32, #tpu.memory_space<hbm>> -> memref<6272xf32, #tpu.memory_space<hbm>>
      tpu.wait_dma2 semaphore(%run_scoped3A_42 : memref<!tpu.dma_semaphore, #tpu.memory_space<semaphore_mem>>) src(%dma_wait3A_44 : memref<6272xf32, #tpu.memory_space<hbm>>) dst(%dma_wait3A : memref<6272xf32, #tpu.memory_space<vmem_shared>>)
      tpu.yield
    }) : () -> ()
    %mul3A_9 = arith.constant 6272 : i32
    %mul3A_10 = arith.muli %arg1, %mul3A_9 : i32
    %mul3A_11 = arith.constant 6272 : i32
    %mul3A_12 = arith.muli %arg1, %mul3A_11 : i32
    "tpu.region"() ({
      %run_scoped3A_42 = tpu.sem_alloc : memref<!tpu.dma_semaphore, #tpu.memory_space<semaphore_mem>>
      %dma_start3A = tpu.memref_slice %arg11[%mul3A_12] : memref<100352xf32, #tpu.memory_space<vmem_shared>> -> memref<6272xf32, #tpu.memory_space<vmem_shared>>
      %dma_start3A_43 = tpu.memref_slice %arg7[%mul3A_10] : memref<100352xf32, #tpu.memory_space<hbm>> -> memref<6272xf32, #tpu.memory_space<hbm>>
      tpu.enqueue_dma source(%dma_start3A_43 : memref<6272xf32, #tpu.memory_space<hbm>>) target(%dma_start3A : memref<6272xf32, #tpu.memory_space<vmem_shared>>) target_semaphore(%run_scoped3A_42 : memref<!tpu.dma_semaphore, #tpu.memory_space<semaphore_mem>>)
      %dma_wait3A = tpu.memref_slice %arg11[%mul3A_12] : memref<100352xf32, #tpu.memory_space<vmem_shared>> -> memref<6272xf32, #tpu.memory_space<vmem_shared>>
      %dma_wait3A_44 = tpu.memref_slice %arg7[%mul3A_10] : memref<100352xf32, #tpu.memory_space<hbm>> -> memref<6272xf32, #tpu.memory_space<hbm>>
      tpu.wait_dma2 semaphore(%run_scoped3A_42 : memref<!tpu.dma_semaphore, #tpu.memory_space<semaphore_mem>>) src(%dma_wait3A_44 : memref<6272xf32, #tpu.memory_space<hbm>>) dst(%dma_wait3A : memref<6272xf32, #tpu.memory_space<vmem_shared>>)
      tpu.yield
    }) : () -> ()
    %barrier3A = arith.constant 0 : index
    tpu.barrier barrier_id(%barrier3A)
    %eq3A = arith.constant 0 : i32
    %eq3A_13 = arith.cmpi eq, %arg0, %eq3A : i32
    %mul3A_14 = arith.constant 230400 : i32
    %mul3A_15 = arith.muli %arg1, %mul3A_14 : i32
    %mul3A_16 = arith.constant 179200 : i32
    %mul3A_17 = arith.muli %arg1, %mul3A_16 : i32
    %add3A_18 = arith.constant 3686400 : i32
    %add3A_19 = arith.addi %add3A_18, %mul3A_17 : i32
    %select_n3A = arith.select %eq3A_13, %mul3A_15, %add3A_19 : i32
    %eq3A_20 = arith.constant 0 : i32
    %eq3A_21 = arith.cmpi eq, %arg0, %eq3A_20 : i32
    %convert_element_type3A = arith.extui %eq3A_21 : i1 to i32
    %cond3A = arith.constant 0 : i32
    %cond3A_22 = arith.cmpi ne, %convert_element_type3A, %cond3A : i32
    scf.if %cond3A_22 {
      %scan3A = arith.constant 0 : i32
      %scan3A_42 = arith.constant 0 : i32
      %scan3A_43 = arith.constant 18 : i32
      %scan3A_44 = arith.addi %scan3A_42, %scan3A_43 : i32
      %scan3A_45 = arith.constant 1 : i32
      scf.for %scan3A_47 = %scan3A_42 to %scan3A_44 step %scan3A_45  : i32 {
        %mul3A_48 = arith.constant 2 : i32
        %mul3A_49 = arith.muli %mul3A_48, %scan3A_47 : i32
        %mul3A_50 = arith.constant 6400 : i32
        %mul3A_51 = arith.muli %mul3A_49, %mul3A_50 : i32
        %add3A_52 = arith.addi %select_n3A, %mul3A_51 : i32
        "tpu.region"() ({
          %run_scoped3A_106 = tpu.sem_alloc : memref<!tpu.dma_semaphore, #tpu.memory_space<semaphore_mem>>
          %dma_start3A_107 = tpu.memref_slice %arg2[%add3A_52] : memref<6553600xi32, #tpu.memory_space<hbm>> -> memref<6400xi32, #tpu.memory_space<hbm>>
          %dma_start3A_108 = tpu.memref_slice %arg2[%add3A_52] : memref<6553600xi32, #tpu.memory_space<hbm>> -> memref<6400xi32, #tpu.memory_space<hbm>>
          tpu.enqueue_dma source(%dma_start3A_108 : memref<6400xi32, #tpu.memory_space<hbm>>) target(%arg12 : memref<6400xi32, #tpu.memory_space<vmem>>) target_semaphore(%run_scoped3A_106 : memref<!tpu.dma_semaphore, #tpu.memory_space<semaphore_mem>>)
          %dma_wait3A_109 = tpu.memref_slice %arg2[%add3A_52] : memref<6553600xi32, #tpu.memory_space<hbm>> -> memref<6400xi32, #tpu.memory_space<hbm>>
          %dma_wait3A_110 = tpu.memref_slice %arg2[%add3A_52] : memref<6553600xi32, #tpu.memory_space<hbm>> -> memref<6400xi32, #tpu.memory_space<hbm>>
          tpu.wait_dma2 semaphore(%run_scoped3A_106 : memref<!tpu.dma_semaphore, #tpu.memory_space<semaphore_mem>>) src(%dma_wait3A_110 : memref<6400xi32, #tpu.memory_space<hbm>>) dst(%arg12 : memref<6400xi32, #tpu.memory_space<vmem>>)
          tpu.yield
        }) : () -> ()
        "tpu.region"() ({
          %run_scoped3A_106 = tpu.sem_alloc : memref<!tpu.dma_semaphore, #tpu.memory_space<semaphore_mem>>
          %dma_start3A_107 = tpu.memref_slice %arg3[%add3A_52] : memref<6553600xi32, #tpu.memory_space<hbm>> -> memref<6400xi32, #tpu.memory_space<hbm>>
          %dma_start3A_108 = tpu.memref_slice %arg3[%add3A_52] : memref<6553600xi32, #tpu.memory_space<hbm>> -> memref<6400xi32, #tpu.memory_space<hbm>>
          tpu.enqueue_dma source(%dma_start3A_108 : memref<6400xi32, #tpu.memory_space<hbm>>) target(%arg13 : memref<6400xi32, #tpu.memory_space<vmem>>) target_semaphore(%run_scoped3A_106 : memref<!tpu.dma_semaphore, #tpu.memory_space<semaphore_mem>>)
          %dma_wait3A_109 = tpu.memref_slice %arg3[%add3A_52] : memref<6553600xi32, #tpu.memory_space<hbm>> -> memref<6400xi32, #tpu.memory_space<hbm>>
          %dma_wait3A_110 = tpu.memref_slice %arg3[%add3A_52] : memref<6553600xi32, #tpu.memory_space<hbm>> -> memref<6400xi32, #tpu.memory_space<hbm>>
          tpu.wait_dma2 semaphore(%run_scoped3A_106 : memref<!tpu.dma_semaphore, #tpu.memory_space<semaphore_mem>>) src(%dma_wait3A_110 : memref<6400xi32, #tpu.memory_space<hbm>>) dst(%arg13 : memref<6400xi32, #tpu.memory_space<vmem>>)
          tpu.yield
        }) : () -> ()
        %dma_start3A = arith.constant 0 : i32
        %dma_start3A_53 = tpu.memref_slice %arg4[%dma_start3A] : memref<100352xf32, #tpu.memory_space<hbm>> -> memref<100352xf32, #tpu.memory_space<hbm>>
        tpu.enqueue_indirect_dma source(%dma_start3A_53 : memref<100352xf32, #tpu.memory_space<hbm>>) target(%arg16 : memref<6400xf32, #tpu.memory_space<vmem>>) offsets(%arg12 : memref<6400xi32, #tpu.memory_space<vmem>>) semaphore(%arg22 : memref<!tpu.dma_semaphore, #tpu.memory_space<semaphore_mem>>)
        %dma_start3A_54 = arith.constant 0 : i32
        %dma_start3A_55 = tpu.memref_slice %arg5[%dma_start3A_54] : memref<100352xf32, #tpu.memory_space<hbm>> -> memref<100352xf32, #tpu.memory_space<hbm>>
        tpu.enqueue_indirect_dma source(%dma_start3A_55 : memref<100352xf32, #tpu.memory_space<hbm>>) target(%arg17 : memref<6400xf32, #tpu.memory_space<vmem>>) offsets(%arg12 : memref<6400xi32, #tpu.memory_space<vmem>>) semaphore(%arg22 : memref<!tpu.dma_semaphore, #tpu.memory_space<semaphore_mem>>)
        %dma_start3A_56 = arith.constant 0 : i32
        %dma_start3A_57 = tpu.memref_slice %arg6[%dma_start3A_56] : memref<100352xf32, #tpu.memory_space<hbm>> -> memref<100352xf32, #tpu.memory_space<hbm>>
        tpu.enqueue_indirect_dma source(%dma_start3A_57 : memref<100352xf32, #tpu.memory_space<hbm>>) target(%arg18 : memref<6400xf32, #tpu.memory_space<vmem>>) offsets(%arg12 : memref<6400xi32, #tpu.memory_space<vmem>>) semaphore(%arg22 : memref<!tpu.dma_semaphore, #tpu.memory_space<semaphore_mem>>)
        %mul3A_58 = arith.constant 2 : i32
        %mul3A_59 = arith.muli %mul3A_58, %scan3A_47 : i32
        %add3A_60 = arith.constant 1 : i32
        %add3A_61 = arith.addi %mul3A_59, %add3A_60 : i32
        %mul3A_62 = arith.constant 6400 : i32
        %mul3A_63 = arith.muli %add3A_61, %mul3A_62 : i32
        %add3A_64 = arith.addi %select_n3A, %mul3A_63 : i32
        "tpu.region"() ({
          %run_scoped3A_106 = tpu.sem_alloc : memref<!tpu.dma_semaphore, #tpu.memory_space<semaphore_mem>>
          %dma_start3A_107 = tpu.memref_slice %arg2[%add3A_64] : memref<6553600xi32, #tpu.memory_space<hbm>> -> memref<6400xi32, #tpu.memory_space<hbm>>
          %dma_start3A_108 = tpu.memref_slice %arg2[%add3A_64] : memref<6553600xi32, #tpu.memory_space<hbm>> -> memref<6400xi32, #tpu.memory_space<hbm>>
          tpu.enqueue_dma source(%dma_start3A_108 : memref<6400xi32, #tpu.memory_space<hbm>>) target(%arg14 : memref<6400xi32, #tpu.memory_space<vmem>>) target_semaphore(%run_scoped3A_106 : memref<!tpu.dma_semaphore, #tpu.memory_space<semaphore_mem>>)
          %dma_wait3A_109 = tpu.memref_slice %arg2[%add3A_64] : memref<6553600xi32, #tpu.memory_space<hbm>> -> memref<6400xi32, #tpu.memory_space<hbm>>
          %dma_wait3A_110 = tpu.memref_slice %arg2[%add3A_64] : memref<6553600xi32, #tpu.memory_space<hbm>> -> memref<6400xi32, #tpu.memory_space<hbm>>
          tpu.wait_dma2 semaphore(%run_scoped3A_106 : memref<!tpu.dma_semaphore, #tpu.memory_space<semaphore_mem>>) src(%dma_wait3A_110 : memref<6400xi32, #tpu.memory_space<hbm>>) dst(%arg14 : memref<6400xi32, #tpu.memory_space<vmem>>)
          tpu.yield
        }) : () -> ()
        "tpu.region"() ({
          %run_scoped3A_106 = tpu.sem_alloc : memref<!tpu.dma_semaphore, #tpu.memory_space<semaphore_mem>>
          %dma_start3A_107 = tpu.memref_slice %arg3[%add3A_64] : memref<6553600xi32, #tpu.memory_space<hbm>> -> memref<6400xi32, #tpu.memory_space<hbm>>
          %dma_start3A_108 = tpu.memref_slice %arg3[%add3A_64] : memref<6553600xi32, #tpu.memory_space<hbm>> -> memref<6400xi32, #tpu.memory_space<hbm>>
          tpu.enqueue_dma source(%dma_start3A_108 : memref<6400xi32, #tpu.memory_space<hbm>>) target(%arg15 : memref<6400xi32, #tpu.memory_space<vmem>>) target_semaphore(%run_scoped3A_106 : memref<!tpu.dma_semaphore, #tpu.memory_space<semaphore_mem>>)
          %dma_wait3A_109 = tpu.memref_slice %arg3[%add3A_64] : memref<6553600xi32, #tpu.memory_space<hbm>> -> memref<6400xi32, #tpu.memory_space<hbm>>
          %dma_wait3A_110 = tpu.memref_slice %arg3[%add3A_64] : memref<6553600xi32, #tpu.memory_space<hbm>> -> memref<6400xi32, #tpu.memory_space<hbm>>
          tpu.wait_dma2 semaphore(%run_scoped3A_106 : memref<!tpu.dma_semaphore, #tpu.memory_space<semaphore_mem>>) src(%dma_wait3A_110 : memref<6400xi32, #tpu.memory_space<hbm>>) dst(%arg15 : memref<6400xi32, #tpu.memory_space<vmem>>)
          tpu.yield
        }) : () -> ()
        %dma_start3A_65 = arith.constant 0 : i32
        %dma_start3A_66 = tpu.memref_slice %arg4[%dma_start3A_65] : memref<100352xf32, #tpu.memory_space<hbm>> -> memref<100352xf32, #tpu.memory_space<hbm>>
        tpu.enqueue_indirect_dma source(%dma_start3A_66 : memref<100352xf32, #tpu.memory_space<hbm>>) target(%arg19 : memref<6400xf32, #tpu.memory_space<vmem>>) offsets(%arg14 : memref<6400xi32, #tpu.memory_space<vmem>>) semaphore(%arg23 : memref<!tpu.dma_semaphore, #tpu.memory_space<semaphore_mem>>)
        %dma_start3A_67 = arith.constant 0 : i32
        %dma_start3A_68 = tpu.memref_slice %arg5[%dma_start3A_67] : memref<100352xf32, #tpu.memory_space<hbm>> -> memref<100352xf32, #tpu.memory_space<hbm>>
        tpu.enqueue_indirect_dma source(%dma_start3A_68 : memref<100352xf32, #tpu.memory_space<hbm>>) target(%arg20 : memref<6400xf32, #tpu.memory_space<vmem>>) offsets(%arg14 : memref<6400xi32, #tpu.memory_space<vmem>>) semaphore(%arg23 : memref<!tpu.dma_semaphore, #tpu.memory_space<semaphore_mem>>)
        %dma_start3A_69 = arith.constant 0 : i32
        %dma_start3A_70 = tpu.memref_slice %arg6[%dma_start3A_69] : memref<100352xf32, #tpu.memory_space<hbm>> -> memref<100352xf32, #tpu.memory_space<hbm>>
        tpu.enqueue_indirect_dma source(%dma_start3A_70 : memref<100352xf32, #tpu.memory_space<hbm>>) target(%arg21 : memref<6400xf32, #tpu.memory_space<vmem>>) offsets(%arg14 : memref<6400xi32, #tpu.memory_space<vmem>>) semaphore(%arg23 : memref<!tpu.dma_semaphore, #tpu.memory_space<semaphore_mem>>)
        %dma_wait3A = arith.constant 0 : i32
        %dma_wait3A_71 = tpu.memref_slice %arg4[%dma_wait3A] : memref<100352xf32, #tpu.memory_space<hbm>> -> memref<100352xf32, #tpu.memory_space<hbm>>
        tpu.wait_indirect_dma semaphore(%arg22 : memref<!tpu.dma_semaphore, #tpu.memory_space<semaphore_mem>>) src(%dma_wait3A_71 : memref<100352xf32, #tpu.memory_space<hbm>>) dst(%arg16 : memref<6400xf32, #tpu.memory_space<vmem>>)
        %dma_wait3A_72 = arith.constant 0 : i32
        %dma_wait3A_73 = tpu.memref_slice %arg5[%dma_wait3A_72] : memref<100352xf32, #tpu.memory_space<hbm>> -> memref<100352xf32, #tpu.memory_space<hbm>>
        tpu.wait_indirect_dma semaphore(%arg22 : memref<!tpu.dma_semaphore, #tpu.memory_space<semaphore_mem>>) src(%dma_wait3A_73 : memref<100352xf32, #tpu.memory_space<hbm>>) dst(%arg17 : memref<6400xf32, #tpu.memory_space<vmem>>)
        %dma_wait3A_74 = arith.constant 0 : i32
        %dma_wait3A_75 = tpu.memref_slice %arg6[%dma_wait3A_74] : memref<100352xf32, #tpu.memory_space<hbm>> -> memref<100352xf32, #tpu.memory_space<hbm>>
        tpu.wait_indirect_dma semaphore(%arg22 : memref<!tpu.dma_semaphore, #tpu.memory_space<semaphore_mem>>) src(%dma_wait3A_75 : memref<100352xf32, #tpu.memory_space<hbm>>) dst(%arg18 : memref<6400xf32, #tpu.memory_space<vmem>>)
        %dma_start3A_76 = arith.constant 0 : i32
        %dma_start3A_77 = tpu.memref_slice %arg9[%dma_start3A_76] : memref<100352xf32, #tpu.memory_space<vmem_shared>> -> memref<100352xf32, #tpu.memory_space<vmem_shared>>
        tpu.enqueue_indirect_dma source(%arg16 : memref<6400xf32, #tpu.memory_space<vmem>>) target(%dma_start3A_77 : memref<100352xf32, #tpu.memory_space<vmem_shared>>) offsets(%arg13 : memref<6400xi32, #tpu.memory_space<vmem>>) semaphore(%arg24 : memref<!tpu.dma_semaphore, #tpu.memory_space<semaphore_mem>>) {add = true}
        %dma_start3A_78 = arith.constant 0 : i32
        %dma_start3A_79 = tpu.memref_slice %arg10[%dma_start3A_78] : memref<100352xf32, #tpu.memory_space<vmem_shared>> -> memref<100352xf32, #tpu.memory_space<vmem_shared>>
        tpu.enqueue_indirect_dma source(%arg17 : memref<6400xf32, #tpu.memory_space<vmem>>) target(%dma_start3A_79 : memref<100352xf32, #tpu.memory_space<vmem_shared>>) offsets(%arg13 : memref<6400xi32, #tpu.memory_space<vmem>>) semaphore(%arg24 : memref<!tpu.dma_semaphore, #tpu.memory_space<semaphore_mem>>) {add = true}
        %dma_start3A_80 = arith.constant 0 : i32
        %dma_start3A_81 = tpu.memref_slice %arg11[%dma_start3A_80] : memref<100352xf32, #tpu.memory_space<vmem_shared>> -> memref<100352xf32, #tpu.memory_space<vmem_shared>>
        tpu.enqueue_indirect_dma source(%arg18 : memref<6400xf32, #tpu.memory_space<vmem>>) target(%dma_start3A_81 : memref<100352xf32, #tpu.memory_space<vmem_shared>>) offsets(%arg13 : memref<6400xi32, #tpu.memory_space<vmem>>) semaphore(%arg24 : memref<!tpu.dma_semaphore, #tpu.memory_space<semaphore_mem>>) {add = true}
        %dma_wait3A_82 = arith.constant 0 : i32
        %dma_wait3A_83 = tpu.memref_slice %arg4[%dma_wait3A_82] : memref<100352xf32, #tpu.memory_space<hbm>> -> memref<100352xf32, #tpu.memory_space<hbm>>
        tpu.wait_indirect_dma semaphore(%arg23 : memref<!tpu.dma_semaphore, #tpu.memory_space<semaphore_mem>>) src(%dma_wait3A_83 : memref<100352xf32, #tpu.memory_space<hbm>>) dst(%arg19 : memref<6400xf32, #tpu.memory_space<vmem>>)
        %dma_wait3A_84 = arith.constant 0 : i32
        %dma_wait3A_85 = tpu.memref_slice %arg5[%dma_wait3A_84] : memref<100352xf32, #tpu.memory_space<hbm>> -> memref<100352xf32, #tpu.memory_space<hbm>>
        tpu.wait_indirect_dma semaphore(%arg23 : memref<!tpu.dma_semaphore, #tpu.memory_space<semaphore_mem>>) src(%dma_wait3A_85 : memref<100352xf32, #tpu.memory_space<hbm>>) dst(%arg20 : memref<6400xf32, #tpu.memory_space<vmem>>)
        %dma_wait3A_86 = arith.constant 0 : i32
        %dma_wait3A_87 = tpu.memref_slice %arg6[%dma_wait3A_86] : memref<100352xf32, #tpu.memory_space<hbm>> -> memref<100352xf32, #tpu.memory_space<hbm>>
        tpu.wait_indirect_dma semaphore(%arg23 : memref<!tpu.dma_semaphore, #tpu.memory_space<semaphore_mem>>) src(%dma_wait3A_87 : memref<100352xf32, #tpu.memory_space<hbm>>) dst(%arg21 : memref<6400xf32, #tpu.memory_space<vmem>>)
        %dma_start3A_88 = arith.constant 0 : i32
        %dma_start3A_89 = tpu.memref_slice %arg9[%dma_start3A_88] : memref<100352xf32, #tpu.memory_space<vmem_shared>> -> memref<100352xf32, #tpu.memory_space<vmem_shared>>
        tpu.enqueue_indirect_dma source(%arg19 : memref<6400xf32, #tpu.memory_space<vmem>>) target(%dma_start3A_89 : memref<100352xf32, #tpu.memory_space<vmem_shared>>) offsets(%arg15 : memref<6400xi32, #tpu.memory_space<vmem>>) semaphore(%arg25 : memref<!tpu.dma_semaphore, #tpu.memory_space<semaphore_mem>>) {add = true}
        %dma_start3A_90 = arith.constant 0 : i32
        %dma_start3A_91 = tpu.memref_slice %arg10[%dma_start3A_90] : memref<100352xf32, #tpu.memory_space<vmem_shared>> -> memref<100352xf32, #tpu.memory_space<vmem_shared>>
        tpu.enqueue_indirect_dma source(%arg20 : memref<6400xf32, #tpu.memory_space<vmem>>) target(%dma_start3A_91 : memref<100352xf32, #tpu.memory_space<vmem_shared>>) offsets(%arg15 : memref<6400xi32, #tpu.memory_space<vmem>>) semaphore(%arg25 : memref<!tpu.dma_semaphore, #tpu.memory_space<semaphore_mem>>) {add = true}
        %dma_start3A_92 = arith.constant 0 : i32
        %dma_start3A_93 = tpu.memref_slice %arg11[%dma_start3A_92] : memref<100352xf32, #tpu.memory_space<vmem_shared>> -> memref<100352xf32, #tpu.memory_space<vmem_shared>>
        tpu.enqueue_indirect_dma source(%arg21 : memref<6400xf32, #tpu.memory_space<vmem>>) target(%dma_start3A_93 : memref<100352xf32, #tpu.memory_space<vmem_shared>>) offsets(%arg15 : memref<6400xi32, #tpu.memory_space<vmem>>) semaphore(%arg25 : memref<!tpu.dma_semaphore, #tpu.memory_space<semaphore_mem>>) {add = true}
        %dma_wait3A_94 = arith.constant 0 : i32
        %dma_wait3A_95 = tpu.memref_slice %arg9[%dma_wait3A_94] : memref<100352xf32, #tpu.memory_space<vmem_shared>> -> memref<100352xf32, #tpu.memory_space<vmem_shared>>
        tpu.wait_indirect_dma semaphore(%arg24 : memref<!tpu.dma_semaphore, #tpu.memory_space<semaphore_mem>>) src(%arg16 : memref<6400xf32, #tpu.memory_space<vmem>>) dst(%dma_wait3A_95 : memref<100352xf32, #tpu.memory_space<vmem_shared>>)
        %dma_wait3A_96 = arith.constant 0 : i32
        %dma_wait3A_97 = tpu.memref_slice %arg10[%dma_wait3A_96] : memref<100352xf32, #tpu.memory_space<vmem_shared>> -> memref<100352xf32, #tpu.memory_space<vmem_shared>>
        tpu.wait_indirect_dma semaphore(%arg24 : memref<!tpu.dma_semaphore, #tpu.memory_space<semaphore_mem>>) src(%arg17 : memref<6400xf32, #tpu.memory_space<vmem>>) dst(%dma_wait3A_97 : memref<100352xf32, #tpu.memory_space<vmem_shared>>)
        %dma_wait3A_98 = arith.constant 0 : i32
        %dma_wait3A_99 = tpu.memref_slice %arg11[%dma_wait3A_98] : memref<100352xf32, #tpu.memory_space<vmem_shared>> -> memref<100352xf32, #tpu.memory_space<vmem_shared>>
        tpu.wait_indirect_dma semaphore(%arg24 : memref<!tpu.dma_semaphore, #tpu.memory_space<semaphore_mem>>) src(%arg18 : memref<6400xf32, #tpu.memory_space<vmem>>) dst(%dma_wait3A_99 : memref<100352xf32, #tpu.memory_space<vmem_shared>>)
        %dma_wait3A_100 = arith.constant 0 : i32
        %dma_wait3A_101 = tpu.memref_slice %arg9[%dma_wait3A_100] : memref<100352xf32, #tpu.memory_space<vmem_shared>> -> memref<100352xf32, #tpu.memory_space<vmem_shared>>
        tpu.wait_indirect_dma semaphore(%arg25 : memref<!tpu.dma_semaphore, #tpu.memory_space<semaphore_mem>>) src(%arg19 : memref<6400xf32, #tpu.memory_space<vmem>>) dst(%dma_wait3A_101 : memref<100352xf32, #tpu.memory_space<vmem_shared>>)
        %dma_wait3A_102 = arith.constant 0 : i32
        %dma_wait3A_103 = tpu.memref_slice %arg10[%dma_wait3A_102] : memref<100352xf32, #tpu.memory_space<vmem_shared>> -> memref<100352xf32, #tpu.memory_space<vmem_shared>>
        tpu.wait_indirect_dma semaphore(%arg25 : memref<!tpu.dma_semaphore, #tpu.memory_space<semaphore_mem>>) src(%arg20 : memref<6400xf32, #tpu.memory_space<vmem>>) dst(%dma_wait3A_103 : memref<100352xf32, #tpu.memory_space<vmem_shared>>)
        %dma_wait3A_104 = arith.constant 0 : i32
        %dma_wait3A_105 = tpu.memref_slice %arg11[%dma_wait3A_104] : memref<100352xf32, #tpu.memory_space<vmem_shared>> -> memref<100352xf32, #tpu.memory_space<vmem_shared>>
        tpu.wait_indirect_dma semaphore(%arg25 : memref<!tpu.dma_semaphore, #tpu.memory_space<semaphore_mem>>) src(%arg21 : memref<6400xf32, #tpu.memory_space<vmem>>) dst(%dma_wait3A_105 : memref<100352xf32, #tpu.memory_space<vmem_shared>>)
      }
      %scan3A_46 = arith.constant 18 : i32
    } else {
    }
    %ne3A = arith.constant 0 : i32
    %ne3A_23 = arith.cmpi ne, %arg0, %ne3A : i32
    %convert_element_type3A_24 = arith.extui %ne3A_23 : i1 to i32
    %cond3A_25 = arith.constant 0 : i32
    %cond3A_26 = arith.cmpi ne, %convert_element_type3A_24, %cond3A_25 : i32
    scf.if %cond3A_26 {
      %scan3A = arith.constant 0 : i32
      %scan3A_42 = arith.constant 0 : i32
      %scan3A_43 = arith.constant 14 : i32
      %scan3A_44 = arith.addi %scan3A_42, %scan3A_43 : i32
      %scan3A_45 = arith.constant 1 : i32
      scf.for %scan3A_47 = %scan3A_42 to %scan3A_44 step %scan3A_45  : i32 {
        %mul3A_48 = arith.constant 2 : i32
        %mul3A_49 = arith.muli %mul3A_48, %scan3A_47 : i32
        %mul3A_50 = arith.constant 6400 : i32
        %mul3A_51 = arith.muli %mul3A_49, %mul3A_50 : i32
        %add3A_52 = arith.addi %select_n3A, %mul3A_51 : i32
        "tpu.region"() ({
          %run_scoped3A_106 = tpu.sem_alloc : memref<!tpu.dma_semaphore, #tpu.memory_space<semaphore_mem>>
          %dma_start3A_107 = tpu.memref_slice %arg2[%add3A_52] : memref<6553600xi32, #tpu.memory_space<hbm>> -> memref<6400xi32, #tpu.memory_space<hbm>>
          %dma_start3A_108 = tpu.memref_slice %arg2[%add3A_52] : memref<6553600xi32, #tpu.memory_space<hbm>> -> memref<6400xi32, #tpu.memory_space<hbm>>
          tpu.enqueue_dma source(%dma_start3A_108 : memref<6400xi32, #tpu.memory_space<hbm>>) target(%arg12 : memref<6400xi32, #tpu.memory_space<vmem>>) target_semaphore(%run_scoped3A_106 : memref<!tpu.dma_semaphore, #tpu.memory_space<semaphore_mem>>)
          %dma_wait3A_109 = tpu.memref_slice %arg2[%add3A_52] : memref<6553600xi32, #tpu.memory_space<hbm>> -> memref<6400xi32, #tpu.memory_space<hbm>>
          %dma_wait3A_110 = tpu.memref_slice %arg2[%add3A_52] : memref<6553600xi32, #tpu.memory_space<hbm>> -> memref<6400xi32, #tpu.memory_space<hbm>>
          tpu.wait_dma2 semaphore(%run_scoped3A_106 : memref<!tpu.dma_semaphore, #tpu.memory_space<semaphore_mem>>) src(%dma_wait3A_110 : memref<6400xi32, #tpu.memory_space<hbm>>) dst(%arg12 : memref<6400xi32, #tpu.memory_space<vmem>>)
          tpu.yield
        }) : () -> ()
        "tpu.region"() ({
          %run_scoped3A_106 = tpu.sem_alloc : memref<!tpu.dma_semaphore, #tpu.memory_space<semaphore_mem>>
          %dma_start3A_107 = tpu.memref_slice %arg3[%add3A_52] : memref<6553600xi32, #tpu.memory_space<hbm>> -> memref<6400xi32, #tpu.memory_space<hbm>>
          %dma_start3A_108 = tpu.memref_slice %arg3[%add3A_52] : memref<6553600xi32, #tpu.memory_space<hbm>> -> memref<6400xi32, #tpu.memory_space<hbm>>
          tpu.enqueue_dma source(%dma_start3A_108 : memref<6400xi32, #tpu.memory_space<hbm>>) target(%arg13 : memref<6400xi32, #tpu.memory_space<vmem>>) target_semaphore(%run_scoped3A_106 : memref<!tpu.dma_semaphore, #tpu.memory_space<semaphore_mem>>)
          %dma_wait3A_109 = tpu.memref_slice %arg3[%add3A_52] : memref<6553600xi32, #tpu.memory_space<hbm>> -> memref<6400xi32, #tpu.memory_space<hbm>>
          %dma_wait3A_110 = tpu.memref_slice %arg3[%add3A_52] : memref<6553600xi32, #tpu.memory_space<hbm>> -> memref<6400xi32, #tpu.memory_space<hbm>>
          tpu.wait_dma2 semaphore(%run_scoped3A_106 : memref<!tpu.dma_semaphore, #tpu.memory_space<semaphore_mem>>) src(%dma_wait3A_110 : memref<6400xi32, #tpu.memory_space<hbm>>) dst(%arg13 : memref<6400xi32, #tpu.memory_space<vmem>>)
          tpu.yield
        }) : () -> ()
        %dma_start3A = arith.constant 0 : i32
        %dma_start3A_53 = tpu.memref_slice %arg4[%dma_start3A] : memref<100352xf32, #tpu.memory_space<hbm>> -> memref<100352xf32, #tpu.memory_space<hbm>>
        tpu.enqueue_indirect_dma source(%dma_start3A_53 : memref<100352xf32, #tpu.memory_space<hbm>>) target(%arg16 : memref<6400xf32, #tpu.memory_space<vmem>>) offsets(%arg12 : memref<6400xi32, #tpu.memory_space<vmem>>) semaphore(%arg22 : memref<!tpu.dma_semaphore, #tpu.memory_space<semaphore_mem>>)
        %dma_start3A_54 = arith.constant 0 : i32
        %dma_start3A_55 = tpu.memref_slice %arg5[%dma_start3A_54] : memref<100352xf32, #tpu.memory_space<hbm>> -> memref<100352xf32, #tpu.memory_space<hbm>>
        tpu.enqueue_indirect_dma source(%dma_start3A_55 : memref<100352xf32, #tpu.memory_space<hbm>>) target(%arg17 : memref<6400xf32, #tpu.memory_space<vmem>>) offsets(%arg12 : memref<6400xi32, #tpu.memory_space<vmem>>) semaphore(%arg22 : memref<!tpu.dma_semaphore, #tpu.memory_space<semaphore_mem>>)
        %dma_start3A_56 = arith.constant 0 : i32
        %dma_start3A_57 = tpu.memref_slice %arg6[%dma_start3A_56] : memref<100352xf32, #tpu.memory_space<hbm>> -> memref<100352xf32, #tpu.memory_space<hbm>>
        tpu.enqueue_indirect_dma source(%dma_start3A_57 : memref<100352xf32, #tpu.memory_space<hbm>>) target(%arg18 : memref<6400xf32, #tpu.memory_space<vmem>>) offsets(%arg12 : memref<6400xi32, #tpu.memory_space<vmem>>) semaphore(%arg22 : memref<!tpu.dma_semaphore, #tpu.memory_space<semaphore_mem>>)
        %mul3A_58 = arith.constant 2 : i32
        %mul3A_59 = arith.muli %mul3A_58, %scan3A_47 : i32
        %add3A_60 = arith.constant 1 : i32
        %add3A_61 = arith.addi %mul3A_59, %add3A_60 : i32
        %mul3A_62 = arith.constant 6400 : i32
        %mul3A_63 = arith.muli %add3A_61, %mul3A_62 : i32
        %add3A_64 = arith.addi %select_n3A, %mul3A_63 : i32
        "tpu.region"() ({
          %run_scoped3A_106 = tpu.sem_alloc : memref<!tpu.dma_semaphore, #tpu.memory_space<semaphore_mem>>
          %dma_start3A_107 = tpu.memref_slice %arg2[%add3A_64] : memref<6553600xi32, #tpu.memory_space<hbm>> -> memref<6400xi32, #tpu.memory_space<hbm>>
          %dma_start3A_108 = tpu.memref_slice %arg2[%add3A_64] : memref<6553600xi32, #tpu.memory_space<hbm>> -> memref<6400xi32, #tpu.memory_space<hbm>>
          tpu.enqueue_dma source(%dma_start3A_108 : memref<6400xi32, #tpu.memory_space<hbm>>) target(%arg14 : memref<6400xi32, #tpu.memory_space<vmem>>) target_semaphore(%run_scoped3A_106 : memref<!tpu.dma_semaphore, #tpu.memory_space<semaphore_mem>>)
          %dma_wait3A_109 = tpu.memref_slice %arg2[%add3A_64] : memref<6553600xi32, #tpu.memory_space<hbm>> -> memref<6400xi32, #tpu.memory_space<hbm>>
          %dma_wait3A_110 = tpu.memref_slice %arg2[%add3A_64] : memref<6553600xi32, #tpu.memory_space<hbm>> -> memref<6400xi32, #tpu.memory_space<hbm>>
          tpu.wait_dma2 semaphore(%run_scoped3A_106 : memref<!tpu.dma_semaphore, #tpu.memory_space<semaphore_mem>>) src(%dma_wait3A_110 : memref<6400xi32, #tpu.memory_space<hbm>>) dst(%arg14 : memref<6400xi32, #tpu.memory_space<vmem>>)
          tpu.yield
        }) : () -> ()
        "tpu.region"() ({
          %run_scoped3A_106 = tpu.sem_alloc : memref<!tpu.dma_semaphore, #tpu.memory_space<semaphore_mem>>
          %dma_start3A_107 = tpu.memref_slice %arg3[%add3A_64] : memref<6553600xi32, #tpu.memory_space<hbm>> -> memref<6400xi32, #tpu.memory_space<hbm>>
          %dma_start3A_108 = tpu.memref_slice %arg3[%add3A_64] : memref<6553600xi32, #tpu.memory_space<hbm>> -> memref<6400xi32, #tpu.memory_space<hbm>>
          tpu.enqueue_dma source(%dma_start3A_108 : memref<6400xi32, #tpu.memory_space<hbm>>) target(%arg15 : memref<6400xi32, #tpu.memory_space<vmem>>) target_semaphore(%run_scoped3A_106 : memref<!tpu.dma_semaphore, #tpu.memory_space<semaphore_mem>>)
          %dma_wait3A_109 = tpu.memref_slice %arg3[%add3A_64] : memref<6553600xi32, #tpu.memory_space<hbm>> -> memref<6400xi32, #tpu.memory_space<hbm>>
          %dma_wait3A_110 = tpu.memref_slice %arg3[%add3A_64] : memref<6553600xi32, #tpu.memory_space<hbm>> -> memref<6400xi32, #tpu.memory_space<hbm>>
          tpu.wait_dma2 semaphore(%run_scoped3A_106 : memref<!tpu.dma_semaphore, #tpu.memory_space<semaphore_mem>>) src(%dma_wait3A_110 : memref<6400xi32, #tpu.memory_space<hbm>>) dst(%arg15 : memref<6400xi32, #tpu.memory_space<vmem>>)
          tpu.yield
        }) : () -> ()
        %dma_start3A_65 = arith.constant 0 : i32
        %dma_start3A_66 = tpu.memref_slice %arg4[%dma_start3A_65] : memref<100352xf32, #tpu.memory_space<hbm>> -> memref<100352xf32, #tpu.memory_space<hbm>>
        tpu.enqueue_indirect_dma source(%dma_start3A_66 : memref<100352xf32, #tpu.memory_space<hbm>>) target(%arg19 : memref<6400xf32, #tpu.memory_space<vmem>>) offsets(%arg14 : memref<6400xi32, #tpu.memory_space<vmem>>) semaphore(%arg23 : memref<!tpu.dma_semaphore, #tpu.memory_space<semaphore_mem>>)
        %dma_start3A_67 = arith.constant 0 : i32
        %dma_start3A_68 = tpu.memref_slice %arg5[%dma_start3A_67] : memref<100352xf32, #tpu.memory_space<hbm>> -> memref<100352xf32, #tpu.memory_space<hbm>>
        tpu.enqueue_indirect_dma source(%dma_start3A_68 : memref<100352xf32, #tpu.memory_space<hbm>>) target(%arg20 : memref<6400xf32, #tpu.memory_space<vmem>>) offsets(%arg14 : memref<6400xi32, #tpu.memory_space<vmem>>) semaphore(%arg23 : memref<!tpu.dma_semaphore, #tpu.memory_space<semaphore_mem>>)
        %dma_start3A_69 = arith.constant 0 : i32
        %dma_start3A_70 = tpu.memref_slice %arg6[%dma_start3A_69] : memref<100352xf32, #tpu.memory_space<hbm>> -> memref<100352xf32, #tpu.memory_space<hbm>>
        tpu.enqueue_indirect_dma source(%dma_start3A_70 : memref<100352xf32, #tpu.memory_space<hbm>>) target(%arg21 : memref<6400xf32, #tpu.memory_space<vmem>>) offsets(%arg14 : memref<6400xi32, #tpu.memory_space<vmem>>) semaphore(%arg23 : memref<!tpu.dma_semaphore, #tpu.memory_space<semaphore_mem>>)
        %dma_wait3A = arith.constant 0 : i32
        %dma_wait3A_71 = tpu.memref_slice %arg4[%dma_wait3A] : memref<100352xf32, #tpu.memory_space<hbm>> -> memref<100352xf32, #tpu.memory_space<hbm>>
        tpu.wait_indirect_dma semaphore(%arg22 : memref<!tpu.dma_semaphore, #tpu.memory_space<semaphore_mem>>) src(%dma_wait3A_71 : memref<100352xf32, #tpu.memory_space<hbm>>) dst(%arg16 : memref<6400xf32, #tpu.memory_space<vmem>>)
        %dma_wait3A_72 = arith.constant 0 : i32
        %dma_wait3A_73 = tpu.memref_slice %arg5[%dma_wait3A_72] : memref<100352xf32, #tpu.memory_space<hbm>> -> memref<100352xf32, #tpu.memory_space<hbm>>
        tpu.wait_indirect_dma semaphore(%arg22 : memref<!tpu.dma_semaphore, #tpu.memory_space<semaphore_mem>>) src(%dma_wait3A_73 : memref<100352xf32, #tpu.memory_space<hbm>>) dst(%arg17 : memref<6400xf32, #tpu.memory_space<vmem>>)
        %dma_wait3A_74 = arith.constant 0 : i32
        %dma_wait3A_75 = tpu.memref_slice %arg6[%dma_wait3A_74] : memref<100352xf32, #tpu.memory_space<hbm>> -> memref<100352xf32, #tpu.memory_space<hbm>>
        tpu.wait_indirect_dma semaphore(%arg22 : memref<!tpu.dma_semaphore, #tpu.memory_space<semaphore_mem>>) src(%dma_wait3A_75 : memref<100352xf32, #tpu.memory_space<hbm>>) dst(%arg18 : memref<6400xf32, #tpu.memory_space<vmem>>)
        %dma_start3A_76 = arith.constant 0 : i32
        %dma_start3A_77 = tpu.memref_slice %arg9[%dma_start3A_76] : memref<100352xf32, #tpu.memory_space<vmem_shared>> -> memref<100352xf32, #tpu.memory_space<vmem_shared>>
        tpu.enqueue_indirect_dma source(%arg16 : memref<6400xf32, #tpu.memory_space<vmem>>) target(%dma_start3A_77 : memref<100352xf32, #tpu.memory_space<vmem_shared>>) offsets(%arg13 : memref<6400xi32, #tpu.memory_space<vmem>>) semaphore(%arg24 : memref<!tpu.dma_semaphore, #tpu.memory_space<semaphore_mem>>) {add = true}
        %dma_start3A_78 = arith.constant 0 : i32
        %dma_start3A_79 = tpu.memref_slice %arg10[%dma_start3A_78] : memref<100352xf32, #tpu.memory_space<vmem_shared>> -> memref<100352xf32, #tpu.memory_space<vmem_shared>>
        tpu.enqueue_indirect_dma source(%arg17 : memref<6400xf32, #tpu.memory_space<vmem>>) target(%dma_start3A_79 : memref<100352xf32, #tpu.memory_space<vmem_shared>>) offsets(%arg13 : memref<6400xi32, #tpu.memory_space<vmem>>) semaphore(%arg24 : memref<!tpu.dma_semaphore, #tpu.memory_space<semaphore_mem>>) {add = true}
        %dma_start3A_80 = arith.constant 0 : i32
        %dma_start3A_81 = tpu.memref_slice %arg11[%dma_start3A_80] : memref<100352xf32, #tpu.memory_space<vmem_shared>> -> memref<100352xf32, #tpu.memory_space<vmem_shared>>
        tpu.enqueue_indirect_dma source(%arg18 : memref<6400xf32, #tpu.memory_space<vmem>>) target(%dma_start3A_81 : memref<100352xf32, #tpu.memory_space<vmem_shared>>) offsets(%arg13 : memref<6400xi32, #tpu.memory_space<vmem>>) semaphore(%arg24 : memref<!tpu.dma_semaphore, #tpu.memory_space<semaphore_mem>>) {add = true}
        %dma_wait3A_82 = arith.constant 0 : i32
        %dma_wait3A_83 = tpu.memref_slice %arg4[%dma_wait3A_82] : memref<100352xf32, #tpu.memory_space<hbm>> -> memref<100352xf32, #tpu.memory_space<hbm>>
        tpu.wait_indirect_dma semaphore(%arg23 : memref<!tpu.dma_semaphore, #tpu.memory_space<semaphore_mem>>) src(%dma_wait3A_83 : memref<100352xf32, #tpu.memory_space<hbm>>) dst(%arg19 : memref<6400xf32, #tpu.memory_space<vmem>>)
        %dma_wait3A_84 = arith.constant 0 : i32
        %dma_wait3A_85 = tpu.memref_slice %arg5[%dma_wait3A_84] : memref<100352xf32, #tpu.memory_space<hbm>> -> memref<100352xf32, #tpu.memory_space<hbm>>
        tpu.wait_indirect_dma semaphore(%arg23 : memref<!tpu.dma_semaphore, #tpu.memory_space<semaphore_mem>>) src(%dma_wait3A_85 : memref<100352xf32, #tpu.memory_space<hbm>>) dst(%arg20 : memref<6400xf32, #tpu.memory_space<vmem>>)
        %dma_wait3A_86 = arith.constant 0 : i32
        %dma_wait3A_87 = tpu.memref_slice %arg6[%dma_wait3A_86] : memref<100352xf32, #tpu.memory_space<hbm>> -> memref<100352xf32, #tpu.memory_space<hbm>>
        tpu.wait_indirect_dma semaphore(%arg23 : memref<!tpu.dma_semaphore, #tpu.memory_space<semaphore_mem>>) src(%dma_wait3A_87 : memref<100352xf32, #tpu.memory_space<hbm>>) dst(%arg21 : memref<6400xf32, #tpu.memory_space<vmem>>)
        %dma_start3A_88 = arith.constant 0 : i32
        %dma_start3A_89 = tpu.memref_slice %arg9[%dma_start3A_88] : memref<100352xf32, #tpu.memory_space<vmem_shared>> -> memref<100352xf32, #tpu.memory_space<vmem_shared>>
        tpu.enqueue_indirect_dma source(%arg19 : memref<6400xf32, #tpu.memory_space<vmem>>) target(%dma_start3A_89 : memref<100352xf32, #tpu.memory_space<vmem_shared>>) offsets(%arg15 : memref<6400xi32, #tpu.memory_space<vmem>>) semaphore(%arg25 : memref<!tpu.dma_semaphore, #tpu.memory_space<semaphore_mem>>) {add = true}
        %dma_start3A_90 = arith.constant 0 : i32
        %dma_start3A_91 = tpu.memref_slice %arg10[%dma_start3A_90] : memref<100352xf32, #tpu.memory_space<vmem_shared>> -> memref<100352xf32, #tpu.memory_space<vmem_shared>>
        tpu.enqueue_indirect_dma source(%arg20 : memref<6400xf32, #tpu.memory_space<vmem>>) target(%dma_start3A_91 : memref<100352xf32, #tpu.memory_space<vmem_shared>>) offsets(%arg15 : memref<6400xi32, #tpu.memory_space<vmem>>) semaphore(%arg25 : memref<!tpu.dma_semaphore, #tpu.memory_space<semaphore_mem>>) {add = true}
        %dma_start3A_92 = arith.constant 0 : i32
        %dma_start3A_93 = tpu.memref_slice %arg11[%dma_start3A_92] : memref<100352xf32, #tpu.memory_space<vmem_shared>> -> memref<100352xf32, #tpu.memory_space<vmem_shared>>
        tpu.enqueue_indirect_dma source(%arg21 : memref<6400xf32, #tpu.memory_space<vmem>>) target(%dma_start3A_93 : memref<100352xf32, #tpu.memory_space<vmem_shared>>) offsets(%arg15 : memref<6400xi32, #tpu.memory_space<vmem>>) semaphore(%arg25 : memref<!tpu.dma_semaphore, #tpu.memory_space<semaphore_mem>>) {add = true}
        %dma_wait3A_94 = arith.constant 0 : i32
        %dma_wait3A_95 = tpu.memref_slice %arg9[%dma_wait3A_94] : memref<100352xf32, #tpu.memory_space<vmem_shared>> -> memref<100352xf32, #tpu.memory_space<vmem_shared>>
        tpu.wait_indirect_dma semaphore(%arg24 : memref<!tpu.dma_semaphore, #tpu.memory_space<semaphore_mem>>) src(%arg16 : memref<6400xf32, #tpu.memory_space<vmem>>) dst(%dma_wait3A_95 : memref<100352xf32, #tpu.memory_space<vmem_shared>>)
        %dma_wait3A_96 = arith.constant 0 : i32
        %dma_wait3A_97 = tpu.memref_slice %arg10[%dma_wait3A_96] : memref<100352xf32, #tpu.memory_space<vmem_shared>> -> memref<100352xf32, #tpu.memory_space<vmem_shared>>
        tpu.wait_indirect_dma semaphore(%arg24 : memref<!tpu.dma_semaphore, #tpu.memory_space<semaphore_mem>>) src(%arg17 : memref<6400xf32, #tpu.memory_space<vmem>>) dst(%dma_wait3A_97 : memref<100352xf32, #tpu.memory_space<vmem_shared>>)
        %dma_wait3A_98 = arith.constant 0 : i32
        %dma_wait3A_99 = tpu.memref_slice %arg11[%dma_wait3A_98] : memref<100352xf32, #tpu.memory_space<vmem_shared>> -> memref<100352xf32, #tpu.memory_space<vmem_shared>>
        tpu.wait_indirect_dma semaphore(%arg24 : memref<!tpu.dma_semaphore, #tpu.memory_space<semaphore_mem>>) src(%arg18 : memref<6400xf32, #tpu.memory_space<vmem>>) dst(%dma_wait3A_99 : memref<100352xf32, #tpu.memory_space<vmem_shared>>)
        %dma_wait3A_100 = arith.constant 0 : i32
        %dma_wait3A_101 = tpu.memref_slice %arg9[%dma_wait3A_100] : memref<100352xf32, #tpu.memory_space<vmem_shared>> -> memref<100352xf32, #tpu.memory_space<vmem_shared>>
        tpu.wait_indirect_dma semaphore(%arg25 : memref<!tpu.dma_semaphore, #tpu.memory_space<semaphore_mem>>) src(%arg19 : memref<6400xf32, #tpu.memory_space<vmem>>) dst(%dma_wait3A_101 : memref<100352xf32, #tpu.memory_space<vmem_shared>>)
        %dma_wait3A_102 = arith.constant 0 : i32
        %dma_wait3A_103 = tpu.memref_slice %arg10[%dma_wait3A_102] : memref<100352xf32, #tpu.memory_space<vmem_shared>> -> memref<100352xf32, #tpu.memory_space<vmem_shared>>
        tpu.wait_indirect_dma semaphore(%arg25 : memref<!tpu.dma_semaphore, #tpu.memory_space<semaphore_mem>>) src(%arg20 : memref<6400xf32, #tpu.memory_space<vmem>>) dst(%dma_wait3A_103 : memref<100352xf32, #tpu.memory_space<vmem_shared>>)
        %dma_wait3A_104 = arith.constant 0 : i32
        %dma_wait3A_105 = tpu.memref_slice %arg11[%dma_wait3A_104] : memref<100352xf32, #tpu.memory_space<vmem_shared>> -> memref<100352xf32, #tpu.memory_space<vmem_shared>>
        tpu.wait_indirect_dma semaphore(%arg25 : memref<!tpu.dma_semaphore, #tpu.memory_space<semaphore_mem>>) src(%arg21 : memref<6400xf32, #tpu.memory_space<vmem>>) dst(%dma_wait3A_105 : memref<100352xf32, #tpu.memory_space<vmem_shared>>)
      }
      %scan3A_46 = arith.constant 14 : i32
    } else {
    }
    %barrier3A_27 = arith.constant 0 : index
    tpu.barrier barrier_id(%barrier3A_27)
    %mul3A_28 = arith.constant 6272 : i32
    %mul3A_29 = arith.muli %arg1, %mul3A_28 : i32
    %mul3A_30 = arith.constant 6272 : i32
    %mul3A_31 = arith.muli %arg1, %mul3A_30 : i32
    %run_scoped3A = arith.constant 0 : i32
    "tpu.region"() ({
      %run_scoped3A_42 = tpu.sem_alloc : memref<!tpu.dma_semaphore, #tpu.memory_space<semaphore_mem>>
      %dma_start3A = tpu.memref_slice %arg8[%arg0, %run_scoped3A, %mul3A_31] : memref<2x3x100352xf32, #tpu.memory_space<hbm>> -> memref<1x1x6272xf32, #tpu.memory_space<hbm>>
      %dma_start3A_43 = tpu.memref_squeeze %dma_start3A : memref<1x1x6272xf32, #tpu.memory_space<hbm>> -> memref<6272xf32, #tpu.memory_space<hbm>>
      %dma_start3A_44 = tpu.memref_slice %arg9[%mul3A_29] : memref<100352xf32, #tpu.memory_space<vmem_shared>> -> memref<6272xf32, #tpu.memory_space<vmem_shared>>
      tpu.enqueue_dma source(%dma_start3A_44 : memref<6272xf32, #tpu.memory_space<vmem_shared>>) target(%dma_start3A_43 : memref<6272xf32, #tpu.memory_space<hbm>>) target_semaphore(%run_scoped3A_42 : memref<!tpu.dma_semaphore, #tpu.memory_space<semaphore_mem>>)
      %dma_wait3A = tpu.memref_slice %arg8[%arg0, %run_scoped3A, %mul3A_31] : memref<2x3x100352xf32, #tpu.memory_space<hbm>> -> memref<1x1x6272xf32, #tpu.memory_space<hbm>>
      %dma_wait3A_45 = tpu.memref_squeeze %dma_wait3A : memref<1x1x6272xf32, #tpu.memory_space<hbm>> -> memref<6272xf32, #tpu.memory_space<hbm>>
      %dma_wait3A_46 = tpu.memref_slice %arg9[%mul3A_29] : memref<100352xf32, #tpu.memory_space<vmem_shared>> -> memref<6272xf32, #tpu.memory_space<vmem_shared>>
      tpu.wait_dma2 semaphore(%run_scoped3A_42 : memref<!tpu.dma_semaphore, #tpu.memory_space<semaphore_mem>>) src(%dma_wait3A_46 : memref<6272xf32, #tpu.memory_space<vmem_shared>>) dst(%dma_wait3A_45 : memref<6272xf32, #tpu.memory_space<hbm>>)
      tpu.yield
    }) : () -> ()
    %mul3A_32 = arith.constant 6272 : i32
    %mul3A_33 = arith.muli %arg1, %mul3A_32 : i32
    %mul3A_34 = arith.constant 6272 : i32
    %mul3A_35 = arith.muli %arg1, %mul3A_34 : i32
    %run_scoped3A_36 = arith.constant 1 : i32
    "tpu.region"() ({
      %run_scoped3A_42 = tpu.sem_alloc : memref<!tpu.dma_semaphore, #tpu.memory_space<semaphore_mem>>
      %dma_start3A = tpu.memref_slice %arg8[%arg0, %run_scoped3A_36, %mul3A_35] : memref<2x3x100352xf32, #tpu.memory_space<hbm>> -> memref<1x1x6272xf32, #tpu.memory_space<hbm>>
      %dma_start3A_43 = tpu.memref_squeeze %dma_start3A : memref<1x1x6272xf32, #tpu.memory_space<hbm>> -> memref<6272xf32, #tpu.memory_space<hbm>>
      %dma_start3A_44 = tpu.memref_slice %arg10[%mul3A_33] : memref<100352xf32, #tpu.memory_space<vmem_shared>> -> memref<6272xf32, #tpu.memory_space<vmem_shared>>
      tpu.enqueue_dma source(%dma_start3A_44 : memref<6272xf32, #tpu.memory_space<vmem_shared>>) target(%dma_start3A_43 : memref<6272xf32, #tpu.memory_space<hbm>>) target_semaphore(%run_scoped3A_42 : memref<!tpu.dma_semaphore, #tpu.memory_space<semaphore_mem>>)
      %dma_wait3A = tpu.memref_slice %arg8[%arg0, %run_scoped3A_36, %mul3A_35] : memref<2x3x100352xf32, #tpu.memory_space<hbm>> -> memref<1x1x6272xf32, #tpu.memory_space<hbm>>
      %dma_wait3A_45 = tpu.memref_squeeze %dma_wait3A : memref<1x1x6272xf32, #tpu.memory_space<hbm>> -> memref<6272xf32, #tpu.memory_space<hbm>>
      %dma_wait3A_46 = tpu.memref_slice %arg10[%mul3A_33] : memref<100352xf32, #tpu.memory_space<vmem_shared>> -> memref<6272xf32, #tpu.memory_space<vmem_shared>>
      tpu.wait_dma2 semaphore(%run_scoped3A_42 : memref<!tpu.dma_semaphore, #tpu.memory_space<semaphore_mem>>) src(%dma_wait3A_46 : memref<6272xf32, #tpu.memory_space<vmem_shared>>) dst(%dma_wait3A_45 : memref<6272xf32, #tpu.memory_space<hbm>>)
      tpu.yield
    }) : () -> ()
    %mul3A_37 = arith.constant 6272 : i32
    %mul3A_38 = arith.muli %arg1, %mul3A_37 : i32
    %mul3A_39 = arith.constant 6272 : i32
    %mul3A_40 = arith.muli %arg1, %mul3A_39 : i32
    %run_scoped3A_41 = arith.constant 2 : i32
    "tpu.region"() ({
      %run_scoped3A_42 = tpu.sem_alloc : memref<!tpu.dma_semaphore, #tpu.memory_space<semaphore_mem>>
      %dma_start3A = tpu.memref_slice %arg8[%arg0, %run_scoped3A_41, %mul3A_40] : memref<2x3x100352xf32, #tpu.memory_space<hbm>> -> memref<1x1x6272xf32, #tpu.memory_space<hbm>>
      %dma_start3A_43 = tpu.memref_squeeze %dma_start3A : memref<1x1x6272xf32, #tpu.memory_space<hbm>> -> memref<6272xf32, #tpu.memory_space<hbm>>
      %dma_start3A_44 = tpu.memref_slice %arg11[%mul3A_38] : memref<100352xf32, #tpu.memory_space<vmem_shared>> -> memref<6272xf32, #tpu.memory_space<vmem_shared>>
      tpu.enqueue_dma source(%dma_start3A_44 : memref<6272xf32, #tpu.memory_space<vmem_shared>>) target(%dma_start3A_43 : memref<6272xf32, #tpu.memory_space<hbm>>) target_semaphore(%run_scoped3A_42 : memref<!tpu.dma_semaphore, #tpu.memory_space<semaphore_mem>>)
      %dma_wait3A = tpu.memref_slice %arg8[%arg0, %run_scoped3A_41, %mul3A_40] : memref<2x3x100352xf32, #tpu.memory_space<hbm>> -> memref<1x1x6272xf32, #tpu.memory_space<hbm>>
      %dma_wait3A_45 = tpu.memref_squeeze %dma_wait3A : memref<1x1x6272xf32, #tpu.memory_space<hbm>> -> memref<6272xf32, #tpu.memory_space<hbm>>
      %dma_wait3A_46 = tpu.memref_slice %arg11[%mul3A_38] : memref<100352xf32, #tpu.memory_space<vmem_shared>> -> memref<6272xf32, #tpu.memory_space<vmem_shared>>
      tpu.wait_dma2 semaphore(%run_scoped3A_42 : memref<!tpu.dma_semaphore, #tpu.memory_space<semaphore_mem>>) src(%dma_wait3A_46 : memref<6272xf32, #tpu.memory_space<vmem_shared>>) dst(%dma_wait3A_45 : memref<6272xf32, #tpu.memory_space<hbm>>)
      tpu.yield
    }) : () -> ()
    return
  }
}

#map = affine_map<(d0, d1) -> (0)>
#map1 = affine_map<(d0, d1) -> (0, 0)>
module attributes {stable_mosaic.version = 14 : i64} {
  func.func @_p1_body(%arg0: i32, %arg1: i32, %arg2: memref<6553600xi32, #tpu.memory_space<hbm>>, %arg3: memref<100352xi32, #tpu.memory_space<hbm>>, %arg4: memref<12800xf32, #tpu.memory_space<hbm>>, %arg5: memref<100352xf32, #tpu.memory_space<hbm>>, %arg6: memref<2x100352xf32, #tpu.memory_space<hbm>>, %arg7: memref<384xf32, #tpu.memory_space<hbm>>, %arg8: memref<100352xf32, #tpu.memory_space<vmem_shared>>, %arg9: memref<384xf32, #tpu.memory_space<vmem_shared>>, %arg10: memref<12800xf32, #tpu.memory_space<vmem>>, %arg11: memref<12800xi32, #tpu.memory_space<vmem>>, %arg12: memref<12800xi32, #tpu.memory_space<vmem>>, %arg13: memref<6272xi32, #tpu.memory_space<vmem>>, %arg14: memref<!tpu.dma_semaphore, #tpu.memory_space<semaphore_mem>>, %arg15: memref<!tpu.dma_semaphore, #tpu.memory_space<semaphore_mem>>) attributes {dimension_semantics = [#tpu.dimension_semantics<core_parallel>, #tpu.dimension_semantics<subcore_parallel>], iteration_bounds = array<i64: 2, 16>, scalar_prefetch = 0 : i64, scratch_operands = 8 : i64, tpu.core_type = #tpu.core_type<sc_vector_subcore>, window_params = [{transform_indices = #map}, {transform_indices = #map}, {transform_indices = #map}, {transform_indices = #map}, {transform_indices = #map1}, {transform_indices = #map}]} {
    %mul3A = arith.constant 2 : i32
    %mul3A_0 = arith.muli %arg1, %mul3A : i32
    %add3A = arith.addi %mul3A_0, %arg0 : i32
    "tpu.region"() ({
      %run_scoped3A = tpu.sem_alloc : memref<!tpu.dma_semaphore, #tpu.memory_space<semaphore_mem>>
      tpu.enqueue_dma source(%arg4 : memref<12800xf32, #tpu.memory_space<hbm>>) target(%arg10 : memref<12800xf32, #tpu.memory_space<vmem>>) target_semaphore(%run_scoped3A : memref<!tpu.dma_semaphore, #tpu.memory_space<semaphore_mem>>)
      tpu.wait_dma2 semaphore(%run_scoped3A : memref<!tpu.dma_semaphore, #tpu.memory_space<semaphore_mem>>) src(%arg4 : memref<12800xf32, #tpu.memory_space<hbm>>) dst(%arg10 : memref<12800xf32, #tpu.memory_space<vmem>>)
      tpu.yield
    }) : () -> ()
    %mul3A_1 = arith.constant 6272 : i32
    %mul3A_2 = arith.muli %arg1, %mul3A_1 : i32
    %mul3A_3 = arith.constant 6272 : i32
    %mul3A_4 = arith.muli %arg1, %mul3A_3 : i32
    "tpu.region"() ({
      %run_scoped3A = tpu.sem_alloc : memref<!tpu.dma_semaphore, #tpu.memory_space<semaphore_mem>>
      %dma_start3A = tpu.memref_slice %arg8[%mul3A_4] : memref<100352xf32, #tpu.memory_space<vmem_shared>> -> memref<6272xf32, #tpu.memory_space<vmem_shared>>
      %dma_start3A_44 = tpu.memref_slice %arg5[%mul3A_2] : memref<100352xf32, #tpu.memory_space<hbm>> -> memref<6272xf32, #tpu.memory_space<hbm>>
      tpu.enqueue_dma source(%dma_start3A_44 : memref<6272xf32, #tpu.memory_space<hbm>>) target(%dma_start3A : memref<6272xf32, #tpu.memory_space<vmem_shared>>) target_semaphore(%run_scoped3A : memref<!tpu.dma_semaphore, #tpu.memory_space<semaphore_mem>>)
      %dma_wait3A = tpu.memref_slice %arg8[%mul3A_4] : memref<100352xf32, #tpu.memory_space<vmem_shared>> -> memref<6272xf32, #tpu.memory_space<vmem_shared>>
      %dma_wait3A_45 = tpu.memref_slice %arg5[%mul3A_2] : memref<100352xf32, #tpu.memory_space<hbm>> -> memref<6272xf32, #tpu.memory_space<hbm>>
      tpu.wait_dma2 semaphore(%run_scoped3A : memref<!tpu.dma_semaphore, #tpu.memory_space<semaphore_mem>>) src(%dma_wait3A_45 : memref<6272xf32, #tpu.memory_space<hbm>>) dst(%dma_wait3A : memref<6272xf32, #tpu.memory_space<vmem_shared>>)
      tpu.yield
    }) : () -> ()
    %eq3A = arith.constant 0 : i32
    %eq3A_5 = arith.cmpi eq, %arg0, %eq3A : i32
    %eq3A_6 = arith.constant 0 : i32
    %eq3A_7 = arith.cmpi eq, %arg1, %eq3A_6 : i32
    %and3A = arith.andi %eq3A_5, %eq3A_7 : i1
    %convert_element_type3A = arith.extui %and3A : i1 to i32
    %cond3A = arith.constant 0 : i32
    %cond3A_8 = arith.cmpi ne, %convert_element_type3A, %cond3A : i32
    scf.if %cond3A_8 {
      "tpu.region"() ({
        %run_scoped3A = tpu.sem_alloc : memref<!tpu.dma_semaphore, #tpu.memory_space<semaphore_mem>>
        %dma_start3A = arith.constant 0 : i32
        %dma_start3A_44 = tpu.memref_slice %arg5[%dma_start3A] : memref<100352xf32, #tpu.memory_space<hbm>> -> memref<384xf32, #tpu.memory_space<hbm>>
        tpu.enqueue_dma source(%dma_start3A_44 : memref<384xf32, #tpu.memory_space<hbm>>) target(%arg9 : memref<384xf32, #tpu.memory_space<vmem_shared>>) target_semaphore(%run_scoped3A : memref<!tpu.dma_semaphore, #tpu.memory_space<semaphore_mem>>)
        %dma_wait3A = arith.constant 0 : i32
        %dma_wait3A_45 = tpu.memref_slice %arg5[%dma_wait3A] : memref<100352xf32, #tpu.memory_space<hbm>> -> memref<384xf32, #tpu.memory_space<hbm>>
        tpu.wait_dma2 semaphore(%run_scoped3A : memref<!tpu.dma_semaphore, #tpu.memory_space<semaphore_mem>>) src(%dma_wait3A_45 : memref<384xf32, #tpu.memory_space<hbm>>) dst(%arg9 : memref<384xf32, #tpu.memory_space<vmem_shared>>)
        tpu.yield
      }) : () -> ()
    } else {
    }
    %barrier3A = arith.constant 0 : index
    tpu.barrier barrier_id(%barrier3A)
    %eq3A_9 = arith.constant 0 : i32
    %eq3A_10 = arith.cmpi eq, %arg0, %eq3A_9 : i32
    %mul3A_11 = arith.constant 230400 : i32
    %mul3A_12 = arith.muli %arg1, %mul3A_11 : i32
    %mul3A_13 = arith.constant 179200 : i32
    %mul3A_14 = arith.muli %arg1, %mul3A_13 : i32
    %add3A_15 = arith.constant 3686400 : i32
    %add3A_16 = arith.addi %add3A_15, %mul3A_14 : i32
    %select_n3A = arith.select %eq3A_10, %mul3A_12, %add3A_16 : i32
    %eq3A_17 = arith.constant 0 : i32
    %eq3A_18 = arith.cmpi eq, %arg0, %eq3A_17 : i32
    %convert_element_type3A_19 = arith.extui %eq3A_18 : i1 to i32
    %cond3A_20 = arith.constant 0 : i32
    %cond3A_21 = arith.cmpi ne, %convert_element_type3A_19, %cond3A_20 : i32
    scf.if %cond3A_21 {
      %scan3A = arith.constant 0 : i32
      %scan3A_44 = arith.constant 0 : i32
      %scan3A_45 = arith.constant 9 : i32
      %scan3A_46 = arith.addi %scan3A_44, %scan3A_45 : i32
      %scan3A_47 = arith.constant 1 : i32
      scf.for %scan3A_49 = %scan3A_44 to %scan3A_46 step %scan3A_47  : i32 {
        %mul3A_50 = arith.constant 2 : i32
        %mul3A_51 = arith.muli %mul3A_50, %scan3A_49 : i32
        %mul3A_52 = arith.constant 12800 : i32
        %mul3A_53 = arith.muli %mul3A_51, %mul3A_52 : i32
        %add3A_54 = arith.addi %select_n3A, %mul3A_53 : i32
        "tpu.region"() ({
          %run_scoped3A = tpu.sem_alloc : memref<!tpu.dma_semaphore, #tpu.memory_space<semaphore_mem>>
          %dma_start3A_71 = tpu.memref_slice %arg2[%add3A_54] : memref<6553600xi32, #tpu.memory_space<hbm>> -> memref<12800xi32, #tpu.memory_space<hbm>>
          %dma_start3A_72 = tpu.memref_slice %arg2[%add3A_54] : memref<6553600xi32, #tpu.memory_space<hbm>> -> memref<12800xi32, #tpu.memory_space<hbm>>
          tpu.enqueue_dma source(%dma_start3A_72 : memref<12800xi32, #tpu.memory_space<hbm>>) target(%arg11 : memref<12800xi32, #tpu.memory_space<vmem>>) target_semaphore(%run_scoped3A : memref<!tpu.dma_semaphore, #tpu.memory_space<semaphore_mem>>)
          %dma_wait3A_73 = tpu.memref_slice %arg2[%add3A_54] : memref<6553600xi32, #tpu.memory_space<hbm>> -> memref<12800xi32, #tpu.memory_space<hbm>>
          %dma_wait3A_74 = tpu.memref_slice %arg2[%add3A_54] : memref<6553600xi32, #tpu.memory_space<hbm>> -> memref<12800xi32, #tpu.memory_space<hbm>>
          tpu.wait_dma2 semaphore(%run_scoped3A : memref<!tpu.dma_semaphore, #tpu.memory_space<semaphore_mem>>) src(%dma_wait3A_74 : memref<12800xi32, #tpu.memory_space<hbm>>) dst(%arg11 : memref<12800xi32, #tpu.memory_space<vmem>>)
          tpu.yield
        }) : () -> ()
        %dma_start3A = arith.constant 0 : i32
        %dma_start3A_55 = tpu.memref_slice %arg10[%dma_start3A] : memref<12800xf32, #tpu.memory_space<vmem>> -> memref<12800xf32, #tpu.memory_space<vmem>>
        %dma_start3A_56 = arith.constant 0 : i32
        %dma_start3A_57 = tpu.memref_slice %arg8[%dma_start3A_56] : memref<100352xf32, #tpu.memory_space<vmem_shared>> -> memref<100352xf32, #tpu.memory_space<vmem_shared>>
        tpu.enqueue_indirect_dma source(%dma_start3A_55 : memref<12800xf32, #tpu.memory_space<vmem>>) target(%dma_start3A_57 : memref<100352xf32, #tpu.memory_space<vmem_shared>>) offsets(%arg11 : memref<12800xi32, #tpu.memory_space<vmem>>) semaphore(%arg14 : memref<!tpu.dma_semaphore, #tpu.memory_space<semaphore_mem>>) {add = true}
        %add3A_58 = arith.constant 12800 : i32
        %add3A_59 = arith.addi %add3A_54, %add3A_58 : i32
        "tpu.region"() ({
          %run_scoped3A = tpu.sem_alloc : memref<!tpu.dma_semaphore, #tpu.memory_space<semaphore_mem>>
          %dma_start3A_71 = tpu.memref_slice %arg2[%add3A_59] : memref<6553600xi32, #tpu.memory_space<hbm>> -> memref<12800xi32, #tpu.memory_space<hbm>>
          %dma_start3A_72 = tpu.memref_slice %arg2[%add3A_59] : memref<6553600xi32, #tpu.memory_space<hbm>> -> memref<12800xi32, #tpu.memory_space<hbm>>
          tpu.enqueue_dma source(%dma_start3A_72 : memref<12800xi32, #tpu.memory_space<hbm>>) target(%arg12 : memref<12800xi32, #tpu.memory_space<vmem>>) target_semaphore(%run_scoped3A : memref<!tpu.dma_semaphore, #tpu.memory_space<semaphore_mem>>)
          %dma_wait3A_73 = tpu.memref_slice %arg2[%add3A_59] : memref<6553600xi32, #tpu.memory_space<hbm>> -> memref<12800xi32, #tpu.memory_space<hbm>>
          %dma_wait3A_74 = tpu.memref_slice %arg2[%add3A_59] : memref<6553600xi32, #tpu.memory_space<hbm>> -> memref<12800xi32, #tpu.memory_space<hbm>>
          tpu.wait_dma2 semaphore(%run_scoped3A : memref<!tpu.dma_semaphore, #tpu.memory_space<semaphore_mem>>) src(%dma_wait3A_74 : memref<12800xi32, #tpu.memory_space<hbm>>) dst(%arg12 : memref<12800xi32, #tpu.memory_space<vmem>>)
          tpu.yield
        }) : () -> ()
        %dma_start3A_60 = arith.constant 0 : i32
        %dma_start3A_61 = tpu.memref_slice %arg10[%dma_start3A_60] : memref<12800xf32, #tpu.memory_space<vmem>> -> memref<12800xf32, #tpu.memory_space<vmem>>
        %dma_start3A_62 = arith.constant 0 : i32
        %dma_start3A_63 = tpu.memref_slice %arg8[%dma_start3A_62] : memref<100352xf32, #tpu.memory_space<vmem_shared>> -> memref<100352xf32, #tpu.memory_space<vmem_shared>>
        tpu.enqueue_indirect_dma source(%dma_start3A_61 : memref<12800xf32, #tpu.memory_space<vmem>>) target(%dma_start3A_63 : memref<100352xf32, #tpu.memory_space<vmem_shared>>) offsets(%arg12 : memref<12800xi32, #tpu.memory_space<vmem>>) semaphore(%arg15 : memref<!tpu.dma_semaphore, #tpu.memory_space<semaphore_mem>>) {add = true}
        %dma_wait3A = arith.constant 0 : i32
        %dma_wait3A_64 = tpu.memref_slice %arg10[%dma_wait3A] : memref<12800xf32, #tpu.memory_space<vmem>> -> memref<12800xf32, #tpu.memory_space<vmem>>
        %dma_wait3A_65 = arith.constant 0 : i32
        %dma_wait3A_66 = tpu.memref_slice %arg8[%dma_wait3A_65] : memref<100352xf32, #tpu.memory_space<vmem_shared>> -> memref<100352xf32, #tpu.memory_space<vmem_shared>>
        tpu.wait_indirect_dma semaphore(%arg14 : memref<!tpu.dma_semaphore, #tpu.memory_space<semaphore_mem>>) src(%dma_wait3A_64 : memref<12800xf32, #tpu.memory_space<vmem>>) dst(%dma_wait3A_66 : memref<100352xf32, #tpu.memory_space<vmem_shared>>)
        %dma_wait3A_67 = arith.constant 0 : i32
        %dma_wait3A_68 = tpu.memref_slice %arg10[%dma_wait3A_67] : memref<12800xf32, #tpu.memory_space<vmem>> -> memref<12800xf32, #tpu.memory_space<vmem>>
        %dma_wait3A_69 = arith.constant 0 : i32
        %dma_wait3A_70 = tpu.memref_slice %arg8[%dma_wait3A_69] : memref<100352xf32, #tpu.memory_space<vmem_shared>> -> memref<100352xf32, #tpu.memory_space<vmem_shared>>
        tpu.wait_indirect_dma semaphore(%arg15 : memref<!tpu.dma_semaphore, #tpu.memory_space<semaphore_mem>>) src(%dma_wait3A_68 : memref<12800xf32, #tpu.memory_space<vmem>>) dst(%dma_wait3A_70 : memref<100352xf32, #tpu.memory_space<vmem_shared>>)
      }
      %scan3A_48 = arith.constant 9 : i32
    } else {
    }
    %ne3A = arith.constant 0 : i32
    %ne3A_22 = arith.cmpi ne, %arg0, %ne3A : i32
    %convert_element_type3A_23 = arith.extui %ne3A_22 : i1 to i32
    %cond3A_24 = arith.constant 0 : i32
    %cond3A_25 = arith.cmpi ne, %convert_element_type3A_23, %cond3A_24 : i32
    scf.if %cond3A_25 {
      %scan3A = arith.constant 0 : i32
      %scan3A_44 = arith.constant 0 : i32
      %scan3A_45 = arith.constant 7 : i32
      %scan3A_46 = arith.addi %scan3A_44, %scan3A_45 : i32
      %scan3A_47 = arith.constant 1 : i32
      scf.for %scan3A_49 = %scan3A_44 to %scan3A_46 step %scan3A_47  : i32 {
        %mul3A_50 = arith.constant 2 : i32
        %mul3A_51 = arith.muli %mul3A_50, %scan3A_49 : i32
        %mul3A_52 = arith.constant 12800 : i32
        %mul3A_53 = arith.muli %mul3A_51, %mul3A_52 : i32
        %add3A_54 = arith.addi %select_n3A, %mul3A_53 : i32
        "tpu.region"() ({
          %run_scoped3A = tpu.sem_alloc : memref<!tpu.dma_semaphore, #tpu.memory_space<semaphore_mem>>
          %dma_start3A_71 = tpu.memref_slice %arg2[%add3A_54] : memref<6553600xi32, #tpu.memory_space<hbm>> -> memref<12800xi32, #tpu.memory_space<hbm>>
          %dma_start3A_72 = tpu.memref_slice %arg2[%add3A_54] : memref<6553600xi32, #tpu.memory_space<hbm>> -> memref<12800xi32, #tpu.memory_space<hbm>>
          tpu.enqueue_dma source(%dma_start3A_72 : memref<12800xi32, #tpu.memory_space<hbm>>) target(%arg11 : memref<12800xi32, #tpu.memory_space<vmem>>) target_semaphore(%run_scoped3A : memref<!tpu.dma_semaphore, #tpu.memory_space<semaphore_mem>>)
          %dma_wait3A_73 = tpu.memref_slice %arg2[%add3A_54] : memref<6553600xi32, #tpu.memory_space<hbm>> -> memref<12800xi32, #tpu.memory_space<hbm>>
          %dma_wait3A_74 = tpu.memref_slice %arg2[%add3A_54] : memref<6553600xi32, #tpu.memory_space<hbm>> -> memref<12800xi32, #tpu.memory_space<hbm>>
          tpu.wait_dma2 semaphore(%run_scoped3A : memref<!tpu.dma_semaphore, #tpu.memory_space<semaphore_mem>>) src(%dma_wait3A_74 : memref<12800xi32, #tpu.memory_space<hbm>>) dst(%arg11 : memref<12800xi32, #tpu.memory_space<vmem>>)
          tpu.yield
        }) : () -> ()
        %dma_start3A = arith.constant 0 : i32
        %dma_start3A_55 = tpu.memref_slice %arg10[%dma_start3A] : memref<12800xf32, #tpu.memory_space<vmem>> -> memref<12800xf32, #tpu.memory_space<vmem>>
        %dma_start3A_56 = arith.constant 0 : i32
        %dma_start3A_57 = tpu.memref_slice %arg8[%dma_start3A_56] : memref<100352xf32, #tpu.memory_space<vmem_shared>> -> memref<100352xf32, #tpu.memory_space<vmem_shared>>
        tpu.enqueue_indirect_dma source(%dma_start3A_55 : memref<12800xf32, #tpu.memory_space<vmem>>) target(%dma_start3A_57 : memref<100352xf32, #tpu.memory_space<vmem_shared>>) offsets(%arg11 : memref<12800xi32, #tpu.memory_space<vmem>>) semaphore(%arg14 : memref<!tpu.dma_semaphore, #tpu.memory_space<semaphore_mem>>) {add = true}
        %add3A_58 = arith.constant 12800 : i32
        %add3A_59 = arith.addi %add3A_54, %add3A_58 : i32
        "tpu.region"() ({
          %run_scoped3A = tpu.sem_alloc : memref<!tpu.dma_semaphore, #tpu.memory_space<semaphore_mem>>
          %dma_start3A_71 = tpu.memref_slice %arg2[%add3A_59] : memref<6553600xi32, #tpu.memory_space<hbm>> -> memref<12800xi32, #tpu.memory_space<hbm>>
          %dma_start3A_72 = tpu.memref_slice %arg2[%add3A_59] : memref<6553600xi32, #tpu.memory_space<hbm>> -> memref<12800xi32, #tpu.memory_space<hbm>>
          tpu.enqueue_dma source(%dma_start3A_72 : memref<12800xi32, #tpu.memory_space<hbm>>) target(%arg12 : memref<12800xi32, #tpu.memory_space<vmem>>) target_semaphore(%run_scoped3A : memref<!tpu.dma_semaphore, #tpu.memory_space<semaphore_mem>>)
          %dma_wait3A_73 = tpu.memref_slice %arg2[%add3A_59] : memref<6553600xi32, #tpu.memory_space<hbm>> -> memref<12800xi32, #tpu.memory_space<hbm>>
          %dma_wait3A_74 = tpu.memref_slice %arg2[%add3A_59] : memref<6553600xi32, #tpu.memory_space<hbm>> -> memref<12800xi32, #tpu.memory_space<hbm>>
          tpu.wait_dma2 semaphore(%run_scoped3A : memref<!tpu.dma_semaphore, #tpu.memory_space<semaphore_mem>>) src(%dma_wait3A_74 : memref<12800xi32, #tpu.memory_space<hbm>>) dst(%arg12 : memref<12800xi32, #tpu.memory_space<vmem>>)
          tpu.yield
        }) : () -> ()
        %dma_start3A_60 = arith.constant 0 : i32
        %dma_start3A_61 = tpu.memref_slice %arg10[%dma_start3A_60] : memref<12800xf32, #tpu.memory_space<vmem>> -> memref<12800xf32, #tpu.memory_space<vmem>>
        %dma_start3A_62 = arith.constant 0 : i32
        %dma_start3A_63 = tpu.memref_slice %arg8[%dma_start3A_62] : memref<100352xf32, #tpu.memory_space<vmem_shared>> -> memref<100352xf32, #tpu.memory_space<vmem_shared>>
        tpu.enqueue_indirect_dma source(%dma_start3A_61 : memref<12800xf32, #tpu.memory_space<vmem>>) target(%dma_start3A_63 : memref<100352xf32, #tpu.memory_space<vmem_shared>>) offsets(%arg12 : memref<12800xi32, #tpu.memory_space<vmem>>) semaphore(%arg15 : memref<!tpu.dma_semaphore, #tpu.memory_space<semaphore_mem>>) {add = true}
        %dma_wait3A = arith.constant 0 : i32
        %dma_wait3A_64 = tpu.memref_slice %arg10[%dma_wait3A] : memref<12800xf32, #tpu.memory_space<vmem>> -> memref<12800xf32, #tpu.memory_space<vmem>>
        %dma_wait3A_65 = arith.constant 0 : i32
        %dma_wait3A_66 = tpu.memref_slice %arg8[%dma_wait3A_65] : memref<100352xf32, #tpu.memory_space<vmem_shared>> -> memref<100352xf32, #tpu.memory_space<vmem_shared>>
        tpu.wait_indirect_dma semaphore(%arg14 : memref<!tpu.dma_semaphore, #tpu.memory_space<semaphore_mem>>) src(%dma_wait3A_64 : memref<12800xf32, #tpu.memory_space<vmem>>) dst(%dma_wait3A_66 : memref<100352xf32, #tpu.memory_space<vmem_shared>>)
        %dma_wait3A_67 = arith.constant 0 : i32
        %dma_wait3A_68 = tpu.memref_slice %arg10[%dma_wait3A_67] : memref<12800xf32, #tpu.memory_space<vmem>> -> memref<12800xf32, #tpu.memory_space<vmem>>
        %dma_wait3A_69 = arith.constant 0 : i32
        %dma_wait3A_70 = tpu.memref_slice %arg8[%dma_wait3A_69] : memref<100352xf32, #tpu.memory_space<vmem_shared>> -> memref<100352xf32, #tpu.memory_space<vmem_shared>>
        tpu.wait_indirect_dma semaphore(%arg15 : memref<!tpu.dma_semaphore, #tpu.memory_space<semaphore_mem>>) src(%dma_wait3A_68 : memref<12800xf32, #tpu.memory_space<vmem>>) dst(%dma_wait3A_70 : memref<100352xf32, #tpu.memory_space<vmem_shared>>)
      }
      %scan3A_48 = arith.constant 7 : i32
    } else {
    }
    %eq3A_26 = arith.constant 0 : i32
    %eq3A_27 = arith.cmpi eq, %arg0, %eq3A_26 : i32
    %convert_element_type3A_28 = arith.extui %eq3A_27 : i1 to i32
    %cond3A_29 = arith.constant 0 : i32
    %cond3A_30 = arith.cmpi ne, %convert_element_type3A_28, %cond3A_29 : i32
    scf.if %cond3A_30 {
      %mul3A_44 = arith.constant 6272 : i32
      %mul3A_45 = arith.muli %arg1, %mul3A_44 : i32
      "tpu.region"() ({
        %run_scoped3A = tpu.sem_alloc : memref<!tpu.dma_semaphore, #tpu.memory_space<semaphore_mem>>
        %dma_start3A = tpu.memref_slice %arg3[%mul3A_45] : memref<100352xi32, #tpu.memory_space<hbm>> -> memref<6272xi32, #tpu.memory_space<hbm>>
        %dma_start3A_46 = tpu.memref_slice %arg3[%mul3A_45] : memref<100352xi32, #tpu.memory_space<hbm>> -> memref<6272xi32, #tpu.memory_space<hbm>>
        tpu.enqueue_dma source(%dma_start3A_46 : memref<6272xi32, #tpu.memory_space<hbm>>) target(%arg13 : memref<6272xi32, #tpu.memory_space<vmem>>) target_semaphore(%run_scoped3A : memref<!tpu.dma_semaphore, #tpu.memory_space<semaphore_mem>>)
        %dma_wait3A = tpu.memref_slice %arg3[%mul3A_45] : memref<100352xi32, #tpu.memory_space<hbm>> -> memref<6272xi32, #tpu.memory_space<hbm>>
        %dma_wait3A_47 = tpu.memref_slice %arg3[%mul3A_45] : memref<100352xi32, #tpu.memory_space<hbm>> -> memref<6272xi32, #tpu.memory_space<hbm>>
        tpu.wait_dma2 semaphore(%run_scoped3A : memref<!tpu.dma_semaphore, #tpu.memory_space<semaphore_mem>>) src(%dma_wait3A_47 : memref<6272xi32, #tpu.memory_space<hbm>>) dst(%arg13 : memref<6272xi32, #tpu.memory_space<vmem>>)
        tpu.yield
      }) : () -> ()
      "tpu.region"() ({
        %run_scoped3A = tpu.sem_alloc : memref<!tpu.dma_semaphore, #tpu.memory_space<semaphore_mem>>
        %dma_start3A = arith.constant 0 : i32
        %dma_start3A_46 = tpu.memref_slice %arg10[%dma_start3A] : memref<12800xf32, #tpu.memory_space<vmem>> -> memref<6272xf32, #tpu.memory_space<vmem>>
        %dma_start3A_47 = arith.constant 0 : i32
        %dma_start3A_48 = tpu.memref_slice %arg9[%dma_start3A_47] : memref<384xf32, #tpu.memory_space<vmem_shared>> -> memref<384xf32, #tpu.memory_space<vmem_shared>>
        tpu.enqueue_indirect_dma source(%dma_start3A_46 : memref<6272xf32, #tpu.memory_space<vmem>>) target(%dma_start3A_48 : memref<384xf32, #tpu.memory_space<vmem_shared>>) offsets(%arg13 : memref<6272xi32, #tpu.memory_space<vmem>>) semaphore(%run_scoped3A : memref<!tpu.dma_semaphore, #tpu.memory_space<semaphore_mem>>) {add = true}
        %dma_wait3A = arith.constant 0 : i32
        %dma_wait3A_49 = tpu.memref_slice %arg10[%dma_wait3A] : memref<12800xf32, #tpu.memory_space<vmem>> -> memref<6272xf32, #tpu.memory_space<vmem>>
        %dma_wait3A_50 = arith.constant 0 : i32
        %dma_wait3A_51 = tpu.memref_slice %arg9[%dma_wait3A_50] : memref<384xf32, #tpu.memory_space<vmem_shared>> -> memref<384xf32, #tpu.memory_space<vmem_shared>>
        tpu.wait_indirect_dma semaphore(%run_scoped3A : memref<!tpu.dma_semaphore, #tpu.memory_space<semaphore_mem>>) src(%dma_wait3A_49 : memref<6272xf32, #tpu.memory_space<vmem>>) dst(%dma_wait3A_51 : memref<384xf32, #tpu.memory_space<vmem_shared>>)
        tpu.yield
      }) : () -> ()
    } else {
    }
    %barrier3A_31 = arith.constant 0 : index
    tpu.barrier barrier_id(%barrier3A_31)
    %mul3A_32 = arith.constant 6272 : i32
    %mul3A_33 = arith.muli %arg1, %mul3A_32 : i32
    %mul3A_34 = arith.constant 6272 : i32
    %mul3A_35 = arith.muli %arg1, %mul3A_34 : i32
    "tpu.region"() ({
      %run_scoped3A = tpu.sem_alloc : memref<!tpu.dma_semaphore, #tpu.memory_space<semaphore_mem>>
      %dma_start3A = tpu.memref_slice %arg6[%arg0, %mul3A_35] : memref<2x100352xf32, #tpu.memory_space<hbm>> -> memref<1x6272xf32, #tpu.memory_space<hbm>>
      %dma_start3A_44 = tpu.memref_squeeze %dma_start3A : memref<1x6272xf32, #tpu.memory_space<hbm>> -> memref<6272xf32, #tpu.memory_space<hbm>>
      %dma_start3A_45 = tpu.memref_slice %arg8[%mul3A_33] : memref<100352xf32, #tpu.memory_space<vmem_shared>> -> memref<6272xf32, #tpu.memory_space<vmem_shared>>
      tpu.enqueue_dma source(%dma_start3A_45 : memref<6272xf32, #tpu.memory_space<vmem_shared>>) target(%dma_start3A_44 : memref<6272xf32, #tpu.memory_space<hbm>>) target_semaphore(%run_scoped3A : memref<!tpu.dma_semaphore, #tpu.memory_space<semaphore_mem>>)
      %dma_wait3A = tpu.memref_slice %arg6[%arg0, %mul3A_35] : memref<2x100352xf32, #tpu.memory_space<hbm>> -> memref<1x6272xf32, #tpu.memory_space<hbm>>
      %dma_wait3A_46 = tpu.memref_squeeze %dma_wait3A : memref<1x6272xf32, #tpu.memory_space<hbm>> -> memref<6272xf32, #tpu.memory_space<hbm>>
      %dma_wait3A_47 = tpu.memref_slice %arg8[%mul3A_33] : memref<100352xf32, #tpu.memory_space<vmem_shared>> -> memref<6272xf32, #tpu.memory_space<vmem_shared>>
      tpu.wait_dma2 semaphore(%run_scoped3A : memref<!tpu.dma_semaphore, #tpu.memory_space<semaphore_mem>>) src(%dma_wait3A_47 : memref<6272xf32, #tpu.memory_space<vmem_shared>>) dst(%dma_wait3A_46 : memref<6272xf32, #tpu.memory_space<hbm>>)
      tpu.yield
    }) : () -> ()
    %eq3A_36 = arith.constant 0 : i32
    %eq3A_37 = arith.cmpi eq, %arg0, %eq3A_36 : i32
    %eq3A_38 = arith.constant 0 : i32
    %eq3A_39 = arith.cmpi eq, %arg1, %eq3A_38 : i32
    %and3A_40 = arith.andi %eq3A_37, %eq3A_39 : i1
    %convert_element_type3A_41 = arith.extui %and3A_40 : i1 to i32
    %cond3A_42 = arith.constant 0 : i32
    %cond3A_43 = arith.cmpi ne, %convert_element_type3A_41, %cond3A_42 : i32
    scf.if %cond3A_43 {
      "tpu.region"() ({
        %run_scoped3A = tpu.sem_alloc : memref<!tpu.dma_semaphore, #tpu.memory_space<semaphore_mem>>
        tpu.enqueue_dma source(%arg9 : memref<384xf32, #tpu.memory_space<vmem_shared>>) target(%arg7 : memref<384xf32, #tpu.memory_space<hbm>>) target_semaphore(%run_scoped3A : memref<!tpu.dma_semaphore, #tpu.memory_space<semaphore_mem>>)
        tpu.wait_dma2 semaphore(%run_scoped3A : memref<!tpu.dma_semaphore, #tpu.memory_space<semaphore_mem>>) src(%arg9 : memref<384xf32, #tpu.memory_space<vmem_shared>>) dst(%arg7 : memref<384xf32, #tpu.memory_space<hbm>>)
        tpu.yield
      }) : () -> ()
    } else {
    }
    return
  }
}

module attributes {stable_mosaic.version = 14 : i64} {
  func.func @_ka_body(%arg0: i32, %arg1: memref<2048x1xf32, #tpu.memory_space<vmem>>, %arg2: memref<2048x4xf32, #tpu.memory_space<vmem>>, %arg3: memref<2048x1xf32, #tpu.memory_space<vmem>>, %arg4: memref<2048x1xf32, #tpu.memory_space<vmem>>, %arg5: memref<2048x1xf32, #tpu.memory_space<vmem>>, %arg6: memref<2048x1xf32, #tpu.memory_space<vmem>>) attributes {dimension_semantics = [#tpu.dimension_semantics<arbitrary>], iteration_bounds = array<i64: 49>, scalar_prefetch = 0 : i64, scratch_operands = 0 : i64, tpu.core_type = #tpu.core_type<tc>, window_params = [{transform_indices = @transform_0, window_bounds = array<i64: 2048, 1>}, {transform_indices = @transform_1, window_bounds = array<i64: 2048, 4>}, {transform_indices = @transform_2, window_bounds = array<i64: 2048, 1>}, {transform_indices = @transform_3, window_bounds = array<i64: 2048, 1>}, {transform_indices = @transform_4, window_bounds = array<i64: 2048, 1>}, {transform_indices = @transform_5, window_bounds = array<i64: 2048, 1>}]} {
    %get3A = arith.constant 0 : index
    %get3A_0 = arith.constant 0 : index
    %get3A_1 = vector.load %arg1[%get3A, %get3A_0] : memref<2048x1xf32, #tpu.memory_space<vmem>>, vector<2048x1xf32>
    %gt3A = arith.constant 0.000000e+00 : f32
    %gt3A_2 = vector.broadcast %gt3A : f32 to vector<2048x1xf32>
    %gt3A_3 = arith.cmpf ogt, %get3A_1, %gt3A_2 : vector<2048x1xf32>
    %rsqrt3A = math.rsqrt %get3A_1 : vector<2048x1xf32>
    %jit3A = arith.constant 0.000000e+00 : f32
    %broadcast_in_dim3A = vector.broadcast %jit3A : f32 to vector<2048x1xf32>
    %select_n3A = arith.select %gt3A_3, %rsqrt3A, %broadcast_in_dim3A : vector<2048x1xi1>, vector<2048x1xf32>
    %swap3A = arith.constant 0 : index
    %swap3A_4 = arith.constant 0 : index
    %swap3A_5 = vector.load %arg3[%swap3A, %swap3A_4] : memref<2048x1xf32, #tpu.memory_space<vmem>>, vector<2048x1xf32>
    tpu.vector_store %arg3[%swap3A, %swap3A_4], %select_n3A {strides = array<i32>} : memref<2048x1xf32, #tpu.memory_space<vmem>>, vector<2048x1xf32>,
    %get3A_6 = arith.constant 0 : index
    %get3A_7 = arith.constant 0 : index
    %get3A_8 = vector.load %arg2[%get3A_6, %get3A_7] : memref<2048x4xf32, #tpu.memory_space<vmem>>, vector<2048x4xf32>
    %mul3A = vector.broadcast %select_n3A : vector<2048x1xf32> to vector<2048x4xf32>
    %mul3A_9 = arith.mulf %mul3A, %get3A_8 : vector<2048x4xf32>
    %slice3A = vector.extract_strided_slice %mul3A_9 {offsets = [0, 0], sizes = [2048, 1], strides = [1, 1]} : vector<2048x4xf32> to vector<2048x1xf32>
    %swap3A_10 = arith.constant 0 : index
    %swap3A_11 = arith.constant 0 : index
    %swap3A_12 = vector.load %arg4[%swap3A_10, %swap3A_11] : memref<2048x1xf32, #tpu.memory_space<vmem>>, vector<2048x1xf32>
    tpu.vector_store %arg4[%swap3A_10, %swap3A_11], %slice3A {strides = array<i32>} : memref<2048x1xf32, #tpu.memory_space<vmem>>, vector<2048x1xf32>,
    %slice3A_13 = vector.extract_strided_slice %mul3A_9 {offsets = [0, 1], sizes = [2048, 1], strides = [1, 1]} : vector<2048x4xf32> to vector<2048x1xf32>
    %swap3A_14 = arith.constant 0 : index
    %swap3A_15 = arith.constant 0 : index
    %swap3A_16 = vector.load %arg5[%swap3A_14, %swap3A_15] : memref<2048x1xf32, #tpu.memory_space<vmem>>, vector<2048x1xf32>
    tpu.vector_store %arg5[%swap3A_14, %swap3A_15], %slice3A_13 {strides = array<i32>} : memref<2048x1xf32, #tpu.memory_space<vmem>>, vector<2048x1xf32>,
    %slice3A_17 = vector.extract_strided_slice %mul3A_9 {offsets = [0, 2], sizes = [2048, 1], strides = [1, 1]} : vector<2048x4xf32> to vector<2048x1xf32>
    %swap3A_18 = arith.constant 0 : index
    %swap3A_19 = arith.constant 0 : index
    %swap3A_20 = vector.load %arg6[%swap3A_18, %swap3A_19] : memref<2048x1xf32, #tpu.memory_space<vmem>>, vector<2048x1xf32>
    tpu.vector_store %arg6[%swap3A_18, %swap3A_19], %slice3A_17 {strides = array<i32>} : memref<2048x1xf32, #tpu.memory_space<vmem>>, vector<2048x1xf32>,
    return
  }
  func.func @transform_0(%arg0: i32) -> (i32, i32) {
    %c0_i32 = arith.constant 0 : i32
    %c0_i32_0 = arith.constant 0 : i32
    return %arg0, %c0_i32 : i32, i32
  }
  func.func @transform_1(%arg0: i32) -> (i32, i32) {
    %c0_i32 = arith.constant 0 : i32
    %c0_i32_0 = arith.constant 0 : i32
    return %arg0, %c0_i32 : i32, i32
  }
  func.func @transform_2(%arg0: i32) -> (i32, i32) {
    %c0_i32 = arith.constant 0 : i32
    %c0_i32_0 = arith.constant 0 : i32
    return %arg0, %c0_i32 : i32, i32
  }
  func.func @transform_3(%arg0: i32) -> (i32, i32) {
    %c0_i32 = arith.constant 0 : i32
    %c0_i32_0 = arith.constant 0 : i32
    return %arg0, %c0_i32 : i32, i32
  }
  func.func @transform_4(%arg0: i32) -> (i32, i32) {
    %c0_i32 = arith.constant 0 : i32
    %c0_i32_0 = arith.constant 0 : i32
    return %arg0, %c0_i32 : i32, i32
  }
  func.func @transform_5(%arg0: i32) -> (i32, i32) {
    %c0_i32 = arith.constant 0 : i32
    %c0_i32_0 = arith.constant 0 : i32
    return %arg0, %c0_i32 : i32, i32
  }
}

module attributes {stable_mosaic.version = 14 : i64} {
  func.func @_kb_body(%arg0: i32, %arg1: memref<2048x1xf32, #tpu.memory_space<vmem>>, %arg2: memref<2048x1xf32, #tpu.memory_space<vmem>>, %arg3: memref<2048x1xf32, #tpu.memory_space<vmem>>, %arg4: memref<2048x1xf32, #tpu.memory_space<vmem>>, %arg5: memref<3x16xf32, #tpu.memory_space<vmem>>, %arg6: memref<1x16xf32, #tpu.memory_space<vmem>>, %arg7: memref<2048x16xf32, #tpu.memory_space<vmem>>) attributes {dimension_semantics = [#tpu.dimension_semantics<arbitrary>], iteration_bounds = array<i64: 49>, scalar_prefetch = 0 : i64, scratch_operands = 0 : i64, tpu.core_type = #tpu.core_type<tc>, window_params = [{transform_indices = @transform_0, window_bounds = array<i64: 2048, 1>}, {transform_indices = @transform_1, window_bounds = array<i64: 2048, 1>}, {transform_indices = @transform_2, window_bounds = array<i64: 2048, 1>}, {transform_indices = @transform_3, window_bounds = array<i64: 2048, 1>}, {pipeline_mode = #tpu.pipeline_mode<synchronous>, transform_indices = @transform_4, window_bounds = array<i64: 3, 16>}, {pipeline_mode = #tpu.pipeline_mode<synchronous>, transform_indices = @transform_5, window_bounds = array<i64: 1, 16>}, {transform_indices = @transform_6, window_bounds = array<i64: 2048, 16>}]} {
    %get3A = arith.constant 0 : index
    %get3A_0 = arith.constant 0 : index
    %get3A_1 = vector.load %arg4[%get3A, %get3A_0] : memref<2048x1xf32, #tpu.memory_space<vmem>>, vector<2048x1xf32>
    %get3A_2 = arith.constant 0 : index
    %get3A_3 = arith.constant 0 : index
    %get3A_4 = vector.load %arg1[%get3A_2, %get3A_3] : memref<2048x1xf32, #tpu.memory_space<vmem>>, vector<2048x1xf32>
    %mul3A = arith.mulf %get3A_1, %get3A_4 : vector<2048x1xf32>
    %get3A_5 = arith.constant 0 : index
    %get3A_6 = arith.constant 0 : index
    %get3A_7 = vector.load %arg5[%get3A_5, %get3A_6] : memref<3x16xf32, #tpu.memory_space<vmem>>, vector<1x16xf32>
    %mul3A_8 = vector.broadcast %mul3A : vector<2048x1xf32> to vector<2048x16xf32>
    %mul3A_9 = vector.broadcast %get3A_7 : vector<1x16xf32> to vector<2048x16xf32>
    %mul3A_10 = arith.mulf %mul3A_8, %mul3A_9 : vector<2048x16xf32>
    %get3A_11 = arith.constant 0 : index
    %get3A_12 = arith.constant 0 : index
    %get3A_13 = vector.load %arg2[%get3A_11, %get3A_12] : memref<2048x1xf32, #tpu.memory_space<vmem>>, vector<2048x1xf32>
    %mul3A_14 = arith.mulf %get3A_1, %get3A_13 : vector<2048x1xf32>
    %get3A_15 = arith.constant 1 : index
    %get3A_16 = arith.constant 0 : index
    %get3A_17 = vector.load %arg5[%get3A_15, %get3A_16] : memref<3x16xf32, #tpu.memory_space<vmem>>, vector<1x16xf32>
    %mul3A_18 = vector.broadcast %mul3A_14 : vector<2048x1xf32> to vector<2048x16xf32>
    %mul3A_19 = vector.broadcast %get3A_17 : vector<1x16xf32> to vector<2048x16xf32>
    %mul3A_20 = arith.mulf %mul3A_18, %mul3A_19 : vector<2048x16xf32>
    %add3A = arith.addf %mul3A_10, %mul3A_20 : vector<2048x16xf32>
    %get3A_21 = arith.constant 0 : index
    %get3A_22 = arith.constant 0 : index
    %get3A_23 = vector.load %arg3[%get3A_21, %get3A_22] : memref<2048x1xf32, #tpu.memory_space<vmem>>, vector<2048x1xf32>
    %mul3A_24 = arith.mulf %get3A_1, %get3A_23 : vector<2048x1xf32>
    %get3A_25 = arith.constant 2 : index
    %get3A_26 = arith.constant 0 : index
    %get3A_27 = vector.load %arg5[%get3A_25, %get3A_26] : memref<3x16xf32, #tpu.memory_space<vmem>>, vector<1x16xf32>
    %mul3A_28 = vector.broadcast %mul3A_24 : vector<2048x1xf32> to vector<2048x16xf32>
    %mul3A_29 = vector.broadcast %get3A_27 : vector<1x16xf32> to vector<2048x16xf32>
    %mul3A_30 = arith.mulf %mul3A_28, %mul3A_29 : vector<2048x16xf32>
    %add3A_31 = arith.addf %add3A, %mul3A_30 : vector<2048x16xf32>
    %get3A_32 = arith.constant 0 : index
    %get3A_33 = arith.constant 0 : index
    %get3A_34 = vector.load %arg6[%get3A_32, %get3A_33] : memref<1x16xf32, #tpu.memory_space<vmem>>, vector<1x16xf32>
    %add3A_35 = vector.broadcast %get3A_34 : vector<1x16xf32> to vector<2048x16xf32>
    %add3A_36 = arith.addf %add3A_31, %add3A_35 : vector<2048x16xf32>
    %max3A = arith.constant 0.000000e+00 : f32
    %max3A_37 = vector.broadcast %max3A : f32 to vector<2048x16xf32>
    %max3A_38 = arith.maximumf %add3A_36, %max3A_37 : vector<2048x16xf32>
    %mul3A_39 = vector.broadcast %get3A_1 : vector<2048x1xf32> to vector<2048x16xf32>
    %mul3A_40 = arith.mulf %mul3A_39, %max3A_38 : vector<2048x16xf32>
    %swap3A = arith.constant 0 : index
    %swap3A_41 = arith.constant 0 : index
    %swap3A_42 = vector.load %arg7[%swap3A, %swap3A_41] : memref<2048x16xf32, #tpu.memory_space<vmem>>, vector<2048x16xf32>
    tpu.vector_store %arg7[%swap3A, %swap3A_41], %mul3A_40 {strides = array<i32>} : memref<2048x16xf32, #tpu.memory_space<vmem>>, vector<2048x16xf32>,
    return
  }
  func.func @transform_0(%arg0: i32) -> (i32, i32) {
    %c0_i32 = arith.constant 0 : i32
    %c0_i32_0 = arith.constant 0 : i32
    return %arg0, %c0_i32 : i32, i32
  }
  func.func @transform_1(%arg0: i32) -> (i32, i32) {
    %c0_i32 = arith.constant 0 : i32
    %c0_i32_0 = arith.constant 0 : i32
    return %arg0, %c0_i32 : i32, i32
  }
  func.func @transform_2(%arg0: i32) -> (i32, i32) {
    %c0_i32 = arith.constant 0 : i32
    %c0_i32_0 = arith.constant 0 : i32
    return %arg0, %c0_i32 : i32, i32
  }
  func.func @transform_3(%arg0: i32) -> (i32, i32) {
    %c0_i32 = arith.constant 0 : i32
    %c0_i32_0 = arith.constant 0 : i32
    return %arg0, %c0_i32 : i32, i32
  }
  func.func @transform_4(%arg0: i32) -> (i32, i32) {
    %c0_i32 = arith.constant 0 : i32
    %c0_i32_0 = arith.constant 0 : i32
    %c0_i32_1 = arith.constant 0 : i32
    return %c0_i32, %c0_i32_0 : i32, i32
  }
  func.func @transform_5(%arg0: i32) -> (i32, i32) {
    %c0_i32 = arith.constant 0 : i32
    %c0_i32_0 = arith.constant 0 : i32
    %c0_i32_1 = arith.constant 0 : i32
    return %c0_i32, %c0_i32_0 : i32, i32
  }
  func.func @transform_6(%arg0: i32) -> (i32, i32) {
    %c0_i32 = arith.constant 0 : i32
    %c0_i32_0 = arith.constant 0 : i32
    return %arg0, %c0_i32 : i32, i32
  }
}

module attributes {stable_mosaic.version = 14 : i64} {
  func.func @_kc_body(%arg0: memref<32x257x16xf32, #tpu.memory_space<vmem>>, %arg1: memref<384x1xf32, #tpu.memory_space<vmem>>, %arg2: memref<16x16xf32, #tpu.memory_space<vmem>>, %arg3: memref<1x16xf32, #tpu.memory_space<vmem>>, %arg4: memref<16x7xf32, #tpu.memory_space<vmem>>, %arg5: memref<1x7xf32, #tpu.memory_space<vmem>>, %arg6: memref<256x7xf32, #tpu.memory_space<vmem>>) attributes {dimension_semantics = [], scalar_prefetch = 0 : i64, scratch_operands = 0 : i64, tpu.core_type = #tpu.core_type<tc>} {
    %get3A = arith.constant 0 : index
    %get3A_0 = arith.constant 0 : index
    %get3A_1 = arith.constant 0 : index
    %get3A_2 = vector.load %arg0[%get3A, %get3A_0, %get3A_1] : memref<32x257x16xf32, #tpu.memory_space<vmem>>, vector<32x257x16xf32>
    %reduce_sum3A = arith.constant dense<0.000000e+00> : vector<257x16xf32>
    %reduce_sum3A_3 = vector.multi_reduction <add>, %get3A_2, %reduce_sum3A [0] : vector<32x257x16xf32> to vector<257x16xf32>
    %slice3A = vector.extract_strided_slice %reduce_sum3A_3 {offsets = [0, 0], sizes = [256, 16], strides = [1, 1]} : vector<257x16xf32> to vector<256x16xf32>
    %get3A_4 = arith.constant 0 : index
    %get3A_5 = arith.constant 0 : index
    %get3A_6 = vector.load %arg1[%get3A_4, %get3A_5] : memref<384x1xf32, #tpu.memory_space<vmem>>, vector<384x1xf32>
    %slice3A_7 = vector.extract_strided_slice %get3A_6 {offsets = [0, 0], sizes = [256, 1], strides = [1, 1]} : vector<384x1xf32> to vector<256x1xf32>
    %get3A_8 = arith.constant 0 : index
    %get3A_9 = arith.constant 0 : index
    %get3A_10 = vector.load %arg2[%get3A_8, %get3A_9] : memref<16x16xf32, #tpu.memory_space<vmem>>, vector<16x16xf32>
    %dot_general3A = arith.constant dense<0.000000e+00> : vector<256x16xf32>
    %dot_general3A_11 = tpu.matmul %slice3A, %get3A_10, %dot_general3A {dimension_numbers = #tpu.dot_dimension_numbers<[1], [0], [0], [1], [0, 0, 1, 1], [], []>, transpose_lhs_hint = false} : vector<256x16xf32>, vector<16x16xf32>, vector<256x16xf32> -> vector<256x16xf32>
    %get3A_12 = arith.constant 0 : index
    %get3A_13 = arith.constant 0 : index
    %get3A_14 = vector.load %arg3[%get3A_12, %get3A_13] : memref<1x16xf32, #tpu.memory_space<vmem>>, vector<1x16xf32>
    %mul3A = vector.broadcast %slice3A_7 : vector<256x1xf32> to vector<256x16xf32>
    %mul3A_15 = vector.broadcast %get3A_14 : vector<1x16xf32> to vector<256x16xf32>
    %mul3A_16 = arith.mulf %mul3A, %mul3A_15 : vector<256x16xf32>
    %add3A = arith.addf %dot_general3A_11, %mul3A_16 : vector<256x16xf32>
    %get3A_17 = arith.constant 0 : index
    %get3A_18 = arith.constant 0 : index
    %get3A_19 = vector.load %arg4[%get3A_17, %get3A_18] : memref<16x7xf32, #tpu.memory_space<vmem>>, vector<16x7xf32>
    %dot_general3A_20 = arith.constant dense<0.000000e+00> : vector<256x7xf32>
    %dot_general3A_21 = tpu.matmul %add3A, %get3A_19, %dot_general3A_20 {dimension_numbers = #tpu.dot_dimension_numbers<[1], [0], [0], [1], [0, 0, 1, 1], [], []>, transpose_lhs_hint = false} : vector<256x16xf32>, vector<16x7xf32>, vector<256x7xf32> -> vector<256x7xf32>
    %get3A_22 = arith.constant 0 : index
    %get3A_23 = arith.constant 0 : index
    %get3A_24 = vector.load %arg5[%get3A_22, %get3A_23] : memref<1x7xf32, #tpu.memory_space<vmem>>, vector<1x7xf32>
    %add3A_25 = vector.broadcast %get3A_24 : vector<1x7xf32> to vector<256x7xf32>
    %add3A_26 = arith.addf %dot_general3A_21, %add3A_25 : vector<256x7xf32>
    %reduce_max3A = arith.constant dense<0xFF800000> : vector<256xf32>
    %reduce_max3A_27 = vector.multi_reduction <maximumf>, %add3A_26, %reduce_max3A [1] : vector<256x7xf32> to vector<256xf32>
    %broadcast_in_dim3A = vector.shape_cast %reduce_max3A_27 : vector<256xf32> to vector<256x1xf32>
    %sub3A = vector.broadcast %broadcast_in_dim3A : vector<256x1xf32> to vector<256x7xf32>
    %sub3A_28 = arith.subf %add3A_26, %sub3A : vector<256x7xf32>
    %exp3A = math.exp %sub3A_28 : vector<256x7xf32>
    %reduce_sum3A_29 = arith.constant dense<0.000000e+00> : vector<256xf32>
    %reduce_sum3A_30 = vector.multi_reduction <add>, %exp3A, %reduce_sum3A_29 [1] : vector<256x7xf32> to vector<256xf32>
    %broadcast_in_dim3A_31 = vector.shape_cast %reduce_sum3A_30 : vector<256xf32> to vector<256x1xf32>
    %log3A = math.log %broadcast_in_dim3A_31 : vector<256x1xf32>
    %sub3A_32 = vector.broadcast %broadcast_in_dim3A : vector<256x1xf32> to vector<256x7xf32>
    %sub3A_33 = arith.subf %add3A_26, %sub3A_32 : vector<256x7xf32>
    %sub3A_34 = vector.broadcast %log3A : vector<256x1xf32> to vector<256x7xf32>
    %sub3A_35 = arith.subf %sub3A_33, %sub3A_34 : vector<256x7xf32>
    %swap3A = arith.constant 0 : index
    %swap3A_36 = arith.constant 0 : index
    %swap3A_37 = vector.load %arg6[%swap3A, %swap3A_36] : memref<256x7xf32, #tpu.memory_space<vmem>>, vector<256x7xf32>
    tpu.vector_store %arg6[%swap3A, %swap3A_36], %sub3A_35 {strides = array<i32>} : memref<256x7xf32, #tpu.memory_space<vmem>>, vector<256x7xf32>,
    return
  }
}

</mosaic_0001>

<sc_bundles>
// kernel: kernel.11.cloned.1.call-start
scs
__scs_entry_jumppad:
0x0: {  	(pc) =	sbr.rel $0x88, $3  }
0x1: {  	(tag) =	ssettag $0x0;
	lr =	simm.s32 $0x1  }
0x2: {  	[smem:$0x3F98] =	sst lr;
	_ =	strace $0xD0000000  }
0x3: {  	_ = 	snop  }
0x4: {  	_ = 	snop  }
0x5: {  	_ = 	snop  }
0x6: {  	_ = 	snop  }
0x7: {  	_ = 	snop  }
__scs_overlays_trampoline_lowered:
0x8: {  	[smem:$0x3FA7] =	sst s0  }
0x9: {  	[smem:$0x3FA8] =	sst s1  }
0xa: {  	[smem:$0x3FA9] =	sst s2  }
0xb: {  	[smem:$0x3FAA] =	sst s3  }
0xc: {  	[smem:$0x3FAB] =	sst s4  }
0xd: {  	[smem:$0x3FAC] =	sst s5  }
0xe: {  	[smem:$0x3FAD] =	sst s6  }
0xf: {  	[smem:$0x3FAE] =	sst s7  }
0x10: {  	[smem:$0x3FAF] =	sst s8  }
0x11: {  	[smem:$0x3FB0] =	sst s9;
	s0 =	simm.s32 @!p0 $0x0  }
0x12: {  	s1 =	sld [smem:$0x3F96];
	s0 =	simm.s32 @p0 $0x1  }
0x13: {  	[smem:$0x3FB1] =	sst s0;
	s0 =	simm.s32 @!p1 $0x0  }
0x14: {  	s2 =	sld [smem:$0x3F95];
	s0 =	simm.s32 @p1 $0x1  }
0x15: {  	[smem:$0x3FB2] =	sst s0;
	s0 =	simm.s32 @!p2 $0x0  }
0x16: {  	s3 =	sld [smem:$0x3FDB];
	s0 =	simm.s32 @p2 $0x1  }
0x17: {  	s4 =	simm.s32 $0x1BF5;
	[smem:$0x3FB4] =	sst s0  }
0x18: {  	s0 =	sld [smem:$0x3F97];
	_ =	swait.ge [sflag:s4], $0x0  }
0x19: {  	s7 =	sld [smem:$0x3F98]  }
0x1a: {  	s8 =	sadd.s32 $0xFFFFE003, lr  }
0x1b: {  	s9 =	sadd.s32 $0xFFFFFEF7, lr;
	s5 =	simm.s32 $0xFFFFFFFF;
	p2 =	slt.u32 s8, $0xFFFFF086  }
0x1c: {  	p1 =	slt.u32 s9, $0xF7A;
	s5 =	simm.s32 @!p2 $0x0  }
0x1d: {  	s5 =	simm.s32 @p1 $0x1;
	p0 =	seq.s32 s7, s2  }
0x1e: {  	s7 =	smul.u32 @!p0 $0xF7A, s2;
	p2 =	seq.s32 @!p0 s5, $0x0  }
0x1f: {  	s9 =	smul.u32 $0xF7A, s1;
	s8 =	simm.s32 @!p0 $0x1BF5;
	p2 =	por !p2, p0  }
0x20: {  	[sflag:s8] =	ssyncset.s32 @!p0 $0xFFFFF086;
	s6 =	sadd.s32 @!p0 s3, s7;
	s7 =	simm.s32 @!p0 $0x108  }
0x21: {  	s3 =	sadd.s32 s3, s9;
	s6 =	sadd.s32 @!p0 $0x88, s6;
	s7 =	simm.s32 @p2 $0x1082  }
0x22: {  	[simem:s7], [sflag:s8] =	dma.local @!p0 [hbm:s6], $0xF7A  }
0x23: {  	s9 =	sor.u32 $0xD0000000, s2;
	s6 =	simm.s32 $0x108;
	_ =	swait.ge @!p0 [sflag:s8], $0x0  }
0x24: {  	s3 =	sadd.s32 $0x88, s3;
	s6 =	simm.s32 @!p1 $0x1082;
	[sflag:s4] =	ssyncset.s32 $0xFFFFF086  }
0x25: {  	[simem:s6], [sflag:s4] =	dma.local [hbm:s3], $0xF7A  }
0x26: {  	[smem:$0x3F98] =	sst s1;
	(tag) =	ssettag s2;
	_ =	strace s9  }
0x27: {  	s1 =	sld [smem:$0x3FA8]  }
0x28: {  	s2 =	sld [smem:$0x3FA9]  }
0x29: {  	s4 =	sld [smem:$0x3FAB]  }
0x2a: {  	p0 =	seq.s32 s5, $0x0;
	s5 =	sld [smem:$0x3FAC]  }
0x2b: {  	s6 =	sld [smem:$0x3FAD]  }
0x2c: {  	s7 =	sld [smem:$0x3FAE]  }
0x2d: {  	s3 =	simm.s32 $0x108;
	s8 =	sld [smem:$0x3FAF]  }
0x2e: {  	s3 =	simm.s32 @!p0 $0x1082;
	s9 =	sld [smem:$0x3FB0]  }
0x2f: {  	lr =	sadd.s32 s0, s3;
	s0 =	sld [smem:$0x3FA7]  }
0x30: {  	s3 =	sld [smem:$0x3FAA]  }
0x31: {  	[smem:$0x3FB3] =	sst s10  }
0x32: {  	s10 =	sld [smem:$0x3FB1];
	_ =	sdelay $0x3  }
0x33: {  	p0 =	seq.s32 s10, $0x1;
	s10 =	sld [smem:$0x3FB3];
	_ =	sdelay $0x3  }
0x34: {  	[smem:$0x3FB3] =	sst s10  }
0x35: {  	s10 =	sld [smem:$0x3FB2];
	_ =	sdelay $0x3  }
0x36: {  	p1 =	seq.s32 s10, $0x1;
	s10 =	sld [smem:$0x3FB3];
	_ =	sdelay $0x3  }
0x37: {  	[smem:$0x3FB3] =	sst s10  }
0x38: {  	s10 =	sld [smem:$0x3FB4]  }
0x39: {  	_ = 	snop;
	(pc) =	sbr.ind lr, $3  }
0x3a: {  	_ = 	snop  }
0x3b: {  	_ = 	snop  }
0x3c: {  	p2 =	seq.s32 s10, $0x1;
	s10 =	sld [smem:$0x3FB3]  }
0x3d: {  	_ =	shalt  }
0x3e: {  	_ =	shalt  }
0x3f: {  	_ =	shalt  }
0x40: {  	_ =	shalt  }
0x41: {  	_ =	shalt  }
0x42: {  	_ =	shalt  }
0x43: {  	_ =	shalt  }
0x44: {  	_ =	shalt  }
0x45: {  	_ =	shalt  }
0x46: {  	_ =	shalt  }
0x47: {  	_ =	shalt  }
0x48: {  	_ =	shalt  }
0x49: {  	_ =	shalt  }
0x4a: {  	_ =	shalt  }
0x4b: {  	_ =	shalt  }
0x4c: {  	_ =	shalt  }
0x4d: {  	_ =	shalt  }
0x4e: {  	_ =	shalt  }
0x4f: {  	_ =	shalt  }
0x50: {  	_ =	shalt  }
0x51: {  	_ =	shalt  }
0x52: {  	_ =	shalt  }
0x53: {  	_ =	shalt  }
0x54: {  	_ =	shalt  }
0x55: {  	_ =	shalt  }
0x56: {  	_ =	shalt  }
0x57: {  	_ =	shalt  }
0x58: {  	_ =	shalt  }
0x59: {  	_ =	shalt  }
0x5a: {  	_ =	shalt  }
0x5b: {  	_ =	shalt  }
0x5c: {  	_ =	shalt  }
0x5d: {  	_ =	shalt  }
0x5e: {  	_ =	shalt  }
0x5f: {  	_ =	shalt  }
0x60: {  	_ =	shalt  }
0x61: {  	_ =	shalt  }
0x62: {  	_ =	shalt  }
0x63: {  	_ =	shalt  }
0x64: {  	_ =	shalt  }
0x65: {  	_ =	shalt  }
0x66: {  	_ =	shalt  }
0x67: {  	_ =	shalt  }
0x68: {  	_ =	shalt  }
0x69: {  	_ =	shalt  }
0x6a: {  	_ =	shalt  }
0x6b: {  	_ =	shalt  }
0x6c: {  	_ =	shalt  }
0x6d: {  	_ =	shalt  }
0x6e: {  	_ =	shalt  }
0x6f: {  	_ =	shalt  }
0x70: {  	_ =	shalt  }
0x71: {  	_ =	shalt  }
0x72: {  	_ =	shalt  }
0x73: {  	_ =	shalt  }
0x74: {  	_ =	shalt  }
0x75: {  	_ =	shalt  }
0x76: {  	_ =	shalt  }
0x77: {  	_ =	shalt  }
0x78: {  	_ =	shalt  }
0x79: {  	_ =	shalt  }
0x7a: {  	_ =	shalt  }
0x7b: {  	_ =	shalt  }
0x7c: {  	_ =	shalt  }
0x7d: {  	_ =	shalt  }
0x7e: {  	_ =	shalt  }
0x7f: {  	_ =	shalt  }
0x80: {  	_ =	shalt  }
0x81: {  	_ =	shalt  }
0x82: {  	_ =	shalt  }
0x83: {  	_ =	shalt  }
0x84: {  	_ =	shalt  }
0x85: {  	_ =	shalt  }
0x86: {  	_ =	shalt  }
0x87: {  	_ =	shalt  }
.Lfunc_end0:
.L_simem_size_0:
called_computation.1_lowered:
.L_overlay_start_0:
0x88: {  	s2 =	sld [smem:$0x3FD9]  }
0x89: {  	s3 =	sld [smem:$0x3FFE];
	_ =	sdelay $0x1  }
0x8a: {  	s1 =	srdreg.scid  }
0x8b: {  	s0 =	sand.u32 $0x1, s1  }
0x8c: {  	s16 =	sshll.u32 s0, $0xA;
	s2 =	sadd.s32 s3, s2  }
0x8d: {  	s2 =	sadd.s32 s2, s16  }
0x8e: {  	[smem:$0x3FBF] =	sst s2  }
0x8f: {  	_ = 	snop  }
0x90: {  	(tm) =	ssettm $0x1  }
0x91: {  	s17 =	sld [smem:$0x3FFB];
	_ =	sdelay $0x3  }
0x92: {  	_ =	strace s17  }
0x93: {  	s2 =	sld [smem:$0x3FFC];
	_ =	sdelay $0x3  }
0x94: {  	_ =	strace s2  }
0x95: {  	s2 =	sld [smem:$0x3FFD];
	_ =	sdelay $0x3  }
0x96: {  	_ =	strace s2  }
0x97: {  	_ =	strace $0x8FFFFFFF  }
0x98: {  	s18 =	sld [smem:$0x3FDB];
	_ =	sdelay $0x1  }
0x99: {  	s19 =	simm.s32 $_scs_section_size  }
0x9a: {  	s4 =	simm.s32 $_size__tile_overlayer_lowered;
	s5 =	simm.s32 $_tile_overlayer_lowered  }
0x9b: {  	s22 =	simm.s32 $0x1BFF;
	s21 =	sshll.u32 s5, $0x1;
	s2 =	sadd.s32 s19, s18  }
0x9c: {  	s6 =	simm.s32 $0x0;
	s20 =	sshll.u32 s4, $0x1;
	s4 =	sadd.s32 s21, s2  }
0x9d: {  	[timem:s6], [sflag:s22] =	dma.local [hbm:s4], s20  }
0x9e: {  	_ =	swait.ge [sflag:s22], s20  }
0x9f: {  	s3 =	ssub.s32 $0x0, s20;
	[sflag:s22] =	ssyncset.done $0x0  }
0xa0: {  	[sflag:s22] =	ssyncadd.s32 s3;
	_ =	sdelay $0x1  }
0xa1: {  	s23 =	simm.s32 $0x1B8B  }
0xa2: {  	_ =	swait.ge [sflag:s23], $0x1  }
0xa3: {  	[sflag:s23] =	ssyncset.done $0x0  }
0xa4: {  	s25 =	simm.s32 $0x1B8E;
	s24 =	sld [smem:$0x3FFE];
	[sflag:s23] =	ssyncadd.s32 $0xFFFFFFFF  }
0xa5: {  	s26 =	simm.s32 $execute0_lowered;
	[smem:$0x3FD2] =	sst s25  }
0xa6: {  	s4 =	sshll.u32 s26, $0x1;
	_ =	strace $0x80000049;
	[dreg:$0x1] =	wrdreg $0xFFFFFFFF  }
0xa7: {  	s28 =	simm.s32 $_size_execute0_lowered;
	s2 =	sadd.s32 s2, s4;
	[dreg:$0x0] =	wrdreg $0x0  }
0xa8: {  	s4 =	sshll.u32 s28, $0x1;
	[dreg:$0x2] =	wrdreg s2  }
0xa9: {  	[dreg:$0x3] =	wrdreg s4  }
0xaa: {  	[dreg:$0x4] =	wrdreg $0xC0  }
0xab: {  	_ =	task [dreg:s6], $0x5FFFF  }
0xac: {  	[dreg:$0x1] =	wrdreg $0xFFFFFFFF  }
0xad: {  	[dreg:$0x0] =	wrdreg $0x60  }
0xae: {  	[dreg:$0x2] =	wrdreg s24  }
0xaf: {  	[dreg:$0x3] =	wrdreg $0x0  }
0xb0: {  	[dreg:$0x4] =	wrdreg $0x18800  }
0xb1: {  	[dreg:$0x5] =	wrdreg $0x31000  }
0xb2: {  	[dreg:$0x6] =	wrdreg $0x9  }
0xb3: {  	_ =	task.clear_ibuf [dreg:s6], $0x7FFFF;
	_ =	strace $0x90000049  }
0xb4: {  	s29 =	simm.s32 $0x9;
	_ =	strace $0x8000004B  }
0xb5: {  	_ =	swait.ge [sflag:s29], $0x1  }
0xb6: {  	[sflag:s29] =	ssyncadd.s32 $0xFFFFFFFF  }
0xb7: {  	_ =	strace $0x9000004B  }
0xb8: {  	_ =	sfence  }
0xb9: {  	s30 =	sld [smem:$0x0];
	_ =	sdelay $0x2  }
0xba: {  	s31 =	sshll.u32 s1, $0xD;
	s1 =	sshrl.u32 s1, $0x2  }
0xbb: {  	s3 =	sand.u32 $0x4000, s31;
	s1 =	sadd.s32 s1, s30  }
0xbc: {  	s0 =	sor.u32 s3, s0;
	s1 =	sshll.u32 s1, $0x11  }
0xbd: {  	s0 =	sor.u32 s1, s0  }
0xbe: {  	s0 =	sadd.s32 $0x8F2B, s0  }
0xbf: {  	[sflag:s0] =	ssyncadd.remote.s32 $0x1  }
0xc0: {  	_ =	sfence.sel $0xFFFF  }
0xc1: {  	[dreg:$0x0] =	wrdreg $0xFFFFFFFF;
	(pc) =	sbr.abs _section_cstart, $3  }
0xc2: {  	[dreg:$0x1] =	wrdreg $0xFFFFFFFF  }
0xc3: {  	_ =	task.clear_ibuf [dreg:s6], $0x2FFFF;
	_ =	strace $0x9FFFFFFF  }
0xc4: {  	(tm) =	ssettm $0x7FFFFFFF  }
0xc5: {  	_ =	shalt  }
tec
execute0_lowered:
.L_overlay_start_1:
0x0: {  	(tag) =	ssettag $0x1  }
0x1: {  	s0 =	rddreg [dreg:$0x0]  }
0x2: {  	s1 =	rddreg [dreg:$0x1]  }
0x3: {  	s2 =	rddreg [dreg:$0x2]  }
0x4: {  	s4 =	rddreg [dreg:$0x3];
	s5 =	simm.s32 $0x0  }
0x5: {  	s17 =	stileid.u32;
	s3 =	srdreg.scid;
	s28 =	simm.s32 $0x7B80  }
0x6: {  	s29 =	simm.s32 $0x9480;
	s30 =	simm.s32 $0xF880;
	s31 =	simm.s32 $0x11180  }
0x7: {  	[smem:$0x7FF] =	sst s5;
	s9 =	smul.u32 $0x1880, s17;
	s3 =	sand.u32 $0x1, s3  }
0x8: {  	s10 =	sadd.s32 $0x18FA00, s0;
	s12 =	sadd.s32 $0xC7A00, s0;
	s6 =	sadd.s32 $0x4C00, s0  }
0x9: {  	s7 =	sadd.s32 $0x7E00, s0;
	s8 =	sadd.s32 $0xB000, s0;
	s26 =	smul.u32 $0x2BC00, s17  }
0xa: {  	s25 =	sshll.u32 s17, $0x6;
	s22 =	smul.u32 $0x7080, s17;
	_ =	strace $0x8000004A  }
0xb: {  	s11 =	smul.u32 $0x49800, s3;
	s14 =	ssub.s32 $0x2, s3;
	p0 =	seq.s32 s3, $0x0  }
0xc: {  	s13 =	sshrl.u32 s9, $0x3;
	s15 =	sshrl.u32 s14, $0x1;
	s23 =	sadd.s32 s9, s1  }
0xd: {  	s16 =	sadd.s32 s9, s2;
	s11 =	sadd.s32 s9, s11;
	s13 =	sadd.s32 s13, s0  }
0xe: {  	s14 =	ssub.s32 s14, s15;
	[dreg:$0x9] =	wrdreg s23;
	s15 =	smul.u32 $0x38400, s17  }
0xf: {  	[dreg:$0xb] =	wrdreg s16;
	s16 =	smul.u32 $0x5780, s17;
	s9 =	sadd.s32 s9, s4  }
0x10: {  	s11 =	sshrl.u32 s11, $0x3;
	s24 =	sadd.s32 $0x1A00, s13;
	s13 =	sadd.s32 $0x384000, s26  }
0x11: {  	[dreg:$0xc] =	wrdreg s9;
	s14 =	smax.u32 s14, $0x1;
	s26 =	sadd.s32 s22, s10  }
0x12: {  	s0 =	sadd.s32 s11, s0;
	[dreg:$0xa] =	wrdreg s24;
	s11 =	sor.u32 $0x1C05, s25  }
0x13: {  	s13 =	smov.u32 @p0 s15;
	s20 =	sadd.s32 s16, s12;
	[dreg:$0x10] =	wrdreg s14  }
0x14: {  	s21 =	sadd.s32 s16, s10;
	s25 =	sadd.s32 s22, s12;
	[dreg:$0x8] =	wrdreg s26  }
0x15: {  	p0 =	sne.s32 s3, $0x0;
	s22 =	simm.s32 $0x6280;
	s26 =	simm.s32 $0xDF80  }
0x16: {  	s3 =	simm.s32 $0x1;
	s14 =	simm.s32 $0x0;
	s18 =	sadd.s32 $0xE200, s0  }
0x17: {  	s19 =	sadd.s32 $0x11300, s0;
	s0 =	sadd.s32 $0x14400, s0;
	[dreg:$0x7] =	wrdreg s25  }
0x18: {  	s23 =	sadd.s32 $0x70800, s21;
	s24 =	sshrl.u32 s13, $0x3;
	[dreg:$0xd] =	wrdreg s18  }
0x19: {  	s21 =	simm.s32 $0x4980;
	s25 =	simm.s32 $0xC680;
	[dreg:$0xe] =	wrdreg s19  }
.Ltmp0:
0x1a: {  	s13 =	simm.s32 $0x4;
	[dreg:$0xf] =	wrdreg s0;
	(pc) =	sbr.rel .LBB2_1-.Ltmp0, $4  }
0x1b: {  	s0 =	sadd.s32 $0x70800, s20;
	[dreg:$0x6] =	wrdreg s23;
	s9 =	sadd.s32 $0x320, s24  }
0x1c: {  	s20 =	simm.s32 $0x5;
	s23 =	simm.s32 $0x1900;
	s24 =	simm.s32 $0xAD80  }
0x1d: {  	[dreg:$0x5] =	wrdreg s0;
	s18 =	sadd.s32 s9, s12;
	s19 =	sadd.s32 s9, s10  }
0x1e: {  	s0 =	simm.s32 $0x12A80;
	s9 =	simm.s32 $0x2;
	s12 =	simm.s32 $0x3  }
.LBB2_7:
0x1f: {  	[sflag:s13] =	ssyncadd.s32 $0xFFFFE700;
	s15 =	sadd.s32 s10, s16  }
0x20: {  	[tilespmem:s21], [sflag:$0x5] =	stream.linear.gather [hbm4b:s15+s5], $0x1900, $0x38;
	[tilespmem:$0x14380] =	vst v63  }
0x21: {  	_ =	swait.ge [sflag:s20], $0x1900  }
0x22: {  	s17 =	rddreg [dreg:$0x5];
	[sflag:s20] =	ssyncset.done $0x0  }
0x23: {  	[sflag:s20] =	ssyncadd.s32 $0xFFFFE700;
	s15 =	sadd.s32 s10, s17  }
0x24: {  	[tilespmem:s22], [sflag:$0x5] =	stream.linear.gather [hbm4b:s15+s5], $0x1900, $0x38;
	[tilespmem:$0x14380] =	vst v63  }
0x25: {  	_ =	swait.ge [sflag:s20], $0x1900  }
0x26: {  	[sflag:s20] =	ssyncset.done $0x0  }
0x27: {  	[sflag:s20] =	ssyncadd.s32 $0xFFFFE700  }
0x28: {  	[tilespmem:s24], [sflag:$0x1] =	stream.indirect.gather [hbm4b:s6+s23], $0x1, s21, s23, $0xb8;
	[tilespmem:$0x14380] =	vst v63  }
0x29: {  	_ = 	snop  }
0x2a: {  	[tilespmem:s25], [sflag:$0x1] =	stream.indirect.gather [hbm4b:s7+s23], $0x1, s21, s23, $0xb8;
	[tilespmem:$0x14380] =	vst v63  }
0x2b: {  	_ = 	snop  }
0x2c: {  	[tilespmem:s26], [sflag:$0x1] =	stream.indirect.gather [hbm4b:s8+s23], $0x1, s21, s23, $0xb8;
	[tilespmem:$0x14380] =	vst v63  }
0x2d: {  	s16 =	sadd.s32 s10, s19  }
0x2e: {  	[tilespmem:s28], [sflag:$0x5] =	stream.linear.gather [hbm4b:s16+s5], $0x1900, $0x38;
	[tilespmem:$0x14380] =	vst v63  }
0x2f: {  	_ =	swait.ge [sflag:s20], $0x1900  }
0x30: {  	[sflag:s20] =	ssyncset.done $0x0  }
0x31: {  	s17 =	sadd.s32 s10, s18;
	[sflag:s20] =	ssyncadd.s32 $0xFFFFE700  }
0x32: {  	[tilespmem:s29], [sflag:$0x5] =	stream.linear.gather [hbm4b:s17+s5], $0x1900, $0x38;
	[tilespmem:$0x14380] =	vst v63  }
0x33: {  	_ =	swait.ge [sflag:s20], $0x1900  }
0x34: {  	[sflag:s20] =	ssyncset.done $0x0  }
0x35: {  	[sflag:s20] =	ssyncadd.s32 $0xFFFFE700  }
0x36: {  	[tilespmem:s30], [sflag:$0x2] =	stream.indirect.gather [hbm4b:s6+s23], $0x1, s28, s23, $0xb8;
	[tilespmem:$0x14380] =	vst v63  }
0x37: {  	_ = 	snop  }
0x38: {  	[tilespmem:s31], [sflag:$0x2] =	stream.indirect.gather [hbm4b:s7+s23], $0x1, s28, s23, $0xb8;
	[tilespmem:$0x14380] =	vst v63  }
0x39: {  	_ = 	snop  }
0x3a: {  	[tilespmem:s0], [sflag:$0x2] =	stream.indirect.gather [hbm4b:s8+s23], $0x1, s28, s23, $0xb8;
	[tilespmem:$0x14380] =	vst v63  }
0x3b: {  	_ =	swait.ge [sflag:s3], $0x1900  }
0x3c: {  	[sflag:s3] =	ssyncset.done $0x0  }
0x3d: {  	[sflag:s3] =	ssyncadd.s32 $0xFFFFE700  }
0x3e: {  	_ =	swait.ge [sflag:s3], $0x1900  }
0x3f: {  	[sflag:s3] =	ssyncset.done $0x0  }
0x40: {  	[sflag:s3] =	ssyncadd.s32 $0xFFFFE700  }
0x41: {  	_ =	swait.ge [sflag:s3], $0x1900  }
0x42: {  	[sflag:s3] =	ssyncset.done $0x0  }
0x43: {  	[sflag:s3] =	ssyncadd.s32 $0xFFFFE700  }
0x44: {  	[spmem:s1] =	stream.indirect.scatter.add.f32 [tilespmem:s24], [sflag:$0x3], $0x1, s22, s23, $0xb8;
	[tilespmem:$0x14380] =	vst v63  }
0x45: {  	_ = 	snop  }
0x46: {  	[spmem:s2] =	stream.indirect.scatter.add.f32 [tilespmem:s25], [sflag:$0x3], $0x1, s22, s23, $0xb8;
	[tilespmem:$0x14380] =	vst v63  }
0x47: {  	_ = 	snop  }
0x48: {  	[spmem:s4] =	stream.indirect.scatter.add.f32 [tilespmem:s26], [sflag:$0x3], $0x1, s22, s23, $0xb8;
	[tilespmem:$0x14380] =	vst v63  }
0x49: {  	_ =	swait.ge [sflag:s9], $0x1900  }
0x4a: {  	[sflag:s9] =	ssyncset.done $0x0  }
0x4b: {  	[sflag:s9] =	ssyncadd.s32 $0xFFFFE700  }
0x4c: {  	_ =	swait.ge [sflag:s9], $0x1900  }
0x4d: {  	[sflag:s9] =	ssyncset.done $0x0  }
0x4e: {  	[sflag:s9] =	ssyncadd.s32 $0xFFFFE700  }
0x4f: {  	_ =	swait.ge [sflag:s9], $0x1900  }
0x50: {  	[sflag:s9] =	ssyncset.done $0x0  }
0x51: {  	[sflag:s9] =	ssyncadd.s32 $0xFFFFE700  }
0x52: {  	[spmem:s1] =	stream.indirect.scatter.add.f32 [tilespmem:s30], [sflag:$0x4], $0x1, s29, s23, $0xb8;
	[tilespmem:$0x14380] =	vst v63  }
0x53: {  	_ = 	snop  }
0x54: {  	[spmem:s2] =	stream.indirect.scatter.add.f32 [tilespmem:s31], [sflag:$0x4], $0x1, s29, s23, $0xb8;
	[tilespmem:$0x14380] =	vst v63  }
0x55: {  	_ = 	snop  }
0x56: {  	[spmem:s4] =	stream.indirect.scatter.add.f32 [tilespmem:s0], [sflag:$0x4], $0x1, s29, s23, $0xb8;
	[tilespmem:$0x14380] =	vst v63  }
0x57: {  	_ =	swait.ge [sflag:s12], $0x1900  }
0x58: {  	[sflag:s12] =	ssyncset.done $0x0  }
0x59: {  	[sflag:s12] =	ssyncadd.s32 $0xFFFFE700  }
0x5a: {  	_ =	swait.ge [sflag:s12], $0x1900  }
0x5b: {  	[sflag:s12] =	ssyncset.done $0x0  }
0x5c: {  	[sflag:s12] =	ssyncadd.s32 $0xFFFFE700  }
0x5d: {  	_ =	swait.ge [sflag:s12], $0x1900  }
0x5e: {  	[sflag:s12] =	ssyncset.done $0x0  }
0x5f: {  	[sflag:s12] =	ssyncadd.s32 $0xFFFFE700  }
0x60: {  	_ =	swait.ge [sflag:s13], $0x1900  }
0x61: {  	[sflag:s13] =	ssyncset.done $0x0  }
0x62: {  	[sflag:s13] =	ssyncadd.s32 $0xFFFFE700  }
0x63: {  	_ =	swait.ge [sflag:s13], $0x1900  }
0x64: {  	[sflag:s13] =	ssyncset.done $0x0  }
0x65: {  	[sflag:s13] =	ssyncadd.s32 $0xFFFFE700  }
0x66: {  	_ =	swait.ge [sflag:s13], $0x1900  }
0x67: {  	[sflag:s13] =	ssyncset.done $0x0  }
0x68: {  	[sflag:s13] =	ssyncadd.s32 $0xFFFFE700  }
.LBB2_8:
0x69: {  	[bflag:$0x0] =	sbarrier.arrive $0xFFFF  }
0x6a: {  	s10 =	rddreg [dreg:$0xd]  }
0x6b: {  	s15 =	rddreg [dreg:$0x11]  }
0x6c: {  	[hbm:s10], [sflag:s11] =	dma.local [spmem:s15], $0x310  }
0x6d: {  	_ =	swait.ge [sflag:s20], $0x310  }
0x6e: {  	[sflag:s20] =	ssyncset.done $0x0;
	s16 =	rddreg [dreg:$0xe]  }
0x6f: {  	s17 =	rddreg [dreg:$0x12];
	[sflag:s20] =	ssyncadd.s32 $0xFFFFFCF0  }
0x70: {  	[hbm:s16], [sflag:s11] =	dma.local [spmem:s17], $0x310  }
0x71: {  	_ =	swait.ge [sflag:s20], $0x310  }
0x72: {  	[sflag:s20] =	ssyncset.done $0x0;
	s15 =	rddreg [dreg:$0xf]  }
0x73: {  	s16 =	rddreg [dreg:$0x13];
	[sflag:s20] =	ssyncadd.s32 $0xFFFFFCF0  }
0x74: {  	[hbm:s15], [sflag:s11] =	dma.local [spmem:s16], $0x310  }
0x75: {  	_ =	swait.ge [sflag:s20], $0x310  }
0x76: {  	s14 =	sadd.s32 $0x1, s14;
	s17 =	rddreg [dreg:$0x10]  }
0x77: {  	p1 =	sne.s32 s14, s17  }
.Ltmp1:
0x78: {  	_ = 	snop;
	(pc) =	sbr.rel @!p1 .LBB2_9-.Ltmp1, $3  }
0x79: {  	_ =	sdelay $0x1  }
0x7a: {  	[sflag:s20] =	ssyncset.done $0x0  }
0x7b: {  	[sflag:s20] =	ssyncadd.s32 $0xFFFFFCF0  }
.LBB2_1:
0x7c: {  	s10 =	rddreg [dreg:$0x9]  }
0x7d: {  	s15 =	sshrl.u32 s10, $0x3;
	s10 =	rddreg [dreg:$0xa]  }
0x7e: {  	[dreg:$0x11] =	wrdreg s15  }
0x7f: {  	[spmem:s15], [sflag:s11] =	dma.local [hbm:s10], $0x310  }
0x80: {  	_ =	swait.ge [sflag:s20], $0x310  }
0x81: {  	s16 =	rddreg [dreg:$0xb]  }
0x82: {  	[sflag:s20] =	ssyncset.done $0x0;
	s15 =	sshrl.u32 s16, $0x3  }
0x83: {  	[sflag:s20] =	ssyncadd.s32 $0xFFFFFCF0;
	[dreg:$0x12] =	wrdreg s15  }
0x84: {  	[spmem:s15], [sflag:s11] =	dma.local [hbm:s10], $0x310  }
0x85: {  	_ =	swait.ge [sflag:s20], $0x310  }
0x86: {  	s17 =	rddreg [dreg:$0xc]  }
0x87: {  	[sflag:s20] =	ssyncset.done $0x0;
	s15 =	sshrl.u32 s17, $0x3  }
0x88: {  	[sflag:s20] =	ssyncadd.s32 $0xFFFFFCF0;
	[dreg:$0x13] =	wrdreg s15  }
0x89: {  	[spmem:s15], [sflag:s11] =	dma.local [hbm:s10], $0x310  }
.Ltmp2:
0x8a: {  	_ =	swait.ge [sflag:s20], $0x310;
	(pc) =	sbr.rel @p0 .LBB2_5-.Ltmp2, $3  }
0x8b: {  	[sflag:s20] =	ssyncset.done $0x0  }
0x8c: {  	[sflag:s20] =	ssyncadd.s32 $0xFFFFFCF0  }
0x8d: {  	[bflag:$0x0] =	sbarrier.arrive $0xFFFF;
	_ =	sdelay $0x1  }
0x8e: {  	s10 =	rddreg [dreg:$0x8]  }
0x8f: {  	s10 =	sadd.s32 $0x0, s10  }
0x90: {  	[tilespmem:s21], [sflag:$0x5] =	stream.linear.gather [hbm4b:s10+s5], $0x1900, $0x38;
	[tilespmem:$0x14380] =	vst v63  }
0x91: {  	_ =	swait.ge [sflag:s20], $0x1900  }
0x92: {  	s15 =	rddreg [dreg:$0x7];
	[sflag:s20] =	ssyncset.done $0x0  }
0x93: {  	[sflag:s20] =	ssyncadd.s32 $0xFFFFE700;
	s10 =	sadd.s32 $0x0, s15  }
0x94: {  	[tilespmem:s22], [sflag:$0x5] =	stream.linear.gather [hbm4b:s10+s5], $0x1900, $0x38;
	[tilespmem:$0x14380] =	vst v63  }
0x95: {  	_ =	swait.ge [sflag:s20], $0x1900  }
0x96: {  	[sflag:s20] =	ssyncset.done $0x0  }
0x97: {  	[sflag:s20] =	ssyncadd.s32 $0xFFFFE700  }
0x98: {  	[tilespmem:s24], [sflag:$0x1] =	stream.indirect.gather [hbm4b:s6+s23], $0x1, s21, s23, $0xb8;
	[tilespmem:$0x14380] =	vst v63  }
0x99: {  	_ = 	snop  }
0x9a: {  	[tilespmem:s25], [sflag:$0x1] =	stream.indirect.gather [hbm4b:s7+s23], $0x1, s21, s23, $0xb8;
	[tilespmem:$0x14380] =	vst v63  }
0x9b: {  	_ = 	snop  }
0x9c: {  	[tilespmem:s26], [sflag:$0x1] =	stream.indirect.gather [hbm4b:s8+s23], $0x1, s21, s23, $0xb8;
	[tilespmem:$0x14380] =	vst v63  }
0x9d: {  	s16 =	sadd.s32 $0x0, s19  }
0x9e: {  	[tilespmem:s28], [sflag:$0x5] =	stream.linear.gather [hbm4b:s16+s5], $0x1900, $0x38;
	[tilespmem:$0x14380] =	vst v63  }
0x9f: {  	_ =	swait.ge [sflag:s20], $0x1900  }
0xa0: {  	[sflag:s20] =	ssyncset.done $0x0  }
0xa1: {  	s17 =	sadd.s32 $0x0, s18;
	[sflag:s20] =	ssyncadd.s32 $0xFFFFE700  }
0xa2: {  	[tilespmem:s29], [sflag:$0x5] =	stream.linear.gather [hbm4b:s17+s5], $0x1900, $0x38;
	[tilespmem:$0x14380] =	vst v63  }
0xa3: {  	_ =	swait.ge [sflag:s20], $0x1900  }
0xa4: {  	[sflag:s20] =	ssyncset.done $0x0  }
0xa5: {  	[sflag:s20] =	ssyncadd.s32 $0xFFFFE700  }
0xa6: {  	[tilespmem:s30], [sflag:$0x2] =	stream.indirect.gather [hbm4b:s6+s23], $0x1, s28, s23, $0xb8;
	[tilespmem:$0x14380] =	vst v63  }
0xa7: {  	_ = 	snop  }
0xa8: {  	[tilespmem:s31], [sflag:$0x2] =	stream.indirect.gather [hbm4b:s7+s23], $0x1, s28, s23, $0xb8;
	[tilespmem:$0x14380] =	vst v63  }
0xa9: {  	_ = 	snop  }
0xaa: {  	[tilespmem:s0], [sflag:$0x2] =	stream.indirect.gather [hbm4b:s8+s23], $0x1, s28, s23, $0xb8;
	[tilespmem:$0x14380] =	vst v63  }
0xab: {  	_ =	swait.ge [sflag:s3], $0x1900  }
0xac: {  	[sflag:s3] =	ssyncset.done $0x0  }
0xad: {  	[sflag:s3] =	ssyncadd.s32 $0xFFFFE700  }
0xae: {  	_ =	swait.ge [sflag:s3], $0x1900  }
0xaf: {  	[sflag:s3] =	ssyncset.done $0x0  }
0xb0: {  	[sflag:s3] =	ssyncadd.s32 $0xFFFFE700  }
0xb1: {  	_ =	swait.ge [sflag:s3], $0x1900  }
0xb2: {  	[sflag:s3] =	ssyncset.done $0x0  }
0xb3: {  	[sflag:s3] =	ssyncadd.s32 $0xFFFFE700  }
0xb4: {  	[spmem:s1] =	stream.indirect.scatter.add.f32 [tilespmem:s24], [sflag:$0x3], $0x1, s22, s23, $0xb8;
	[tilespmem:$0x14380] =	vst v63  }
0xb5: {  	_ = 	snop  }
0xb6: {  	[spmem:s2] =	stream.indirect.scatter.add.f32 [tilespmem:s25], [sflag:$0x3], $0x1, s22, s23, $0xb8;
	[tilespmem:$0x14380] =	vst v63  }
0xb7: {  	_ = 	snop  }
0xb8: {  	[spmem:s4] =	stream.indirect.scatter.add.f32 [tilespmem:s26], [sflag:$0x3], $0x1, s22, s23, $0xb8;
	[tilespmem:$0x14380] =	vst v63  }
0xb9: {  	_ =	swait.ge [sflag:s9], $0x1900  }
0xba: {  	[sflag:s9] =	ssyncset.done $0x0  }
0xbb: {  	[sflag:s9] =	ssyncadd.s32 $0xFFFFE700  }
0xbc: {  	_ =	swait.ge [sflag:s9], $0x1900  }
0xbd: {  	[sflag:s9] =	ssyncset.done $0x0  }
0xbe: {  	[sflag:s9] =	ssyncadd.s32 $0xFFFFE700  }
0xbf: {  	_ =	swait.ge [sflag:s9], $0x1900  }
0xc0: {  	[sflag:s9] =	ssyncset.done $0x0  }
0xc1: {  	[sflag:s9] =	ssyncadd.s32 $0xFFFFE700  }
0xc2: {  	[spmem:s1] =	stream.indirect.scatter.add.f32 [tilespmem:s30], [sflag:$0x4], $0x1, s29, s23, $0xb8;
	[tilespmem:$0x14380] =	vst v63  }
0xc3: {  	_ = 	snop  }
0xc4: {  	[spmem:s2] =	stream.indirect.scatter.add.f32 [tilespmem:s31], [sflag:$0x4], $0x1, s29, s23, $0xb8;
	[tilespmem:$0x14380] =	vst v63  }
0xc5: {  	_ = 	snop  }
0xc6: {  	[spmem:s4] =	stream.indirect.scatter.add.f32 [tilespmem:s0], [sflag:$0x4], $0x1, s29, s23, $0xb8;
	[tilespmem:$0x14380] =	vst v63  }
0xc7: {  	_ =	swait.ge [sflag:s12], $0x1900  }
0xc8: {  	[sflag:s12] =	ssyncset.done $0x0  }
0xc9: {  	[sflag:s12] =	ssyncadd.s32 $0xFFFFE700  }
0xca: {  	_ =	swait.ge [sflag:s12], $0x1900  }
0xcb: {  	[sflag:s12] =	ssyncset.done $0x0  }
0xcc: {  	[sflag:s12] =	ssyncadd.s32 $0xFFFFE700  }
0xcd: {  	_ =	swait.ge [sflag:s12], $0x1900  }
0xce: {  	[sflag:s12] =	ssyncset.done $0x0  }
0xcf: {  	[sflag:s12] =	ssyncadd.s32 $0xFFFFE700  }
0xd0: {  	_ =	swait.ge [sflag:s13], $0x1900  }
0xd1: {  	[sflag:s13] =	ssyncset.done $0x0  }
0xd2: {  	[sflag:s13] =	ssyncadd.s32 $0xFFFFE700  }
0xd3: {  	_ =	swait.ge [sflag:s13], $0x1900  }
0xd4: {  	[sflag:s13] =	ssyncset.done $0x0  }
0xd5: {  	[sflag:s13] =	ssyncadd.s32 $0xFFFFE700  }
0xd6: {  	s15 =	simm.s32 $0xC80;
	_ =	swait.ge [sflag:s13], $0x1900  }
0xd7: {  	s10 =	simm.s32 $0x640;
	s16 =	rddreg [dreg:$0x8];
	[sflag:s13] =	ssyncset.done $0x0  }
.LBB2_3:
0xd8: {  	[sflag:s13] =	ssyncadd.s32 $0xFFFFE700;
	s16 =	sadd.s32 s10, s16  }
0xd9: {  	[tilespmem:s21], [sflag:$0x5] =	stream.linear.gather [hbm4b:s16+s5], $0x1900, $0x38;
	[tilespmem:$0x14380] =	vst v63  }
0xda: {  	_ =	swait.ge [sflag:s20], $0x1900  }
0xdb: {  	s16 =	rddreg [dreg:$0x7];
	[sflag:s20] =	ssyncset.done $0x0  }
0xdc: {  	[sflag:s20] =	ssyncadd.s32 $0xFFFFE700;
	s16 =	sadd.s32 s10, s16  }
0xdd: {  	[tilespmem:s22], [sflag:$0x5] =	stream.linear.gather [hbm4b:s16+s5], $0x1900, $0x38;
	[tilespmem:$0x14380] =	vst v63  }
0xde: {  	_ =	swait.ge [sflag:s20], $0x1900  }
0xdf: {  	[sflag:s20] =	ssyncset.done $0x0  }
0xe0: {  	[sflag:s20] =	ssyncadd.s32 $0xFFFFE700  }
0xe1: {  	[tilespmem:s24], [sflag:$0x1] =	stream.indirect.gather [hbm4b:s6+s23], $0x1, s21, s23, $0xb8;
	[tilespmem:$0x14380] =	vst v63  }
0xe2: {  	_ = 	snop  }
0xe3: {  	[tilespmem:s25], [sflag:$0x1] =	stream.indirect.gather [hbm4b:s7+s23], $0x1, s21, s23, $0xb8;
	[tilespmem:$0x14380] =	vst v63  }
0xe4: {  	_ = 	snop  }
0xe5: {  	[tilespmem:s26], [sflag:$0x1] =	stream.indirect.gather [hbm4b:s8+s23], $0x1, s21, s23, $0xb8;
	[tilespmem:$0x14380] =	vst v63  }
0xe6: {  	s16 =	sadd.s32 s10, s19  }
0xe7: {  	[tilespmem:s28], [sflag:$0x5] =	stream.linear.gather [hbm4b:s16+s5], $0x1900, $0x38;
	[tilespmem:$0x14380] =	vst v63  }
0xe8: {  	_ =	swait.ge [sflag:s20], $0x1900  }
0xe9: {  	[sflag:s20] =	ssyncset.done $0x0  }
0xea: {  	s16 =	sadd.s32 s10, s18;
	[sflag:s20] =	ssyncadd.s32 $0xFFFFE700  }
0xeb: {  	[tilespmem:s29], [sflag:$0x5] =	stream.linear.gather [hbm4b:s16+s5], $0x1900, $0x38;
	[tilespmem:$0x14380] =	vst v63  }
0xec: {  	_ =	swait.ge [sflag:s20], $0x1900  }
0xed: {  	[sflag:s20] =	ssyncset.done $0x0  }
0xee: {  	[sflag:s20] =	ssyncadd.s32 $0xFFFFE700  }
0xef: {  	[tilespmem:s30], [sflag:$0x2] =	stream.indirect.gather [hbm4b:s6+s23], $0x1, s28, s23, $0xb8;
	[tilespmem:$0x14380] =	vst v63  }
0xf0: {  	_ = 	snop  }
0xf1: {  	[tilespmem:s31], [sflag:$0x2] =	stream.indirect.gather [hbm4b:s7+s23], $0x1, s28, s23, $0xb8;
	[tilespmem:$0x14380] =	vst v63  }
0xf2: {  	_ = 	snop  }
0xf3: {  	[tilespmem:s0], [sflag:$0x2] =	stream.indirect.gather [hbm4b:s8+s23], $0x1, s28, s23, $0xb8;
	[tilespmem:$0x14380] =	vst v63  }
0xf4: {  	_ =	swait.ge [sflag:s3], $0x1900  }
0xf5: {  	[sflag:s3] =	ssyncset.done $0x0  }
0xf6: {  	[sflag:s3] =	ssyncadd.s32 $0xFFFFE700  }
0xf7: {  	_ =	swait.ge [sflag:s3], $0x1900  }
0xf8: {  	[sflag:s3] =	ssyncset.done $0x0  }
0xf9: {  	[sflag:s3] =	ssyncadd.s32 $0xFFFFE700  }
0xfa: {  	_ =	swait.ge [sflag:s3], $0x1900  }
0xfb: {  	[sflag:s3] =	ssyncset.done $0x0  }
0xfc: {  	[sflag:s3] =	ssyncadd.s32 $0xFFFFE700  }
0xfd: {  	[spmem:s1] =	stream.indirect.scatter.add.f32 [tilespmem:s24], [sflag:$0x3], $0x1, s22, s23, $0xb8;
	[tilespmem:$0x14380] =	vst v63  }
0xfe: {  	_ = 	snop  }
0xff: {  	[spmem:s2] =	stream.indirect.scatter.add.f32 [tilespmem:s25], [sflag:$0x3], $0x1, s22, s23, $0xb8;
	[tilespmem:$0x14380] =	vst v63  }
0x100: {  	_ = 	snop  }
0x101: {  	[spmem:s4] =	stream.indirect.scatter.add.f32 [tilespmem:s26], [sflag:$0x3], $0x1, s22, s23, $0xb8;
	[tilespmem:$0x14380] =	vst v63  }
0x102: {  	_ =	swait.ge [sflag:s9], $0x1900  }
0x103: {  	[sflag:s9] =	ssyncset.done $0x0  }
0x104: {  	[sflag:s9] =	ssyncadd.s32 $0xFFFFE700  }
0x105: {  	_ =	swait.ge [sflag:s9], $0x1900  }
0x106: {  	[sflag:s9] =	ssyncset.done $0x0  }
0x107: {  	[sflag:s9] =	ssyncadd.s32 $0xFFFFE700  }
0x108: {  	_ =	swait.ge [sflag:s9], $0x1900  }
0x109: {  	[sflag:s9] =	ssyncset.done $0x0  }
0x10a: {  	[sflag:s9] =	ssyncadd.s32 $0xFFFFE700  }
0x10b: {  	[spmem:s1] =	stream.indirect.scatter.add.f32 [tilespmem:s30], [sflag:$0x4], $0x1, s29, s23, $0xb8;
	[tilespmem:$0x14380] =	vst v63  }
0x10c: {  	_ = 	snop  }
0x10d: {  	[spmem:s2] =	stream.indirect.scatter.add.f32 [tilespmem:s31], [sflag:$0x4], $0x1, s29, s23, $0xb8;
	[tilespmem:$0x14380] =	vst v63  }
0x10e: {  	_ = 	snop  }
0x10f: {  	[spmem:s4] =	stream.indirect.scatter.add.f32 [tilespmem:s0], [sflag:$0x4], $0x1, s29, s23, $0xb8;
	[tilespmem:$0x14380] =	vst v63  }
0x110: {  	_ =	swait.ge [sflag:s12], $0x1900  }
0x111: {  	[sflag:s12] =	ssyncset.done $0x0  }
0x112: {  	[sflag:s12] =	ssyncadd.s32 $0xFFFFE700  }
0x113: {  	_ =	swait.ge [sflag:s12], $0x1900  }
0x114: {  	[sflag:s12] =	ssyncset.done $0x0  }
0x115: {  	[sflag:s12] =	ssyncadd.s32 $0xFFFFE700  }
0x116: {  	_ =	swait.ge [sflag:s12], $0x1900  }
0x117: {  	[sflag:s12] =	ssyncset.done $0x0  }
0x118: {  	[sflag:s12] =	ssyncadd.s32 $0xFFFFE700  }
0x119: {  	_ =	swait.ge [sflag:s13], $0x1900  }
0x11a: {  	[sflag:s13] =	ssyncset.done $0x0  }
0x11b: {  	p1 =	seq.s32 s15, $0x6A40;
	[sflag:s13] =	ssyncadd.s32 $0xFFFFE700  }
.Ltmp3:
0x11c: {  	_ =	swait.ge [sflag:s13], $0x1900;
	(pc) =	sbr.rel @!p1 .LBB2_3-.Ltmp3, $4  }
0x11d: {  	[sflag:s13] =	ssyncset.done $0x0  }
0x11e: {  	[sflag:s13] =	ssyncadd.s32 $0xFFFFE700  }
0x11f: {  	s17 =	smov.u32 s15;
	s15 =	sadd.s32 $0x640, s15;
	_ =	swait.ge [sflag:s13], $0x1900  }
0x120: {  	s10 =	smov.u32 s17;
	s16 =	rddreg [dreg:$0x8];
	[sflag:s13] =	ssyncset.done $0x0  }
0x121: {  	[sflag:s13] =	ssyncadd.s32 $0xFFFFE700;
	s15 =	sadd.s32 s10, s16  }
0x122: {  	[tilespmem:s21], [sflag:$0x5] =	stream.linear.gather [hbm4b:s15+s5], $0x1900, $0x38;
	[tilespmem:$0x14380] =	vst v63  }
0x123: {  	_ =	swait.ge [sflag:s20], $0x1900  }
0x124: {  	s17 =	rddreg [dreg:$0x7];
	[sflag:s20] =	ssyncset.done $0x0  }
0x125: {  	[sflag:s20] =	ssyncadd.s32 $0xFFFFE700;
	s15 =	sadd.s32 s10, s17  }
0x126: {  	[tilespmem:s22], [sflag:$0x5] =	stream.linear.gather [hbm4b:s15+s5], $0x1900, $0x38;
	[tilespmem:$0x14380] =	vst v63  }
0x127: {  	_ =	swait.ge [sflag:s20], $0x1900  }
0x128: {  	[sflag:s20] =	ssyncset.done $0x0  }
0x129: {  	[sflag:s20] =	ssyncadd.s32 $0xFFFFE700  }
0x12a: {  	[tilespmem:s24], [sflag:$0x1] =	stream.indirect.gather [hbm4b:s6+s23], $0x1, s21, s23, $0xb8;
	[tilespmem:$0x14380] =	vst v63  }
0x12b: {  	_ = 	snop  }
0x12c: {  	[tilespmem:s25], [sflag:$0x1] =	stream.indirect.gather [hbm4b:s7+s23], $0x1, s21, s23, $0xb8;
	[tilespmem:$0x14380] =	vst v63  }
0x12d: {  	_ = 	snop  }
0x12e: {  	[tilespmem:s26], [sflag:$0x1] =	stream.indirect.gather [hbm4b:s8+s23], $0x1, s21, s23, $0xb8;
	[tilespmem:$0x14380] =	vst v63  }
0x12f: {  	s16 =	sadd.s32 s10, s19  }
0x130: {  	[tilespmem:s28], [sflag:$0x5] =	stream.linear.gather [hbm4b:s16+s5], $0x1900, $0x38;
	[tilespmem:$0x14380] =	vst v63  }
0x131: {  	_ =	swait.ge [sflag:s20], $0x1900  }
0x132: {  	[sflag:s20] =	ssyncset.done $0x0  }
0x133: {  	s17 =	sadd.s32 s10, s18;
	[sflag:s20] =	ssyncadd.s32 $0xFFFFE700  }
0x134: {  	[tilespmem:s29], [sflag:$0x5] =	stream.linear.gather [hbm4b:s17+s5], $0x1900, $0x38;
	[tilespmem:$0x14380] =	vst v63  }
0x135: {  	_ =	swait.ge [sflag:s20], $0x1900  }
0x136: {  	[sflag:s20] =	ssyncset.done $0x0  }
0x137: {  	[sflag:s20] =	ssyncadd.s32 $0xFFFFE700  }
0x138: {  	[tilespmem:s30], [sflag:$0x2] =	stream.indirect.gather [hbm4b:s6+s23], $0x1, s28, s23, $0xb8;
	[tilespmem:$0x14380] =	vst v63  }
0x139: {  	_ = 	snop  }
0x13a: {  	[tilespmem:s31], [sflag:$0x2] =	stream.indirect.gather [hbm4b:s7+s23], $0x1, s28, s23, $0xb8;
	[tilespmem:$0x14380] =	vst v63  }
0x13b: {  	_ = 	snop  }
0x13c: {  	[tilespmem:s0], [sflag:$0x2] =	stream.indirect.gather [hbm4b:s8+s23], $0x1, s28, s23, $0xb8;
	[tilespmem:$0x14380] =	vst v63  }
0x13d: {  	_ =	swait.ge [sflag:s3], $0x1900  }
0x13e: {  	[sflag:s3] =	ssyncset.done $0x0  }
0x13f: {  	[sflag:s3] =	ssyncadd.s32 $0xFFFFE700  }
0x140: {  	_ =	swait.ge [sflag:s3], $0x1900  }
0x141: {  	[sflag:s3] =	ssyncset.done $0x0  }
0x142: {  	[sflag:s3] =	ssyncadd.s32 $0xFFFFE700  }
0x143: {  	_ =	swait.ge [sflag:s3], $0x1900  }
0x144: {  	[sflag:s3] =	ssyncset.done $0x0  }
0x145: {  	[sflag:s3] =	ssyncadd.s32 $0xFFFFE700  }
0x146: {  	[spmem:s1] =	stream.indirect.scatter.add.f32 [tilespmem:s24], [sflag:$0x3], $0x1, s22, s23, $0xb8;
	[tilespmem:$0x14380] =	vst v63  }
0x147: {  	_ = 	snop  }
0x148: {  	[spmem:s2] =	stream.indirect.scatter.add.f32 [tilespmem:s25], [sflag:$0x3], $0x1, s22, s23, $0xb8;
	[tilespmem:$0x14380] =	vst v63  }
0x149: {  	_ = 	snop  }
0x14a: {  	[spmem:s4] =	stream.indirect.scatter.add.f32 [tilespmem:s26], [sflag:$0x3], $0x1, s22, s23, $0xb8;
	[tilespmem:$0x14380] =	vst v63  }
0x14b: {  	_ =	swait.ge [sflag:s9], $0x1900  }
0x14c: {  	[sflag:s9] =	ssyncset.done $0x0  }
0x14d: {  	[sflag:s9] =	ssyncadd.s32 $0xFFFFE700  }
0x14e: {  	_ =	swait.ge [sflag:s9], $0x1900  }
0x14f: {  	[sflag:s9] =	ssyncset.done $0x0  }
0x150: {  	[sflag:s9] =	ssyncadd.s32 $0xFFFFE700  }
0x151: {  	_ =	swait.ge [sflag:s9], $0x1900  }
0x152: {  	[sflag:s9] =	ssyncset.done $0x0  }
0x153: {  	[sflag:s9] =	ssyncadd.s32 $0xFFFFE700  }
0x154: {  	[spmem:s1] =	stream.indirect.scatter.add.f32 [tilespmem:s30], [sflag:$0x4], $0x1, s29, s23, $0xb8;
	[tilespmem:$0x14380] =	vst v63  }
0x155: {  	_ = 	snop  }
0x156: {  	[spmem:s2] =	stream.indirect.scatter.add.f32 [tilespmem:s31], [sflag:$0x4], $0x1, s29, s23, $0xb8;
	[tilespmem:$0x14380] =	vst v63  }
0x157: {  	_ = 	snop  }
0x158: {  	[spmem:s4] =	stream.indirect.scatter.add.f32 [tilespmem:s0], [sflag:$0x4], $0x1, s29, s23, $0xb8;
	[tilespmem:$0x14380] =	vst v63  }
0x159: {  	_ =	swait.ge [sflag:s12], $0x1900  }
0x15a: {  	[sflag:s12] =	ssyncset.done $0x0  }
0x15b: {  	[sflag:s12] =	ssyncadd.s32 $0xFFFFE700  }
0x15c: {  	_ =	swait.ge [sflag:s12], $0x1900  }
0x15d: {  	[sflag:s12] =	ssyncset.done $0x0  }
0x15e: {  	[sflag:s12] =	ssyncadd.s32 $0xFFFFE700  }
0x15f: {  	_ =	swait.ge [sflag:s12], $0x1900  }
0x160: {  	[sflag:s12] =	ssyncset.done $0x0  }
0x161: {  	[sflag:s12] =	ssyncadd.s32 $0xFFFFE700  }
0x162: {  	_ =	swait.ge [sflag:s13], $0x1900  }
0x163: {  	[sflag:s13] =	ssyncset.done $0x0  }
0x164: {  	[sflag:s13] =	ssyncadd.s32 $0xFFFFE700  }
0x165: {  	_ =	swait.ge [sflag:s13], $0x1900  }
.Ltmp4:
0x166: {  	[sflag:s13] =	ssyncset.done $0x0;
	(pc) =	sbr.rel .LBB2_8-.Ltmp4, $4  }
0x167: {  	[sflag:s13] =	ssyncadd.s32 $0xFFFFE700  }
0x168: {  	_ =	swait.ge [sflag:s13], $0x1900  }
0x169: {  	[sflag:s13] =	ssyncset.done $0x0  }
0x16a: {  	[sflag:s13] =	ssyncadd.s32 $0xFFFFE700  }
.LBB2_5:
0x16b: {  	s10 =	rddreg [dreg:$0x6]  }
0x16c: {  	s10 =	sadd.s32 $0x0, s10  }
0x16d: {  	[tilespmem:s21], [sflag:$0x5] =	stream.linear.gather [hbm4b:s10+s5], $0x1900, $0x38;
	[tilespmem:$0x14380] =	vst v63  }
0x16e: {  	_ =	swait.ge [sflag:s20], $0x1900  }
0x16f: {  	s15 =	rddreg [dreg:$0x5];
	[sflag:s20] =	ssyncset.done $0x0  }
0x170: {  	[sflag:s20] =	ssyncadd.s32 $0xFFFFE700;
	s10 =	sadd.s32 $0x0, s15  }
0x171: {  	[tilespmem:s22], [sflag:$0x5] =	stream.linear.gather [hbm4b:s10+s5], $0x1900, $0x38;
	[tilespmem:$0x14380] =	vst v63  }
0x172: {  	_ =	swait.ge [sflag:s20], $0x1900  }
0x173: {  	[sflag:s20] =	ssyncset.done $0x0  }
0x174: {  	[sflag:s20] =	ssyncadd.s32 $0xFFFFE700  }
0x175: {  	[tilespmem:s24], [sflag:$0x1] =	stream.indirect.gather [hbm4b:s6+s23], $0x1, s21, s23, $0xb8;
	[tilespmem:$0x14380] =	vst v63  }
0x176: {  	_ = 	snop  }
0x177: {  	[tilespmem:s25], [sflag:$0x1] =	stream.indirect.gather [hbm4b:s7+s23], $0x1, s21, s23, $0xb8;
	[tilespmem:$0x14380] =	vst v63  }
0x178: {  	_ = 	snop  }
0x179: {  	[tilespmem:s26], [sflag:$0x1] =	stream.indirect.gather [hbm4b:s8+s23], $0x1, s21, s23, $0xb8;
	[tilespmem:$0x14380] =	vst v63  }
0x17a: {  	s16 =	sadd.s32 $0x0, s19  }
0x17b: {  	[tilespmem:s28], [sflag:$0x5] =	stream.linear.gather [hbm4b:s16+s5], $0x1900, $0x38;
	[tilespmem:$0x14380] =	vst v63  }
0x17c: {  	_ =	swait.ge [sflag:s20], $0x1900  }
0x17d: {  	[sflag:s20] =	ssyncset.done $0x0  }
0x17e: {  	s17 =	sadd.s32 $0x0, s18;
	[sflag:s20] =	ssyncadd.s32 $0xFFFFE700  }
0x17f: {  	[tilespmem:s29], [sflag:$0x5] =	stream.linear.gather [hbm4b:s17+s5], $0x1900, $0x38;
	[tilespmem:$0x14380] =	vst v63  }
0x180: {  	_ =	swait.ge [sflag:s20], $0x1900  }
0x181: {  	[sflag:s20] =	ssyncset.done $0x0  }
0x182: {  	[sflag:s20] =	ssyncadd.s32 $0xFFFFE700  }
0x183: {  	[tilespmem:s30], [sflag:$0x2] =	stream.indirect.gather [hbm4b:s6+s23], $0x1, s28, s23, $0xb8;
	[tilespmem:$0x14380] =	vst v63  }
0x184: {  	_ = 	snop  }
0x185: {  	[tilespmem:s31], [sflag:$0x2] =	stream.indirect.gather [hbm4b:s7+s23], $0x1, s28, s23, $0xb8;
	[tilespmem:$0x14380] =	vst v63  }
0x186: {  	_ = 	snop  }
0x187: {  	[tilespmem:s0], [sflag:$0x2] =	stream.indirect.gather [hbm4b:s8+s23], $0x1, s28, s23, $0xb8;
	[tilespmem:$0x14380] =	vst v63  }
0x188: {  	_ =	swait.ge [sflag:s3], $0x1900  }
0x189: {  	[sflag:s3] =	ssyncset.done $0x0  }
0x18a: {  	[sflag:s3] =	ssyncadd.s32 $0xFFFFE700  }
0x18b: {  	_ =	swait.ge [sflag:s3], $0x1900  }
0x18c: {  	[sflag:s3] =	ssyncset.done $0x0  }
0x18d: {  	[sflag:s3] =	ssyncadd.s32 $0xFFFFE700  }
0x18e: {  	_ =	swait.ge [sflag:s3], $0x1900  }
0x18f: {  	[sflag:s3] =	ssyncset.done $0x0  }
0x190: {  	[sflag:s3] =	ssyncadd.s32 $0xFFFFE700  }
0x191: {  	[spmem:s1] =	stream.indirect.scatter.add.f32 [tilespmem:s24], [sflag:$0x3], $0x1, s22, s23, $0xb8;
	[tilespmem:$0x14380] =	vst v63  }
0x192: {  	_ = 	snop  }
0x193: {  	[spmem:s2] =	stream.indirect.scatter.add.f32 [tilespmem:s25], [sflag:$0x3], $0x1, s22, s23, $0xb8;
	[tilespmem:$0x14380] =	vst v63  }
0x194: {  	_ = 	snop  }
0x195: {  	[spmem:s4] =	stream.indirect.scatter.add.f32 [tilespmem:s26], [sflag:$0x3], $0x1, s22, s23, $0xb8;
	[tilespmem:$0x14380] =	vst v63  }
0x196: {  	_ =	swait.ge [sflag:s9], $0x1900  }
0x197: {  	[sflag:s9] =	ssyncset.done $0x0  }
0x198: {  	[sflag:s9] =	ssyncadd.s32 $0xFFFFE700  }
0x199: {  	_ =	swait.ge [sflag:s9], $0x1900  }
0x19a: {  	[sflag:s9] =	ssyncset.done $0x0  }
0x19b: {  	[sflag:s9] =	ssyncadd.s32 $0xFFFFE700  }
0x19c: {  	_ =	swait.ge [sflag:s9], $0x1900  }
0x19d: {  	[sflag:s9] =	ssyncset.done $0x0  }
0x19e: {  	[sflag:s9] =	ssyncadd.s32 $0xFFFFE700  }
0x19f: {  	[spmem:s1] =	stream.indirect.scatter.add.f32 [tilespmem:s30], [sflag:$0x4], $0x1, s29, s23, $0xb8;
	[tilespmem:$0x14380] =	vst v63  }
0x1a0: {  	_ = 	snop  }
0x1a1: {  	[spmem:s2] =	stream.indirect.scatter.add.f32 [tilespmem:s31], [sflag:$0x4], $0x1, s29, s23, $0xb8;
	[tilespmem:$0x14380] =	vst v63  }
0x1a2: {  	_ = 	snop  }
0x1a3: {  	[spmem:s4] =	stream.indirect.scatter.add.f32 [tilespmem:s0], [sflag:$0x4], $0x1, s29, s23, $0xb8;
	[tilespmem:$0x14380] =	vst v63  }
0x1a4: {  	_ =	swait.ge [sflag:s12], $0x1900  }
0x1a5: {  	[sflag:s12] =	ssyncset.done $0x0  }
0x1a6: {  	[sflag:s12] =	ssyncadd.s32 $0xFFFFE700  }
0x1a7: {  	_ =	swait.ge [sflag:s12], $0x1900  }
0x1a8: {  	[sflag:s12] =	ssyncset.done $0x0  }
0x1a9: {  	[sflag:s12] =	ssyncadd.s32 $0xFFFFE700  }
0x1aa: {  	_ =	swait.ge [sflag:s12], $0x1900  }
0x1ab: {  	[sflag:s12] =	ssyncset.done $0x0  }
0x1ac: {  	[sflag:s12] =	ssyncadd.s32 $0xFFFFE700  }
0x1ad: {  	_ =	swait.ge [sflag:s13], $0x1900  }
0x1ae: {  	[sflag:s13] =	ssyncset.done $0x0  }
0x1af: {  	[sflag:s13] =	ssyncadd.s32 $0xFFFFE700  }
0x1b0: {  	_ =	swait.ge [sflag:s13], $0x1900  }
0x1b1: {  	[sflag:s13] =	ssyncset.done $0x0  }
0x1b2: {  	[sflag:s13] =	ssyncadd.s32 $0xFFFFE700  }
0x1b3: {  	s15 =	simm.s32 $0xC80;
	_ =	swait.ge [sflag:s13], $0x1900  }
0x1b4: {  	s10 =	simm.s32 $0x640;
	s16 =	rddreg [dreg:$0x6];
	[sflag:s13] =	ssyncset.done $0x0  }
.LBB2_6:
0x1b5: {  	[sflag:s13] =	ssyncadd.s32 $0xFFFFE700;
	s16 =	sadd.s32 s10, s16  }
0x1b6: {  	[tilespmem:s21], [sflag:$0x5] =	stream.linear.gather [hbm4b:s16+s5], $0x1900, $0x38;
	[tilespmem:$0x14380] =	vst v63  }
0x1b7: {  	_ =	swait.ge [sflag:s20], $0x1900  }
0x1b8: {  	s16 =	rddreg [dreg:$0x5];
	[sflag:s20] =	ssyncset.done $0x0  }
0x1b9: {  	[sflag:s20] =	ssyncadd.s32 $0xFFFFE700;
	s16 =	sadd.s32 s10, s16  }
0x1ba: {  	[tilespmem:s22], [sflag:$0x5] =	stream.linear.gather [hbm4b:s16+s5], $0x1900, $0x38;
	[tilespmem:$0x14380] =	vst v63  }
0x1bb: {  	_ =	swait.ge [sflag:s20], $0x1900  }
0x1bc: {  	[sflag:s20] =	ssyncset.done $0x0  }
0x1bd: {  	[sflag:s20] =	ssyncadd.s32 $0xFFFFE700  }
0x1be: {  	[tilespmem:s24], [sflag:$0x1] =	stream.indirect.gather [hbm4b:s6+s23], $0x1, s21, s23, $0xb8;
	[tilespmem:$0x14380] =	vst v63  }
0x1bf: {  	_ = 	snop  }
0x1c0: {  	[tilespmem:s25], [sflag:$0x1] =	stream.indirect.gather [hbm4b:s7+s23], $0x1, s21, s23, $0xb8;
	[tilespmem:$0x14380] =	vst v63  }
0x1c1: {  	_ = 	snop  }
0x1c2: {  	[tilespmem:s26], [sflag:$0x1] =	stream.indirect.gather [hbm4b:s8+s23], $0x1, s21, s23, $0xb8;
	[tilespmem:$0x14380] =	vst v63  }
0x1c3: {  	s16 =	sadd.s32 s10, s19  }
0x1c4: {  	[tilespmem:s28], [sflag:$0x5] =	stream.linear.gather [hbm4b:s16+s5], $0x1900, $0x38;
	[tilespmem:$0x14380] =	vst v63  }
0x1c5: {  	_ =	swait.ge [sflag:s20], $0x1900  }
0x1c6: {  	[sflag:s20] =	ssyncset.done $0x0  }
0x1c7: {  	s16 =	sadd.s32 s10, s18;
	[sflag:s20] =	ssyncadd.s32 $0xFFFFE700  }
0x1c8: {  	[tilespmem:s29], [sflag:$0x5] =	stream.linear.gather [hbm4b:s16+s5], $0x1900, $0x38;
	[tilespmem:$0x14380] =	vst v63  }
0x1c9: {  	_ =	swait.ge [sflag:s20], $0x1900  }
0x1ca: {  	[sflag:s20] =	ssyncset.done $0x0  }
0x1cb: {  	[sflag:s20] =	ssyncadd.s32 $0xFFFFE700  }
0x1cc: {  	[tilespmem:s30], [sflag:$0x2] =	stream.indirect.gather [hbm4b:s6+s23], $0x1, s28, s23, $0xb8;
	[tilespmem:$0x14380] =	vst v63  }
0x1cd: {  	_ = 	snop  }
0x1ce: {  	[tilespmem:s31], [sflag:$0x2] =	stream.indirect.gather [hbm4b:s7+s23], $0x1, s28, s23, $0xb8;
	[tilespmem:$0x14380] =	vst v63  }
0x1cf: {  	_ = 	snop  }
0x1d0: {  	[tilespmem:s0], [sflag:$0x2] =	stream.indirect.gather [hbm4b:s8+s23], $0x1, s28, s23, $0xb8;
	[tilespmem:$0x14380] =	vst v63  }
0x1d1: {  	_ =	swait.ge [sflag:s3], $0x1900  }
0x1d2: {  	[sflag:s3] =	ssyncset.done $0x0  }
0x1d3: {  	[sflag:s3] =	ssyncadd.s32 $0xFFFFE700  }
0x1d4: {  	_ =	swait.ge [sflag:s3], $0x1900  }
0x1d5: {  	[sflag:s3] =	ssyncset.done $0x0  }
0x1d6: {  	[sflag:s3] =	ssyncadd.s32 $0xFFFFE700  }
0x1d7: {  	_ =	swait.ge [sflag:s3], $0x1900  }
0x1d8: {  	[sflag:s3] =	ssyncset.done $0x0  }
0x1d9: {  	[sflag:s3] =	ssyncadd.s32 $0xFFFFE700  }
0x1da: {  	[spmem:s1] =	stream.indirect.scatter.add.f32 [tilespmem:s24], [sflag:$0x3], $0x1, s22, s23, $0xb8;
	[tilespmem:$0x14380] =	vst v63  }
0x1db: {  	_ = 	snop  }
0x1dc: {  	[spmem:s2] =	stream.indirect.scatter.add.f32 [tilespmem:s25], [sflag:$0x3], $0x1, s22, s23, $0xb8;
	[tilespmem:$0x14380] =	vst v63  }
0x1dd: {  	_ = 	snop  }
0x1de: {  	[spmem:s4] =	stream.indirect.scatter.add.f32 [tilespmem:s26], [sflag:$0x3], $0x1, s22, s23, $0xb8;
	[tilespmem:$0x14380] =	vst v63  }
0x1df: {  	_ =	swait.ge [sflag:s9], $0x1900  }
0x1e0: {  	[sflag:s9] =	ssyncset.done $0x0  }
0x1e1: {  	[sflag:s9] =	ssyncadd.s32 $0xFFFFE700  }
0x1e2: {  	_ =	swait.ge [sflag:s9], $0x1900  }
0x1e3: {  	[sflag:s9] =	ssyncset.done $0x0  }
0x1e4: {  	[sflag:s9] =	ssyncadd.s32 $0xFFFFE700  }
0x1e5: {  	_ =	swait.ge [sflag:s9], $0x1900  }
0x1e6: {  	[sflag:s9] =	ssyncset.done $0x0  }
0x1e7: {  	[sflag:s9] =	ssyncadd.s32 $0xFFFFE700  }
0x1e8: {  	[spmem:s1] =	stream.indirect.scatter.add.f32 [tilespmem:s30], [sflag:$0x4], $0x1, s29, s23, $0xb8;
	[tilespmem:$0x14380] =	vst v63  }
0x1e9: {  	_ = 	snop  }
0x1ea: {  	[spmem:s2] =	stream.indirect.scatter.add.f32 [tilespmem:s31], [sflag:$0x4], $0x1, s29, s23, $0xb8;
	[tilespmem:$0x14380] =	vst v63  }
0x1eb: {  	_ = 	snop  }
0x1ec: {  	[spmem:s4] =	stream.indirect.scatter.add.f32 [tilespmem:s0], [sflag:$0x4], $0x1, s29, s23, $0xb8;
	[tilespmem:$0x14380] =	vst v63  }
0x1ed: {  	_ =	swait.ge [sflag:s12], $0x1900  }
0x1ee: {  	[sflag:s12] =	ssyncset.done $0x0  }
0x1ef: {  	[sflag:s12] =	ssyncadd.s32 $0xFFFFE700  }
0x1f0: {  	_ =	swait.ge [sflag:s12], $0x1900  }
0x1f1: {  	[sflag:s12] =	ssyncset.done $0x0  }
0x1f2: {  	[sflag:s12] =	ssyncadd.s32 $0xFFFFE700  }
0x1f3: {  	_ =	swait.ge [sflag:s12], $0x1900  }
0x1f4: {  	[sflag:s12] =	ssyncset.done $0x0  }
0x1f5: {  	[sflag:s12] =	ssyncadd.s32 $0xFFFFE700  }
0x1f6: {  	_ =	swait.ge [sflag:s13], $0x1900  }
0x1f7: {  	[sflag:s13] =	ssyncset.done $0x0  }
0x1f8: {  	p1 =	sne.s32 s15, $0x5140;
	[sflag:s13] =	ssyncadd.s32 $0xFFFFE700  }
.Ltmp5:
0x1f9: {  	_ =	swait.ge [sflag:s13], $0x1900;
	(pc) =	sbr.rel @p1 .LBB2_6-.Ltmp5, $4  }
0x1fa: {  	[sflag:s13] =	ssyncset.done $0x0  }
0x1fb: {  	[sflag:s13] =	ssyncadd.s32 $0xFFFFE700  }
0x1fc: {  	s17 =	smov.u32 s15;
	s15 =	sadd.s32 $0x640, s15;
	_ =	swait.ge [sflag:s13], $0x1900  }
0x1fd: {  	s10 =	smov.u32 s17;
	s16 =	rddreg [dreg:$0x6];
	[sflag:s13] =	ssyncset.done $0x0  }
.Ltmp6:
0x1fe: {  	_ = 	snop;
	(pc) =	sbr.rel .LBB2_7-.Ltmp6, $1  }
0x1ff: {  	_ =	sdelay $0x3  }
.LBB2_9:
0x200: {  	_ =	sfence.sel $0x180000  }
0x201: {  	[bflag:$0x0] =	sbarrier.arrive $0xFFFF  }
0x202: {  	_ =	strace $0x9000004A  }
0x203: {  	s0 =	stileid.u32;
	[bflag:$0x2] =	sbarrier.arrive $0xFFFF  }
0x204: {  	p0 =	sne.s32 s0, $0x0;
	s0 =	rddreg [dreg:$0x4]  }
0x205: {  	s0 =	sadd.s32 @!p0 $0x100000, s0  }
0x206: {  	[sflag:s0] =	ssyncadd.tile.s32 @!p0 $0x1;
	_ =	shalt  }
.Lfunc_end2:
_tile_overlayer_lowered:
.L_overlay_start_2:
0x207: {  	(tag) =	ssettag $0x2  }
0x208: {  	s0 =	rddreg [dreg:$0x0];
	s2 =	stileid.u32  }
0x209: {  	s1 =	rddreg [dreg:$0x1];
	p0 =	sne.s32 s2, $0x0  }
0x20a: {  	s3 =	rddreg [dreg:$0x2];
	[bflag:$0x3] =	sbarrier.arrive $0xFFFF;
	s2 =	simm.s32 @!p0 $0x1C05  }
0x20b: {  	[timem:s3], [sflag:s2] =	dma.local @!p0 [hbm:s0], s1  }
0x20c: {  	s0 =	simm.s32 @!p0 $0x5  }
0x20d: {  	_ =	swait.ge @!p0 [sflag:s0], s1  }
0x20e: {  	s1 =	ssub.s32 @!p0 $0x0, s1;
	[sflag:s0] =	ssyncset.done @!p0 $0x0  }
0x20f: {  	[sflag:s0] =	ssyncadd.s32 @!p0 s1  }
0x210: {  	[bflag:$0x3] =	sbarrier.arrive $0xFFFF  }
0x211: {  	_ =	shalt  }

// kernel: kernel.14.cloned.1.call-start
scs
__scs_entry_jumppad:
0x0: {  	(pc) =	sbr.rel $0x88, $3  }
0x1: {  	(tag) =	ssettag $0x0;
	lr =	simm.s32 $0x1  }
0x2: {  	[smem:$0x3F98] =	sst lr;
	_ =	strace $0xD0000000  }
0x3: {  	_ = 	snop  }
0x4: {  	_ = 	snop  }
0x5: {  	_ = 	snop  }
0x6: {  	_ = 	snop  }
0x7: {  	_ = 	snop  }
__scs_overlays_trampoline_lowered:
0x8: {  	[smem:$0x3FA7] =	sst s0  }
0x9: {  	[smem:$0x3FA8] =	sst s1  }
0xa: {  	[smem:$0x3FA9] =	sst s2  }
0xb: {  	[smem:$0x3FAA] =	sst s3  }
0xc: {  	[smem:$0x3FAB] =	sst s4  }
0xd: {  	[smem:$0x3FAC] =	sst s5  }
0xe: {  	[smem:$0x3FAD] =	sst s6  }
0xf: {  	[smem:$0x3FAE] =	sst s7  }
0x10: {  	[smem:$0x3FAF] =	sst s8  }
0x11: {  	[smem:$0x3FB0] =	sst s9;
	s0 =	simm.s32 @!p0 $0x0  }
0x12: {  	s1 =	sld [smem:$0x3F96];
	s0 =	simm.s32 @p0 $0x1  }
0x13: {  	[smem:$0x3FB1] =	sst s0;
	s0 =	simm.s32 @!p1 $0x0  }
0x14: {  	s2 =	sld [smem:$0x3F95];
	s0 =	simm.s32 @p1 $0x1  }
0x15: {  	[smem:$0x3FB2] =	sst s0;
	s0 =	simm.s32 @!p2 $0x0  }
0x16: {  	s3 =	sld [smem:$0x3FDB];
	s0 =	simm.s32 @p2 $0x1  }
0x17: {  	s4 =	simm.s32 $0x1BF5;
	[smem:$0x3FB4] =	sst s0  }
0x18: {  	s0 =	sld [smem:$0x3F97];
	_ =	swait.ge [sflag:s4], $0x0  }
0x19: {  	s7 =	sld [smem:$0x3F98]  }
0x1a: {  	s8 =	sadd.s32 $0xFFFFE003, lr  }
0x1b: {  	s9 =	sadd.s32 $0xFFFFFEF7, lr;
	s5 =	simm.s32 $0xFFFFFFFF;
	p2 =	slt.u32 s8, $0xFFFFF086  }
0x1c: {  	p1 =	slt.u32 s9, $0xF7A;
	s5 =	simm.s32 @!p2 $0x0  }
0x1d: {  	s5 =	simm.s32 @p1 $0x1;
	p0 =	seq.s32 s7, s2  }
0x1e: {  	s7 =	smul.u32 @!p0 $0xF7A, s2;
	p2 =	seq.s32 @!p0 s5, $0x0  }
0x1f: {  	s9 =	smul.u32 $0xF7A, s1;
	s8 =	simm.s32 @!p0 $0x1BF5;
	p2 =	por !p2, p0  }
0x20: {  	[sflag:s8] =	ssyncset.s32 @!p0 $0xFFFFF086;
	s6 =	sadd.s32 @!p0 s3, s7;
	s7 =	simm.s32 @!p0 $0x108  }
0x21: {  	s3 =	sadd.s32 s3, s9;
	s6 =	sadd.s32 @!p0 $0x88, s6;
	s7 =	simm.s32 @p2 $0x1082  }
0x22: {  	[simem:s7], [sflag:s8] =	dma.local @!p0 [hbm:s6], $0xF7A  }
0x23: {  	s9 =	sor.u32 $0xD0000000, s2;
	s6 =	simm.s32 $0x108;
	_ =	swait.ge @!p0 [sflag:s8], $0x0  }
0x24: {  	s3 =	sadd.s32 $0x88, s3;
	s6 =	simm.s32 @!p1 $0x1082;
	[sflag:s4] =	ssyncset.s32 $0xFFFFF086  }
0x25: {  	[simem:s6], [sflag:s4] =	dma.local [hbm:s3], $0xF7A  }
0x26: {  	[smem:$0x3F98] =	sst s1;
	(tag) =	ssettag s2;
	_ =	strace s9  }
0x27: {  	s1 =	sld [smem:$0x3FA8]  }
0x28: {  	s2 =	sld [smem:$0x3FA9]  }
0x29: {  	s4 =	sld [smem:$0x3FAB]  }
0x2a: {  	p0 =	seq.s32 s5, $0x0;
	s5 =	sld [smem:$0x3FAC]  }
0x2b: {  	s6 =	sld [smem:$0x3FAD]  }
0x2c: {  	s7 =	sld [smem:$0x3FAE]  }
0x2d: {  	s3 =	simm.s32 $0x108;
	s8 =	sld [smem:$0x3FAF]  }
0x2e: {  	s3 =	simm.s32 @!p0 $0x1082;
	s9 =	sld [smem:$0x3FB0]  }
0x2f: {  	lr =	sadd.s32 s0, s3;
	s0 =	sld [smem:$0x3FA7]  }
0x30: {  	s3 =	sld [smem:$0x3FAA]  }
0x31: {  	[smem:$0x3FB3] =	sst s10  }
0x32: {  	s10 =	sld [smem:$0x3FB1];
	_ =	sdelay $0x3  }
0x33: {  	p0 =	seq.s32 s10, $0x1;
	s10 =	sld [smem:$0x3FB3];
	_ =	sdelay $0x3  }
0x34: {  	[smem:$0x3FB3] =	sst s10  }
0x35: {  	s10 =	sld [smem:$0x3FB2];
	_ =	sdelay $0x3  }
0x36: {  	p1 =	seq.s32 s10, $0x1;
	s10 =	sld [smem:$0x3FB3];
	_ =	sdelay $0x3  }
0x37: {  	[smem:$0x3FB3] =	sst s10  }
0x38: {  	s10 =	sld [smem:$0x3FB4]  }
0x39: {  	_ = 	snop;
	(pc) =	sbr.ind lr, $3  }
0x3a: {  	_ = 	snop  }
0x3b: {  	_ = 	snop  }
0x3c: {  	p2 =	seq.s32 s10, $0x1;
	s10 =	sld [smem:$0x3FB3]  }
0x3d: {  	_ =	shalt  }
0x3e: {  	_ =	shalt  }
0x3f: {  	_ =	shalt  }
0x40: {  	_ =	shalt  }
0x41: {  	_ =	shalt  }
0x42: {  	_ =	shalt  }
0x43: {  	_ =	shalt  }
0x44: {  	_ =	shalt  }
0x45: {  	_ =	shalt  }
0x46: {  	_ =	shalt  }
0x47: {  	_ =	shalt  }
0x48: {  	_ =	shalt  }
0x49: {  	_ =	shalt  }
0x4a: {  	_ =	shalt  }
0x4b: {  	_ =	shalt  }
0x4c: {  	_ =	shalt  }
0x4d: {  	_ =	shalt  }
0x4e: {  	_ =	shalt  }
0x4f: {  	_ =	shalt  }
0x50: {  	_ =	shalt  }
0x51: {  	_ =	shalt  }
0x52: {  	_ =	shalt  }
0x53: {  	_ =	shalt  }
0x54: {  	_ =	shalt  }
0x55: {  	_ =	shalt  }
0x56: {  	_ =	shalt  }
0x57: {  	_ =	shalt  }
0x58: {  	_ =	shalt  }
0x59: {  	_ =	shalt  }
0x5a: {  	_ =	shalt  }
0x5b: {  	_ =	shalt  }
0x5c: {  	_ =	shalt  }
0x5d: {  	_ =	shalt  }
0x5e: {  	_ =	shalt  }
0x5f: {  	_ =	shalt  }
0x60: {  	_ =	shalt  }
0x61: {  	_ =	shalt  }
0x62: {  	_ =	shalt  }
0x63: {  	_ =	shalt  }
0x64: {  	_ =	shalt  }
0x65: {  	_ =	shalt  }
0x66: {  	_ =	shalt  }
0x67: {  	_ =	shalt  }
0x68: {  	_ =	shalt  }
0x69: {  	_ =	shalt  }
0x6a: {  	_ =	shalt  }
0x6b: {  	_ =	shalt  }
0x6c: {  	_ =	shalt  }
0x6d: {  	_ =	shalt  }
0x6e: {  	_ =	shalt  }
0x6f: {  	_ =	shalt  }
0x70: {  	_ =	shalt  }
0x71: {  	_ =	shalt  }
0x72: {  	_ =	shalt  }
0x73: {  	_ =	shalt  }
0x74: {  	_ =	shalt  }
0x75: {  	_ =	shalt  }
0x76: {  	_ =	shalt  }
0x77: {  	_ =	shalt  }
0x78: {  	_ =	shalt  }
0x79: {  	_ =	shalt  }
0x7a: {  	_ =	shalt  }
0x7b: {  	_ =	shalt  }
0x7c: {  	_ =	shalt  }
0x7d: {  	_ =	shalt  }
0x7e: {  	_ =	shalt  }
0x7f: {  	_ =	shalt  }
0x80: {  	_ =	shalt  }
0x81: {  	_ =	shalt  }
0x82: {  	_ =	shalt  }
0x83: {  	_ =	shalt  }
0x84: {  	_ =	shalt  }
0x85: {  	_ =	shalt  }
0x86: {  	_ =	shalt  }
0x87: {  	_ =	shalt  }
.Lfunc_end0:
.L_simem_size_0:
called_computation.2_lowered:
.L_overlay_start_0:
0x88: {  	s2 =	sld [smem:$0x3FD9]  }
0x89: {  	s3 =	sld [smem:$0x3FFE];
	_ =	sdelay $0x1  }
0x8a: {  	s1 =	srdreg.scid  }
0x8b: {  	s0 =	sand.u32 $0x1, s1  }
0x8c: {  	s16 =	sshll.u32 s0, $0xA;
	s2 =	sadd.s32 s3, s2  }
0x8d: {  	s2 =	sadd.s32 s2, s16  }
0x8e: {  	[smem:$0x3FBF] =	sst s2  }
0x8f: {  	_ = 	snop  }
0x90: {  	(tm) =	ssettm $0x1  }
0x91: {  	s17 =	sld [smem:$0x3FFB];
	_ =	sdelay $0x3  }
0x92: {  	_ =	strace s17  }
0x93: {  	s2 =	sld [smem:$0x3FFC];
	_ =	sdelay $0x3  }
0x94: {  	_ =	strace s2  }
0x95: {  	s2 =	sld [smem:$0x3FFD];
	_ =	sdelay $0x3  }
0x96: {  	_ =	strace s2  }
0x97: {  	_ =	strace $0x8FFFFFFF  }
0x98: {  	s18 =	sld [smem:$0x3FDB];
	_ =	sdelay $0x1  }
0x99: {  	s19 =	simm.s32 $_scs_section_size  }
0x9a: {  	s4 =	simm.s32 $_size__tile_overlayer_lowered;
	s5 =	simm.s32 $_tile_overlayer_lowered  }
0x9b: {  	s22 =	simm.s32 $0x1BFF;
	s21 =	sshll.u32 s5, $0x1;
	s2 =	sadd.s32 s19, s18  }
0x9c: {  	s6 =	simm.s32 $0x0;
	s20 =	sshll.u32 s4, $0x1;
	s4 =	sadd.s32 s21, s2  }
0x9d: {  	[timem:s6], [sflag:s22] =	dma.local [hbm:s4], s20  }
0x9e: {  	_ =	swait.ge [sflag:s22], s20  }
0x9f: {  	s3 =	ssub.s32 $0x0, s20;
	[sflag:s22] =	ssyncset.done $0x0  }
0xa0: {  	[sflag:s22] =	ssyncadd.s32 s3;
	_ =	sdelay $0x1  }
0xa1: {  	s23 =	simm.s32 $0x1B8B  }
0xa2: {  	_ =	swait.ge [sflag:s23], $0x1  }
0xa3: {  	[sflag:s23] =	ssyncset.done $0x0  }
0xa4: {  	s25 =	simm.s32 $0x1B8E;
	s24 =	sld [smem:$0x3FFE];
	[sflag:s23] =	ssyncadd.s32 $0xFFFFFFFF  }
0xa5: {  	s26 =	simm.s32 $execute0_lowered;
	[smem:$0x3FD2] =	sst s25  }
0xa6: {  	s4 =	sshll.u32 s26, $0x1;
	_ =	strace $0x8000004C;
	[dreg:$0x1] =	wrdreg $0xFFFFFFFF  }
0xa7: {  	s28 =	simm.s32 $_size_execute0_lowered;
	s2 =	sadd.s32 s2, s4;
	[dreg:$0x0] =	wrdreg $0x0  }
0xa8: {  	s4 =	sshll.u32 s28, $0x1;
	[dreg:$0x2] =	wrdreg s2  }
0xa9: {  	[dreg:$0x3] =	wrdreg s4  }
0xaa: {  	[dreg:$0x4] =	wrdreg $0xC0  }
0xab: {  	_ =	task [dreg:s6], $0x5FFFF  }
0xac: {  	[dreg:$0x1] =	wrdreg $0xFFFFFFFF  }
0xad: {  	[dreg:$0x0] =	wrdreg $0x60  }
0xae: {  	[dreg:$0x2] =	wrdreg s24  }
0xaf: {  	[dreg:$0x3] =	wrdreg $0x9  }
0xb0: {  	_ =	task.clear_ibuf [dreg:s6], $0x4FFFF;
	_ =	strace $0x9000004C  }
0xb1: {  	s29 =	simm.s32 $0x9;
	_ =	strace $0x8000004E  }
0xb2: {  	_ =	swait.ge [sflag:s29], $0x1  }
0xb3: {  	[sflag:s29] =	ssyncadd.s32 $0xFFFFFFFF  }
0xb4: {  	_ =	strace $0x9000004E  }
0xb5: {  	_ =	sfence  }
0xb6: {  	s30 =	sld [smem:$0x0];
	_ =	sdelay $0x2  }
0xb7: {  	s31 =	sshll.u32 s1, $0xD;
	s1 =	sshrl.u32 s1, $0x2  }
0xb8: {  	s3 =	sand.u32 $0x4000, s31;
	s1 =	sadd.s32 s1, s30  }
0xb9: {  	s0 =	sor.u32 s3, s0;
	s1 =	sshll.u32 s1, $0x11  }
0xba: {  	s0 =	sor.u32 s1, s0  }
0xbb: {  	s0 =	sadd.s32 $0x8F2B, s0  }
0xbc: {  	[sflag:s0] =	ssyncadd.remote.s32 $0x1  }
0xbd: {  	_ =	sfence.sel $0xFFFF  }
0xbe: {  	[dreg:$0x0] =	wrdreg $0xFFFFFFFF;
	(pc) =	sbr.abs _section_cstart, $3  }
0xbf: {  	[dreg:$0x1] =	wrdreg $0xFFFFFFFF  }
0xc0: {  	_ =	task.clear_ibuf [dreg:s6], $0x2FFFF;
	_ =	strace $0x9FFFFFFF  }
0xc1: {  	(tm) =	ssettm $0x7FFFFFFF  }
tec
execute0_lowered:
.L_overlay_start_1:
0x0: {  	(tag) =	ssettag $0x1  }
0x1: {  	s0 =	rddreg [dreg:$0x0]  }
0x2: {  	s1 =	simm.s32 $0x0;
	s2 =	srdreg.scid;
	s12 =	stileid.u32  }
0x3: {  	s14 =	simm.s32 $0x2800;
	s15 =	simm.s32 $0x16800;
	s16 =	simm.s32 $0x17C00  }
0x4: {  	s17 =	simm.s32 $0x1400;
	s18 =	simm.s32 $0x1E00;
	s19 =	simm.s32 $0xC800  }
0x5: {  	s20 =	simm.s32 $0x17200;
	s21 =	simm.s32 $0x18600;
	s22 =	simm.s32 $0x1  }
0x6: {  	s23 =	simm.s32 $0x2;
	s25 =	simm.s32 $0x0;
	[smem:$0x7FF] =	sst s1  }
0x7: {  	s2 =	sand.u32 $0x1, s2;
	s3 =	sadd.s32 $0x18FA00, s0;
	s9 =	smul.u32 $0x1010, s12  }
0x8: {  	s4 =	sadd.s32 $0xC7A00, s0;
	s5 =	sadd.s32 $0x23A00, s0;
	s31 =	smul.u32 $0x2BC00, s12  }
0x9: {  	s6 =	sadd.s32 $0x20800, s0;
	s7 =	sadd.s32 $0xC4800, s0;
	s12 =	smul.u32 $0x38400, s12  }
0xa: {  	_ =	strace $0x8000004D;
	s8 =	smul.u32 $0x10100, s2;
	s11 =	ssub.s32 $0x2, s2  }
.Ltmp0:
0xb: {  	p0 =	seq.s32 s2, $0x0;
	s13 =	sshrl.u32 s11, $0x1;
	(pc) =	sbr.rel .LBB2_1-.Ltmp0, $4  }
0xc: {  	s8 =	sadd.s32 s9, s8;
	s11 =	ssub.s32 s11, s13;
	s13 =	simm.s32 $0xA00  }
0xd: {  	s10 =	sshrl.u32 s8, $0x3;
	s8 =	sadd.s32 $0x384000, s31;
	s11 =	smax.u32 s11, $0x1  }
0xe: {  	s0 =	sadd.s32 s10, s0;
	s8 =	smov.u32 @p0 s12;
	p0 =	sne.s32 s2, $0x0  }
0xf: {  	v0 =	vimm.f32 $0.0e+00;
	s12 =	simm.s32 $0x3;
	s9 =	sadd.s32 $0xA00, s8;
	s10 =	sadd.s32 $0x1200, s0  }
.LBB2_14:
0x10: {  	s25 =	sadd.s32 $0x1, s25  }
0x11: {  	p1 =	sne.s32 s25, s11  }
.Ltmp1:
0x12: {  	s0 =	simm.s32 $0x19000;
	(pc) =	sbr.rel @!p1 .LBB2_15-.Ltmp1, $4  }
0x13: {  	[hbm4b:s10+s1] =	stream.linear.scatter [tilespmem:s0], [sflag:$0x3], $0x1010, $0x38;
	[tilespmem:$0x1A010] =	vst v63  }
0x14: {  	_ =	swait.ge [sflag:s12], $0x1010  }
0x15: {  	[sflag:s12] =	ssyncset.done $0x0  }
0x16: {  	[sflag:s12] =	ssyncadd.s32 $0xFFFFEFF0  }
.LBB2_1:
0x17: {  	s26 =	simm.s32 $0x40;
	s0 =	simm.s32 $0x0  }
.LBB2_2:
0x18: {  	p1 =	sne.s32 s26, $0x4000;
	[tilespmem:s0+$0x19000] =	vst v0;
	s0 =	smov.u32 s26;
	s26 =	sadd.s32 $0x40, s26  }
.Ltmp2:
0x19: {  	(pc) =	sbr.rel @p1 .LBB2_2-.Ltmp2, $2  }
0x1a: {  	_ =	sdelay $0x2  }
0x1b: {  	s0 =	sshra.s32 s0, $0x2  }
.Ltmp3:
0x1c: {  	(pc) =	sbr.rel @p0 .LBB2_9-.Ltmp3, $2  }
0x1d: {  	_ =	sdelay $0x2  }
0x1e: {  	[tilespmem:s0+$0x19000] =	vst v0;
	s26 =	simm.s32 $0x0;
	s28 =	simm.s32 $0x0;
	s29 =	simm.s32 $0x0  }
.LBB2_4:
0x1f: {  	s0 =	smul.u32 $0x1400, s28;
	_ =	sdelay $0x1  }
0x20: {  	s2 =	sadd.s32 s8, s0  }
0x21: {  	s2 =	sshrl.u32 s2, $0x3  }
0x22: {  	s29 =	sadd.s32 s3, s2  }
0x23: {  	[tilespmem:s26], [sflag:$0x3] =	stream.linear.gather [hbm4b:s29+s26], $0xA00, $0x38;
	[tilespmem:$0x1A010] =	vst v63  }
0x24: {  	_ =	swait.ge [sflag:s12], $0xA00  }
0x25: {  	[sflag:s12] =	ssyncset.done $0x0  }
0x26: {  	s2 =	sadd.s32 s4, s2;
	[sflag:s12] =	ssyncadd.s32 $0xFFFFF600  }
0x27: {  	[tilespmem:s13], [sflag:$0x3] =	stream.linear.gather [hbm4b:s2+s26], $0xA00, $0x38;
	[tilespmem:$0x1A010] =	vst v63  }
0x28: {  	_ =	swait.ge [sflag:s12], $0xA00  }
0x29: {  	[sflag:s12] =	ssyncset.done $0x0  }
0x2a: {  	[sflag:s12] =	ssyncadd.s32 $0xFFFFF600  }
0x2b: {  	[tilespmem:s14], [sflag:$0x1] =	stream.indirect.gather [hbm4b:s5+s13], $0x10, s26, s13, $0xb8;
	[tilespmem:$0x1A010] =	vst v63  }
0x2c: {  	s0 =	sadd.s32 s0, s9  }
0x2d: {  	[tilespmem:s15], [sflag:$0x1] =	stream.indirect.gather [hbm4b:s6+s13], $0x1, s13, s13, $0xb8;
	[tilespmem:$0x1A010] =	vst v63  }
0x2e: {  	s0 =	sshrl.u32 s0, $0x3  }
0x2f: {  	[tilespmem:s16], [sflag:$0x1] =	stream.indirect.gather [hbm4b:s7+s13], $0x1, s13, s13, $0xb8;
	[tilespmem:$0x1A010] =	vst v63  }
0x30: {  	s24 =	sadd.s32 s3, s0  }
0x31: {  	[tilespmem:s17], [sflag:$0x3] =	stream.linear.gather [hbm4b:s24+s26], $0xA00, $0x38;
	[tilespmem:$0x1A010] =	vst v63  }
0x32: {  	_ =	swait.ge [sflag:s12], $0xA00  }
0x33: {  	[sflag:s12] =	ssyncset.done $0x0  }
0x34: {  	s0 =	sadd.s32 s4, s0;
	[sflag:s12] =	ssyncadd.s32 $0xFFFFF600  }
0x35: {  	[tilespmem:s18], [sflag:$0x3] =	stream.linear.gather [hbm4b:s0+s26], $0xA00, $0x38;
	[tilespmem:$0x1A010] =	vst v63  }
0x36: {  	_ =	swait.ge [sflag:s12], $0xA00  }
0x37: {  	[sflag:s12] =	ssyncset.done $0x0  }
0x38: {  	[sflag:s12] =	ssyncadd.s32 $0xFFFFF600  }
0x39: {  	[tilespmem:s19], [sflag:$0x2] =	stream.indirect.gather [hbm4b:s5+s13], $0x10, s17, s13, $0xb8;
	[tilespmem:$0x1A010] =	vst v63  }
0x3a: {  	_ = 	snop  }
0x3b: {  	[tilespmem:s20], [sflag:$0x2] =	stream.indirect.gather [hbm4b:s6+s13], $0x1, s18, s13, $0xb8;
	[tilespmem:$0x1A010] =	vst v63  }
0x3c: {  	_ = 	snop  }
0x3d: {  	[tilespmem:s21], [sflag:$0x2] =	stream.indirect.gather [hbm4b:s7+s13], $0x1, s18, s13, $0xb8;
	[tilespmem:$0x1A010] =	vst v63  }
0x3e: {  	_ =	swait.ge [sflag:s22], $0xA000  }
0x3f: {  	[sflag:s22] =	ssyncset.done $0x0  }
0x40: {  	[sflag:s22] =	ssyncadd.s32 $0xFFFF6000  }
0x41: {  	_ =	swait.ge [sflag:s22], $0xA00  }
0x42: {  	[sflag:s22] =	ssyncset.done $0x0  }
0x43: {  	[sflag:s22] =	ssyncadd.s32 $0xFFFFF600  }
0x44: {  	_ =	swait.ge [sflag:s22], $0xA00  }
0x45: {  	[sflag:s22] =	ssyncset.done $0x0  }
0x46: {  	s2 =	simm.s32 $0x0;
	[sflag:s22] =	ssyncadd.s32 $0xFFFFF600  }
0x47: {  	v1 =	vld [tilespmem:s2+$0x17C00];
	_ =	sdelay $0x4  }
0x48: {  	v1 =	vshll.u32 v1, $0x6  }
0x49: {  	v1 =	vshra.s32 v1, $0x2  }
0x4a: {  	v1 =	vadd.s32 $0x19000, v1  }
0x4b: {  	(v2sf) =	vpush v1, $0x0;
	_ =	sdelay $0x6  }
0x4c: {  	v2 =	vld [tilespmem:s2+$0x16800]  }
0x4d: {  	s29 =	simm.s32 $0x2880;
	(v2sf) =	vpush v1, $0x1  }
0x4e: {  	v3 =	vld [tilespmem:s29+$0xFFFFFF80];
	_ =	sdelay $0x2  }
0x4f: {  	v4 =	vbroadcast v2, $0x0;
	_ =	sdelay $0x1  }
0x50: {  	v3 =	vmul.f32 v4, v3  }
0x51: {  	s24 =	spop (v2sf)  }
0x52: {  	(v2sf) =	vpush v1, $0x2;
	[tilespmem:s24+$0x0] =	vst.add.f32.msk $0xffff, v3  }
0x53: {  	v3 =	vld [tilespmem:s29+$0xFFFFFF90];
	_ =	sdelay $0x2  }
0x54: {  	v51 =	vbroadcast v2, $0x1;
	_ =	sdelay $0x1  }
0x55: {  	v3 =	vmul.f32 v3, v51  }
0x56: {  	s2 =	spop (v2sf)  }
0x57: {  	(v2sf) =	vpush v1, $0x3;
	[tilespmem:s2+$0x0] =	vst.add.f32.msk $0xffff, v3  }
0x58: {  	v3 =	vld [tilespmem:s29+$0xFFFFFFA0];
	_ =	sdelay $0x2  }
0x59: {  	v52 =	vbroadcast v2, $0x2;
	_ =	sdelay $0x1  }
0x5a: {  	v3 =	vmul.f32 v3, v52  }
0x5b: {  	s24 =	spop (v2sf)  }
0x5c: {  	(v2sf) =	vpush v1, $0x4;
	[tilespmem:s24+$0x0] =	vst.add.f32.msk $0xffff, v3  }
0x5d: {  	v3 =	vld [tilespmem:s29+$0xFFFFFFB0];
	_ =	sdelay $0x2  }
0x5e: {  	v53 =	vbroadcast v2, $0x3;
	_ =	sdelay $0x1  }
0x5f: {  	v3 =	vmul.f32 v3, v53  }
0x60: {  	s2 =	spop (v2sf)  }
0x61: {  	(v2sf) =	vpush v1, $0x5;
	[tilespmem:s2+$0x0] =	vst.add.f32.msk $0xffff, v3  }
0x62: {  	v3 =	vld [tilespmem:s29+$0xFFFFFFC0];
	_ =	sdelay $0x2  }
0x63: {  	v54 =	vbroadcast v2, $0x4;
	_ =	sdelay $0x1  }
0x64: {  	v3 =	vmul.f32 v3, v54  }
0x65: {  	s24 =	spop (v2sf)  }
0x66: {  	(v2sf) =	vpush v1, $0x6;
	[tilespmem:s24+$0x0] =	vst.add.f32.msk $0xffff, v3  }
0x67: {  	v3 =	vld [tilespmem:s29+$0xFFFFFFD0];
	_ =	sdelay $0x2  }
0x68: {  	v55 =	vbroadcast v2, $0x5;
	_ =	sdelay $0x1  }
0x69: {  	v3 =	vmul.f32 v3, v55  }
0x6a: {  	s2 =	spop (v2sf)  }
0x6b: {  	(v2sf) =	vpush v1, $0x7;
	[tilespmem:s2+$0x0] =	vst.add.f32.msk $0xffff, v3  }
0x6c: {  	v3 =	vld [tilespmem:s29+$0xFFFFFFE0];
	_ =	sdelay $0x2  }
0x6d: {  	v56 =	vbroadcast v2, $0x6;
	_ =	sdelay $0x1  }
0x6e: {  	v3 =	vmul.f32 v3, v56  }
0x6f: {  	s24 =	spop (v2sf)  }
0x70: {  	(v2sf) =	vpush v1, $0x8;
	[tilespmem:s24+$0x0] =	vst.add.f32.msk $0xffff, v3  }
0x71: {  	v3 =	vld [tilespmem:s29+$0xFFFFFFF0];
	_ =	sdelay $0x2  }
0x72: {  	v57 =	vbroadcast v2, $0x7;
	_ =	sdelay $0x1  }
0x73: {  	v3 =	vmul.f32 v3, v57  }
0x74: {  	s2 =	spop (v2sf)  }
0x75: {  	(v2sf) =	vpush v1, $0x9;
	[tilespmem:s2+$0x0] =	vst.add.f32.msk $0xffff, v3  }
0x76: {  	v3 =	vld [tilespmem:s29+$0x0];
	_ =	sdelay $0x2  }
0x77: {  	v58 =	vbroadcast v2, $0x8;
	_ =	sdelay $0x1  }
0x78: {  	v3 =	vmul.f32 v3, v58  }
0x79: {  	s24 =	spop (v2sf)  }
0x7a: {  	(v2sf) =	vpush v1, $0xA;
	[tilespmem:s24+$0x0] =	vst.add.f32.msk $0xffff, v3  }
0x7b: {  	v3 =	vld [tilespmem:s29+$0x10];
	_ =	sdelay $0x2  }
0x7c: {  	v59 =	vbroadcast v2, $0x9;
	_ =	sdelay $0x1  }
0x7d: {  	v3 =	vmul.f32 v3, v59  }
0x7e: {  	s2 =	spop (v2sf)  }
0x7f: {  	(v2sf) =	vpush v1, $0xB;
	[tilespmem:s2+$0x0] =	vst.add.f32.msk $0xffff, v3  }
0x80: {  	v3 =	vld [tilespmem:s29+$0x20];
	_ =	sdelay $0x2  }
0x81: {  	v60 =	vbroadcast v2, $0xA;
	_ =	sdelay $0x1  }
0x82: {  	v3 =	vmul.f32 v3, v60  }
0x83: {  	s24 =	spop (v2sf)  }
0x84: {  	(v2sf) =	vpush v1, $0xC;
	[tilespmem:s24+$0x0] =	vst.add.f32.msk $0xffff, v3  }
0x85: {  	v3 =	vld [tilespmem:s29+$0x30];
	_ =	sdelay $0x2  }
0x86: {  	v61 =	vbroadcast v2, $0xB;
	_ =	sdelay $0x1  }
0x87: {  	v3 =	vmul.f32 v3, v61  }
0x88: {  	s2 =	spop (v2sf)  }
0x89: {  	(v2sf) =	vpush v1, $0xD;
	[tilespmem:s2+$0x0] =	vst.add.f32.msk $0xffff, v3  }
0x8a: {  	v3 =	vld [tilespmem:s29+$0x40];
	_ =	sdelay $0x2  }
0x8b: {  	v62 =	vbroadcast v2, $0xC;
	_ =	sdelay $0x1  }
0x8c: {  	v3 =	vmul.f32 v3, v62  }
0x8d: {  	s24 =	spop (v2sf)  }
0x8e: {  	(v2sf) =	vpush v1, $0xE;
	[tilespmem:s24+$0x0] =	vst.add.f32.msk $0xffff, v3  }
0x8f: {  	v3 =	vld [tilespmem:s29+$0x50];
	_ =	sdelay $0x2  }
0x90: {  	v63 =	vbroadcast v2, $0xD;
	_ =	sdelay $0x1  }
0x91: {  	v3 =	vmul.f32 v3, v63  }
0x92: {  	s2 =	spop (v2sf);
	(v2sf) =	vpush v1, $0xF  }
0x93: {  	[tilespmem:s2+$0x0] =	vst.add.f32.msk $0xffff, v3  }
0x94: {  	v1 =	vld [tilespmem:s29+$0x60];
	_ =	sdelay $0x2  }
0x95: {  	v3 =	vbroadcast v2, $0xE;
	_ =	sdelay $0x1  }
0x96: {  	v1 =	vmul.f32 v1, v3  }
0x97: {  	s24 =	spop (v2sf)  }
0x98: {  	[tilespmem:s24+$0x0] =	vst.add.f32.msk $0xffff, v1  }
0x99: {  	v1 =	vld [tilespmem:s29+$0x70];
	_ =	sdelay $0x2  }
0x9a: {  	v2 =	vbroadcast v2, $0xF;
	_ =	sdelay $0x1  }
0x9b: {  	s30 =	simm.s32 $0x40;
	s31 =	simm.s32 $0x80;
	s2 =	spop (v2sf);
	v1 =	vmul.f32 v1, v2  }
.LBB2_5:
0x9c: {  	s24 =	sshra.s32 s30, $0x2  }
0x9d: {  	[tilespmem:s2+$0x0] =	vst.add.f32.msk $0xffff, v1;
	s29 =	sadd.s32 $0x100, s29;
	s30 =	smov.u32 s31;
	s0 =	sadd.s32 $0x40, s31  }
0x9e: {  	p1 =	sne.s32 s31, $0x27C0;
	v1 =	vld [tilespmem:s24+$0x17C00];
	_ =	sdelay $0x4  }
0x9f: {  	v1 =	vshll.u32 v1, $0x6  }
0xa0: {  	v1 =	vshra.s32 v1, $0x2  }
0xa1: {  	v2 =	vadd.s32 $0x19000, v1  }
0xa2: {  	(v2sf) =	vpush v2, $0x0;
	_ =	sdelay $0x6  }
0xa3: {  	v1 =	vld [tilespmem:s24+$0x16800]  }
0xa4: {  	(v2sf) =	vpush v2, $0x1  }
0xa5: {  	v3 =	vld [tilespmem:s29+$0xFFFFFF80];
	_ =	sdelay $0x2  }
0xa6: {  	v4 =	vbroadcast v1, $0x0;
	_ =	sdelay $0x1  }
0xa7: {  	v3 =	vmul.f32 v4, v3  }
0xa8: {  	s2 =	spop (v2sf)  }
0xa9: {  	[tilespmem:s2+$0x0] =	vst.add.f32.msk $0xffff, v3;
	(v2sf) =	vpush v2, $0x2  }
0xaa: {  	v3 =	vld [tilespmem:s29+$0xFFFFFF90];
	_ =	sdelay $0x2  }
0xab: {  	v4 =	vbroadcast v1, $0x1;
	_ =	sdelay $0x1  }
0xac: {  	v3 =	vmul.f32 v3, v4  }
0xad: {  	s2 =	spop (v2sf)  }
0xae: {  	[tilespmem:s2+$0x0] =	vst.add.f32.msk $0xffff, v3;
	(v2sf) =	vpush v2, $0x3  }
0xaf: {  	v3 =	vld [tilespmem:s29+$0xFFFFFFA0];
	_ =	sdelay $0x2  }
0xb0: {  	v4 =	vbroadcast v1, $0x2;
	_ =	sdelay $0x1  }
0xb1: {  	v3 =	vmul.f32 v3, v4  }
0xb2: {  	s2 =	spop (v2sf)  }
0xb3: {  	[tilespmem:s2+$0x0] =	vst.add.f32.msk $0xffff, v3;
	(v2sf) =	vpush v2, $0x4  }
0xb4: {  	v3 =	vld [tilespmem:s29+$0xFFFFFFB0];
	_ =	sdelay $0x2  }
0xb5: {  	v4 =	vbroadcast v1, $0x3;
	_ =	sdelay $0x1  }
0xb6: {  	v3 =	vmul.f32 v3, v4  }
0xb7: {  	s2 =	spop (v2sf)  }
0xb8: {  	[tilespmem:s2+$0x0] =	vst.add.f32.msk $0xffff, v3;
	(v2sf) =	vpush v2, $0x5  }
0xb9: {  	v3 =	vld [tilespmem:s29+$0xFFFFFFC0];
	_ =	sdelay $0x2  }
0xba: {  	v4 =	vbroadcast v1, $0x4;
	_ =	sdelay $0x1  }
0xbb: {  	v3 =	vmul.f32 v3, v4  }
0xbc: {  	s2 =	spop (v2sf)  }
0xbd: {  	[tilespmem:s2+$0x0] =	vst.add.f32.msk $0xffff, v3;
	(v2sf) =	vpush v2, $0x6  }
0xbe: {  	v3 =	vld [tilespmem:s29+$0xFFFFFFD0];
	_ =	sdelay $0x2  }
0xbf: {  	v4 =	vbroadcast v1, $0x5;
	_ =	sdelay $0x1  }
0xc0: {  	v3 =	vmul.f32 v3, v4  }
0xc1: {  	s2 =	spop (v2sf)  }
0xc2: {  	[tilespmem:s2+$0x0] =	vst.add.f32.msk $0xffff, v3;
	(v2sf) =	vpush v2, $0x7  }
0xc3: {  	v3 =	vld [tilespmem:s29+$0xFFFFFFE0];
	_ =	sdelay $0x2  }
0xc4: {  	v4 =	vbroadcast v1, $0x6;
	_ =	sdelay $0x1  }
0xc5: {  	v3 =	vmul.f32 v3, v4  }
0xc6: {  	s2 =	spop (v2sf)  }
0xc7: {  	[tilespmem:s2+$0x0] =	vst.add.f32.msk $0xffff, v3;
	(v2sf) =	vpush v2, $0x8  }
0xc8: {  	v3 =	vld [tilespmem:s29+$0xFFFFFFF0];
	_ =	sdelay $0x2  }
0xc9: {  	v4 =	vbroadcast v1, $0x7;
	_ =	sdelay $0x1  }
0xca: {  	v3 =	vmul.f32 v3, v4  }
0xcb: {  	s2 =	spop (v2sf)  }
0xcc: {  	[tilespmem:s2+$0x0] =	vst.add.f32.msk $0xffff, v3;
	(v2sf) =	vpush v2, $0x9  }
0xcd: {  	v3 =	vld [tilespmem:s29+$0x0];
	_ =	sdelay $0x2  }
0xce: {  	v4 =	vbroadcast v1, $0x8;
	_ =	sdelay $0x1  }
0xcf: {  	v3 =	vmul.f32 v3, v4  }
0xd0: {  	s2 =	spop (v2sf)  }
0xd1: {  	[tilespmem:s2+$0x0] =	vst.add.f32.msk $0xffff, v3;
	(v2sf) =	vpush v2, $0xA  }
0xd2: {  	v3 =	vld [tilespmem:s29+$0x10];
	_ =	sdelay $0x2  }
0xd3: {  	v4 =	vbroadcast v1, $0x9;
	_ =	sdelay $0x1  }
0xd4: {  	v3 =	vmul.f32 v3, v4  }
0xd5: {  	s2 =	spop (v2sf)  }
0xd6: {  	[tilespmem:s2+$0x0] =	vst.add.f32.msk $0xffff, v3;
	(v2sf) =	vpush v2, $0xB  }
0xd7: {  	v3 =	vld [tilespmem:s29+$0x20];
	_ =	sdelay $0x2  }
0xd8: {  	v4 =	vbroadcast v1, $0xA;
	_ =	sdelay $0x1  }
0xd9: {  	v3 =	vmul.f32 v3, v4  }
0xda: {  	s2 =	spop (v2sf)  }
0xdb: {  	[tilespmem:s2+$0x0] =	vst.add.f32.msk $0xffff, v3;
	(v2sf) =	vpush v2, $0xC  }
0xdc: {  	v3 =	vld [tilespmem:s29+$0x30];
	_ =	sdelay $0x2  }
0xdd: {  	v4 =	vbroadcast v1, $0xB;
	_ =	sdelay $0x1  }
0xde: {  	v3 =	vmul.f32 v3, v4  }
0xdf: {  	s2 =	spop (v2sf)  }
0xe0: {  	[tilespmem:s2+$0x0] =	vst.add.f32.msk $0xffff, v3;
	(v2sf) =	vpush v2, $0xD  }
0xe1: {  	v3 =	vld [tilespmem:s29+$0x40];
	_ =	sdelay $0x2  }
0xe2: {  	v4 =	vbroadcast v1, $0xC;
	_ =	sdelay $0x1  }
0xe3: {  	v3 =	vmul.f32 v3, v4  }
0xe4: {  	s2 =	spop (v2sf)  }
0xe5: {  	[tilespmem:s2+$0x0] =	vst.add.f32.msk $0xffff, v3;
	(v2sf) =	vpush v2, $0xE  }
0xe6: {  	v3 =	vld [tilespmem:s29+$0x50];
	_ =	sdelay $0x2  }
0xe7: {  	v4 =	vbroadcast v1, $0xD;
	_ =	sdelay $0x1  }
0xe8: {  	v3 =	vmul.f32 v3, v4  }
0xe9: {  	s2 =	spop (v2sf)  }
0xea: {  	[tilespmem:s2+$0x0] =	vst.add.f32.msk $0xffff, v3;
	(v2sf) =	vpush v2, $0xF  }
0xeb: {  	v2 =	vld [tilespmem:s29+$0x60];
	_ =	sdelay $0x2  }
0xec: {  	v3 =	vbroadcast v1, $0xE;
	_ =	sdelay $0x1  }
0xed: {  	v2 =	vmul.f32 v2, v3  }
0xee: {  	s2 =	spop (v2sf)  }
0xef: {  	[tilespmem:s2+$0x0] =	vst.add.f32.msk $0xffff, v2  }
0xf0: {  	v2 =	vld [tilespmem:s29+$0x70];
	_ =	sdelay $0x1  }
.Ltmp4:
0xf1: {  	(pc) =	sbr.rel @p1 .LBB2_5-.Ltmp4, $3  }
0xf2: {  	v1 =	vbroadcast v1, $0xF;
	_ =	sdelay $0x1  }
0xf3: {  	v1 =	vmul.f32 v2, v1  }
0xf4: {  	s31 =	smov.u32 s0;
	s2 =	spop (v2sf)  }
0xf5: {  	s0 =	sshra.s32 s30, $0x2;
	[tilespmem:s2+$0x0] =	vst.add.f32.msk $0xffff, v1  }
0xf6: {  	v1 =	vld [tilespmem:s0+$0x17C00];
	_ =	sdelay $0x4  }
0xf7: {  	v1 =	vshll.u32 v1, $0x6  }
0xf8: {  	v1 =	vshra.s32 v1, $0x2  }
0xf9: {  	v1 =	vadd.s32 $0x19000, v1  }
0xfa: {  	(v2sf) =	vpush v1, $0x0;
	_ =	sdelay $0x6  }
0xfb: {  	v2 =	vld [tilespmem:s0+$0x16800]  }
0xfc: {  	s29 =	sadd.s32 $0x100, s29;
	(v2sf) =	vpush v1, $0x1  }
0xfd: {  	v3 =	vld [tilespmem:s29+$0xFFFFFF80];
	_ =	sdelay $0x2  }
0xfe: {  	v4 =	vbroadcast v2, $0x0;
	_ =	sdelay $0x1  }
0xff: {  	v3 =	vmul.f32 v4, v3  }
0x100: {  	s24 =	spop (v2sf)  }
0x101: {  	(v2sf) =	vpush v1, $0x2;
	[tilespmem:s24+$0x0] =	vst.add.f32.msk $0xffff, v3  }
0x102: {  	v3 =	vld [tilespmem:s29+$0xFFFFFF90];
	_ =	sdelay $0x2  }
0x103: {  	v37 =	vbroadcast v2, $0x1;
	_ =	sdelay $0x1  }
0x104: {  	v3 =	vmul.f32 v3, v37  }
0x105: {  	s31 =	spop (v2sf)  }
0x106: {  	(v2sf) =	vpush v1, $0x3;
	[tilespmem:s31+$0x0] =	vst.add.f32.msk $0xffff, v3  }
0x107: {  	v3 =	vld [tilespmem:s29+$0xFFFFFFA0];
	_ =	sdelay $0x2  }
0x108: {  	v38 =	vbroadcast v2, $0x2;
	_ =	sdelay $0x1  }
0x109: {  	v3 =	vmul.f32 v3, v38  }
0x10a: {  	s2 =	spop (v2sf)  }
0x10b: {  	(v2sf) =	vpush v1, $0x4;
	[tilespmem:s2+$0x0] =	vst.add.f32.msk $0xffff, v3  }
0x10c: {  	v3 =	vld [tilespmem:s29+$0xFFFFFFB0];
	_ =	sdelay $0x2  }
0x10d: {  	v39 =	vbroadcast v2, $0x3;
	_ =	sdelay $0x1  }
0x10e: {  	v3 =	vmul.f32 v3, v39  }
0x10f: {  	s24 =	spop (v2sf)  }
0x110: {  	(v2sf) =	vpush v1, $0x5;
	[tilespmem:s24+$0x0] =	vst.add.f32.msk $0xffff, v3  }
0x111: {  	v3 =	vld [tilespmem:s29+$0xFFFFFFC0];
	_ =	sdelay $0x2  }
0x112: {  	v40 =	vbroadcast v2, $0x4;
	_ =	sdelay $0x1  }
0x113: {  	v3 =	vmul.f32 v3, v40  }
0x114: {  	s31 =	spop (v2sf)  }
0x115: {  	(v2sf) =	vpush v1, $0x6;
	[tilespmem:s31+$0x0] =	vst.add.f32.msk $0xffff, v3  }
0x116: {  	v3 =	vld [tilespmem:s29+$0xFFFFFFD0];
	_ =	sdelay $0x2  }
0x117: {  	v41 =	vbroadcast v2, $0x5;
	_ =	sdelay $0x1  }
0x118: {  	v3 =	vmul.f32 v3, v41  }
0x119: {  	s2 =	spop (v2sf)  }
0x11a: {  	(v2sf) =	vpush v1, $0x7;
	[tilespmem:s2+$0x0] =	vst.add.f32.msk $0xffff, v3  }
0x11b: {  	v3 =	vld [tilespmem:s29+$0xFFFFFFE0];
	_ =	sdelay $0x2  }
0x11c: {  	v42 =	vbroadcast v2, $0x6;
	_ =	sdelay $0x1  }
0x11d: {  	v3 =	vmul.f32 v3, v42  }
0x11e: {  	s24 =	spop (v2sf)  }
0x11f: {  	(v2sf) =	vpush v1, $0x8;
	[tilespmem:s24+$0x0] =	vst.add.f32.msk $0xffff, v3  }
0x120: {  	v3 =	vld [tilespmem:s29+$0xFFFFFFF0];
	_ =	sdelay $0x2  }
0x121: {  	v43 =	vbroadcast v2, $0x7;
	_ =	sdelay $0x1  }
0x122: {  	v3 =	vmul.f32 v3, v43  }
0x123: {  	s31 =	spop (v2sf)  }
0x124: {  	(v2sf) =	vpush v1, $0x9;
	[tilespmem:s31+$0x0] =	vst.add.f32.msk $0xffff, v3  }
0x125: {  	v3 =	vld [tilespmem:s29+$0x0];
	_ =	sdelay $0x2  }
0x126: {  	v44 =	vbroadcast v2, $0x8;
	_ =	sdelay $0x1  }
0x127: {  	v3 =	vmul.f32 v3, v44  }
0x128: {  	s2 =	spop (v2sf)  }
0x129: {  	(v2sf) =	vpush v1, $0xA;
	[tilespmem:s2+$0x0] =	vst.add.f32.msk $0xffff, v3  }
0x12a: {  	v3 =	vld [tilespmem:s29+$0x10];
	_ =	sdelay $0x2  }
0x12b: {  	v45 =	vbroadcast v2, $0x9;
	_ =	sdelay $0x1  }
0x12c: {  	v3 =	vmul.f32 v3, v45  }
0x12d: {  	s24 =	spop (v2sf)  }
0x12e: {  	(v2sf) =	vpush v1, $0xB;
	[tilespmem:s24+$0x0] =	vst.add.f32.msk $0xffff, v3  }
0x12f: {  	v3 =	vld [tilespmem:s29+$0x20];
	_ =	sdelay $0x2  }
0x130: {  	v46 =	vbroadcast v2, $0xA;
	_ =	sdelay $0x1  }
0x131: {  	v3 =	vmul.f32 v3, v46  }
0x132: {  	s31 =	spop (v2sf)  }
0x133: {  	(v2sf) =	vpush v1, $0xC;
	[tilespmem:s31+$0x0] =	vst.add.f32.msk $0xffff, v3  }
0x134: {  	v3 =	vld [tilespmem:s29+$0x30];
	_ =	sdelay $0x2  }
0x135: {  	v47 =	vbroadcast v2, $0xB;
	_ =	sdelay $0x1  }
0x136: {  	v3 =	vmul.f32 v3, v47  }
0x137: {  	s2 =	spop (v2sf)  }
0x138: {  	(v2sf) =	vpush v1, $0xD;
	[tilespmem:s2+$0x0] =	vst.add.f32.msk $0xffff, v3  }
0x139: {  	v3 =	vld [tilespmem:s29+$0x40];
	_ =	sdelay $0x2  }
0x13a: {  	v48 =	vbroadcast v2, $0xC;
	_ =	sdelay $0x1  }
0x13b: {  	v3 =	vmul.f32 v3, v48  }
0x13c: {  	s24 =	spop (v2sf)  }
0x13d: {  	(v2sf) =	vpush v1, $0xE;
	[tilespmem:s24+$0x0] =	vst.add.f32.msk $0xffff, v3  }
0x13e: {  	v3 =	vld [tilespmem:s29+$0x50];
	_ =	sdelay $0x2  }
0x13f: {  	v49 =	vbroadcast v2, $0xD;
	_ =	sdelay $0x1  }
0x140: {  	v3 =	vmul.f32 v3, v49  }
0x141: {  	s31 =	spop (v2sf)  }
0x142: {  	(v2sf) =	vpush v1, $0xF;
	[tilespmem:s31+$0x0] =	vst.add.f32.msk $0xffff, v3  }
0x143: {  	v1 =	vld [tilespmem:s29+$0x60];
	_ =	sdelay $0x2  }
0x144: {  	v3 =	vbroadcast v2, $0xE;
	_ =	sdelay $0x1  }
0x145: {  	v1 =	vmul.f32 v1, v3  }
0x146: {  	s2 =	spop (v2sf)  }
0x147: {  	[tilespmem:s2+$0x0] =	vst.add.f32.msk $0xffff, v1  }
0x148: {  	v1 =	vld [tilespmem:s29+$0x70];
	_ =	sdelay $0x2  }
0x149: {  	v2 =	vbroadcast v2, $0xF;
	_ =	sdelay $0x1  }
0x14a: {  	v1 =	vmul.f32 v1, v2  }
0x14b: {  	s24 =	spop (v2sf)  }
0x14c: {  	[tilespmem:s24+$0x0] =	vst.add.f32.msk $0xffff, v1  }
0x14d: {  	_ =	swait.ge [sflag:s23], $0xA000  }
0x14e: {  	[sflag:s23] =	ssyncset.done $0x0  }
0x14f: {  	[sflag:s23] =	ssyncadd.s32 $0xFFFF6000  }
0x150: {  	_ =	swait.ge [sflag:s23], $0xA00  }
0x151: {  	[sflag:s23] =	ssyncset.done $0x0  }
0x152: {  	[sflag:s23] =	ssyncadd.s32 $0xFFFFF600  }
0x153: {  	_ =	swait.ge [sflag:s23], $0xA00  }
0x154: {  	[sflag:s23] =	ssyncset.done $0x0  }
0x155: {  	s31 =	simm.s32 $0x0;
	[sflag:s23] =	ssyncadd.s32 $0xFFFFF600  }
0x156: {  	v1 =	vld [tilespmem:s31+$0x18600];
	_ =	sdelay $0x4  }
0x157: {  	v1 =	vshll.u32 v1, $0x6  }
0x158: {  	v1 =	vshra.s32 v1, $0x2  }
0x159: {  	v1 =	vadd.s32 $0x19000, v1  }
0x15a: {  	(v2sf) =	vpush v1, $0x0;
	_ =	sdelay $0x6  }
0x15b: {  	v2 =	vld [tilespmem:s31+$0x17200]  }
0x15c: {  	s29 =	simm.s32 $0xC880;
	(v2sf) =	vpush v1, $0x1  }
0x15d: {  	v3 =	vld [tilespmem:s29+$0xFFFFFF80];
	_ =	sdelay $0x2  }
0x15e: {  	v50 =	vbroadcast v2, $0x0;
	_ =	sdelay $0x1  }
0x15f: {  	v3 =	vmul.f32 v50, v3  }
0x160: {  	s2 =	spop (v2sf)  }
0x161: {  	(v2sf) =	vpush v1, $0x2;
	[tilespmem:s2+$0x0] =	vst.add.f32.msk $0xffff, v3  }
0x162: {  	v3 =	vld [tilespmem:s29+$0xFFFFFF90];
	_ =	sdelay $0x2  }
0x163: {  	v51 =	vbroadcast v2, $0x1;
	_ =	sdelay $0x1  }
0x164: {  	v3 =	vmul.f32 v3, v51  }
0x165: {  	s24 =	spop (v2sf)  }
0x166: {  	(v2sf) =	vpush v1, $0x3;
	[tilespmem:s24+$0x0] =	vst.add.f32.msk $0xffff, v3  }
0x167: {  	v3 =	vld [tilespmem:s29+$0xFFFFFFA0];
	_ =	sdelay $0x2  }
0x168: {  	v52 =	vbroadcast v2, $0x2;
	_ =	sdelay $0x1  }
0x169: {  	v3 =	vmul.f32 v3, v52  }
0x16a: {  	s31 =	spop (v2sf)  }
0x16b: {  	(v2sf) =	vpush v1, $0x4;
	[tilespmem:s31+$0x0] =	vst.add.f32.msk $0xffff, v3  }
0x16c: {  	v3 =	vld [tilespmem:s29+$0xFFFFFFB0];
	_ =	sdelay $0x2  }
0x16d: {  	v53 =	vbroadcast v2, $0x3;
	_ =	sdelay $0x1  }
0x16e: {  	v3 =	vmul.f32 v3, v53  }
0x16f: {  	s2 =	spop (v2sf)  }
0x170: {  	(v2sf) =	vpush v1, $0x5;
	[tilespmem:s2+$0x0] =	vst.add.f32.msk $0xffff, v3  }
0x171: {  	v3 =	vld [tilespmem:s29+$0xFFFFFFC0];
	_ =	sdelay $0x2  }
0x172: {  	v54 =	vbroadcast v2, $0x4;
	_ =	sdelay $0x1  }
0x173: {  	v3 =	vmul.f32 v3, v54  }
0x174: {  	s24 =	spop (v2sf)  }
0x175: {  	(v2sf) =	vpush v1, $0x6;
	[tilespmem:s24+$0x0] =	vst.add.f32.msk $0xffff, v3  }
0x176: {  	v3 =	vld [tilespmem:s29+$0xFFFFFFD0];
	_ =	sdelay $0x2  }
0x177: {  	v55 =	vbroadcast v2, $0x5;
	_ =	sdelay $0x1  }
0x178: {  	v3 =	vmul.f32 v3, v55  }
0x179: {  	s31 =	spop (v2sf)  }
0x17a: {  	(v2sf) =	vpush v1, $0x7;
	[tilespmem:s31+$0x0] =	vst.add.f32.msk $0xffff, v3  }
0x17b: {  	v3 =	vld [tilespmem:s29+$0xFFFFFFE0];
	_ =	sdelay $0x2  }
0x17c: {  	v56 =	vbroadcast v2, $0x6;
	_ =	sdelay $0x1  }
0x17d: {  	v3 =	vmul.f32 v3, v56  }
0x17e: {  	s2 =	spop (v2sf)  }
0x17f: {  	(v2sf) =	vpush v1, $0x8;
	[tilespmem:s2+$0x0] =	vst.add.f32.msk $0xffff, v3  }
0x180: {  	v3 =	vld [tilespmem:s29+$0xFFFFFFF0];
	_ =	sdelay $0x2  }
0x181: {  	v57 =	vbroadcast v2, $0x7;
	_ =	sdelay $0x1  }
0x182: {  	v3 =	vmul.f32 v3, v57  }
0x183: {  	s24 =	spop (v2sf)  }
0x184: {  	(v2sf) =	vpush v1, $0x9;
	[tilespmem:s24+$0x0] =	vst.add.f32.msk $0xffff, v3  }
0x185: {  	v3 =	vld [tilespmem:s29+$0x0];
	_ =	sdelay $0x2  }
0x186: {  	v58 =	vbroadcast v2, $0x8;
	_ =	sdelay $0x1  }
0x187: {  	v3 =	vmul.f32 v3, v58  }
0x188: {  	s31 =	spop (v2sf)  }
0x189: {  	(v2sf) =	vpush v1, $0xA;
	[tilespmem:s31+$0x0] =	vst.add.f32.msk $0xffff, v3  }
0x18a: {  	v3 =	vld [tilespmem:s29+$0x10];
	_ =	sdelay $0x2  }
0x18b: {  	v59 =	vbroadcast v2, $0x9;
	_ =	sdelay $0x1  }
0x18c: {  	v3 =	vmul.f32 v3, v59  }
0x18d: {  	s2 =	spop (v2sf)  }
0x18e: {  	(v2sf) =	vpush v1, $0xB;
	[tilespmem:s2+$0x0] =	vst.add.f32.msk $0xffff, v3  }
0x18f: {  	v3 =	vld [tilespmem:s29+$0x20];
	_ =	sdelay $0x2  }
0x190: {  	v60 =	vbroadcast v2, $0xA;
	_ =	sdelay $0x1  }
0x191: {  	v3 =	vmul.f32 v3, v60  }
0x192: {  	s24 =	spop (v2sf)  }
0x193: {  	(v2sf) =	vpush v1, $0xC;
	[tilespmem:s24+$0x0] =	vst.add.f32.msk $0xffff, v3  }
0x194: {  	v3 =	vld [tilespmem:s29+$0x30];
	_ =	sdelay $0x2  }
0x195: {  	v61 =	vbroadcast v2, $0xB;
	_ =	sdelay $0x1  }
0x196: {  	v3 =	vmul.f32 v3, v61  }
0x197: {  	s31 =	spop (v2sf)  }
0x198: {  	(v2sf) =	vpush v1, $0xD;
	[tilespmem:s31+$0x0] =	vst.add.f32.msk $0xffff, v3  }
0x199: {  	v3 =	vld [tilespmem:s29+$0x40];
	_ =	sdelay $0x2  }
0x19a: {  	v62 =	vbroadcast v2, $0xC;
	_ =	sdelay $0x1  }
0x19b: {  	v3 =	vmul.f32 v3, v62  }
0x19c: {  	s2 =	spop (v2sf)  }
0x19d: {  	(v2sf) =	vpush v1, $0xE;
	[tilespmem:s2+$0x0] =	vst.add.f32.msk $0xffff, v3  }
0x19e: {  	v3 =	vld [tilespmem:s29+$0x50];
	_ =	sdelay $0x2  }
0x19f: {  	v63 =	vbroadcast v2, $0xD;
	_ =	sdelay $0x1  }
0x1a0: {  	v3 =	vmul.f32 v3, v63  }
0x1a1: {  	s24 =	spop (v2sf);
	(v2sf) =	vpush v1, $0xF  }
0x1a2: {  	[tilespmem:s24+$0x0] =	vst.add.f32.msk $0xffff, v3  }
0x1a3: {  	v1 =	vld [tilespmem:s29+$0x60];
	_ =	sdelay $0x2  }
0x1a4: {  	v3 =	vbroadcast v2, $0xE;
	_ =	sdelay $0x1  }
0x1a5: {  	v1 =	vmul.f32 v1, v3  }
0x1a6: {  	s31 =	spop (v2sf)  }
0x1a7: {  	[tilespmem:s31+$0x0] =	vst.add.f32.msk $0xffff, v1  }
0x1a8: {  	v1 =	vld [tilespmem:s29+$0x70];
	_ =	sdelay $0x2  }
0x1a9: {  	v2 =	vbroadcast v2, $0xF;
	_ =	sdelay $0x1  }
0x1aa: {  	s30 =	simm.s32 $0x40;
	s0 =	simm.s32 $0x80;
	s2 =	spop (v2sf);
	v1 =	vmul.f32 v1, v2  }
.LBB2_7:
0x1ab: {  	s24 =	sshra.s32 s30, $0x2  }
0x1ac: {  	[tilespmem:s2+$0x0] =	vst.add.f32.msk $0xffff, v1;
	s29 =	sadd.s32 $0x100, s29;
	s30 =	smov.u32 s0;
	s31 =	sadd.s32 $0x40, s0  }
0x1ad: {  	p1 =	sne.s32 s0, $0x27C0;
	v1 =	vld [tilespmem:s24+$0x18600];
	_ =	sdelay $0x4  }
0x1ae: {  	v1 =	vshll.u32 v1, $0x6  }
0x1af: {  	v1 =	vshra.s32 v1, $0x2  }
0x1b0: {  	v2 =	vadd.s32 $0x19000, v1  }
0x1b1: {  	(v2sf) =	vpush v2, $0x0;
	_ =	sdelay $0x6  }
0x1b2: {  	v1 =	vld [tilespmem:s24+$0x17200]  }
0x1b3: {  	(v2sf) =	vpush v2, $0x1  }
0x1b4: {  	v3 =	vld [tilespmem:s29+$0xFFFFFF80];
	_ =	sdelay $0x2  }
0x1b5: {  	v4 =	vbroadcast v1, $0x0;
	_ =	sdelay $0x1  }
0x1b6: {  	v3 =	vmul.f32 v4, v3  }
0x1b7: {  	s0 =	spop (v2sf)  }
0x1b8: {  	[tilespmem:s0+$0x0] =	vst.add.f32.msk $0xffff, v3;
	(v2sf) =	vpush v2, $0x2  }
0x1b9: {  	v3 =	vld [tilespmem:s29+$0xFFFFFF90];
	_ =	sdelay $0x2  }
0x1ba: {  	v4 =	vbroadcast v1, $0x1;
	_ =	sdelay $0x1  }
0x1bb: {  	v3 =	vmul.f32 v3, v4  }
0x1bc: {  	s0 =	spop (v2sf)  }
0x1bd: {  	[tilespmem:s0+$0x0] =	vst.add.f32.msk $0xffff, v3;
	(v2sf) =	vpush v2, $0x3  }
0x1be: {  	v3 =	vld [tilespmem:s29+$0xFFFFFFA0];
	_ =	sdelay $0x2  }
0x1bf: {  	v4 =	vbroadcast v1, $0x2;
	_ =	sdelay $0x1  }
0x1c0: {  	v3 =	vmul.f32 v3, v4  }
0x1c1: {  	s0 =	spop (v2sf)  }
0x1c2: {  	[tilespmem:s0+$0x0] =	vst.add.f32.msk $0xffff, v3;
	(v2sf) =	vpush v2, $0x4  }
0x1c3: {  	v3 =	vld [tilespmem:s29+$0xFFFFFFB0];
	_ =	sdelay $0x2  }
0x1c4: {  	v4 =	vbroadcast v1, $0x3;
	_ =	sdelay $0x1  }
0x1c5: {  	v3 =	vmul.f32 v3, v4  }
0x1c6: {  	s0 =	spop (v2sf)  }
0x1c7: {  	[tilespmem:s0+$0x0] =	vst.add.f32.msk $0xffff, v3;
	(v2sf) =	vpush v2, $0x5  }
0x1c8: {  	v3 =	vld [tilespmem:s29+$0xFFFFFFC0];
	_ =	sdelay $0x2  }
0x1c9: {  	v4 =	vbroadcast v1, $0x4;
	_ =	sdelay $0x1  }
0x1ca: {  	v3 =	vmul.f32 v3, v4  }
0x1cb: {  	s0 =	spop (v2sf)  }
0x1cc: {  	[tilespmem:s0+$0x0] =	vst.add.f32.msk $0xffff, v3;
	(v2sf) =	vpush v2, $0x6  }
0x1cd: {  	v3 =	vld [tilespmem:s29+$0xFFFFFFD0];
	_ =	sdelay $0x2  }
0x1ce: {  	v4 =	vbroadcast v1, $0x5;
	_ =	sdelay $0x1  }
0x1cf: {  	v3 =	vmul.f32 v3, v4  }
0x1d0: {  	s0 =	spop (v2sf)  }
0x1d1: {  	[tilespmem:s0+$0x0] =	vst.add.f32.msk $0xffff, v3;
	(v2sf) =	vpush v2, $0x7  }
0x1d2: {  	v3 =	vld [tilespmem:s29+$0xFFFFFFE0];
	_ =	sdelay $0x2  }
0x1d3: {  	v4 =	vbroadcast v1, $0x6;
	_ =	sdelay $0x1  }
0x1d4: {  	v3 =	vmul.f32 v3, v4  }
0x1d5: {  	s0 =	spop (v2sf)  }
0x1d6: {  	[tilespmem:s0+$0x0] =	vst.add.f32.msk $0xffff, v3;
	(v2sf) =	vpush v2, $0x8  }
0x1d7: {  	v3 =	vld [tilespmem:s29+$0xFFFFFFF0];
	_ =	sdelay $0x2  }
0x1d8: {  	v4 =	vbroadcast v1, $0x7;
	_ =	sdelay $0x1  }
0x1d9: {  	v3 =	vmul.f32 v3, v4  }
0x1da: {  	s0 =	spop (v2sf)  }
0x1db: {  	[tilespmem:s0+$0x0] =	vst.add.f32.msk $0xffff, v3;
	(v2sf) =	vpush v2, $0x9  }
0x1dc: {  	v3 =	vld [tilespmem:s29+$0x0];
	_ =	sdelay $0x2  }
0x1dd: {  	v4 =	vbroadcast v1, $0x8;
	_ =	sdelay $0x1  }
0x1de: {  	v3 =	vmul.f32 v3, v4  }
0x1df: {  	s0 =	spop (v2sf)  }
0x1e0: {  	[tilespmem:s0+$0x0] =	vst.add.f32.msk $0xffff, v3;
	(v2sf) =	vpush v2, $0xA  }
0x1e1: {  	v3 =	vld [tilespmem:s29+$0x10];
	_ =	sdelay $0x2  }
0x1e2: {  	v4 =	vbroadcast v1, $0x9;
	_ =	sdelay $0x1  }
0x1e3: {  	v3 =	vmul.f32 v3, v4  }
0x1e4: {  	s0 =	spop (v2sf)  }
0x1e5: {  	[tilespmem:s0+$0x0] =	vst.add.f32.msk $0xffff, v3;
	(v2sf) =	vpush v2, $0xB  }
0x1e6: {  	v3 =	vld [tilespmem:s29+$0x20];
	_ =	sdelay $0x2  }
0x1e7: {  	v4 =	vbroadcast v1, $0xA;
	_ =	sdelay $0x1  }
0x1e8: {  	v3 =	vmul.f32 v3, v4  }
0x1e9: {  	s0 =	spop (v2sf)  }
0x1ea: {  	[tilespmem:s0+$0x0] =	vst.add.f32.msk $0xffff, v3;
	(v2sf) =	vpush v2, $0xC  }
0x1eb: {  	v3 =	vld [tilespmem:s29+$0x30];
	_ =	sdelay $0x2  }
0x1ec: {  	v4 =	vbroadcast v1, $0xB;
	_ =	sdelay $0x1  }
0x1ed: {  	v3 =	vmul.f32 v3, v4  }
0x1ee: {  	s0 =	spop (v2sf)  }
0x1ef: {  	[tilespmem:s0+$0x0] =	vst.add.f32.msk $0xffff, v3;
	(v2sf) =	vpush v2, $0xD  }
0x1f0: {  	v3 =	vld [tilespmem:s29+$0x40];
	_ =	sdelay $0x2  }
0x1f1: {  	v4 =	vbroadcast v1, $0xC;
	_ =	sdelay $0x1  }
0x1f2: {  	v3 =	vmul.f32 v3, v4  }
0x1f3: {  	s0 =	spop (v2sf)  }
0x1f4: {  	[tilespmem:s0+$0x0] =	vst.add.f32.msk $0xffff, v3;
	(v2sf) =	vpush v2, $0xE  }
0x1f5: {  	v3 =	vld [tilespmem:s29+$0x50];
	_ =	sdelay $0x2  }
0x1f6: {  	v4 =	vbroadcast v1, $0xD;
	_ =	sdelay $0x1  }
0x1f7: {  	v3 =	vmul.f32 v3, v4  }
0x1f8: {  	s0 =	spop (v2sf)  }
0x1f9: {  	[tilespmem:s0+$0x0] =	vst.add.f32.msk $0xffff, v3;
	(v2sf) =	vpush v2, $0xF  }
0x1fa: {  	v2 =	vld [tilespmem:s29+$0x60];
	_ =	sdelay $0x2  }
0x1fb: {  	v3 =	vbroadcast v1, $0xE;
	_ =	sdelay $0x1  }
0x1fc: {  	v2 =	vmul.f32 v2, v3  }
0x1fd: {  	s0 =	spop (v2sf)  }
0x1fe: {  	[tilespmem:s0+$0x0] =	vst.add.f32.msk $0xffff, v2  }
0x1ff: {  	v2 =	vld [tilespmem:s29+$0x70];
	_ =	sdelay $0x1  }
.Ltmp5:
0x200: {  	(pc) =	sbr.rel @p1 .LBB2_7-.Ltmp5, $3  }
0x201: {  	v1 =	vbroadcast v1, $0xF;
	_ =	sdelay $0x1  }
0x202: {  	v1 =	vmul.f32 v2, v1  }
0x203: {  	s0 =	smov.u32 s31;
	s2 =	spop (v2sf)  }
0x204: {  	s0 =	sshra.s32 s30, $0x2;
	[tilespmem:s2+$0x0] =	vst.add.f32.msk $0xffff, v1  }
0x205: {  	v1 =	vld [tilespmem:s0+$0x18600];
	_ =	sdelay $0x4  }
0x206: {  	v1 =	vshll.u32 v1, $0x6  }
0x207: {  	v1 =	vshra.s32 v1, $0x2  }
0x208: {  	v1 =	vadd.s32 $0x19000, v1  }
0x209: {  	(v2sf) =	vpush v1, $0x0;
	_ =	sdelay $0x6  }
0x20a: {  	v2 =	vld [tilespmem:s0+$0x17200]  }
0x20b: {  	s29 =	sadd.s32 $0x100, s29;
	(v2sf) =	vpush v1, $0x1  }
0x20c: {  	v3 =	vld [tilespmem:s29+$0xFFFFFF80];
	_ =	sdelay $0x2  }
0x20d: {  	v4 =	vbroadcast v2, $0x0;
	_ =	sdelay $0x1  }
0x20e: {  	v3 =	vmul.f32 v4, v3  }
0x20f: {  	s2 =	spop (v2sf)  }
0x210: {  	(v2sf) =	vpush v1, $0x2;
	[tilespmem:s2+$0x0] =	vst.add.f32.msk $0xffff, v3  }
0x211: {  	v3 =	vld [tilespmem:s29+$0xFFFFFF90];
	_ =	sdelay $0x2  }
0x212: {  	v51 =	vbroadcast v2, $0x1;
	_ =	sdelay $0x1  }
0x213: {  	v3 =	vmul.f32 v3, v51  }
0x214: {  	s24 =	spop (v2sf)  }
0x215: {  	(v2sf) =	vpush v1, $0x3;
	[tilespmem:s24+$0x0] =	vst.add.f32.msk $0xffff, v3  }
0x216: {  	v3 =	vld [tilespmem:s29+$0xFFFFFFA0];
	_ =	sdelay $0x2  }
0x217: {  	v52 =	vbroadcast v2, $0x2;
	_ =	sdelay $0x1  }
0x218: {  	v3 =	vmul.f32 v3, v52  }
0x219: {  	s30 =	spop (v2sf)  }
0x21a: {  	(v2sf) =	vpush v1, $0x4;
	[tilespmem:s30+$0x0] =	vst.add.f32.msk $0xffff, v3  }
0x21b: {  	v3 =	vld [tilespmem:s29+$0xFFFFFFB0];
	_ =	sdelay $0x2  }
0x21c: {  	v53 =	vbroadcast v2, $0x3;
	_ =	sdelay $0x1  }
0x21d: {  	v3 =	vmul.f32 v3, v53  }
0x21e: {  	s31 =	spop (v2sf)  }
0x21f: {  	(v2sf) =	vpush v1, $0x5;
	[tilespmem:s31+$0x0] =	vst.add.f32.msk $0xffff, v3  }
0x220: {  	v3 =	vld [tilespmem:s29+$0xFFFFFFC0];
	_ =	sdelay $0x2  }
0x221: {  	v54 =	vbroadcast v2, $0x4;
	_ =	sdelay $0x1  }
0x222: {  	v3 =	vmul.f32 v3, v54  }
0x223: {  	s2 =	spop (v2sf)  }
0x224: {  	(v2sf) =	vpush v1, $0x6;
	[tilespmem:s2+$0x0] =	vst.add.f32.msk $0xffff, v3  }
0x225: {  	v3 =	vld [tilespmem:s29+$0xFFFFFFD0];
	_ =	sdelay $0x2  }
0x226: {  	v55 =	vbroadcast v2, $0x5;
	_ =	sdelay $0x1  }
0x227: {  	v3 =	vmul.f32 v3, v55  }
0x228: {  	s24 =	spop (v2sf)  }
0x229: {  	(v2sf) =	vpush v1, $0x7;
	[tilespmem:s24+$0x0] =	vst.add.f32.msk $0xffff, v3  }
0x22a: {  	v3 =	vld [tilespmem:s29+$0xFFFFFFE0];
	_ =	sdelay $0x2  }
0x22b: {  	v56 =	vbroadcast v2, $0x6;
	_ =	sdelay $0x1  }
0x22c: {  	v3 =	vmul.f32 v3, v56  }
0x22d: {  	s30 =	spop (v2sf)  }
0x22e: {  	(v2sf) =	vpush v1, $0x8;
	[tilespmem:s30+$0x0] =	vst.add.f32.msk $0xffff, v3  }
0x22f: {  	v3 =	vld [tilespmem:s29+$0xFFFFFFF0];
	_ =	sdelay $0x2  }
0x230: {  	v57 =	vbroadcast v2, $0x7;
	_ =	sdelay $0x1  }
0x231: {  	v3 =	vmul.f32 v3, v57  }
0x232: {  	s31 =	spop (v2sf)  }
0x233: {  	(v2sf) =	vpush v1, $0x9;
	[tilespmem:s31+$0x0] =	vst.add.f32.msk $0xffff, v3  }
0x234: {  	v3 =	vld [tilespmem:s29+$0x0];
	_ =	sdelay $0x2  }
0x235: {  	v58 =	vbroadcast v2, $0x8;
	_ =	sdelay $0x1  }
0x236: {  	v3 =	vmul.f32 v3, v58  }
0x237: {  	s2 =	spop (v2sf)  }
0x238: {  	(v2sf) =	vpush v1, $0xA;
	[tilespmem:s2+$0x0] =	vst.add.f32.msk $0xffff, v3  }
0x239: {  	v3 =	vld [tilespmem:s29+$0x10];
	_ =	sdelay $0x2  }
0x23a: {  	v59 =	vbroadcast v2, $0x9;
	_ =	sdelay $0x1  }
0x23b: {  	v3 =	vmul.f32 v3, v59  }
0x23c: {  	s24 =	spop (v2sf)  }
0x23d: {  	(v2sf) =	vpush v1, $0xB;
	[tilespmem:s24+$0x0] =	vst.add.f32.msk $0xffff, v3  }
0x23e: {  	v3 =	vld [tilespmem:s29+$0x20];
	_ =	sdelay $0x2  }
0x23f: {  	v60 =	vbroadcast v2, $0xA;
	_ =	sdelay $0x1  }
0x240: {  	v3 =	vmul.f32 v3, v60  }
0x241: {  	s30 =	spop (v2sf)  }
0x242: {  	(v2sf) =	vpush v1, $0xC;
	[tilespmem:s30+$0x0] =	vst.add.f32.msk $0xffff, v3  }
0x243: {  	v3 =	vld [tilespmem:s29+$0x30];
	_ =	sdelay $0x2  }
0x244: {  	v61 =	vbroadcast v2, $0xB;
	_ =	sdelay $0x1  }
0x245: {  	v3 =	vmul.f32 v3, v61  }
0x246: {  	s31 =	spop (v2sf)  }
0x247: {  	(v2sf) =	vpush v1, $0xD;
	[tilespmem:s31+$0x0] =	vst.add.f32.msk $0xffff, v3  }
0x248: {  	v3 =	vld [tilespmem:s29+$0x40];
	_ =	sdelay $0x2  }
0x249: {  	v62 =	vbroadcast v2, $0xC;
	_ =	sdelay $0x1  }
0x24a: {  	v3 =	vmul.f32 v3, v62  }
0x24b: {  	s2 =	spop (v2sf)  }
0x24c: {  	(v2sf) =	vpush v1, $0xE;
	[tilespmem:s2+$0x0] =	vst.add.f32.msk $0xffff, v3  }
0x24d: {  	v3 =	vld [tilespmem:s29+$0x50];
	_ =	sdelay $0x2  }
0x24e: {  	v63 =	vbroadcast v2, $0xD;
	_ =	sdelay $0x1  }
0x24f: {  	v3 =	vmul.f32 v3, v63  }
0x250: {  	s24 =	spop (v2sf)  }
0x251: {  	(v2sf) =	vpush v1, $0xF;
	[tilespmem:s24+$0x0] =	vst.add.f32.msk $0xffff, v3  }
0x252: {  	v1 =	vld [tilespmem:s29+$0x60];
	_ =	sdelay $0x2  }
0x253: {  	v3 =	vbroadcast v2, $0xE;
	_ =	sdelay $0x1  }
0x254: {  	v1 =	vmul.f32 v1, v3  }
0x255: {  	s30 =	spop (v2sf)  }
0x256: {  	[tilespmem:s30+$0x0] =	vst.add.f32.msk $0xffff, v1  }
0x257: {  	v1 =	vld [tilespmem:s29+$0x70]  }
0x258: {  	s28 =	sadd.s32 $0x1, s28  }
0x259: {  	p1 =	seq.s32 s28, $0x2D  }
.Ltmp6:
0x25a: {  	v2 =	vbroadcast v2, $0xF;
	(pc) =	sbr.rel @!p1 .LBB2_4-.Ltmp6, $4  }
.Ltmp7:
0x25b: {  	_ = 	snop;
	(pc) =	sbr.rel @p1 .LBB2_14-.Ltmp7, $4  }
0x25c: {  	v1 =	vmul.f32 v1, v2  }
0x25d: {  	s31 =	spop (v2sf)  }
0x25e: {  	[tilespmem:s31+$0x0] =	vst.add.f32.msk $0xffff, v1  }
0x25f: {  	_ = 	snop  }
.LBB2_9:
0x260: {  	s0 =	smul.u32 $0x1400, s29;
	_ =	sdelay $0x1  }
0x261: {  	s2 =	sadd.s32 s8, s0  }
0x262: {  	s2 =	sshrl.u32 s2, $0x3  }
0x263: {  	s24 =	sadd.s32 s3, s2  }
0x264: {  	[tilespmem:s26], [sflag:$0x3] =	stream.linear.gather [hbm4b:s24+s26], $0xA00, $0x38;
	[tilespmem:$0x1A010] =	vst v63  }
0x265: {  	_ =	swait.ge [sflag:s12], $0xA00  }
0x266: {  	[sflag:s12] =	ssyncset.done $0x0  }
0x267: {  	s2 =	sadd.s32 s4, s2;
	[sflag:s12] =	ssyncadd.s32 $0xFFFFF600  }
0x268: {  	[tilespmem:s13], [sflag:$0x3] =	stream.linear.gather [hbm4b:s2+s26], $0xA00, $0x38;
	[tilespmem:$0x1A010] =	vst v63  }
0x269: {  	_ =	swait.ge [sflag:s12], $0xA00  }
0x26a: {  	[sflag:s12] =	ssyncset.done $0x0  }
0x26b: {  	[sflag:s12] =	ssyncadd.s32 $0xFFFFF600  }
0x26c: {  	[tilespmem:s14], [sflag:$0x1] =	stream.indirect.gather [hbm4b:s5+s13], $0x10, s26, s13, $0xb8;
	[tilespmem:$0x1A010] =	vst v63  }
0x26d: {  	s0 =	sadd.s32 s0, s9  }
0x26e: {  	[tilespmem:s15], [sflag:$0x1] =	stream.indirect.gather [hbm4b:s6+s13], $0x1, s13, s13, $0xb8;
	[tilespmem:$0x1A010] =	vst v63  }
0x26f: {  	s0 =	sshrl.u32 s0, $0x3  }
0x270: {  	[tilespmem:s16], [sflag:$0x1] =	stream.indirect.gather [hbm4b:s7+s13], $0x1, s13, s13, $0xb8;
	[tilespmem:$0x1A010] =	vst v63  }
0x271: {  	s24 =	sadd.s32 s3, s0  }
0x272: {  	[tilespmem:s17], [sflag:$0x3] =	stream.linear.gather [hbm4b:s24+s26], $0xA00, $0x38;
	[tilespmem:$0x1A010] =	vst v63  }
0x273: {  	_ =	swait.ge [sflag:s12], $0xA00  }
0x274: {  	[sflag:s12] =	ssyncset.done $0x0  }
0x275: {  	s0 =	sadd.s32 s4, s0;
	[sflag:s12] =	ssyncadd.s32 $0xFFFFF600  }
0x276: {  	[tilespmem:s18], [sflag:$0x3] =	stream.linear.gather [hbm4b:s0+s26], $0xA00, $0x38;
	[tilespmem:$0x1A010] =	vst v63  }
0x277: {  	_ =	swait.ge [sflag:s12], $0xA00  }
0x278: {  	[sflag:s12] =	ssyncset.done $0x0  }
0x279: {  	[sflag:s12] =	ssyncadd.s32 $0xFFFFF600  }
0x27a: {  	[tilespmem:s19], [sflag:$0x2] =	stream.indirect.gather [hbm4b:s5+s13], $0x10, s17, s13, $0xb8;
	[tilespmem:$0x1A010] =	vst v63  }
0x27b: {  	_ = 	snop  }
0x27c: {  	[tilespmem:s20], [sflag:$0x2] =	stream.indirect.gather [hbm4b:s6+s13], $0x1, s18, s13, $0xb8;
	[tilespmem:$0x1A010] =	vst v63  }
0x27d: {  	_ = 	snop  }
0x27e: {  	[tilespmem:s21], [sflag:$0x2] =	stream.indirect.gather [hbm4b:s7+s13], $0x1, s18, s13, $0xb8;
	[tilespmem:$0x1A010] =	vst v63  }
0x27f: {  	_ =	swait.ge [sflag:s22], $0xA000  }
0x280: {  	[sflag:s22] =	ssyncset.done $0x0  }
0x281: {  	[sflag:s22] =	ssyncadd.s32 $0xFFFF6000  }
0x282: {  	_ =	swait.ge [sflag:s22], $0xA00  }
0x283: {  	[sflag:s22] =	ssyncset.done $0x0  }
0x284: {  	[sflag:s22] =	ssyncadd.s32 $0xFFFFF600  }
0x285: {  	_ =	swait.ge [sflag:s22], $0xA00  }
0x286: {  	[sflag:s22] =	ssyncset.done $0x0  }
0x287: {  	s31 =	simm.s32 $0x0;
	[sflag:s22] =	ssyncadd.s32 $0xFFFFF600  }
0x288: {  	v1 =	vld [tilespmem:s31+$0x17C00];
	_ =	sdelay $0x4  }
0x289: {  	v1 =	vshll.u32 v1, $0x6  }
0x28a: {  	v1 =	vshra.s32 v1, $0x2  }
0x28b: {  	v1 =	vadd.s32 $0x19000, v1  }
0x28c: {  	(v2sf) =	vpush v1, $0x0;
	_ =	sdelay $0x6  }
0x28d: {  	v2 =	vld [tilespmem:s31+$0x16800]  }
0x28e: {  	s28 =	simm.s32 $0x2880;
	(v2sf) =	vpush v1, $0x1  }
0x28f: {  	v3 =	vld [tilespmem:s28+$0xFFFFFF80];
	_ =	sdelay $0x2  }
0x290: {  	v4 =	vbroadcast v2, $0x0;
	_ =	sdelay $0x1  }
0x291: {  	v3 =	vmul.f32 v4, v3  }
0x292: {  	s2 =	spop (v2sf)  }
0x293: {  	(v2sf) =	vpush v1, $0x2;
	[tilespmem:s2+$0x0] =	vst.add.f32.msk $0xffff, v3  }
0x294: {  	v3 =	vld [tilespmem:s28+$0xFFFFFF90];
	_ =	sdelay $0x2  }
0x295: {  	v51 =	vbroadcast v2, $0x1;
	_ =	sdelay $0x1  }
0x296: {  	v3 =	vmul.f32 v3, v51  }
0x297: {  	s24 =	spop (v2sf)  }
0x298: {  	(v2sf) =	vpush v1, $0x3;
	[tilespmem:s24+$0x0] =	vst.add.f32.msk $0xffff, v3  }
0x299: {  	v3 =	vld [tilespmem:s28+$0xFFFFFFA0];
	_ =	sdelay $0x2  }
0x29a: {  	v52 =	vbroadcast v2, $0x2;
	_ =	sdelay $0x1  }
0x29b: {  	v3 =	vmul.f32 v3, v52  }
0x29c: {  	s31 =	spop (v2sf)  }
0x29d: {  	(v2sf) =	vpush v1, $0x4;
	[tilespmem:s31+$0x0] =	vst.add.f32.msk $0xffff, v3  }
0x29e: {  	v3 =	vld [tilespmem:s28+$0xFFFFFFB0];
	_ =	sdelay $0x2  }
0x29f: {  	v53 =	vbroadcast v2, $0x3;
	_ =	sdelay $0x1  }
0x2a0: {  	v3 =	vmul.f32 v3, v53  }
0x2a1: {  	s2 =	spop (v2sf)  }
0x2a2: {  	(v2sf) =	vpush v1, $0x5;
	[tilespmem:s2+$0x0] =	vst.add.f32.msk $0xffff, v3  }
0x2a3: {  	v3 =	vld [tilespmem:s28+$0xFFFFFFC0];
	_ =	sdelay $0x2  }
0x2a4: {  	v54 =	vbroadcast v2, $0x4;
	_ =	sdelay $0x1  }
0x2a5: {  	v3 =	vmul.f32 v3, v54  }
0x2a6: {  	s24 =	spop (v2sf)  }
0x2a7: {  	(v2sf) =	vpush v1, $0x6;
	[tilespmem:s24+$0x0] =	vst.add.f32.msk $0xffff, v3  }
0x2a8: {  	v3 =	vld [tilespmem:s28+$0xFFFFFFD0];
	_ =	sdelay $0x2  }
0x2a9: {  	v55 =	vbroadcast v2, $0x5;
	_ =	sdelay $0x1  }
0x2aa: {  	v3 =	vmul.f32 v3, v55  }
0x2ab: {  	s31 =	spop (v2sf)  }
0x2ac: {  	(v2sf) =	vpush v1, $0x7;
	[tilespmem:s31+$0x0] =	vst.add.f32.msk $0xffff, v3  }
0x2ad: {  	v3 =	vld [tilespmem:s28+$0xFFFFFFE0];
	_ =	sdelay $0x2  }
0x2ae: {  	v56 =	vbroadcast v2, $0x6;
	_ =	sdelay $0x1  }
0x2af: {  	v3 =	vmul.f32 v3, v56  }
0x2b0: {  	s2 =	spop (v2sf)  }
0x2b1: {  	(v2sf) =	vpush v1, $0x8;
	[tilespmem:s2+$0x0] =	vst.add.f32.msk $0xffff, v3  }
0x2b2: {  	v3 =	vld [tilespmem:s28+$0xFFFFFFF0];
	_ =	sdelay $0x2  }
0x2b3: {  	v57 =	vbroadcast v2, $0x7;
	_ =	sdelay $0x1  }
0x2b4: {  	v3 =	vmul.f32 v3, v57  }
0x2b5: {  	s24 =	spop (v2sf)  }
0x2b6: {  	(v2sf) =	vpush v1, $0x9;
	[tilespmem:s24+$0x0] =	vst.add.f32.msk $0xffff, v3  }
0x2b7: {  	v3 =	vld [tilespmem:s28+$0x0];
	_ =	sdelay $0x2  }
0x2b8: {  	v58 =	vbroadcast v2, $0x8;
	_ =	sdelay $0x1  }
0x2b9: {  	v3 =	vmul.f32 v3, v58  }
0x2ba: {  	s31 =	spop (v2sf)  }
0x2bb: {  	(v2sf) =	vpush v1, $0xA;
	[tilespmem:s31+$0x0] =	vst.add.f32.msk $0xffff, v3  }
0x2bc: {  	v3 =	vld [tilespmem:s28+$0x10];
	_ =	sdelay $0x2  }
0x2bd: {  	v59 =	vbroadcast v2, $0x9;
	_ =	sdelay $0x1  }
0x2be: {  	v3 =	vmul.f32 v3, v59  }
0x2bf: {  	s2 =	spop (v2sf)  }
0x2c0: {  	(v2sf) =	vpush v1, $0xB;
	[tilespmem:s2+$0x0] =	vst.add.f32.msk $0xffff, v3  }
0x2c1: {  	v3 =	vld [tilespmem:s28+$0x20];
	_ =	sdelay $0x2  }
0x2c2: {  	v60 =	vbroadcast v2, $0xA;
	_ =	sdelay $0x1  }
0x2c3: {  	v3 =	vmul.f32 v3, v60  }
0x2c4: {  	s24 =	spop (v2sf)  }
0x2c5: {  	(v2sf) =	vpush v1, $0xC;
	[tilespmem:s24+$0x0] =	vst.add.f32.msk $0xffff, v3  }
0x2c6: {  	v3 =	vld [tilespmem:s28+$0x30];
	_ =	sdelay $0x2  }
0x2c7: {  	v61 =	vbroadcast v2, $0xB;
	_ =	sdelay $0x1  }
0x2c8: {  	v3 =	vmul.f32 v3, v61  }
0x2c9: {  	s31 =	spop (v2sf)  }
0x2ca: {  	(v2sf) =	vpush v1, $0xD;
	[tilespmem:s31+$0x0] =	vst.add.f32.msk $0xffff, v3  }
0x2cb: {  	v3 =	vld [tilespmem:s28+$0x40];
	_ =	sdelay $0x2  }
0x2cc: {  	v62 =	vbroadcast v2, $0xC;
	_ =	sdelay $0x1  }
0x2cd: {  	v3 =	vmul.f32 v3, v62  }
0x2ce: {  	s2 =	spop (v2sf)  }
0x2cf: {  	(v2sf) =	vpush v1, $0xE;
	[tilespmem:s2+$0x0] =	vst.add.f32.msk $0xffff, v3  }
0x2d0: {  	v3 =	vld [tilespmem:s28+$0x50];
	_ =	sdelay $0x2  }
0x2d1: {  	v63 =	vbroadcast v2, $0xD;
	_ =	sdelay $0x1  }
0x2d2: {  	v3 =	vmul.f32 v3, v63  }
0x2d3: {  	s24 =	spop (v2sf);
	(v2sf) =	vpush v1, $0xF  }
0x2d4: {  	[tilespmem:s24+$0x0] =	vst.add.f32.msk $0xffff, v3  }
0x2d5: {  	v1 =	vld [tilespmem:s28+$0x60];
	_ =	sdelay $0x2  }
0x2d6: {  	v3 =	vbroadcast v2, $0xE;
	_ =	sdelay $0x1  }
0x2d7: {  	v1 =	vmul.f32 v1, v3  }
0x2d8: {  	s31 =	spop (v2sf)  }
0x2d9: {  	[tilespmem:s31+$0x0] =	vst.add.f32.msk $0xffff, v1  }
0x2da: {  	v1 =	vld [tilespmem:s28+$0x70];
	_ =	sdelay $0x2  }
0x2db: {  	v2 =	vbroadcast v2, $0xF;
	_ =	sdelay $0x1  }
0x2dc: {  	s30 =	simm.s32 $0x40;
	s0 =	simm.s32 $0x80;
	s2 =	spop (v2sf);
	v1 =	vmul.f32 v1, v2  }
.LBB2_10:
0x2dd: {  	s24 =	sshra.s32 s30, $0x2  }
0x2de: {  	[tilespmem:s2+$0x0] =	vst.add.f32.msk $0xffff, v1;
	s28 =	sadd.s32 $0x100, s28;
	s30 =	smov.u32 s0;
	s31 =	sadd.s32 $0x40, s0  }
0x2df: {  	p1 =	sne.s32 s0, $0x27C0;
	v1 =	vld [tilespmem:s24+$0x17C00];
	_ =	sdelay $0x4  }
0x2e0: {  	v1 =	vshll.u32 v1, $0x6  }
0x2e1: {  	v1 =	vshra.s32 v1, $0x2  }
0x2e2: {  	v2 =	vadd.s32 $0x19000, v1  }
0x2e3: {  	(v2sf) =	vpush v2, $0x0;
	_ =	sdelay $0x6  }
0x2e4: {  	v1 =	vld [tilespmem:s24+$0x16800]  }
0x2e5: {  	(v2sf) =	vpush v2, $0x1  }
0x2e6: {  	v3 =	vld [tilespmem:s28+$0xFFFFFF80];
	_ =	sdelay $0x2  }
0x2e7: {  	v4 =	vbroadcast v1, $0x0;
	_ =	sdelay $0x1  }
0x2e8: {  	v3 =	vmul.f32 v4, v3  }
0x2e9: {  	s0 =	spop (v2sf)  }
0x2ea: {  	[tilespmem:s0+$0x0] =	vst.add.f32.msk $0xffff, v3;
	(v2sf) =	vpush v2, $0x2  }
0x2eb: {  	v3 =	vld [tilespmem:s28+$0xFFFFFF90];
	_ =	sdelay $0x2  }
0x2ec: {  	v4 =	vbroadcast v1, $0x1;
	_ =	sdelay $0x1  }
0x2ed: {  	v3 =	vmul.f32 v3, v4  }
0x2ee: {  	s0 =	spop (v2sf)  }
0x2ef: {  	[tilespmem:s0+$0x0] =	vst.add.f32.msk $0xffff, v3;
	(v2sf) =	vpush v2, $0x3  }
0x2f0: {  	v3 =	vld [tilespmem:s28+$0xFFFFFFA0];
	_ =	sdelay $0x2  }
0x2f1: {  	v4 =	vbroadcast v1, $0x2;
	_ =	sdelay $0x1  }
0x2f2: {  	v3 =	vmul.f32 v3, v4  }
0x2f3: {  	s0 =	spop (v2sf)  }
0x2f4: {  	[tilespmem:s0+$0x0] =	vst.add.f32.msk $0xffff, v3;
	(v2sf) =	vpush v2, $0x4  }
0x2f5: {  	v3 =	vld [tilespmem:s28+$0xFFFFFFB0];
	_ =	sdelay $0x2  }
0x2f6: {  	v4 =	vbroadcast v1, $0x3;
	_ =	sdelay $0x1  }
0x2f7: {  	v3 =	vmul.f32 v3, v4  }
0x2f8: {  	s0 =	spop (v2sf)  }
0x2f9: {  	[tilespmem:s0+$0x0] =	vst.add.f32.msk $0xffff, v3;
	(v2sf) =	vpush v2, $0x5  }
0x2fa: {  	v3 =	vld [tilespmem:s28+$0xFFFFFFC0];
	_ =	sdelay $0x2  }
0x2fb: {  	v4 =	vbroadcast v1, $0x4;
	_ =	sdelay $0x1  }
0x2fc: {  	v3 =	vmul.f32 v3, v4  }
0x2fd: {  	s0 =	spop (v2sf)  }
0x2fe: {  	[tilespmem:s0+$0x0] =	vst.add.f32.msk $0xffff, v3;
	(v2sf) =	vpush v2, $0x6  }
0x2ff: {  	v3 =	vld [tilespmem:s28+$0xFFFFFFD0];
	_ =	sdelay $0x2  }
0x300: {  	v4 =	vbroadcast v1, $0x5;
	_ =	sdelay $0x1  }
0x301: {  	v3 =	vmul.f32 v3, v4  }
0x302: {  	s0 =	spop (v2sf)  }
0x303: {  	[tilespmem:s0+$0x0] =	vst.add.f32.msk $0xffff, v3;
	(v2sf) =	vpush v2, $0x7  }
0x304: {  	v3 =	vld [tilespmem:s28+$0xFFFFFFE0];
	_ =	sdelay $0x2  }
0x305: {  	v4 =	vbroadcast v1, $0x6;
	_ =	sdelay $0x1  }
0x306: {  	v3 =	vmul.f32 v3, v4  }
0x307: {  	s0 =	spop (v2sf)  }
0x308: {  	[tilespmem:s0+$0x0] =	vst.add.f32.msk $0xffff, v3;
	(v2sf) =	vpush v2, $0x8  }
0x309: {  	v3 =	vld [tilespmem:s28+$0xFFFFFFF0];
	_ =	sdelay $0x2  }
0x30a: {  	v4 =	vbroadcast v1, $0x7;
	_ =	sdelay $0x1  }
0x30b: {  	v3 =	vmul.f32 v3, v4  }
0x30c: {  	s0 =	spop (v2sf)  }
0x30d: {  	[tilespmem:s0+$0x0] =	vst.add.f32.msk $0xffff, v3;
	(v2sf) =	vpush v2, $0x9  }
0x30e: {  	v3 =	vld [tilespmem:s28+$0x0];
	_ =	sdelay $0x2  }
0x30f: {  	v4 =	vbroadcast v1, $0x8;
	_ =	sdelay $0x1  }
0x310: {  	v3 =	vmul.f32 v3, v4  }
0x311: {  	s0 =	spop (v2sf)  }
0x312: {  	[tilespmem:s0+$0x0] =	vst.add.f32.msk $0xffff, v3;
	(v2sf) =	vpush v2, $0xA  }
0x313: {  	v3 =	vld [tilespmem:s28+$0x10];
	_ =	sdelay $0x2  }
0x314: {  	v4 =	vbroadcast v1, $0x9;
	_ =	sdelay $0x1  }
0x315: {  	v3 =	vmul.f32 v3, v4  }
0x316: {  	s0 =	spop (v2sf)  }
0x317: {  	[tilespmem:s0+$0x0] =	vst.add.f32.msk $0xffff, v3;
	(v2sf) =	vpush v2, $0xB  }
0x318: {  	v3 =	vld [tilespmem:s28+$0x20];
	_ =	sdelay $0x2  }
0x319: {  	v4 =	vbroadcast v1, $0xA;
	_ =	sdelay $0x1  }
0x31a: {  	v3 =	vmul.f32 v3, v4  }
0x31b: {  	s0 =	spop (v2sf)  }
0x31c: {  	[tilespmem:s0+$0x0] =	vst.add.f32.msk $0xffff, v3;
	(v2sf) =	vpush v2, $0xC  }
0x31d: {  	v3 =	vld [tilespmem:s28+$0x30];
	_ =	sdelay $0x2  }
0x31e: {  	v4 =	vbroadcast v1, $0xB;
	_ =	sdelay $0x1  }
0x31f: {  	v3 =	vmul.f32 v3, v4  }
0x320: {  	s0 =	spop (v2sf)  }
0x321: {  	[tilespmem:s0+$0x0] =	vst.add.f32.msk $0xffff, v3;
	(v2sf) =	vpush v2, $0xD  }
0x322: {  	v3 =	vld [tilespmem:s28+$0x40];
	_ =	sdelay $0x2  }
0x323: {  	v4 =	vbroadcast v1, $0xC;
	_ =	sdelay $0x1  }
0x324: {  	v3 =	vmul.f32 v3, v4  }
0x325: {  	s0 =	spop (v2sf)  }
0x326: {  	[tilespmem:s0+$0x0] =	vst.add.f32.msk $0xffff, v3;
	(v2sf) =	vpush v2, $0xE  }
0x327: {  	v3 =	vld [tilespmem:s28+$0x50];
	_ =	sdelay $0x2  }
0x328: {  	v4 =	vbroadcast v1, $0xD;
	_ =	sdelay $0x1  }
0x329: {  	v3 =	vmul.f32 v3, v4  }
0x32a: {  	s0 =	spop (v2sf)  }
0x32b: {  	[tilespmem:s0+$0x0] =	vst.add.f32.msk $0xffff, v3;
	(v2sf) =	vpush v2, $0xF  }
0x32c: {  	v2 =	vld [tilespmem:s28+$0x60];
	_ =	sdelay $0x2  }
0x32d: {  	v3 =	vbroadcast v1, $0xE;
	_ =	sdelay $0x1  }
0x32e: {  	v2 =	vmul.f32 v2, v3  }
0x32f: {  	s0 =	spop (v2sf)  }
0x330: {  	[tilespmem:s0+$0x0] =	vst.add.f32.msk $0xffff, v2  }
0x331: {  	v2 =	vld [tilespmem:s28+$0x70];
	_ =	sdelay $0x1  }
.Ltmp8:
0x332: {  	(pc) =	sbr.rel @p1 .LBB2_10-.Ltmp8, $3  }
0x333: {  	v1 =	vbroadcast v1, $0xF;
	_ =	sdelay $0x1  }
0x334: {  	v1 =	vmul.f32 v2, v1  }
0x335: {  	s0 =	smov.u32 s31;
	s2 =	spop (v2sf)  }
0x336: {  	s0 =	sshra.s32 s30, $0x2;
	[tilespmem:s2+$0x0] =	vst.add.f32.msk $0xffff, v1  }
0x337: {  	v1 =	vld [tilespmem:s0+$0x17C00];
	_ =	sdelay $0x4  }
0x338: {  	v1 =	vshll.u32 v1, $0x6  }
0x339: {  	v1 =	vshra.s32 v1, $0x2  }
0x33a: {  	v1 =	vadd.s32 $0x19000, v1  }
0x33b: {  	(v2sf) =	vpush v1, $0x0;
	_ =	sdelay $0x6  }
0x33c: {  	v2 =	vld [tilespmem:s0+$0x16800]  }
0x33d: {  	s28 =	sadd.s32 $0x100, s28;
	(v2sf) =	vpush v1, $0x1  }
0x33e: {  	v3 =	vld [tilespmem:s28+$0xFFFFFF80];
	_ =	sdelay $0x2  }
0x33f: {  	v4 =	vbroadcast v2, $0x0;
	_ =	sdelay $0x1  }
0x340: {  	v3 =	vmul.f32 v4, v3  }
0x341: {  	s24 =	spop (v2sf)  }
0x342: {  	(v2sf) =	vpush v1, $0x2;
	[tilespmem:s24+$0x0] =	vst.add.f32.msk $0xffff, v3  }
0x343: {  	v3 =	vld [tilespmem:s28+$0xFFFFFF90];
	_ =	sdelay $0x2  }
0x344: {  	v37 =	vbroadcast v2, $0x1;
	_ =	sdelay $0x1  }
0x345: {  	v3 =	vmul.f32 v3, v37  }
0x346: {  	s31 =	spop (v2sf)  }
0x347: {  	(v2sf) =	vpush v1, $0x3;
	[tilespmem:s31+$0x0] =	vst.add.f32.msk $0xffff, v3  }
0x348: {  	v3 =	vld [tilespmem:s28+$0xFFFFFFA0];
	_ =	sdelay $0x2  }
0x349: {  	v38 =	vbroadcast v2, $0x2;
	_ =	sdelay $0x1  }
0x34a: {  	v3 =	vmul.f32 v3, v38  }
0x34b: {  	s2 =	spop (v2sf)  }
0x34c: {  	(v2sf) =	vpush v1, $0x4;
	[tilespmem:s2+$0x0] =	vst.add.f32.msk $0xffff, v3  }
0x34d: {  	v3 =	vld [tilespmem:s28+$0xFFFFFFB0];
	_ =	sdelay $0x2  }
0x34e: {  	v39 =	vbroadcast v2, $0x3;
	_ =	sdelay $0x1  }
0x34f: {  	v3 =	vmul.f32 v3, v39  }
0x350: {  	s24 =	spop (v2sf)  }
0x351: {  	(v2sf) =	vpush v1, $0x5;
	[tilespmem:s24+$0x0] =	vst.add.f32.msk $0xffff, v3  }
0x352: {  	v3 =	vld [tilespmem:s28+$0xFFFFFFC0];
	_ =	sdelay $0x2  }
0x353: {  	v40 =	vbroadcast v2, $0x4;
	_ =	sdelay $0x1  }
0x354: {  	v3 =	vmul.f32 v3, v40  }
0x355: {  	s31 =	spop (v2sf)  }
0x356: {  	(v2sf) =	vpush v1, $0x6;
	[tilespmem:s31+$0x0] =	vst.add.f32.msk $0xffff, v3  }
0x357: {  	v3 =	vld [tilespmem:s28+$0xFFFFFFD0];
	_ =	sdelay $0x2  }
0x358: {  	v41 =	vbroadcast v2, $0x5;
	_ =	sdelay $0x1  }
0x359: {  	v3 =	vmul.f32 v3, v41  }
0x35a: {  	s2 =	spop (v2sf)  }
0x35b: {  	(v2sf) =	vpush v1, $0x7;
	[tilespmem:s2+$0x0] =	vst.add.f32.msk $0xffff, v3  }
0x35c: {  	v3 =	vld [tilespmem:s28+$0xFFFFFFE0];
	_ =	sdelay $0x2  }
0x35d: {  	v42 =	vbroadcast v2, $0x6;
	_ =	sdelay $0x1  }
0x35e: {  	v3 =	vmul.f32 v3, v42  }
0x35f: {  	s24 =	spop (v2sf)  }
0x360: {  	(v2sf) =	vpush v1, $0x8;
	[tilespmem:s24+$0x0] =	vst.add.f32.msk $0xffff, v3  }
0x361: {  	v3 =	vld [tilespmem:s28+$0xFFFFFFF0];
	_ =	sdelay $0x2  }
0x362: {  	v43 =	vbroadcast v2, $0x7;
	_ =	sdelay $0x1  }
0x363: {  	v3 =	vmul.f32 v3, v43  }
0x364: {  	s31 =	spop (v2sf)  }
0x365: {  	(v2sf) =	vpush v1, $0x9;
	[tilespmem:s31+$0x0] =	vst.add.f32.msk $0xffff, v3  }
0x366: {  	v3 =	vld [tilespmem:s28+$0x0];
	_ =	sdelay $0x2  }
0x367: {  	v44 =	vbroadcast v2, $0x8;
	_ =	sdelay $0x1  }
0x368: {  	v3 =	vmul.f32 v3, v44  }
0x369: {  	s2 =	spop (v2sf)  }
0x36a: {  	(v2sf) =	vpush v1, $0xA;
	[tilespmem:s2+$0x0] =	vst.add.f32.msk $0xffff, v3  }
0x36b: {  	v3 =	vld [tilespmem:s28+$0x10];
	_ =	sdelay $0x2  }
0x36c: {  	v45 =	vbroadcast v2, $0x9;
	_ =	sdelay $0x1  }
0x36d: {  	v3 =	vmul.f32 v3, v45  }
0x36e: {  	s24 =	spop (v2sf)  }
0x36f: {  	(v2sf) =	vpush v1, $0xB;
	[tilespmem:s24+$0x0] =	vst.add.f32.msk $0xffff, v3  }
0x370: {  	v3 =	vld [tilespmem:s28+$0x20];
	_ =	sdelay $0x2  }
0x371: {  	v46 =	vbroadcast v2, $0xA;
	_ =	sdelay $0x1  }
0x372: {  	v3 =	vmul.f32 v3, v46  }
0x373: {  	s31 =	spop (v2sf)  }
0x374: {  	(v2sf) =	vpush v1, $0xC;
	[tilespmem:s31+$0x0] =	vst.add.f32.msk $0xffff, v3  }
0x375: {  	v3 =	vld [tilespmem:s28+$0x30];
	_ =	sdelay $0x2  }
0x376: {  	v47 =	vbroadcast v2, $0xB;
	_ =	sdelay $0x1  }
0x377: {  	v3 =	vmul.f32 v3, v47  }
0x378: {  	s2 =	spop (v2sf)  }
0x379: {  	(v2sf) =	vpush v1, $0xD;
	[tilespmem:s2+$0x0] =	vst.add.f32.msk $0xffff, v3  }
0x37a: {  	v3 =	vld [tilespmem:s28+$0x40];
	_ =	sdelay $0x2  }
0x37b: {  	v48 =	vbroadcast v2, $0xC;
	_ =	sdelay $0x1  }
0x37c: {  	v3 =	vmul.f32 v3, v48  }
0x37d: {  	s24 =	spop (v2sf)  }
0x37e: {  	(v2sf) =	vpush v1, $0xE;
	[tilespmem:s24+$0x0] =	vst.add.f32.msk $0xffff, v3  }
0x37f: {  	v3 =	vld [tilespmem:s28+$0x50];
	_ =	sdelay $0x2  }
0x380: {  	v49 =	vbroadcast v2, $0xD;
	_ =	sdelay $0x1  }
0x381: {  	v3 =	vmul.f32 v3, v49  }
0x382: {  	s31 =	spop (v2sf)  }
0x383: {  	(v2sf) =	vpush v1, $0xF;
	[tilespmem:s31+$0x0] =	vst.add.f32.msk $0xffff, v3  }
0x384: {  	v1 =	vld [tilespmem:s28+$0x60];
	_ =	sdelay $0x2  }
0x385: {  	v3 =	vbroadcast v2, $0xE;
	_ =	sdelay $0x1  }
0x386: {  	v1 =	vmul.f32 v1, v3  }
0x387: {  	s2 =	spop (v2sf)  }
0x388: {  	[tilespmem:s2+$0x0] =	vst.add.f32.msk $0xffff, v1  }
0x389: {  	v1 =	vld [tilespmem:s28+$0x70];
	_ =	sdelay $0x2  }
0x38a: {  	v2 =	vbroadcast v2, $0xF;
	_ =	sdelay $0x1  }
0x38b: {  	v1 =	vmul.f32 v1, v2  }
0x38c: {  	s24 =	spop (v2sf)  }
0x38d: {  	[tilespmem:s24+$0x0] =	vst.add.f32.msk $0xffff, v1  }
0x38e: {  	_ =	swait.ge [sflag:s23], $0xA000  }
0x38f: {  	[sflag:s23] =	ssyncset.done $0x0  }
0x390: {  	[sflag:s23] =	ssyncadd.s32 $0xFFFF6000  }
0x391: {  	_ =	swait.ge [sflag:s23], $0xA00  }
0x392: {  	[sflag:s23] =	ssyncset.done $0x0  }
0x393: {  	[sflag:s23] =	ssyncadd.s32 $0xFFFFF600  }
0x394: {  	_ =	swait.ge [sflag:s23], $0xA00  }
0x395: {  	[sflag:s23] =	ssyncset.done $0x0  }
0x396: {  	s31 =	simm.s32 $0x0;
	[sflag:s23] =	ssyncadd.s32 $0xFFFFF600  }
0x397: {  	v1 =	vld [tilespmem:s31+$0x18600];
	_ =	sdelay $0x4  }
0x398: {  	v1 =	vshll.u32 v1, $0x6  }
0x399: {  	v1 =	vshra.s32 v1, $0x2  }
0x39a: {  	v1 =	vadd.s32 $0x19000, v1  }
0x39b: {  	(v2sf) =	vpush v1, $0x0;
	_ =	sdelay $0x6  }
0x39c: {  	v2 =	vld [tilespmem:s31+$0x17200]  }
0x39d: {  	s28 =	simm.s32 $0xC880;
	(v2sf) =	vpush v1, $0x1  }
0x39e: {  	v3 =	vld [tilespmem:s28+$0xFFFFFF80];
	_ =	sdelay $0x2  }
0x39f: {  	v50 =	vbroadcast v2, $0x0;
	_ =	sdelay $0x1  }
0x3a0: {  	v3 =	vmul.f32 v50, v3  }
0x3a1: {  	s2 =	spop (v2sf)  }
0x3a2: {  	(v2sf) =	vpush v1, $0x2;
	[tilespmem:s2+$0x0] =	vst.add.f32.msk $0xffff, v3  }
0x3a3: {  	v3 =	vld [tilespmem:s28+$0xFFFFFF90];
	_ =	sdelay $0x2  }
0x3a4: {  	v51 =	vbroadcast v2, $0x1;
	_ =	sdelay $0x1  }
0x3a5: {  	v3 =	vmul.f32 v3, v51  }
0x3a6: {  	s24 =	spop (v2sf)  }
0x3a7: {  	(v2sf) =	vpush v1, $0x3;
	[tilespmem:s24+$0x0] =	vst.add.f32.msk $0xffff, v3  }
0x3a8: {  	v3 =	vld [tilespmem:s28+$0xFFFFFFA0];
	_ =	sdelay $0x2  }
0x3a9: {  	v52 =	vbroadcast v2, $0x2;
	_ =	sdelay $0x1  }
0x3aa: {  	v3 =	vmul.f32 v3, v52  }
0x3ab: {  	s31 =	spop (v2sf)  }
0x3ac: {  	(v2sf) =	vpush v1, $0x4;
	[tilespmem:s31+$0x0] =	vst.add.f32.msk $0xffff, v3  }
0x3ad: {  	v3 =	vld [tilespmem:s28+$0xFFFFFFB0];
	_ =	sdelay $0x2  }
0x3ae: {  	v53 =	vbroadcast v2, $0x3;
	_ =	sdelay $0x1  }
0x3af: {  	v3 =	vmul.f32 v3, v53  }
0x3b0: {  	s2 =	spop (v2sf)  }
0x3b1: {  	(v2sf) =	vpush v1, $0x5;
	[tilespmem:s2+$0x0] =	vst.add.f32.msk $0xffff, v3  }
0x3b2: {  	v3 =	vld [tilespmem:s28+$0xFFFFFFC0];
	_ =	sdelay $0x2  }
0x3b3: {  	v54 =	vbroadcast v2, $0x4;
	_ =	sdelay $0x1  }
0x3b4: {  	v3 =	vmul.f32 v3, v54  }
0x3b5: {  	s24 =	spop (v2sf)  }
0x3b6: {  	(v2sf) =	vpush v1, $0x6;
	[tilespmem:s24+$0x0] =	vst.add.f32.msk $0xffff, v3  }
0x3b7: {  	v3 =	vld [tilespmem:s28+$0xFFFFFFD0];
	_ =	sdelay $0x2  }
0x3b8: {  	v55 =	vbroadcast v2, $0x5;
	_ =	sdelay $0x1  }
0x3b9: {  	v3 =	vmul.f32 v3, v55  }
0x3ba: {  	s31 =	spop (v2sf)  }
0x3bb: {  	(v2sf) =	vpush v1, $0x7;
	[tilespmem:s31+$0x0] =	vst.add.f32.msk $0xffff, v3  }
0x3bc: {  	v3 =	vld [tilespmem:s28+$0xFFFFFFE0];
	_ =	sdelay $0x2  }
0x3bd: {  	v56 =	vbroadcast v2, $0x6;
	_ =	sdelay $0x1  }
0x3be: {  	v3 =	vmul.f32 v3, v56  }
0x3bf: {  	s2 =	spop (v2sf)  }
0x3c0: {  	(v2sf) =	vpush v1, $0x8;
	[tilespmem:s2+$0x0] =	vst.add.f32.msk $0xffff, v3  }
0x3c1: {  	v3 =	vld [tilespmem:s28+$0xFFFFFFF0];
	_ =	sdelay $0x2  }
0x3c2: {  	v57 =	vbroadcast v2, $0x7;
	_ =	sdelay $0x1  }
0x3c3: {  	v3 =	vmul.f32 v3, v57  }
0x3c4: {  	s24 =	spop (v2sf)  }
0x3c5: {  	(v2sf) =	vpush v1, $0x9;
	[tilespmem:s24+$0x0] =	vst.add.f32.msk $0xffff, v3  }
0x3c6: {  	v3 =	vld [tilespmem:s28+$0x0];
	_ =	sdelay $0x2  }
0x3c7: {  	v58 =	vbroadcast v2, $0x8;
	_ =	sdelay $0x1  }
0x3c8: {  	v3 =	vmul.f32 v3, v58  }
0x3c9: {  	s31 =	spop (v2sf)  }
0x3ca: {  	(v2sf) =	vpush v1, $0xA;
	[tilespmem:s31+$0x0] =	vst.add.f32.msk $0xffff, v3  }
0x3cb: {  	v3 =	vld [tilespmem:s28+$0x10];
	_ =	sdelay $0x2  }
0x3cc: {  	v59 =	vbroadcast v2, $0x9;
	_ =	sdelay $0x1  }
0x3cd: {  	v3 =	vmul.f32 v3, v59  }
0x3ce: {  	s2 =	spop (v2sf)  }
0x3cf: {  	(v2sf) =	vpush v1, $0xB;
	[tilespmem:s2+$0x0] =	vst.add.f32.msk $0xffff, v3  }
0x3d0: {  	v3 =	vld [tilespmem:s28+$0x20];
	_ =	sdelay $0x2  }
0x3d1: {  	v60 =	vbroadcast v2, $0xA;
	_ =	sdelay $0x1  }
0x3d2: {  	v3 =	vmul.f32 v3, v60  }
0x3d3: {  	s24 =	spop (v2sf)  }
0x3d4: {  	(v2sf) =	vpush v1, $0xC;
	[tilespmem:s24+$0x0] =	vst.add.f32.msk $0xffff, v3  }
0x3d5: {  	v3 =	vld [tilespmem:s28+$0x30];
	_ =	sdelay $0x2  }
0x3d6: {  	v61 =	vbroadcast v2, $0xB;
	_ =	sdelay $0x1  }
0x3d7: {  	v3 =	vmul.f32 v3, v61  }
0x3d8: {  	s31 =	spop (v2sf)  }
0x3d9: {  	(v2sf) =	vpush v1, $0xD;
	[tilespmem:s31+$0x0] =	vst.add.f32.msk $0xffff, v3  }
0x3da: {  	v3 =	vld [tilespmem:s28+$0x40];
	_ =	sdelay $0x2  }
0x3db: {  	v62 =	vbroadcast v2, $0xC;
	_ =	sdelay $0x1  }
0x3dc: {  	v3 =	vmul.f32 v3, v62  }
0x3dd: {  	s2 =	spop (v2sf)  }
0x3de: {  	(v2sf) =	vpush v1, $0xE;
	[tilespmem:s2+$0x0] =	vst.add.f32.msk $0xffff, v3  }
0x3df: {  	v3 =	vld [tilespmem:s28+$0x50];
	_ =	sdelay $0x2  }
0x3e0: {  	v63 =	vbroadcast v2, $0xD;
	_ =	sdelay $0x1  }
0x3e1: {  	v3 =	vmul.f32 v3, v63  }
0x3e2: {  	s24 =	spop (v2sf);
	(v2sf) =	vpush v1, $0xF  }
0x3e3: {  	[tilespmem:s24+$0x0] =	vst.add.f32.msk $0xffff, v3  }
0x3e4: {  	v1 =	vld [tilespmem:s28+$0x60];
	_ =	sdelay $0x2  }
0x3e5: {  	v3 =	vbroadcast v2, $0xE;
	_ =	sdelay $0x1  }
0x3e6: {  	v1 =	vmul.f32 v1, v3  }
0x3e7: {  	s31 =	spop (v2sf)  }
0x3e8: {  	[tilespmem:s31+$0x0] =	vst.add.f32.msk $0xffff, v1  }
0x3e9: {  	v1 =	vld [tilespmem:s28+$0x70];
	_ =	sdelay $0x2  }
0x3ea: {  	v2 =	vbroadcast v2, $0xF;
	_ =	sdelay $0x1  }
0x3eb: {  	s30 =	simm.s32 $0x40;
	s0 =	simm.s32 $0x80;
	s2 =	spop (v2sf);
	v1 =	vmul.f32 v1, v2  }
.LBB2_12:
0x3ec: {  	s24 =	sshra.s32 s30, $0x2  }
0x3ed: {  	[tilespmem:s2+$0x0] =	vst.add.f32.msk $0xffff, v1;
	s28 =	sadd.s32 $0x100, s28;
	s30 =	smov.u32 s0;
	s31 =	sadd.s32 $0x40, s0  }
0x3ee: {  	p1 =	sne.s32 s0, $0x27C0;
	v1 =	vld [tilespmem:s24+$0x18600];
	_ =	sdelay $0x4  }
0x3ef: {  	v1 =	vshll.u32 v1, $0x6  }
0x3f0: {  	v1 =	vshra.s32 v1, $0x2  }
0x3f1: {  	v2 =	vadd.s32 $0x19000, v1  }
0x3f2: {  	(v2sf) =	vpush v2, $0x0;
	_ =	sdelay $0x6  }
0x3f3: {  	v1 =	vld [tilespmem:s24+$0x17200]  }
0x3f4: {  	(v2sf) =	vpush v2, $0x1  }
0x3f5: {  	v3 =	vld [tilespmem:s28+$0xFFFFFF80];
	_ =	sdelay $0x2  }
0x3f6: {  	v4 =	vbroadcast v1, $0x0;
	_ =	sdelay $0x1  }
0x3f7: {  	v3 =	vmul.f32 v4, v3  }
0x3f8: {  	s0 =	spop (v2sf)  }
0x3f9: {  	[tilespmem:s0+$0x0] =	vst.add.f32.msk $0xffff, v3;
	(v2sf) =	vpush v2, $0x2  }
0x3fa: {  	v3 =	vld [tilespmem:s28+$0xFFFFFF90];
	_ =	sdelay $0x2  }
0x3fb: {  	v4 =	vbroadcast v1, $0x1;
	_ =	sdelay $0x1  }
0x3fc: {  	v3 =	vmul.f32 v3, v4  }
0x3fd: {  	s0 =	spop (v2sf)  }
0x3fe: {  	[tilespmem:s0+$0x0] =	vst.add.f32.msk $0xffff, v3;
	(v2sf) =	vpush v2, $0x3  }
0x3ff: {  	v3 =	vld [tilespmem:s28+$0xFFFFFFA0];
	_ =	sdelay $0x2  }
0x400: {  	v4 =	vbroadcast v1, $0x2;
	_ =	sdelay $0x1  }
0x401: {  	v3 =	vmul.f32 v3, v4  }
0x402: {  	s0 =	spop (v2sf)  }
0x403: {  	[tilespmem:s0+$0x0] =	vst.add.f32.msk $0xffff, v3;
	(v2sf) =	vpush v2, $0x4  }
0x404: {  	v3 =	vld [tilespmem:s28+$0xFFFFFFB0];
	_ =	sdelay $0x2  }
0x405: {  	v4 =	vbroadcast v1, $0x3;
	_ =	sdelay $0x1  }
0x406: {  	v3 =	vmul.f32 v3, v4  }
0x407: {  	s0 =	spop (v2sf)  }
0x408: {  	[tilespmem:s0+$0x0] =	vst.add.f32.msk $0xffff, v3;
	(v2sf) =	vpush v2, $0x5  }
0x409: {  	v3 =	vld [tilespmem:s28+$0xFFFFFFC0];
	_ =	sdelay $0x2  }
0x40a: {  	v4 =	vbroadcast v1, $0x4;
	_ =	sdelay $0x1  }
0x40b: {  	v3 =	vmul.f32 v3, v4  }
0x40c: {  	s0 =	spop (v2sf)  }
0x40d: {  	[tilespmem:s0+$0x0] =	vst.add.f32.msk $0xffff, v3;
	(v2sf) =	vpush v2, $0x6  }
0x40e: {  	v3 =	vld [tilespmem:s28+$0xFFFFFFD0];
	_ =	sdelay $0x2  }
0x40f: {  	v4 =	vbroadcast v1, $0x5;
	_ =	sdelay $0x1  }
0x410: {  	v3 =	vmul.f32 v3, v4  }
0x411: {  	s0 =	spop (v2sf)  }
0x412: {  	[tilespmem:s0+$0x0] =	vst.add.f32.msk $0xffff, v3;
	(v2sf) =	vpush v2, $0x7  }
0x413: {  	v3 =	vld [tilespmem:s28+$0xFFFFFFE0];
	_ =	sdelay $0x2  }
0x414: {  	v4 =	vbroadcast v1, $0x6;
	_ =	sdelay $0x1  }
0x415: {  	v3 =	vmul.f32 v3, v4  }
0x416: {  	s0 =	spop (v2sf)  }
0x417: {  	[tilespmem:s0+$0x0] =	vst.add.f32.msk $0xffff, v3;
	(v2sf) =	vpush v2, $0x8  }
0x418: {  	v3 =	vld [tilespmem:s28+$0xFFFFFFF0];
	_ =	sdelay $0x2  }
0x419: {  	v4 =	vbroadcast v1, $0x7;
	_ =	sdelay $0x1  }
0x41a: {  	v3 =	vmul.f32 v3, v4  }
0x41b: {  	s0 =	spop (v2sf)  }
0x41c: {  	[tilespmem:s0+$0x0] =	vst.add.f32.msk $0xffff, v3;
	(v2sf) =	vpush v2, $0x9  }
0x41d: {  	v3 =	vld [tilespmem:s28+$0x0];
	_ =	sdelay $0x2  }
0x41e: {  	v4 =	vbroadcast v1, $0x8;
	_ =	sdelay $0x1  }
0x41f: {  	v3 =	vmul.f32 v3, v4  }
0x420: {  	s0 =	spop (v2sf)  }
0x421: {  	[tilespmem:s0+$0x0] =	vst.add.f32.msk $0xffff, v3;
	(v2sf) =	vpush v2, $0xA  }
0x422: {  	v3 =	vld [tilespmem:s28+$0x10];
	_ =	sdelay $0x2  }
0x423: {  	v4 =	vbroadcast v1, $0x9;
	_ =	sdelay $0x1  }
0x424: {  	v3 =	vmul.f32 v3, v4  }
0x425: {  	s0 =	spop (v2sf)  }
0x426: {  	[tilespmem:s0+$0x0] =	vst.add.f32.msk $0xffff, v3;
	(v2sf) =	vpush v2, $0xB  }
0x427: {  	v3 =	vld [tilespmem:s28+$0x20];
	_ =	sdelay $0x2  }
0x428: {  	v4 =	vbroadcast v1, $0xA;
	_ =	sdelay $0x1  }
0x429: {  	v3 =	vmul.f32 v3, v4  }
0x42a: {  	s0 =	spop (v2sf)  }
0x42b: {  	[tilespmem:s0+$0x0] =	vst.add.f32.msk $0xffff, v3;
	(v2sf) =	vpush v2, $0xC  }
0x42c: {  	v3 =	vld [tilespmem:s28+$0x30];
	_ =	sdelay $0x2  }
0x42d: {  	v4 =	vbroadcast v1, $0xB;
	_ =	sdelay $0x1  }
0x42e: {  	v3 =	vmul.f32 v3, v4  }
0x42f: {  	s0 =	spop (v2sf)  }
0x430: {  	[tilespmem:s0+$0x0] =	vst.add.f32.msk $0xffff, v3;
	(v2sf) =	vpush v2, $0xD  }
0x431: {  	v3 =	vld [tilespmem:s28+$0x40];
	_ =	sdelay $0x2  }
0x432: {  	v4 =	vbroadcast v1, $0xC;
	_ =	sdelay $0x1  }
0x433: {  	v3 =	vmul.f32 v3, v4  }
0x434: {  	s0 =	spop (v2sf)  }
0x435: {  	[tilespmem:s0+$0x0] =	vst.add.f32.msk $0xffff, v3;
	(v2sf) =	vpush v2, $0xE  }
0x436: {  	v3 =	vld [tilespmem:s28+$0x50];
	_ =	sdelay $0x2  }
0x437: {  	v4 =	vbroadcast v1, $0xD;
	_ =	sdelay $0x1  }
0x438: {  	v3 =	vmul.f32 v3, v4  }
0x439: {  	s0 =	spop (v2sf)  }
0x43a: {  	[tilespmem:s0+$0x0] =	vst.add.f32.msk $0xffff, v3;
	(v2sf) =	vpush v2, $0xF  }
0x43b: {  	v2 =	vld [tilespmem:s28+$0x60];
	_ =	sdelay $0x2  }
0x43c: {  	v3 =	vbroadcast v1, $0xE;
	_ =	sdelay $0x1  }
0x43d: {  	v2 =	vmul.f32 v2, v3  }
0x43e: {  	s0 =	spop (v2sf)  }
0x43f: {  	[tilespmem:s0+$0x0] =	vst.add.f32.msk $0xffff, v2  }
0x440: {  	v2 =	vld [tilespmem:s28+$0x70];
	_ =	sdelay $0x1  }
.Ltmp9:
0x441: {  	(pc) =	sbr.rel @p1 .LBB2_12-.Ltmp9, $3  }
0x442: {  	v1 =	vbroadcast v1, $0xF;
	_ =	sdelay $0x1  }
0x443: {  	v1 =	vmul.f32 v2, v1  }
0x444: {  	s0 =	smov.u32 s31;
	s2 =	spop (v2sf)  }
0x445: {  	s0 =	sshra.s32 s30, $0x2;
	[tilespmem:s2+$0x0] =	vst.add.f32.msk $0xffff, v1  }
0x446: {  	v1 =	vld [tilespmem:s0+$0x18600];
	_ =	sdelay $0x4  }
0x447: {  	v1 =	vshll.u32 v1, $0x6  }
0x448: {  	v1 =	vshra.s32 v1, $0x2  }
0x449: {  	v1 =	vadd.s32 $0x19000, v1  }
0x44a: {  	(v2sf) =	vpush v1, $0x0;
	_ =	sdelay $0x6  }
0x44b: {  	v2 =	vld [tilespmem:s0+$0x17200]  }
0x44c: {  	s28 =	sadd.s32 $0x100, s28;
	(v2sf) =	vpush v1, $0x1  }
0x44d: {  	v3 =	vld [tilespmem:s28+$0xFFFFFF80];
	_ =	sdelay $0x2  }
0x44e: {  	v4 =	vbroadcast v2, $0x0;
	_ =	sdelay $0x1  }
0x44f: {  	v3 =	vmul.f32 v4, v3  }
0x450: {  	s2 =	spop (v2sf)  }
0x451: {  	(v2sf) =	vpush v1, $0x2;
	[tilespmem:s2+$0x0] =	vst.add.f32.msk $0xffff, v3  }
0x452: {  	v3 =	vld [tilespmem:s28+$0xFFFFFF90];
	_ =	sdelay $0x2  }
0x453: {  	v51 =	vbroadcast v2, $0x1;
	_ =	sdelay $0x1  }
0x454: {  	v3 =	vmul.f32 v3, v51  }
0x455: {  	s24 =	spop (v2sf)  }
0x456: {  	(v2sf) =	vpush v1, $0x3;
	[tilespmem:s24+$0x0] =	vst.add.f32.msk $0xffff, v3  }
0x457: {  	v3 =	vld [tilespmem:s28+$0xFFFFFFA0];
	_ =	sdelay $0x2  }
0x458: {  	v52 =	vbroadcast v2, $0x2;
	_ =	sdelay $0x1  }
0x459: {  	v3 =	vmul.f32 v3, v52  }
0x45a: {  	s30 =	spop (v2sf)  }
0x45b: {  	(v2sf) =	vpush v1, $0x4;
	[tilespmem:s30+$0x0] =	vst.add.f32.msk $0xffff, v3  }
0x45c: {  	v3 =	vld [tilespmem:s28+$0xFFFFFFB0];
	_ =	sdelay $0x2  }
0x45d: {  	v53 =	vbroadcast v2, $0x3;
	_ =	sdelay $0x1  }
0x45e: {  	v3 =	vmul.f32 v3, v53  }
0x45f: {  	s31 =	spop (v2sf)  }
0x460: {  	(v2sf) =	vpush v1, $0x5;
	[tilespmem:s31+$0x0] =	vst.add.f32.msk $0xffff, v3  }
0x461: {  	v3 =	vld [tilespmem:s28+$0xFFFFFFC0];
	_ =	sdelay $0x2  }
0x462: {  	v54 =	vbroadcast v2, $0x4;
	_ =	sdelay $0x1  }
0x463: {  	v3 =	vmul.f32 v3, v54  }
0x464: {  	s2 =	spop (v2sf)  }
0x465: {  	(v2sf) =	vpush v1, $0x6;
	[tilespmem:s2+$0x0] =	vst.add.f32.msk $0xffff, v3  }
0x466: {  	v3 =	vld [tilespmem:s28+$0xFFFFFFD0];
	_ =	sdelay $0x2  }
0x467: {  	v55 =	vbroadcast v2, $0x5;
	_ =	sdelay $0x1  }
0x468: {  	v3 =	vmul.f32 v3, v55  }
0x469: {  	s24 =	spop (v2sf)  }
0x46a: {  	(v2sf) =	vpush v1, $0x7;
	[tilespmem:s24+$0x0] =	vst.add.f32.msk $0xffff, v3  }
0x46b: {  	v3 =	vld [tilespmem:s28+$0xFFFFFFE0];
	_ =	sdelay $0x2  }
0x46c: {  	v56 =	vbroadcast v2, $0x6;
	_ =	sdelay $0x1  }
0x46d: {  	v3 =	vmul.f32 v3, v56  }
0x46e: {  	s30 =	spop (v2sf)  }
0x46f: {  	(v2sf) =	vpush v1, $0x8;
	[tilespmem:s30+$0x0] =	vst.add.f32.msk $0xffff, v3  }
0x470: {  	v3 =	vld [tilespmem:s28+$0xFFFFFFF0];
	_ =	sdelay $0x2  }
0x471: {  	v57 =	vbroadcast v2, $0x7;
	_ =	sdelay $0x1  }
0x472: {  	v3 =	vmul.f32 v3, v57  }
0x473: {  	s31 =	spop (v2sf)  }
0x474: {  	(v2sf) =	vpush v1, $0x9;
	[tilespmem:s31+$0x0] =	vst.add.f32.msk $0xffff, v3  }
0x475: {  	v3 =	vld [tilespmem:s28+$0x0];
	_ =	sdelay $0x2  }
0x476: {  	v58 =	vbroadcast v2, $0x8;
	_ =	sdelay $0x1  }
0x477: {  	v3 =	vmul.f32 v3, v58  }
0x478: {  	s2 =	spop (v2sf)  }
0x479: {  	(v2sf) =	vpush v1, $0xA;
	[tilespmem:s2+$0x0] =	vst.add.f32.msk $0xffff, v3  }
0x47a: {  	v3 =	vld [tilespmem:s28+$0x10];
	_ =	sdelay $0x2  }
0x47b: {  	v59 =	vbroadcast v2, $0x9;
	_ =	sdelay $0x1  }
0x47c: {  	v3 =	vmul.f32 v3, v59  }
0x47d: {  	s24 =	spop (v2sf)  }
0x47e: {  	(v2sf) =	vpush v1, $0xB;
	[tilespmem:s24+$0x0] =	vst.add.f32.msk $0xffff, v3  }
0x47f: {  	v3 =	vld [tilespmem:s28+$0x20];
	_ =	sdelay $0x2  }
0x480: {  	v60 =	vbroadcast v2, $0xA;
	_ =	sdelay $0x1  }
0x481: {  	v3 =	vmul.f32 v3, v60  }
0x482: {  	s30 =	spop (v2sf)  }
0x483: {  	(v2sf) =	vpush v1, $0xC;
	[tilespmem:s30+$0x0] =	vst.add.f32.msk $0xffff, v3  }
0x484: {  	v3 =	vld [tilespmem:s28+$0x30];
	_ =	sdelay $0x2  }
0x485: {  	v61 =	vbroadcast v2, $0xB;
	_ =	sdelay $0x1  }
0x486: {  	v3 =	vmul.f32 v3, v61  }
0x487: {  	s31 =	spop (v2sf)  }
0x488: {  	(v2sf) =	vpush v1, $0xD;
	[tilespmem:s31+$0x0] =	vst.add.f32.msk $0xffff, v3  }
0x489: {  	v3 =	vld [tilespmem:s28+$0x40];
	_ =	sdelay $0x2  }
0x48a: {  	v62 =	vbroadcast v2, $0xC;
	_ =	sdelay $0x1  }
0x48b: {  	v3 =	vmul.f32 v3, v62  }
0x48c: {  	s2 =	spop (v2sf)  }
0x48d: {  	(v2sf) =	vpush v1, $0xE;
	[tilespmem:s2+$0x0] =	vst.add.f32.msk $0xffff, v3  }
0x48e: {  	v3 =	vld [tilespmem:s28+$0x50];
	_ =	sdelay $0x2  }
0x48f: {  	v63 =	vbroadcast v2, $0xD;
	_ =	sdelay $0x1  }
0x490: {  	v3 =	vmul.f32 v3, v63  }
0x491: {  	s24 =	spop (v2sf)  }
0x492: {  	(v2sf) =	vpush v1, $0xF;
	[tilespmem:s24+$0x0] =	vst.add.f32.msk $0xffff, v3  }
0x493: {  	v1 =	vld [tilespmem:s28+$0x60];
	_ =	sdelay $0x2  }
0x494: {  	v3 =	vbroadcast v2, $0xE;
	_ =	sdelay $0x1  }
0x495: {  	v1 =	vmul.f32 v1, v3  }
0x496: {  	s30 =	spop (v2sf)  }
0x497: {  	[tilespmem:s30+$0x0] =	vst.add.f32.msk $0xffff, v1  }
0x498: {  	v1 =	vld [tilespmem:s28+$0x70]  }
0x499: {  	s29 =	sadd.s32 $0x1, s29  }
0x49a: {  	p1 =	sne.s32 s29, $0x23  }
.Ltmp10:
0x49b: {  	v2 =	vbroadcast v2, $0xF;
	(pc) =	sbr.rel @p1 .LBB2_9-.Ltmp10, $4  }
.Ltmp11:
0x49c: {  	_ = 	snop;
	(pc) =	sbr.rel @!p1 .LBB2_14-.Ltmp11, $4  }
0x49d: {  	v1 =	vmul.f32 v1, v2  }
0x49e: {  	s31 =	spop (v2sf)  }
0x49f: {  	[tilespmem:s31+$0x0] =	vst.add.f32.msk $0xffff, v1  }
0x4a0: {  	_ = 	snop  }
.LBB2_15:
0x4a1: {  	_ =	sfence.sel $0x180000  }
0x4a2: {  	[bflag:$0x0] =	sbarrier.arrive $0xFFFF  }
0x4a3: {  	_ =	strace $0x9000004D  }
0x4a4: {  	s0 =	stileid.u32;
	[bflag:$0x2] =	sbarrier.arrive $0xFFFF  }
0x4a5: {  	p0 =	sne.s32 s0, $0x0;
	s0 =	rddreg [dreg:$0x1]  }
0x4a6: {  	s0 =	sadd.s32 @!p0 $0x100000, s0  }
0x4a7: {  	[sflag:s0] =	ssyncadd.tile.s32 @!p0 $0x1;
	_ =	shalt  }
.Lfunc_end2:
_tile_overlayer_lowered:
.L_overlay_start_2:
0x4a8: {  	(tag) =	ssettag $0x2  }
0x4a9: {  	s0 =	rddreg [dreg:$0x0];
	s2 =	stileid.u32  }
0x4aa: {  	s1 =	rddreg [dreg:$0x1];
	p0 =	sne.s32 s2, $0x0  }
0x4ab: {  	s3 =	rddreg [dreg:$0x2];
	[bflag:$0x3] =	sbarrier.arrive $0xFFFF;
	s2 =	simm.s32 @!p0 $0x1C03  }
0x4ac: {  	[timem:s3], [sflag:s2] =	dma.local @!p0 [hbm:s0], s1  }
0x4ad: {  	s0 =	simm.s32 @!p0 $0x3  }
0x4ae: {  	_ =	swait.ge @!p0 [sflag:s0], s1  }
0x4af: {  	s1 =	ssub.s32 @!p0 $0x0, s1;
	[sflag:s0] =	ssyncset.done @!p0 $0x0  }
0x4b0: {  	[sflag:s0] =	ssyncadd.s32 @!p0 s1  }
0x4b1: {  	[bflag:$0x3] =	sbarrier.arrive $0xFFFF  }
0x4b2: {  	_ =	shalt  }

// kernel: kernel.8.cloned.1.call-start
scs
__scs_entry_jumppad:
0x0: {  	(pc) =	sbr.rel $0x88, $3  }
0x1: {  	(tag) =	ssettag $0x0;
	lr =	simm.s32 $0x1  }
0x2: {  	[smem:$0x3F98] =	sst lr;
	_ =	strace $0xD0000000  }
0x3: {  	_ = 	snop  }
0x4: {  	_ = 	snop  }
0x5: {  	_ = 	snop  }
0x6: {  	_ = 	snop  }
0x7: {  	_ = 	snop  }
__scs_overlays_trampoline_lowered:
0x8: {  	[smem:$0x3FA7] =	sst s0  }
0x9: {  	[smem:$0x3FA8] =	sst s1  }
0xa: {  	[smem:$0x3FA9] =	sst s2  }
0xb: {  	[smem:$0x3FAA] =	sst s3  }
0xc: {  	[smem:$0x3FAB] =	sst s4  }
0xd: {  	[smem:$0x3FAC] =	sst s5  }
0xe: {  	[smem:$0x3FAD] =	sst s6  }
0xf: {  	[smem:$0x3FAE] =	sst s7  }
0x10: {  	[smem:$0x3FAF] =	sst s8  }
0x11: {  	[smem:$0x3FB0] =	sst s9;
	s0 =	simm.s32 @!p0 $0x0  }
0x12: {  	s1 =	sld [smem:$0x3F96];
	s0 =	simm.s32 @p0 $0x1  }
0x13: {  	[smem:$0x3FB1] =	sst s0;
	s0 =	simm.s32 @!p1 $0x0  }
0x14: {  	s2 =	sld [smem:$0x3F95];
	s0 =	simm.s32 @p1 $0x1  }
0x15: {  	[smem:$0x3FB2] =	sst s0;
	s0 =	simm.s32 @!p2 $0x0  }
0x16: {  	s3 =	sld [smem:$0x3FDB];
	s0 =	simm.s32 @p2 $0x1  }
0x17: {  	s4 =	simm.s32 $0x1BF5;
	[smem:$0x3FB4] =	sst s0  }
0x18: {  	s0 =	sld [smem:$0x3F97];
	_ =	swait.ge [sflag:s4], $0x0  }
0x19: {  	s7 =	sld [smem:$0x3F98]  }
0x1a: {  	s8 =	sadd.s32 $0xFFFFE003, lr  }
0x1b: {  	s9 =	sadd.s32 $0xFFFFFEF7, lr;
	s5 =	simm.s32 $0xFFFFFFFF;
	p2 =	slt.u32 s8, $0xFFFFF086  }
0x1c: {  	p1 =	slt.u32 s9, $0xF7A;
	s5 =	simm.s32 @!p2 $0x0  }
0x1d: {  	s5 =	simm.s32 @p1 $0x1;
	p0 =	seq.s32 s7, s2  }
0x1e: {  	s7 =	smul.u32 @!p0 $0xF7A, s2;
	p2 =	seq.s32 @!p0 s5, $0x0  }
0x1f: {  	s9 =	smul.u32 $0xF7A, s1;
	s8 =	simm.s32 @!p0 $0x1BF5;
	p2 =	por !p2, p0  }
0x20: {  	[sflag:s8] =	ssyncset.s32 @!p0 $0xFFFFF086;
	s6 =	sadd.s32 @!p0 s3, s7;
	s7 =	simm.s32 @!p0 $0x108  }
0x21: {  	s3 =	sadd.s32 s3, s9;
	s6 =	sadd.s32 @!p0 $0x88, s6;
	s7 =	simm.s32 @p2 $0x1082  }
0x22: {  	[simem:s7], [sflag:s8] =	dma.local @!p0 [hbm:s6], $0xF7A  }
0x23: {  	s9 =	sor.u32 $0xD0000000, s2;
	s6 =	simm.s32 $0x108;
	_ =	swait.ge @!p0 [sflag:s8], $0x0  }
0x24: {  	s3 =	sadd.s32 $0x88, s3;
	s6 =	simm.s32 @!p1 $0x1082;
	[sflag:s4] =	ssyncset.s32 $0xFFFFF086  }
0x25: {  	[simem:s6], [sflag:s4] =	dma.local [hbm:s3], $0xF7A  }
0x26: {  	[smem:$0x3F98] =	sst s1;
	(tag) =	ssettag s2;
	_ =	strace s9  }
0x27: {  	s1 =	sld [smem:$0x3FA8]  }
0x28: {  	s2 =	sld [smem:$0x3FA9]  }
0x29: {  	s4 =	sld [smem:$0x3FAB]  }
0x2a: {  	p0 =	seq.s32 s5, $0x0;
	s5 =	sld [smem:$0x3FAC]  }
0x2b: {  	s6 =	sld [smem:$0x3FAD]  }
0x2c: {  	s7 =	sld [smem:$0x3FAE]  }
0x2d: {  	s3 =	simm.s32 $0x108;
	s8 =	sld [smem:$0x3FAF]  }
0x2e: {  	s3 =	simm.s32 @!p0 $0x1082;
	s9 =	sld [smem:$0x3FB0]  }
0x2f: {  	lr =	sadd.s32 s0, s3;
	s0 =	sld [smem:$0x3FA7]  }
0x30: {  	s3 =	sld [smem:$0x3FAA]  }
0x31: {  	[smem:$0x3FB3] =	sst s10  }
0x32: {  	s10 =	sld [smem:$0x3FB1];
	_ =	sdelay $0x3  }
0x33: {  	p0 =	seq.s32 s10, $0x1;
	s10 =	sld [smem:$0x3FB3];
	_ =	sdelay $0x3  }
0x34: {  	[smem:$0x3FB3] =	sst s10  }
0x35: {  	s10 =	sld [smem:$0x3FB2];
	_ =	sdelay $0x3  }
0x36: {  	p1 =	seq.s32 s10, $0x1;
	s10 =	sld [smem:$0x3FB3];
	_ =	sdelay $0x3  }
0x37: {  	[smem:$0x3FB3] =	sst s10  }
0x38: {  	s10 =	sld [smem:$0x3FB4]  }
0x39: {  	_ = 	snop;
	(pc) =	sbr.ind lr, $3  }
0x3a: {  	_ = 	snop  }
0x3b: {  	_ = 	snop  }
0x3c: {  	p2 =	seq.s32 s10, $0x1;
	s10 =	sld [smem:$0x3FB3]  }
0x3d: {  	_ =	shalt  }
0x3e: {  	_ =	shalt  }
0x3f: {  	_ =	shalt  }
0x40: {  	_ =	shalt  }
0x41: {  	_ =	shalt  }
0x42: {  	_ =	shalt  }
0x43: {  	_ =	shalt  }
0x44: {  	_ =	shalt  }
0x45: {  	_ =	shalt  }
0x46: {  	_ =	shalt  }
0x47: {  	_ =	shalt  }
0x48: {  	_ =	shalt  }
0x49: {  	_ =	shalt  }
0x4a: {  	_ =	shalt  }
0x4b: {  	_ =	shalt  }
0x4c: {  	_ =	shalt  }
0x4d: {  	_ =	shalt  }
0x4e: {  	_ =	shalt  }
0x4f: {  	_ =	shalt  }
0x50: {  	_ =	shalt  }
0x51: {  	_ =	shalt  }
0x52: {  	_ =	shalt  }
0x53: {  	_ =	shalt  }
0x54: {  	_ =	shalt  }
0x55: {  	_ =	shalt  }
0x56: {  	_ =	shalt  }
0x57: {  	_ =	shalt  }
0x58: {  	_ =	shalt  }
0x59: {  	_ =	shalt  }
0x5a: {  	_ =	shalt  }
0x5b: {  	_ =	shalt  }
0x5c: {  	_ =	shalt  }
0x5d: {  	_ =	shalt  }
0x5e: {  	_ =	shalt  }
0x5f: {  	_ =	shalt  }
0x60: {  	_ =	shalt  }
0x61: {  	_ =	shalt  }
0x62: {  	_ =	shalt  }
0x63: {  	_ =	shalt  }
0x64: {  	_ =	shalt  }
0x65: {  	_ =	shalt  }
0x66: {  	_ =	shalt  }
0x67: {  	_ =	shalt  }
0x68: {  	_ =	shalt  }
0x69: {  	_ =	shalt  }
0x6a: {  	_ =	shalt  }
0x6b: {  	_ =	shalt  }
0x6c: {  	_ =	shalt  }
0x6d: {  	_ =	shalt  }
0x6e: {  	_ =	shalt  }
0x6f: {  	_ =	shalt  }
0x70: {  	_ =	shalt  }
0x71: {  	_ =	shalt  }
0x72: {  	_ =	shalt  }
0x73: {  	_ =	shalt  }
0x74: {  	_ =	shalt  }
0x75: {  	_ =	shalt  }
0x76: {  	_ =	shalt  }
0x77: {  	_ =	shalt  }
0x78: {  	_ =	shalt  }
0x79: {  	_ =	shalt  }
0x7a: {  	_ =	shalt  }
0x7b: {  	_ =	shalt  }
0x7c: {  	_ =	shalt  }
0x7d: {  	_ =	shalt  }
0x7e: {  	_ =	shalt  }
0x7f: {  	_ =	shalt  }
0x80: {  	_ =	shalt  }
0x81: {  	_ =	shalt  }
0x82: {  	_ =	shalt  }
0x83: {  	_ =	shalt  }
0x84: {  	_ =	shalt  }
0x85: {  	_ =	shalt  }
0x86: {  	_ =	shalt  }
0x87: {  	_ =	shalt  }
.Lfunc_end0:
.L_simem_size_0:
called_computation_lowered:
.L_overlay_start_0:
0x88: {  	s2 =	sld [smem:$0x3FD9]  }
0x89: {  	s3 =	sld [smem:$0x3FFE];
	_ =	sdelay $0x1  }
0x8a: {  	s1 =	srdreg.scid  }
0x8b: {  	s0 =	sand.u32 $0x1, s1  }
0x8c: {  	s17 =	sshll.u32 s0, $0xA;
	s2 =	sadd.s32 s3, s2  }
0x8d: {  	s2 =	sadd.s32 s2, s17  }
0x8e: {  	[smem:$0x3FBF] =	sst s2  }
0x8f: {  	_ = 	snop  }
0x90: {  	s2 =	sld [smem:$0x3FD0];
	(tm) =	ssettm $0x1  }
0x91: {  	s18 =	sld [smem:$0x3FFB];
	_ =	sdelay $0x3  }
0x92: {  	_ =	strace s18  }
0x93: {  	s3 =	sld [smem:$0x3FFC];
	_ =	sdelay $0x3  }
0x94: {  	_ =	strace s3  }
0x95: {  	s3 =	sld [smem:$0x3FFD];
	_ =	sdelay $0x3  }
0x96: {  	_ =	strace s3  }
0x97: {  	_ =	strace $0x8FFFFFFF  }
0x98: {  	s19 =	sld [smem:$0x3FDB];
	_ =	sdelay $0x1  }
0x99: {  	s4 =	simm.s32 $_scs_section_size  }
0x9a: {  	s5 =	simm.s32 $_size__tile_overlayer_lowered;
	s6 =	simm.s32 $_tile_overlayer_lowered  }
0x9b: {  	s22 =	simm.s32 $0x1BFF;
	s21 =	sshll.u32 s6, $0x1;
	s3 =	sadd.s32 s4, s19  }
0x9c: {  	s7 =	simm.s32 $0x0;
	s20 =	sshll.u32 s5, $0x1;
	s5 =	sadd.s32 s21, s3  }
0x9d: {  	[timem:s7], [sflag:s22] =	dma.local [hbm:s5], s20  }
0x9e: {  	_ =	swait.ge [sflag:s22], s20  }
0x9f: {  	s4 =	ssub.s32 $0x0, s20;
	[sflag:s22] =	ssyncset.done $0x0  }
0xa0: {  	[sflag:s22] =	ssyncadd.s32 s4;
	_ =	sdelay $0x1  }
0xa1: {  	s23 =	simm.s32 $0x1B8B  }
0xa2: {  	_ =	swait.ge [sflag:s23], $0x1  }
0xa3: {  	[sflag:s23] =	ssyncset.done $0x0  }
0xa4: {  	s25 =	simm.s32 $0x1B8E;
	s24 =	sld [smem:$0x3FFE];
	[sflag:s23] =	ssyncadd.s32 $0xFFFFFFFF  }
0xa5: {  	s26 =	simm.s32 $execute0_lowered;
	[smem:$0x3FD2] =	sst s25  }
0xa6: {  	s5 =	sshll.u32 s26, $0x1;
	_ =	strace $0x80000046;
	[dreg:$0x1] =	wrdreg $0xFFFFFFFF  }
0xa7: {  	s28 =	simm.s32 $_size_execute0_lowered;
	s3 =	sadd.s32 s3, s5;
	[dreg:$0x0] =	wrdreg $0x0  }
0xa8: {  	s5 =	sshll.u32 s28, $0x1;
	[dreg:$0x2] =	wrdreg s3  }
0xa9: {  	[dreg:$0x3] =	wrdreg s5  }
0xaa: {  	[dreg:$0x4] =	wrdreg $0xC0  }
0xab: {  	_ =	task [dreg:s7], $0x5FFFF  }
0xac: {  	[dreg:$0x1] =	wrdreg $0xFFFFFFFF  }
0xad: {  	[dreg:$0x0] =	wrdreg $0x60  }
0xae: {  	[dreg:$0x2] =	wrdreg s24  }
0xaf: {  	[dreg:$0x3] =	wrdreg s2  }
0xb0: {  	[dreg:$0x4] =	wrdreg $0x0  }
0xb1: {  	[dreg:$0x5] =	wrdreg $0x18800  }
0xb2: {  	[dreg:$0x6] =	wrdreg $0x9  }
0xb3: {  	_ =	task.clear_ibuf [dreg:s7], $0x7FFFF;
	_ =	strace $0x90000046  }
0xb4: {  	s29 =	simm.s32 $0x9;
	_ =	strace $0x80000048  }
0xb5: {  	_ =	swait.ge [sflag:s29], $0x1  }
0xb6: {  	[sflag:s29] =	ssyncadd.s32 $0xFFFFFFFF  }
0xb7: {  	_ =	strace $0x90000048  }
0xb8: {  	_ =	sfence  }
0xb9: {  	s30 =	sld [smem:$0x0];
	_ =	sdelay $0x2  }
0xba: {  	s31 =	sshll.u32 s1, $0xD;
	s1 =	sshrl.u32 s1, $0x2  }
0xbb: {  	s3 =	sand.u32 $0x4000, s31;
	s1 =	sadd.s32 s1, s30  }
0xbc: {  	s0 =	sor.u32 s3, s0;
	s1 =	sshll.u32 s1, $0x11  }
0xbd: {  	s0 =	sor.u32 s1, s0  }
0xbe: {  	s0 =	sadd.s32 $0x8F2B, s0  }
0xbf: {  	[sflag:s0] =	ssyncadd.remote.s32 $0x1  }
0xc0: {  	_ =	sfence.sel $0xFFFF  }
0xc1: {  	[dreg:$0x0] =	wrdreg $0xFFFFFFFF;
	(pc) =	sbr.abs _section_cstart, $3  }
0xc2: {  	[dreg:$0x1] =	wrdreg $0xFFFFFFFF  }
0xc3: {  	_ =	task.clear_ibuf [dreg:s7], $0x2FFFF;
	_ =	strace $0x9FFFFFFF  }
0xc4: {  	(tm) =	ssettm $0x7FFFFFFF  }
0xc5: {  	_ =	shalt  }
tec
execute0_lowered:
.L_overlay_start_1:
0x0: {  	(tag) =	ssettag $0x1  }
0x1: {  	s8 =	rddreg [dreg:$0x0]  }
0x2: {  	s1 =	rddreg [dreg:$0x1]  }
0x3: {  	s3 =	rddreg [dreg:$0x2]  }
0x4: {  	s2 =	rddreg [dreg:$0x3];
	s5 =	simm.s32 $0x0  }
0x5: {  	s0 =	stileid.u32;
	s6 =	srdreg.scid;
	s20 =	simm.s32 $0x3200  }
0x6: {  	s21 =	simm.s32 $0x7C98;
	s22 =	simm.s32 $0x1;
	s23 =	simm.s32 $0x2  }
0x7: {  	s24 =	simm.s32 $0xAE98;
	s25 =	simm.s32 $0x1880;
	s26 =	simm.s32 $0x20  }
0x8: {  	s28 =	simm.s32 $0x10;
	s29 =	simm.s32 $0x0;
	s9 =	smul.u32 $0x1880, s0  }
0x9: {  	[smem:$0x7FF] =	sst s5;
	s19 =	sand.u32 $0x1, s6;
	s7 =	smul.u32 $0x3100, s0  }
0xa: {  	s13 =	sadd.s32 $0xC7A00, s8;
	s6 =	sadd.s32 $0x1200, s8;
	s30 =	smul.u32 $0x5780, s0  }
0xb: {  	s16 =	smul.u32 $0x7080, s0;
	s31 =	sshll.u32 s0, $0x6;
	_ =	strace $0x80000047  }
0xc: {  	s12 =	sshll.u32 s19, $0x7;
	s14 =	ssub.s32 $0x2, s19;
	s18 =	sor.u32 s0, s19  }
0xd: {  	p1 =	sne.s32 s19, $0x0;
	s19 =	simm.s32 $0x4A98;
	s10 =	sshrl.u32 s9, $0x3  }
0xe: {  	s12 =	sor.u32 s12, s7;
	s7 =	sadd.s32 $0x1A00, s8;
	s15 =	sshrl.u32 s14, $0x1  }
0xf: {  	s17 =	sadd.s32 s9, s3;
	p0 =	sne.s32 s18, $0x0;
	s11 =	sadd.s32 s10, s8  }
.Ltmp0:
0x10: {  	s12 =	sshrl.u32 s12, $0x3;
	s14 =	ssub.s32 s14, s15;
	(pc) =	sbr.rel .LBB2_1-.Ltmp0, $4  }
0x11: {  	s15 =	simm.s32 $0x3;
	s17 =	sshrl.u32 s17, $0x3;
	s18 =	sshrl.u32 @!p0 s2, $0x3  }
0x12: {  	s12 =	sadd.s32 s12, s8;
	s8 =	sadd.s32 s7, s10;
	s9 =	sadd.s32 $0xC4800, s11  }
0x13: {  	s11 =	smax.u32 s14, $0x1;
	s14 =	simm.s32 $0x1898;
	s10 =	sadd.s32 $0x4C00, s12  }
0x14: {  	s12 =	sadd.s32 s30, s13;
	s13 =	sadd.s32 s16, s13;
	s16 =	sor.u32 $0x1C03, s31  }
.LBB2_7:
0x15: {  	s0 =	sadd.s32 $0x75F80, s30;
	[sflag:s23] =	ssyncadd.s32 $0xFFFFCE00  }
0x16: {  	[tilespmem:s19], [sflag:$0x3] =	stream.linear.gather [hbm4b:s0+s5], $0x3200, $0x38;
	[tilespmem:$0xC718] =	vst v63  }
0x17: {  	_ =	swait.ge [sflag:s15], $0x3200  }
0x18: {  	[sflag:s15] =	ssyncset.done $0x0  }
0x19: {  	[sflag:s15] =	ssyncadd.s32 $0xFFFFCE00  }
0x1a: {  	[spmem:s3] =	stream.indirect.scatter.add.f32 [tilespmem:s14], [sflag:$0x1], $0x1, s19, s20, $0xb8;
	[tilespmem:$0xC718] =	vst v63  }
0x1b: {  	s31 =	sadd.s32 $0x765C0, s30  }
0x1c: {  	[tilespmem:s21], [sflag:$0x3] =	stream.linear.gather [hbm4b:s31+s5], $0x3200, $0x38;
	[tilespmem:$0xC718] =	vst v63  }
0x1d: {  	_ =	swait.ge [sflag:s15], $0x3200  }
0x1e: {  	[sflag:s15] =	ssyncset.done $0x0  }
0x1f: {  	[sflag:s15] =	ssyncadd.s32 $0xFFFFCE00  }
0x20: {  	[spmem:s3] =	stream.indirect.scatter.add.f32 [tilespmem:s14], [sflag:$0x2], $0x1, s21, s20, $0xb8;
	[tilespmem:$0xC718] =	vst v63  }
0x21: {  	_ =	swait.ge [sflag:s22], $0x3200  }
0x22: {  	[sflag:s22] =	ssyncset.done $0x0  }
0x23: {  	[sflag:s22] =	ssyncadd.s32 $0xFFFFCE00  }
0x24: {  	_ =	swait.ge [sflag:s23], $0x3200  }
0x25: {  	[sflag:s23] =	ssyncset.done $0x0  }
0x26: {  	[sflag:s23] =	ssyncadd.s32 $0xFFFFCE00  }
.LBB2_8:
0x27: {  	[bflag:$0x0] =	sbarrier.arrive $0xFFFF  }
0x28: {  	[hbm:s10@s26], [sflag:s16] =	dma.strided [spmem:s17@s28], $0x310, s22, $0x10   }
0x29: {  	s29 =	sadd.s32 $0x1, s29;
	_ =	swait.ge [sflag:s15], $0x310  }
0x2a: {  	p2 =	sne.s32 s29, s11;
	[sflag:s15] =	ssyncset.done $0x0  }
.Ltmp1:
0x2b: {  	s0 =	simm.s32 @!p0 $0x3;
	[sflag:s15] =	ssyncadd.s32 $0xFFFFFCF0;
	(pc) =	sbr.rel @!p2 .LBB2_9-.Ltmp1, $4  }
0x2c: {  	[hbm:s1], [sflag:s16] =	dma.local @!p0 [spmem:s18], $0x30  }
0x2d: {  	_ =	swait.ge @!p0 [sflag:s0], $0x30  }
0x2e: {  	[sflag:s0] =	ssyncset.done @!p0 $0x0  }
0x2f: {  	[sflag:s0] =	ssyncadd.s32 @!p0 $0xFFFFFFD0  }
.LBB2_1:
0x30: {  	[tilespmem:s14], [sflag:$0x3] =	stream.linear.gather [hbm4b:s6+s5], $0x3200, $0x38;
	[tilespmem:$0xC718] =	vst v63  }
0x31: {  	_ =	swait.ge [sflag:s15], $0x3200  }
0x32: {  	[sflag:s15] =	ssyncset.done $0x0  }
0x33: {  	[sflag:s15] =	ssyncadd.s32 $0xFFFFCE00  }
0x34: {  	[spmem:s17], [sflag:s16] =	dma.local [hbm:s8], $0x310  }
0x35: {  	_ =	swait.ge [sflag:s15], $0x310  }
0x36: {  	[sflag:s15] =	ssyncset.done $0x0  }
0x37: {  	s30 =	simm.s32 @!p0 $0x3;
	[sflag:s15] =	ssyncadd.s32 $0xFFFFFCF0  }
0x38: {  	[spmem:s18], [sflag:s16] =	dma.local @!p0 [hbm:s7], $0x30  }
.Ltmp2:
0x39: {  	_ =	swait.ge @!p0 [sflag:s30], $0x30;
	(pc) =	sbr.rel @p1 .LBB2_5-.Ltmp2, $3  }
0x3a: {  	[sflag:s30] =	ssyncset.done @!p0 $0x0  }
0x3b: {  	[sflag:s30] =	ssyncadd.s32 @!p0 $0xFFFFFFD0  }
0x3c: {  	[bflag:$0x0] =	sbarrier.arrive $0xFFFF;
	_ =	sdelay $0x1  }
0x3d: {  	s30 =	sadd.s32 $0x0, s13  }
0x3e: {  	[tilespmem:s19], [sflag:$0x3] =	stream.linear.gather [hbm4b:s30+s5], $0x3200, $0x38;
	[tilespmem:$0xC718] =	vst v63  }
0x3f: {  	_ =	swait.ge [sflag:s15], $0x3200  }
0x40: {  	[sflag:s15] =	ssyncset.done $0x0  }
0x41: {  	[sflag:s15] =	ssyncadd.s32 $0xFFFFCE00  }
0x42: {  	[spmem:s3] =	stream.indirect.scatter.add.f32 [tilespmem:s14], [sflag:$0x1], $0x1, s19, s20, $0xb8;
	[tilespmem:$0xC718] =	vst v63  }
0x43: {  	s30 =	sadd.s32 $0x640, s30  }
0x44: {  	[tilespmem:s21], [sflag:$0x3] =	stream.linear.gather [hbm4b:s30+s5], $0x3200, $0x38;
	[tilespmem:$0xC718] =	vst v63  }
0x45: {  	_ =	swait.ge [sflag:s15], $0x3200  }
0x46: {  	[sflag:s15] =	ssyncset.done $0x0  }
0x47: {  	[sflag:s15] =	ssyncadd.s32 $0xFFFFCE00  }
0x48: {  	[spmem:s3] =	stream.indirect.scatter.add.f32 [tilespmem:s14], [sflag:$0x2], $0x1, s21, s20, $0xb8;
	[tilespmem:$0xC718] =	vst v63  }
0x49: {  	_ =	swait.ge [sflag:s22], $0x3200  }
0x4a: {  	[sflag:s22] =	ssyncset.done $0x0  }
0x4b: {  	[sflag:s22] =	ssyncadd.s32 $0xFFFFCE00  }
0x4c: {  	_ =	swait.ge [sflag:s23], $0x3200  }
0x4d: {  	s31 =	simm.s32 $0x1900;
	s30 =	simm.s32 $0xC80;
	[sflag:s23] =	ssyncset.done $0x0  }
.LBB2_3:
0x4e: {  	s0 =	sadd.s32 s30, s13  }
0x4f: {  	[sflag:s23] =	ssyncadd.s32 $0xFFFFCE00;
	s30 =	smov.u32 s31;
	s2 =	sadd.s32 $0xC80, s31  }
0x50: {  	[tilespmem:s19], [sflag:$0x3] =	stream.linear.gather [hbm4b:s0+s5], $0x3200, $0x38;
	[tilespmem:$0xC718] =	vst v63  }
0x51: {  	p2 =	seq.s32 s31, $0x6400;
	_ =	swait.ge [sflag:s15], $0x3200  }
0x52: {  	[sflag:s15] =	ssyncset.done $0x0  }
0x53: {  	[sflag:s15] =	ssyncadd.s32 $0xFFFFCE00  }
0x54: {  	[spmem:s3] =	stream.indirect.scatter.add.f32 [tilespmem:s14], [sflag:$0x1], $0x1, s19, s20, $0xb8;
	[tilespmem:$0xC718] =	vst v63  }
0x55: {  	s0 =	sadd.s32 $0x640, s0  }
0x56: {  	[tilespmem:s21], [sflag:$0x3] =	stream.linear.gather [hbm4b:s0+s5], $0x3200, $0x38;
	[tilespmem:$0xC718] =	vst v63  }
0x57: {  	_ =	swait.ge [sflag:s15], $0x3200  }
0x58: {  	[sflag:s15] =	ssyncset.done $0x0  }
0x59: {  	[sflag:s15] =	ssyncadd.s32 $0xFFFFCE00  }
0x5a: {  	[spmem:s3] =	stream.indirect.scatter.add.f32 [tilespmem:s14], [sflag:$0x2], $0x1, s21, s20, $0xb8;
	[tilespmem:$0xC718] =	vst v63  }
.Ltmp3:
0x5b: {  	_ =	swait.ge [sflag:s22], $0x3200;
	(pc) =	sbr.rel @!p2 .LBB2_3-.Ltmp3, $4  }
0x5c: {  	[sflag:s22] =	ssyncset.done $0x0  }
0x5d: {  	[sflag:s22] =	ssyncadd.s32 $0xFFFFCE00  }
0x5e: {  	_ =	swait.ge [sflag:s23], $0x3200  }
0x5f: {  	s31 =	smov.u32 s2;
	[sflag:s23] =	ssyncset.done $0x0  }
0x60: {  	s0 =	sadd.s32 s30, s13;
	[sflag:s23] =	ssyncadd.s32 $0xFFFFCE00  }
0x61: {  	[tilespmem:s19], [sflag:$0x3] =	stream.linear.gather [hbm4b:s0+s5], $0x3200, $0x38;
	[tilespmem:$0xC718] =	vst v63  }
0x62: {  	_ =	swait.ge [sflag:s15], $0x3200  }
0x63: {  	[sflag:s15] =	ssyncset.done $0x0  }
0x64: {  	[sflag:s15] =	ssyncadd.s32 $0xFFFFCE00  }
0x65: {  	[spmem:s3] =	stream.indirect.scatter.add.f32 [tilespmem:s14], [sflag:$0x1], $0x1, s19, s20, $0xb8;
	[tilespmem:$0xC718] =	vst v63  }
0x66: {  	s0 =	sadd.s32 $0x640, s0  }
0x67: {  	[tilespmem:s21], [sflag:$0x3] =	stream.linear.gather [hbm4b:s0+s5], $0x3200, $0x38;
	[tilespmem:$0xC718] =	vst v63  }
0x68: {  	_ =	swait.ge [sflag:s15], $0x3200  }
0x69: {  	[sflag:s15] =	ssyncset.done $0x0  }
0x6a: {  	[sflag:s15] =	ssyncadd.s32 $0xFFFFCE00  }
0x6b: {  	[spmem:s3] =	stream.indirect.scatter.add.f32 [tilespmem:s14], [sflag:$0x2], $0x1, s21, s20, $0xb8;
	[tilespmem:$0xC718] =	vst v63  }
0x6c: {  	_ =	swait.ge [sflag:s22], $0x3200  }
0x6d: {  	[sflag:s22] =	ssyncset.done $0x0  }
0x6e: {  	[sflag:s22] =	ssyncadd.s32 $0xFFFFCE00  }
0x6f: {  	_ =	swait.ge [sflag:s23], $0x3200  }
0x70: {  	[sflag:s23] =	ssyncset.done $0x0  }
0x71: {  	[sflag:s23] =	ssyncadd.s32 $0xFFFFCE00  }
0x72: {  	[tilespmem:s24], [sflag:$0x3] =	stream.linear.gather [hbm4b:s9+s5], $0x1880, $0x38;
	[tilespmem:$0xC718] =	vst v63  }
0x73: {  	_ =	swait.ge [sflag:s15], $0x1880  }
0x74: {  	[sflag:s15] =	ssyncset.done $0x0  }
0x75: {  	[sflag:s15] =	ssyncadd.s32 $0xFFFFE780  }
.Ltmp4:
0x76: {  	s31 =	rddreg [dreg:$0x3];
	(pc) =	sbr.rel .LBB2_8-.Ltmp4, $4  }
0x77: {  	[spmem:s31] =	stream.indirect.scatter.add.f32 [tilespmem:s14], [sflag:$0x3], $0x1, s24, s25, $0xb8;
	[tilespmem:$0xC718] =	vst v63  }
0x78: {  	_ =	swait.ge [sflag:s15], $0x1880  }
0x79: {  	[sflag:s15] =	ssyncset.done $0x0  }
0x7a: {  	[sflag:s15] =	ssyncadd.s32 $0xFFFFE780  }
.LBB2_5:
0x7b: {  	s0 =	sadd.s32 $0xFFFFA880, s12  }
0x7c: {  	s2 =	sadd.s32 $0x75F80, s0  }
0x7d: {  	[tilespmem:s19], [sflag:$0x3] =	stream.linear.gather [hbm4b:s2+s5], $0x3200, $0x38;
	[tilespmem:$0xC718] =	vst v63  }
0x7e: {  	_ =	swait.ge [sflag:s15], $0x3200  }
0x7f: {  	[sflag:s15] =	ssyncset.done $0x0  }
0x80: {  	[sflag:s15] =	ssyncadd.s32 $0xFFFFCE00  }
0x81: {  	[spmem:s3] =	stream.indirect.scatter.add.f32 [tilespmem:s14], [sflag:$0x1], $0x1, s19, s20, $0xb8;
	[tilespmem:$0xC718] =	vst v63  }
0x82: {  	s0 =	sadd.s32 $0x765C0, s0  }
0x83: {  	[tilespmem:s21], [sflag:$0x3] =	stream.linear.gather [hbm4b:s0+s5], $0x3200, $0x38;
	[tilespmem:$0xC718] =	vst v63  }
0x84: {  	_ =	swait.ge [sflag:s15], $0x3200  }
0x85: {  	[sflag:s15] =	ssyncset.done $0x0  }
0x86: {  	[sflag:s15] =	ssyncadd.s32 $0xFFFFCE00  }
0x87: {  	[spmem:s3] =	stream.indirect.scatter.add.f32 [tilespmem:s14], [sflag:$0x2], $0x1, s21, s20, $0xb8;
	[tilespmem:$0xC718] =	vst v63  }
0x88: {  	_ =	swait.ge [sflag:s22], $0x3200  }
0x89: {  	[sflag:s22] =	ssyncset.done $0x0  }
0x8a: {  	[sflag:s22] =	ssyncadd.s32 $0xFFFFCE00  }
0x8b: {  	_ =	swait.ge [sflag:s23], $0x3200  }
0x8c: {  	s31 =	simm.s32 $0xFFFFC180;
	s30 =	sadd.s32 $0xFFFFB500, s12;
	[sflag:s23] =	ssyncset.done $0x0  }
.LBB2_6:
0x8d: {  	s0 =	sadd.s32 $0x75F80, s30  }
0x8e: {  	[sflag:s23] =	ssyncadd.s32 $0xFFFFCE00;
	s2 =	smov.u32 s31;
	s4 =	sadd.s32 $0xC80, s31  }
0x8f: {  	[tilespmem:s19], [sflag:$0x3] =	stream.linear.gather [hbm4b:s0+s5], $0x3200, $0x38;
	[tilespmem:$0xC718] =	vst v63  }
0x90: {  	p2 =	seq.s32 s31, $0xFFFFF380;
	_ =	swait.ge [sflag:s15], $0x3200  }
0x91: {  	[sflag:s15] =	ssyncset.done $0x0  }
0x92: {  	[sflag:s15] =	ssyncadd.s32 $0xFFFFCE00  }
0x93: {  	[spmem:s3] =	stream.indirect.scatter.add.f32 [tilespmem:s14], [sflag:$0x1], $0x1, s19, s20, $0xb8;
	[tilespmem:$0xC718] =	vst v63  }
0x94: {  	s0 =	sadd.s32 $0x765C0, s30  }
0x95: {  	[tilespmem:s21], [sflag:$0x3] =	stream.linear.gather [hbm4b:s0+s5], $0x3200, $0x38;
	[tilespmem:$0xC718] =	vst v63  }
0x96: {  	_ =	swait.ge [sflag:s15], $0x3200  }
0x97: {  	[sflag:s15] =	ssyncset.done $0x0  }
0x98: {  	[sflag:s15] =	ssyncadd.s32 $0xFFFFCE00  }
0x99: {  	[spmem:s3] =	stream.indirect.scatter.add.f32 [tilespmem:s14], [sflag:$0x2], $0x1, s21, s20, $0xb8;
	[tilespmem:$0xC718] =	vst v63  }
.Ltmp5:
0x9a: {  	_ =	swait.ge [sflag:s22], $0x3200;
	(pc) =	sbr.rel @!p2 .LBB2_6-.Ltmp5, $4  }
0x9b: {  	[sflag:s22] =	ssyncset.done $0x0  }
0x9c: {  	[sflag:s22] =	ssyncadd.s32 $0xFFFFCE00  }
0x9d: {  	_ =	swait.ge [sflag:s23], $0x3200  }
0x9e: {  	s30 =	sadd.s32 s2, s12;
	s31 =	smov.u32 s4;
	[sflag:s23] =	ssyncset.done $0x0  }
.Ltmp6:
0x9f: {  	_ = 	snop;
	(pc) =	sbr.rel .LBB2_7-.Ltmp6, $1  }
0xa0: {  	_ =	sdelay $0x3  }
.LBB2_9:
0xa1: {  	_ =	sfence.sel $0x180000  }
0xa2: {  	[bflag:$0x0] =	sbarrier.arrive $0xFFFF  }
0xa3: {  	_ =	strace $0x90000047  }
0xa4: {  	s0 =	stileid.u32;
	[bflag:$0x2] =	sbarrier.arrive $0xFFFF  }
0xa5: {  	p0 =	sne.s32 s0, $0x0;
	s0 =	rddreg [dreg:$0x4]  }
0xa6: {  	s0 =	sadd.s32 @!p0 $0x100000, s0  }
0xa7: {  	[sflag:s0] =	ssyncadd.tile.s32 @!p0 $0x1;
	_ =	shalt  }
.Lfunc_end2:
_tile_overlayer_lowered:
.L_overlay_start_2:
0xa8: {  	(tag) =	ssettag $0x2  }
0xa9: {  	s0 =	rddreg [dreg:$0x0];
	s2 =	stileid.u32  }
0xaa: {  	s1 =	rddreg [dreg:$0x1];
	p0 =	sne.s32 s2, $0x0  }
0xab: {  	s3 =	rddreg [dreg:$0x2];
	[bflag:$0x3] =	sbarrier.arrive $0xFFFF;
	s2 =	simm.s32 @!p0 $0x1C03  }
0xac: {  	[timem:s3], [sflag:s2] =	dma.local @!p0 [hbm:s0], s1  }
0xad: {  	s0 =	simm.s32 @!p0 $0x3  }
0xae: {  	_ =	swait.ge @!p0 [sflag:s0], s1  }
0xaf: {  	s1 =	ssub.s32 @!p0 $0x0, s1;
	[sflag:s0] =	ssyncset.done @!p0 $0x0  }
0xb0: {  	[sflag:s0] =	ssyncadd.s32 @!p0 s1  }
0xb1: {  	[bflag:$0x3] =	sbarrier.arrive $0xFFFF  }
0xb2: {  	_ =	shalt  }

</sc_bundles>
